<compile_context>
chip_gen: v7x
topology: tpu7x:2x2x1
jax: 0.10.2.dev20260603
libtpu: 0.0.44.dev20260713+nightly
codegen_flags: <defaults>
</compile_context>

<pallas_src>
import functools

import jax
import jax.numpy as jnp
from jax import lax
from jax.experimental import pallas as pl
from jax.experimental.pallas import tpu as pltpu
from jax.experimental.pallas import tpu_sc as plsc

_N = 10000
_E = 320000
_D = 256
_CH = 80
_ROWS = _E // _CH
_TILES = 16
_RPT = _ROWS // _TILES
_WPT = 632
_NPAD = _WPT * _TILES

_BN = 1000
_G = _N // _BN



_DH = 128


def _sc_zero_acc(zbuf, acc, base):
    def zrow(i, _):
        def zcol(j, _2):
            zbuf[i, pl.ds(j * 16, 16)] = jnp.zeros((16,), jnp.float32)
            return 0
        return lax.fori_loop(0, _DH // 16, zcol, 0)
    lax.fori_loop(0, _CH, zrow, 0)

    nfull = _WPT // _CH
    rem = _WPT - nfull * _CH
    for q in range(nfull):
        pltpu.sync_copy(zbuf, acc.at[pl.ds(base + q * _CH, _CH)])
    if rem:
        pltpu.sync_copy(zbuf.at[pl.ds(0, rem)],
                        acc.at[pl.ds(base + nfull * _CH, rem)])


_NSLOT = 4


def _sc_edge_loop(tab, ei3, rbase, didx, rows, acc, sems, nch):
    es, gs, ss = sems
    S = range(_NSLOT)

    def eload(g, b):
        pltpu.async_copy(ei3.at[rbase + g], didx[b], es[b])

    def ewait(g, b):
        pltpu.make_async_copy(ei3.at[rbase + g], didx[b], es[b]).wait()

    def gload(b):
        pltpu.async_copy(tab.at[didx[b].at[0]], rows[b], gs[b])

    def gwait(b):
        pltpu.make_async_copy(tab.at[didx[b].at[0]], rows[b], gs[b]).wait()

    def sissue(b):
        pltpu.async_copy(rows[b], acc.at[didx[b].at[1]], ss[b], add=True)

    def swait(b):
        pltpu.make_async_copy(rows[b], acc.at[didx[b].at[1]], ss[b]).wait()

    for b in S:
        eload(b, b)

    nmain = nch // _NSLOT

    def body(p, _):
        for b in S:
            ewait(_NSLOT * p + b, b)
            gload(b)
        for b in S:
            gwait(b)
            sissue(b)

        @pl.when(p + 1 < nmain)
        def _():
            for b in S:
                swait(b)
                eload(_NSLOT * (p + 1) + b, b)
        return 0

    lax.fori_loop(0, nmain, body, 0)
    for b in S:
        swait(b)
    for g in range(nmain * _NSLOT, nch):
        eload(g, 0)
        ewait(g, 0)
        gload(0)
        gwait(0)
        sissue(0)
        swait(0)


def _sc_writeback(c, base, acc, out0, out1):
    @pl.when(c == 0)
    def _():
        pltpu.sync_copy(acc.at[pl.ds(base, _WPT)], out0.at[pl.ds(base, _WPT)])

    @pl.when(c == 1)
    def _():
        pltpu.sync_copy(acc.at[pl.ds(base, _WPT)], out1.at[pl.ds(base, _WPT)])


def _sc_mesh():
    return plsc.VectorSubcoreMesh(core_axis_name="c", subcore_axis_name="s")


_EPT = _E // _TILES


@functools.cache
def _make_sc_agg_split():
    @functools.partial(
        pl.kernel,
        out_type=(jax.ShapeDtypeStruct((_NPAD, _DH), jnp.float32),
                  jax.ShapeDtypeStruct((_NPAD, _DH), jnp.float32)),
        mesh=_sc_mesh(),
        scratch_types=[
            *[pltpu.VMEM((2, _CH), jnp.int32) for _ in range(_NSLOT)],
            *[pltpu.VMEM((_CH, _DH), jnp.float32) for _ in range(_NSLOT)],
            pltpu.VMEM_SHARED((_NPAD, _DH), jnp.float32),
            *[pltpu.SemaphoreType.DMA for _ in range(3 * _NSLOT)],
        ],
    )
    def agg(h0, h1, ei3, out0, out1, *scr):
        didx = scr[:_NSLOT]
        rows = scr[_NSLOT:2 * _NSLOT]
        acc = scr[2 * _NSLOT]
        sems = (scr[2 * _NSLOT + 1:2 * _NSLOT + 1 + _NSLOT],
                scr[2 * _NSLOT + 1 + _NSLOT:2 * _NSLOT + 1 + 2 * _NSLOT],
                scr[2 * _NSLOT + 1 + 2 * _NSLOT:])
        c = lax.axis_index("c")
        s = lax.axis_index("s")
        base = s * _WPT
        _sc_zero_acc(rows[0], acc, base)
        plsc.subcore_barrier()

        rbase = s * _RPT

        @pl.when(c == 0)
        def _():
            _sc_edge_loop(h0, ei3, rbase, didx, rows, acc, sems, _RPT)

        @pl.when(c == 1)
        def _():
            _sc_edge_loop(h1, ei3, rbase, didx, rows, acc, sems, _RPT)

        plsc.subcore_barrier()
        _sc_writeback(c, base, acc, out0, out1)

    return agg


@functools.cache
def _make_sc_agg_full():
    @functools.partial(
        pl.kernel,
        out_type=(jax.ShapeDtypeStruct((_NPAD, _DH), jnp.float32),
                  jax.ShapeDtypeStruct((_NPAD, _DH), jnp.float32)),
        mesh=_sc_mesh(),
        scratch_types=[
            *[pltpu.VMEM((2, _CH), jnp.int32) for _ in range(_NSLOT)],
            *[pltpu.VMEM((_CH, _DH), jnp.float32) for _ in range(_NSLOT)],
            pltpu.VMEM_SHARED((_NPAD, _DH), jnp.float32),
            *[pltpu.SemaphoreType.DMA for _ in range(3 * _NSLOT)],
        ],
    )
    def agg(h, ei3, out0, out1, *scr):
        didx = scr[:_NSLOT]
        rows = scr[_NSLOT:2 * _NSLOT]
        acc = scr[2 * _NSLOT]
        sems = (scr[2 * _NSLOT + 1:2 * _NSLOT + 1 + _NSLOT],
                scr[2 * _NSLOT + 1 + _NSLOT:2 * _NSLOT + 1 + 2 * _NSLOT],
                scr[2 * _NSLOT + 1 + 2 * _NSLOT:])
        c = lax.axis_index("c")
        s = lax.axis_index("s")
        base = s * _WPT
        _sc_zero_acc(rows[0], acc, base)
        plsc.subcore_barrier()

        rbase = (c * _TILES + s) * (_RPT // 2)

        _sc_edge_loop(h, ei3, rbase, didx, rows, acc, sems, _RPT // 2)

        plsc.subcore_barrier()
        _sc_writeback(c, base, acc, out0, out1)

    return agg



def _lrelu(t):
    return jnp.where(t >= 0, t, 0.01 * t)


def _norm(block, st_ref, vst_ref, g_ref, b_ref):
    mu = st_ref[0:1, :] / _N
    var = vst_ref[0:1, :] / _N
    return (block - mu) / jnp.sqrt(var + 1e-5) * g_ref[...] + b_ref[...]


def _acc_stats(st_ref, v):
    @pl.when(pl.program_id(0) == 0)
    def _():
        st_ref[...] = jnp.zeros_like(st_ref)
    st_ref[0:1, :] += jnp.sum(v, axis=0, keepdims=True)


def _kv_kernel(v_ref, st_ref, vst_ref):
    mu = st_ref[0:1, :] / _N
    dv = v_ref[...] - mu
    _acc_stats(vst_ref, dv * dv)


def _kv_call(v, st):
    return pl.pallas_call(
        _kv_kernel,
        grid=(_G,),
        in_specs=[
            pl.BlockSpec((_BN, _D), lambda i: (i, 0)),
            pl.BlockSpec((8, _D), lambda i: (0, 0)),
        ],
        out_specs=[pl.BlockSpec((8, _D), lambda i: (0, 0))],
        out_shape=[jax.ShapeDtypeStruct((8, _D), jnp.float32)],
    )(v, st)[0]


def _ka_split_kernel(eps_ref, h0_ref, h1_ref, a0_ref, a1_ref, w1_ref, b1_ref,
                     m_ref, st_ref):
    h = jnp.concatenate([h0_ref[...], h1_ref[...]], axis=1)
    a = jnp.concatenate([a0_ref[...], a1_ref[...]], axis=1)
    mm = jnp.dot((1.0 + eps_ref[0]) * h + a, w1_ref[...],
                 preferred_element_type=jnp.float32) + b1_ref[...]
    m_ref[...] = mm
    _acc_stats(st_ref, mm)


def _ka_full_kernel(eps_ref, h_ref, a0_ref, a1_ref, w1_ref, b1_ref,
                    m_ref, st_ref):
    mm = jnp.dot((1.0 + eps_ref[0]) * h_ref[...] + a0_ref[...] + a1_ref[...],
                 w1_ref[...], preferred_element_type=jnp.float32) + b1_ref[...]
    m_ref[...] = mm
    _acc_stats(st_ref, mm)


def _ka_call(eps, hs, a0, a1, w1, b1):
    din = w1.shape[0]
    body = _ka_split_kernel if len(hs) == 2 else _ka_full_kernel
    h_specs = [pl.BlockSpec((_BN, h.shape[1]), lambda i: (i, 0)) for h in hs]
    return pl.pallas_call(
        body,
        grid=(_G,),
        in_specs=[
            pl.BlockSpec(memory_space=pltpu.SMEM),
            *h_specs,
            pl.BlockSpec((_BN, _DH), lambda i: (i, 0)),
            pl.BlockSpec((_BN, _DH), lambda i: (i, 0)),
            pl.BlockSpec((din, _D), lambda i: (0, 0)),
            pl.BlockSpec((1, _D), lambda i: (0, 0)),
        ],
        out_specs=[
            pl.BlockSpec((_BN, _D), lambda i: (i, 0)),
            pl.BlockSpec((8, _D), lambda i: (0, 0)),
        ],
        out_shape=[
            jax.ShapeDtypeStruct((_N, _D), jnp.float32),
            jax.ShapeDtypeStruct((8, _D), jnp.float32),
        ],
    )(eps, *hs, a0, a1, w1, b1)


def _kb_kernel(m_ref, st_ref, vst_ref, g_ref, be_ref, w2_ref, b2_ref,
               h_ref, st2_ref):
    t = _lrelu(_norm(m_ref[...], st_ref, vst_ref, g_ref, be_ref))
    hh = jnp.dot(t, w2_ref[...], preferred_element_type=jnp.float32) + b2_ref[...]
    h_ref[...] = hh
    _acc_stats(st2_ref, hh)


def _kb_call(m, st, vst, g, be, w2, b2):
    return pl.pallas_call(
        _kb_kernel,
        grid=(_G,),
        in_specs=[
            pl.BlockSpec((_BN, _D), lambda i: (i, 0)),
            pl.BlockSpec((8, _D), lambda i: (0, 0)),
            pl.BlockSpec((8, _D), lambda i: (0, 0)),
            pl.BlockSpec((1, _D), lambda i: (0, 0)),
            pl.BlockSpec((1, _D), lambda i: (0, 0)),
            pl.BlockSpec((_D, _D), lambda i: (0, 0)),
            pl.BlockSpec((1, _D), lambda i: (0, 0)),
        ],
        out_specs=[
            pl.BlockSpec((_BN, _D), lambda i: (i, 0)),
            pl.BlockSpec((8, _D), lambda i: (0, 0)),
        ],
        out_shape=[
            jax.ShapeDtypeStruct((_N, _D), jnp.float32),
            jax.ShapeDtypeStruct((8, _D), jnp.float32),
        ],
    )(m, st, vst, g, be, w2, b2)


def _kb2_kernel(m_ref, st_ref, vst_ref, g_ref, be_ref, w2_ref, b2_ref,
                cw1_ref, cb1_ref, c_ref, stc_ref):
    t = _lrelu(_norm(m_ref[...], st_ref, vst_ref, g_ref, be_ref))
    hh = jnp.dot(t, w2_ref[...], preferred_element_type=jnp.float32) + b2_ref[...]
    cc = jnp.dot(hh, cw1_ref[...], preferred_element_type=jnp.float32) + cb1_ref[...]
    c_ref[...] = cc
    _acc_stats(stc_ref, cc)


def _kb2_call(m, st, vst, g, be, w2, b2, cw1, cb1):
    return pl.pallas_call(
        _kb2_kernel,
        grid=(_G,),
        in_specs=[
            pl.BlockSpec((_BN, _D), lambda i: (i, 0)),
            pl.BlockSpec((8, _D), lambda i: (0, 0)),
            pl.BlockSpec((8, _D), lambda i: (0, 0)),
            pl.BlockSpec((1, _D), lambda i: (0, 0)),
            pl.BlockSpec((1, _D), lambda i: (0, 0)),
            pl.BlockSpec((_D, _D), lambda i: (0, 0)),
            pl.BlockSpec((1, _D), lambda i: (0, 0)),
            pl.BlockSpec((_D, _D), lambda i: (0, 0)),
            pl.BlockSpec((1, _D), lambda i: (0, 0)),
        ],
        out_specs=[
            pl.BlockSpec((_BN, _D), lambda i: (i, 0)),
            pl.BlockSpec((8, _D), lambda i: (0, 0)),
        ],
        out_shape=[
            jax.ShapeDtypeStruct((_N, _D), jnp.float32),
            jax.ShapeDtypeStruct((8, _D), jnp.float32),
        ],
    )(m, st, vst, g, be, w2, b2, cw1, cb1)


def _kc_kernel(h_ref, st_ref, vst_ref, g_ref, b_ref, o0_ref, o1_ref):
    t = _lrelu(_norm(h_ref[...], st_ref, vst_ref, g_ref, b_ref))
    o0_ref[...] = t[:, :_D // 2]
    o1_ref[...] = t[:, _D // 2:]


def _kc_call(h, st, vst, g, b):
    dh = _D // 2
    return pl.pallas_call(
        _kc_kernel,
        grid=(_G,),
        in_specs=[
            pl.BlockSpec((_BN, _D), lambda i: (i, 0)),
            pl.BlockSpec((8, _D), lambda i: (0, 0)),
            pl.BlockSpec((8, _D), lambda i: (0, 0)),
            pl.BlockSpec((1, _D), lambda i: (0, 0)),
            pl.BlockSpec((1, _D), lambda i: (0, 0)),
        ],
        out_specs=[
            pl.BlockSpec((_BN, dh), lambda i: (i, 0)),
            pl.BlockSpec((_BN, dh), lambda i: (i, 0)),
        ],
        out_shape=[
            jax.ShapeDtypeStruct((_N, dh), jnp.float32),
            jax.ShapeDtypeStruct((_N, dh), jnp.float32),
        ],
    )(h, st, vst, g, b)


def _ke_kernel(c_ref, st_ref, vst_ref, g_ref, be_ref, w2_ref, b2_ref, o_ref):
    t = _lrelu(_norm(c_ref[...], st_ref, vst_ref, g_ref, be_ref))
    o_ref[...] = jnp.dot(t, w2_ref[...],
                         preferred_element_type=jnp.float32) + b2_ref[...]


def _ke_call(c, st, vst, g, be, w2, b2):
    return pl.pallas_call(
        _ke_kernel,
        grid=(_G,),
        in_specs=[
            pl.BlockSpec((_BN, _D), lambda i: (i, 0)),
            pl.BlockSpec((8, _D), lambda i: (0, 0)),
            pl.BlockSpec((8, _D), lambda i: (0, 0)),
            pl.BlockSpec((1, _D), lambda i: (0, 0)),
            pl.BlockSpec((1, _D), lambda i: (0, 0)),
            pl.BlockSpec((_D, 1), lambda i: (0, 0)),
            pl.BlockSpec((1, 1), lambda i: (0, 0)),
        ],
        out_specs=[pl.BlockSpec((_BN, 1), lambda i: (i, 0))],
        out_shape=[jax.ShapeDtypeStruct((_N, 1), jnp.float32)],
    )(c, st, vst, g, be, w2, b2)[0]



def kernel(x, edge_index, params):
    ei3 = jnp.stack([edge_index[0].reshape(_ROWS, _CH),
                     edge_index[1].reshape(_ROWS, _CH)], axis=1)
    layers = params["layers"]
    outer_bn = params["outer_bn"]
    cls = params["cls"]

    hs = (x,)
    for i, lp in enumerate(layers):
        if len(hs) == 1:
            a0, a1 = _make_sc_agg_full()(hs[0], ei3)
        else:
            a0, a1 = _make_sc_agg_split()(hs[0], hs[1], ei3)
        eps = lp["eps"].reshape(1)
        m, st = _ka_call(eps, hs, a0, a1, lp["w1"],
                         lp["b1"].reshape(1, _D))
        g1 = lp["g1"].reshape(1, _D)
        be1 = lp["be1"].reshape(1, _D)
        b2 = lp["b2"].reshape(1, _D)
        vst = _kv_call(m, st)
        if i < len(layers) - 1:
            hh, st2 = _kb_call(m, st, vst, g1, be1, lp["w2"], b2)
            vst2 = _kv_call(hh, st2)
            ob = outer_bn[i]
            hs = _kc_call(hh, st2, vst2, ob["g"].reshape(1, _D),
                          ob["b"].reshape(1, _D))
        else:
            cc, stc = _kb2_call(m, st, vst, g1, be1, lp["w2"], b2,
                                cls["w1"], cls["b1"].reshape(1, _D))
    vstc = _kv_call(cc, stc)
    out = _ke_call(cc, stc, vstc, cls["g"].reshape(1, _D),
                   cls["be"].reshape(1, _D), cls["w2"],
                   cls["b2"].reshape(1, 1))
    return out.reshape(-1)

# --- scband reference (transcript-rebuilt; emitter-appended) ---
"""Pipeline reference for scband-m1-70480413327927 (READ-ONLY COPY).

The authoritative reference and input builder live on the scoring server;
editing this copy changes nothing except your own understanding.
"""

import jax, jax.numpy as jnp
import numpy as np

N = 10000
E = 320000
D_IN = 128
D = 256
NUM_LAYERS = 3


def _bn(h, g, b):
    m = jnp.mean(h, axis=0)
    v = jnp.var(h, axis=0)
    return (h - m) / jnp.sqrt(v + 1e-5) * g + b


def _lrelu(h):
    return jnp.where(h >= 0, h, 0.01 * h)


def setup_inputs(seed: int = 0):
    key = jax.random.key(seed)
    ks = jax.random.split(key, 16)
    inp = {}
    inp["x"] = jax.random.normal(ks[0], (N, D_IN), dtype=jnp.float32)
    inp["edge_index"] = jax.random.randint(ks[1], (2, E), 0, N, dtype=jnp.int32)
    dins = [D_IN, D, D]
    layers = []
    k = 2
    for i in range(NUM_LAYERS):
        din = dins[i]
        layers.append({
            "eps": jnp.zeros((), dtype=jnp.float32),
            "w1": jax.random.normal(ks[k], (din, D), dtype=jnp.float32) / np.sqrt(din),
            "b1": jnp.zeros((D,), dtype=jnp.float32),
            "g1": jnp.ones((D,), dtype=jnp.float32),
            "be1": jnp.zeros((D,), dtype=jnp.float32),
            "w2": jax.random.normal(ks[k + 1], (D, D), dtype=jnp.float32) / np.sqrt(D),
            "b2": jnp.zeros((D,), dtype=jnp.float32),
        })
        k += 2
    outer_bn = [{"g": jnp.ones((D,), dtype=jnp.float32), "b": jnp.zeros((D,), dtype=jnp.float32)} for _ in range(NUM_LAYERS - 1)]
    cls = {
        "w1": jax.random.normal(ks[k], (D, D), dtype=jnp.float32) / np.sqrt(D),
        "b1": jnp.zeros((D,), dtype=jnp.float32),
        "g": jnp.ones((D,), dtype=jnp.float32),
        "be": jnp.zeros((D,), dtype=jnp.float32),
        "w2": jax.random.normal(ks[k + 1], (D, 1), dtype=jnp.float32) / np.sqrt(D),
        "b2": jnp.zeros((1,), dtype=jnp.float32),
    }
    inp["params"] = {"layers": layers, "outer_bn": outer_bn, "cls": cls}
    return inp


def reference(x, edge_index, params):
    src = edge_index[0]
    dst = edge_index[1]
    h = x
    for i, lp in enumerate(params["layers"]):
        # GIN aggregation: sum of neighbor features (scatter-add of x[src] into dst)
        agg = jnp.zeros_like(h).at[dst].add(h[src])
        m = (1.0 + lp["eps"]) * h + agg
        # nn: Linear -> BatchNorm -> LeakyReLU -> Linear
        m = m @ lp["w1"] + lp["b1"]
        m = _lrelu(_bn(m, lp["g1"], lp["be1"]))
        h = m @ lp["w2"] + lp["b2"]
        if i != NUM_LAYERS - 1:
            ob = params["outer_bn"][i]
            h = _lrelu(_bn(h, ob["g"], ob["b"]))
    c = params["cls"]
    h = h @ c["w1"] + c["b1"]
    h = _lrelu(_bn(h, c["g"], c["be"]))
    h = h @ c["w2"] + c["b2"]
    return h.reshape(-1)

if __name__ == "__main__":
    import jax
    _d = setup_inputs()
    print(jax.jit(kernel)(*tuple(_d.values())))

</pallas_src>

<mosaic_0001>
#map = affine_map<(d0, d1) -> (0, 0)>
#map1 = affine_map<(d0, d1) -> (0, 0, 0)>
module attributes {stable_mosaic.version = 14 : i64} {
  func.func @agg(%arg0: i32, %arg1: i32, %arg2: memref<10000x128xf32, #tpu.memory_space<hbm>>, %arg3: memref<4000x2x80xi32, #tpu.memory_space<hbm>>, %arg4: memref<10112x128xf32, #tpu.memory_space<hbm>>, %arg5: memref<10112x128xf32, #tpu.memory_space<hbm>>, %arg6: memref<2x80xi32, #tpu.memory_space<vmem>>, %arg7: memref<2x80xi32, #tpu.memory_space<vmem>>, %arg8: memref<2x80xi32, #tpu.memory_space<vmem>>, %arg9: memref<2x80xi32, #tpu.memory_space<vmem>>, %arg10: memref<80x128xf32, #tpu.memory_space<vmem>>, %arg11: memref<80x128xf32, #tpu.memory_space<vmem>>, %arg12: memref<80x128xf32, #tpu.memory_space<vmem>>, %arg13: memref<80x128xf32, #tpu.memory_space<vmem>>, %arg14: memref<10112x128xf32, #tpu.memory_space<vmem_shared>>, %arg15: memref<!tpu.dma_semaphore, #tpu.memory_space<semaphore_mem>>, %arg16: memref<!tpu.dma_semaphore, #tpu.memory_space<semaphore_mem>>, %arg17: memref<!tpu.dma_semaphore, #tpu.memory_space<semaphore_mem>>, %arg18: memref<!tpu.dma_semaphore, #tpu.memory_space<semaphore_mem>>, %arg19: memref<!tpu.dma_semaphore, #tpu.memory_space<semaphore_mem>>, %arg20: memref<!tpu.dma_semaphore, #tpu.memory_space<semaphore_mem>>, %arg21: memref<!tpu.dma_semaphore, #tpu.memory_space<semaphore_mem>>, %arg22: memref<!tpu.dma_semaphore, #tpu.memory_space<semaphore_mem>>, %arg23: memref<!tpu.dma_semaphore, #tpu.memory_space<semaphore_mem>>, %arg24: memref<!tpu.dma_semaphore, #tpu.memory_space<semaphore_mem>>, %arg25: memref<!tpu.dma_semaphore, #tpu.memory_space<semaphore_mem>>, %arg26: memref<!tpu.dma_semaphore, #tpu.memory_space<semaphore_mem>>) attributes {dimension_semantics = [#tpu.dimension_semantics<core_parallel>, #tpu.dimension_semantics<subcore_parallel>], iteration_bounds = array<i64: 2, 16>, scalar_prefetch = 0 : i64, scratch_operands = 21 : i64, tpu.core_type = #tpu.core_type<sc_vector_subcore>, window_params = [{transform_indices = #map}, {transform_indices = #map1}, {transform_indices = #map}, {transform_indices = #map}]} {
    %mul3A = arith.constant 632 : i32
    %mul3A_0 = arith.muli %arg1, %mul3A : i32
    %scan3A = arith.constant 0 : i32
    %scan3A_1 = arith.constant 0 : i32
    %scan3A_2 = arith.constant 80 : i32
    %scan3A_3 = arith.addi %scan3A_1, %scan3A_2 : i32
    %scan3A_4 = arith.constant 1 : i32
    %scan3A_5 = scf.for %scan3A_156 = %scan3A_1 to %scan3A_3 step %scan3A_4 iter_args(%scan3A_157 = %scan3A) -> (i32)  : i32 {
      %scan3A_158 = arith.constant 0 : i32
      %scan3A_159 = arith.constant 0 : i32
      %scan3A_160 = arith.constant 8 : i32
      %scan3A_161 = arith.addi %scan3A_159, %scan3A_160 : i32
      %scan3A_162 = arith.constant 1 : i32
      %scan3A_163 = scf.for %scan3A_165 = %scan3A_159 to %scan3A_161 step %scan3A_162 iter_args(%scan3A_166 = %scan3A_158) -> (i32)  : i32 {
        %broadcast_in_dim3A = arith.constant 0.000000e+00 : f32
        %broadcast_in_dim3A_167 = vector.broadcast %broadcast_in_dim3A : f32 to vector<16xf32>
        %mul3A_168 = arith.constant 16 : i32
        %mul3A_169 = arith.muli %scan3A_165, %mul3A_168 : i32
        %swap3A = arith.index_cast %scan3A_156 : i32 to index
        %swap3A_170 = arith.index_cast %mul3A_169 : i32 to index
        %swap3A_171 = tpu.vector_load %arg10[%swap3A, %swap3A_170] {strides = array<i32>} : memref<80x128xf32, #tpu.memory_space<vmem>>, vector<1x16xf32>,
        %swap3A_172 = vector.shape_cast %swap3A_171 : vector<1x16xf32> to vector<16xf32>
        %swap3A_173 = vector.shape_cast %broadcast_in_dim3A_167 : vector<16xf32> to vector<1x16xf32>
        tpu.vector_store %arg10[%swap3A, %swap3A_170], %swap3A_173 {strides = array<i32>} : memref<80x128xf32, #tpu.memory_space<vmem>>, vector<1x16xf32>,
        %scan3A_174 = arith.constant 0 : i32
        scf.yield %scan3A_174 : i32
      }
      %scan3A_164 = arith.constant 8 : i32
      scf.yield %scan3A_163 : i32
    }
    %scan3A_6 = arith.constant 80 : i32
    %add3A = arith.constant 0 : i32
    %add3A_7 = arith.addi %mul3A_0, %add3A : i32
    "tpu.region"() ({
      %run_scoped3A = tpu.sem_alloc : memref<!tpu.dma_semaphore, #tpu.memory_space<semaphore_mem>>
      %dma_start3A_156 = arith.constant 0 : i32
      %dma_start3A_157 = tpu.memref_slice %arg14[%add3A_7, %dma_start3A_156] : memref<10112x128xf32, #tpu.memory_space<vmem_shared>> -> memref<80x128xf32, #tpu.memory_space<vmem_shared>>
      %dma_start3A_158 = arith.constant 0 : i32
      %dma_start3A_159 = tpu.memref_slice %arg14[%add3A_7, %dma_start3A_158] : memref<10112x128xf32, #tpu.memory_space<vmem_shared>> -> memref<80x128xf32, #tpu.memory_space<vmem_shared>>
      tpu.enqueue_dma source(%arg10 : memref<80x128xf32, #tpu.memory_space<vmem>>) target(%dma_start3A_159 : memref<80x128xf32, #tpu.memory_space<vmem_shared>>) target_semaphore(%run_scoped3A : memref<!tpu.dma_semaphore, #tpu.memory_space<semaphore_mem>>)
      %dma_wait3A_160 = arith.constant 0 : i32
      %dma_wait3A_161 = tpu.memref_slice %arg14[%add3A_7, %dma_wait3A_160] : memref<10112x128xf32, #tpu.memory_space<vmem_shared>> -> memref<80x128xf32, #tpu.memory_space<vmem_shared>>
      %dma_wait3A_162 = arith.constant 0 : i32
      %dma_wait3A_163 = tpu.memref_slice %arg14[%add3A_7, %dma_wait3A_162] : memref<10112x128xf32, #tpu.memory_space<vmem_shared>> -> memref<80x128xf32, #tpu.memory_space<vmem_shared>>
      tpu.wait_dma2 semaphore(%run_scoped3A : memref<!tpu.dma_semaphore, #tpu.memory_space<semaphore_mem>>) src(%arg10 : memref<80x128xf32, #tpu.memory_space<vmem>>) dst(%dma_wait3A_163 : memref<80x128xf32, #tpu.memory_space<vmem_shared>>)
      tpu.yield
    }) : () -> ()
    %add3A_8 = arith.constant 80 : i32
    %add3A_9 = arith.addi %mul3A_0, %add3A_8 : i32
    "tpu.region"() ({
      %run_scoped3A = tpu.sem_alloc : memref<!tpu.dma_semaphore, #tpu.memory_space<semaphore_mem>>
      %dma_start3A_156 = arith.constant 0 : i32
      %dma_start3A_157 = tpu.memref_slice %arg14[%add3A_9, %dma_start3A_156] : memref<10112x128xf32, #tpu.memory_space<vmem_shared>> -> memref<80x128xf32, #tpu.memory_space<vmem_shared>>
      %dma_start3A_158 = arith.constant 0 : i32
      %dma_start3A_159 = tpu.memref_slice %arg14[%add3A_9, %dma_start3A_158] : memref<10112x128xf32, #tpu.memory_space<vmem_shared>> -> memref<80x128xf32, #tpu.memory_space<vmem_shared>>
      tpu.enqueue_dma source(%arg10 : memref<80x128xf32, #tpu.memory_space<vmem>>) target(%dma_start3A_159 : memref<80x128xf32, #tpu.memory_space<vmem_shared>>) target_semaphore(%run_scoped3A : memref<!tpu.dma_semaphore, #tpu.memory_space<semaphore_mem>>)
      %dma_wait3A_160 = arith.constant 0 : i32
      %dma_wait3A_161 = tpu.memref_slice %arg14[%add3A_9, %dma_wait3A_160] : memref<10112x128xf32, #tpu.memory_space<vmem_shared>> -> memref<80x128xf32, #tpu.memory_space<vmem_shared>>
      %dma_wait3A_162 = arith.constant 0 : i32
      %dma_wait3A_163 = tpu.memref_slice %arg14[%add3A_9, %dma_wait3A_162] : memref<10112x128xf32, #tpu.memory_space<vmem_shared>> -> memref<80x128xf32, #tpu.memory_space<vmem_shared>>
      tpu.wait_dma2 semaphore(%run_scoped3A : memref<!tpu.dma_semaphore, #tpu.memory_space<semaphore_mem>>) src(%arg10 : memref<80x128xf32, #tpu.memory_space<vmem>>) dst(%dma_wait3A_163 : memref<80x128xf32, #tpu.memory_space<vmem_shared>>)
      tpu.yield
    }) : () -> ()
    %add3A_10 = arith.constant 160 : i32
    %add3A_11 = arith.addi %mul3A_0, %add3A_10 : i32
    "tpu.region"() ({
      %run_scoped3A = tpu.sem_alloc : memref<!tpu.dma_semaphore, #tpu.memory_space<semaphore_mem>>
      %dma_start3A_156 = arith.constant 0 : i32
      %dma_start3A_157 = tpu.memref_slice %arg14[%add3A_11, %dma_start3A_156] : memref<10112x128xf32, #tpu.memory_space<vmem_shared>> -> memref<80x128xf32, #tpu.memory_space<vmem_shared>>
      %dma_start3A_158 = arith.constant 0 : i32
      %dma_start3A_159 = tpu.memref_slice %arg14[%add3A_11, %dma_start3A_158] : memref<10112x128xf32, #tpu.memory_space<vmem_shared>> -> memref<80x128xf32, #tpu.memory_space<vmem_shared>>
      tpu.enqueue_dma source(%arg10 : memref<80x128xf32, #tpu.memory_space<vmem>>) target(%dma_start3A_159 : memref<80x128xf32, #tpu.memory_space<vmem_shared>>) target_semaphore(%run_scoped3A : memref<!tpu.dma_semaphore, #tpu.memory_space<semaphore_mem>>)
      %dma_wait3A_160 = arith.constant 0 : i32
      %dma_wait3A_161 = tpu.memref_slice %arg14[%add3A_11, %dma_wait3A_160] : memref<10112x128xf32, #tpu.memory_space<vmem_shared>> -> memref<80x128xf32, #tpu.memory_space<vmem_shared>>
      %dma_wait3A_162 = arith.constant 0 : i32
      %dma_wait3A_163 = tpu.memref_slice %arg14[%add3A_11, %dma_wait3A_162] : memref<10112x128xf32, #tpu.memory_space<vmem_shared>> -> memref<80x128xf32, #tpu.memory_space<vmem_shared>>
      tpu.wait_dma2 semaphore(%run_scoped3A : memref<!tpu.dma_semaphore, #tpu.memory_space<semaphore_mem>>) src(%arg10 : memref<80x128xf32, #tpu.memory_space<vmem>>) dst(%dma_wait3A_163 : memref<80x128xf32, #tpu.memory_space<vmem_shared>>)
      tpu.yield
    }) : () -> ()
    %add3A_12 = arith.constant 240 : i32
    %add3A_13 = arith.addi %mul3A_0, %add3A_12 : i32
    "tpu.region"() ({
      %run_scoped3A = tpu.sem_alloc : memref<!tpu.dma_semaphore, #tpu.memory_space<semaphore_mem>>
      %dma_start3A_156 = arith.constant 0 : i32
      %dma_start3A_157 = tpu.memref_slice %arg14[%add3A_13, %dma_start3A_156] : memref<10112x128xf32, #tpu.memory_space<vmem_shared>> -> memref<80x128xf32, #tpu.memory_space<vmem_shared>>
      %dma_start3A_158 = arith.constant 0 : i32
      %dma_start3A_159 = tpu.memref_slice %arg14[%add3A_13, %dma_start3A_158] : memref<10112x128xf32, #tpu.memory_space<vmem_shared>> -> memref<80x128xf32, #tpu.memory_space<vmem_shared>>
      tpu.enqueue_dma source(%arg10 : memref<80x128xf32, #tpu.memory_space<vmem>>) target(%dma_start3A_159 : memref<80x128xf32, #tpu.memory_space<vmem_shared>>) target_semaphore(%run_scoped3A : memref<!tpu.dma_semaphore, #tpu.memory_space<semaphore_mem>>)
      %dma_wait3A_160 = arith.constant 0 : i32
      %dma_wait3A_161 = tpu.memref_slice %arg14[%add3A_13, %dma_wait3A_160] : memref<10112x128xf32, #tpu.memory_space<vmem_shared>> -> memref<80x128xf32, #tpu.memory_space<vmem_shared>>
      %dma_wait3A_162 = arith.constant 0 : i32
      %dma_wait3A_163 = tpu.memref_slice %arg14[%add3A_13, %dma_wait3A_162] : memref<10112x128xf32, #tpu.memory_space<vmem_shared>> -> memref<80x128xf32, #tpu.memory_space<vmem_shared>>
      tpu.wait_dma2 semaphore(%run_scoped3A : memref<!tpu.dma_semaphore, #tpu.memory_space<semaphore_mem>>) src(%arg10 : memref<80x128xf32, #tpu.memory_space<vmem>>) dst(%dma_wait3A_163 : memref<80x128xf32, #tpu.memory_space<vmem_shared>>)
      tpu.yield
    }) : () -> ()
    %add3A_14 = arith.constant 320 : i32
    %add3A_15 = arith.addi %mul3A_0, %add3A_14 : i32
    "tpu.region"() ({
      %run_scoped3A = tpu.sem_alloc : memref<!tpu.dma_semaphore, #tpu.memory_space<semaphore_mem>>
      %dma_start3A_156 = arith.constant 0 : i32
      %dma_start3A_157 = tpu.memref_slice %arg14[%add3A_15, %dma_start3A_156] : memref<10112x128xf32, #tpu.memory_space<vmem_shared>> -> memref<80x128xf32, #tpu.memory_space<vmem_shared>>
      %dma_start3A_158 = arith.constant 0 : i32
      %dma_start3A_159 = tpu.memref_slice %arg14[%add3A_15, %dma_start3A_158] : memref<10112x128xf32, #tpu.memory_space<vmem_shared>> -> memref<80x128xf32, #tpu.memory_space<vmem_shared>>
      tpu.enqueue_dma source(%arg10 : memref<80x128xf32, #tpu.memory_space<vmem>>) target(%dma_start3A_159 : memref<80x128xf32, #tpu.memory_space<vmem_shared>>) target_semaphore(%run_scoped3A : memref<!tpu.dma_semaphore, #tpu.memory_space<semaphore_mem>>)
      %dma_wait3A_160 = arith.constant 0 : i32
      %dma_wait3A_161 = tpu.memref_slice %arg14[%add3A_15, %dma_wait3A_160] : memref<10112x128xf32, #tpu.memory_space<vmem_shared>> -> memref<80x128xf32, #tpu.memory_space<vmem_shared>>
      %dma_wait3A_162 = arith.constant 0 : i32
      %dma_wait3A_163 = tpu.memref_slice %arg14[%add3A_15, %dma_wait3A_162] : memref<10112x128xf32, #tpu.memory_space<vmem_shared>> -> memref<80x128xf32, #tpu.memory_space<vmem_shared>>
      tpu.wait_dma2 semaphore(%run_scoped3A : memref<!tpu.dma_semaphore, #tpu.memory_space<semaphore_mem>>) src(%arg10 : memref<80x128xf32, #tpu.memory_space<vmem>>) dst(%dma_wait3A_163 : memref<80x128xf32, #tpu.memory_space<vmem_shared>>)
      tpu.yield
    }) : () -> ()
    %add3A_16 = arith.constant 400 : i32
    %add3A_17 = arith.addi %mul3A_0, %add3A_16 : i32
    "tpu.region"() ({
      %run_scoped3A = tpu.sem_alloc : memref<!tpu.dma_semaphore, #tpu.memory_space<semaphore_mem>>
      %dma_start3A_156 = arith.constant 0 : i32
      %dma_start3A_157 = tpu.memref_slice %arg14[%add3A_17, %dma_start3A_156] : memref<10112x128xf32, #tpu.memory_space<vmem_shared>> -> memref<80x128xf32, #tpu.memory_space<vmem_shared>>
      %dma_start3A_158 = arith.constant 0 : i32
      %dma_start3A_159 = tpu.memref_slice %arg14[%add3A_17, %dma_start3A_158] : memref<10112x128xf32, #tpu.memory_space<vmem_shared>> -> memref<80x128xf32, #tpu.memory_space<vmem_shared>>
      tpu.enqueue_dma source(%arg10 : memref<80x128xf32, #tpu.memory_space<vmem>>) target(%dma_start3A_159 : memref<80x128xf32, #tpu.memory_space<vmem_shared>>) target_semaphore(%run_scoped3A : memref<!tpu.dma_semaphore, #tpu.memory_space<semaphore_mem>>)
      %dma_wait3A_160 = arith.constant 0 : i32
      %dma_wait3A_161 = tpu.memref_slice %arg14[%add3A_17, %dma_wait3A_160] : memref<10112x128xf32, #tpu.memory_space<vmem_shared>> -> memref<80x128xf32, #tpu.memory_space<vmem_shared>>
      %dma_wait3A_162 = arith.constant 0 : i32
      %dma_wait3A_163 = tpu.memref_slice %arg14[%add3A_17, %dma_wait3A_162] : memref<10112x128xf32, #tpu.memory_space<vmem_shared>> -> memref<80x128xf32, #tpu.memory_space<vmem_shared>>
      tpu.wait_dma2 semaphore(%run_scoped3A : memref<!tpu.dma_semaphore, #tpu.memory_space<semaphore_mem>>) src(%arg10 : memref<80x128xf32, #tpu.memory_space<vmem>>) dst(%dma_wait3A_163 : memref<80x128xf32, #tpu.memory_space<vmem_shared>>)
      tpu.yield
    }) : () -> ()
    %add3A_18 = arith.constant 480 : i32
    %add3A_19 = arith.addi %mul3A_0, %add3A_18 : i32
    "tpu.region"() ({
      %run_scoped3A = tpu.sem_alloc : memref<!tpu.dma_semaphore, #tpu.memory_space<semaphore_mem>>
      %dma_start3A_156 = arith.constant 0 : i32
      %dma_start3A_157 = tpu.memref_slice %arg14[%add3A_19, %dma_start3A_156] : memref<10112x128xf32, #tpu.memory_space<vmem_shared>> -> memref<80x128xf32, #tpu.memory_space<vmem_shared>>
      %dma_start3A_158 = arith.constant 0 : i32
      %dma_start3A_159 = tpu.memref_slice %arg14[%add3A_19, %dma_start3A_158] : memref<10112x128xf32, #tpu.memory_space<vmem_shared>> -> memref<80x128xf32, #tpu.memory_space<vmem_shared>>
      tpu.enqueue_dma source(%arg10 : memref<80x128xf32, #tpu.memory_space<vmem>>) target(%dma_start3A_159 : memref<80x128xf32, #tpu.memory_space<vmem_shared>>) target_semaphore(%run_scoped3A : memref<!tpu.dma_semaphore, #tpu.memory_space<semaphore_mem>>)
      %dma_wait3A_160 = arith.constant 0 : i32
      %dma_wait3A_161 = tpu.memref_slice %arg14[%add3A_19, %dma_wait3A_160] : memref<10112x128xf32, #tpu.memory_space<vmem_shared>> -> memref<80x128xf32, #tpu.memory_space<vmem_shared>>
      %dma_wait3A_162 = arith.constant 0 : i32
      %dma_wait3A_163 = tpu.memref_slice %arg14[%add3A_19, %dma_wait3A_162] : memref<10112x128xf32, #tpu.memory_space<vmem_shared>> -> memref<80x128xf32, #tpu.memory_space<vmem_shared>>
      tpu.wait_dma2 semaphore(%run_scoped3A : memref<!tpu.dma_semaphore, #tpu.memory_space<semaphore_mem>>) src(%arg10 : memref<80x128xf32, #tpu.memory_space<vmem>>) dst(%dma_wait3A_163 : memref<80x128xf32, #tpu.memory_space<vmem_shared>>)
      tpu.yield
    }) : () -> ()
    %add3A_20 = arith.constant 560 : i32
    %add3A_21 = arith.addi %mul3A_0, %add3A_20 : i32
    "tpu.region"() ({
      %run_scoped3A = tpu.sem_alloc : memref<!tpu.dma_semaphore, #tpu.memory_space<semaphore_mem>>
      %dma_start3A_156 = arith.constant 0 : i32
      %dma_start3A_157 = arith.constant 0 : i32
      %dma_start3A_158 = tpu.memref_slice %arg10[%dma_start3A_156, %dma_start3A_157] : memref<80x128xf32, #tpu.memory_space<vmem>> -> memref<72x128xf32, #tpu.memory_space<vmem>>
      %dma_start3A_159 = arith.constant 0 : i32
      %dma_start3A_160 = tpu.memref_slice %arg14[%add3A_21, %dma_start3A_159] : memref<10112x128xf32, #tpu.memory_space<vmem_shared>> -> memref<72x128xf32, #tpu.memory_space<vmem_shared>>
      %dma_start3A_161 = arith.constant 0 : i32
      %dma_start3A_162 = tpu.memref_slice %arg14[%add3A_21, %dma_start3A_161] : memref<10112x128xf32, #tpu.memory_space<vmem_shared>> -> memref<72x128xf32, #tpu.memory_space<vmem_shared>>
      %dma_start3A_163 = arith.constant 0 : i32
      %dma_start3A_164 = arith.constant 0 : i32
      %dma_start3A_165 = tpu.memref_slice %arg10[%dma_start3A_163, %dma_start3A_164] : memref<80x128xf32, #tpu.memory_space<vmem>> -> memref<72x128xf32, #tpu.memory_space<vmem>>
      tpu.enqueue_dma source(%dma_start3A_165 : memref<72x128xf32, #tpu.memory_space<vmem>>) target(%dma_start3A_162 : memref<72x128xf32, #tpu.memory_space<vmem_shared>>) target_semaphore(%run_scoped3A : memref<!tpu.dma_semaphore, #tpu.memory_space<semaphore_mem>>)
      %dma_wait3A_166 = arith.constant 0 : i32
      %dma_wait3A_167 = arith.constant 0 : i32
      %dma_wait3A_168 = tpu.memref_slice %arg10[%dma_wait3A_166, %dma_wait3A_167] : memref<80x128xf32, #tpu.memory_space<vmem>> -> memref<72x128xf32, #tpu.memory_space<vmem>>
      %dma_wait3A_169 = arith.constant 0 : i32
      %dma_wait3A_170 = tpu.memref_slice %arg14[%add3A_21, %dma_wait3A_169] : memref<10112x128xf32, #tpu.memory_space<vmem_shared>> -> memref<72x128xf32, #tpu.memory_space<vmem_shared>>
      %dma_wait3A_171 = arith.constant 0 : i32
      %dma_wait3A_172 = tpu.memref_slice %arg14[%add3A_21, %dma_wait3A_171] : memref<10112x128xf32, #tpu.memory_space<vmem_shared>> -> memref<72x128xf32, #tpu.memory_space<vmem_shared>>
      %dma_wait3A_173 = arith.constant 0 : i32
      %dma_wait3A_174 = arith.constant 0 : i32
      %dma_wait3A_175 = tpu.memref_slice %arg10[%dma_wait3A_173, %dma_wait3A_174] : memref<80x128xf32, #tpu.memory_space<vmem>> -> memref<72x128xf32, #tpu.memory_space<vmem>>
      tpu.wait_dma2 semaphore(%run_scoped3A : memref<!tpu.dma_semaphore, #tpu.memory_space<semaphore_mem>>) src(%dma_wait3A_175 : memref<72x128xf32, #tpu.memory_space<vmem>>) dst(%dma_wait3A_172 : memref<72x128xf32, #tpu.memory_space<vmem_shared>>)
      tpu.yield
    }) : () -> ()
    %barrier3A = arith.constant 0 : index
    tpu.barrier barrier_id(%barrier3A)
    %mul3A_22 = arith.constant 16 : i32
    %mul3A_23 = arith.muli %arg0, %mul3A_22 : i32
    %add3A_24 = arith.addi %mul3A_23, %arg1 : i32
    %mul3A_25 = arith.constant 125 : i32
    %mul3A_26 = arith.muli %add3A_24, %mul3A_25 : i32
    %add3A_27 = arith.constant 0 : i32
    %add3A_28 = arith.addi %mul3A_26, %add3A_27 : i32
    %dma_start3A = arith.constant 0 : i32
    %dma_start3A_29 = arith.constant 0 : i32
    %dma_start3A_30 = tpu.memref_slice %arg3[%add3A_28, %dma_start3A, %dma_start3A_29] : memref<4000x2x80xi32, #tpu.memory_space<hbm>> -> memref<1x2x80xi32, #tpu.memory_space<hbm>>
    %dma_start3A_31 = tpu.memref_squeeze %dma_start3A_30 : memref<1x2x80xi32, #tpu.memory_space<hbm>> -> memref<2x80xi32, #tpu.memory_space<hbm>>
    %dma_start3A_32 = arith.constant 0 : i32
    %dma_start3A_33 = arith.constant 0 : i32
    %dma_start3A_34 = tpu.memref_slice %arg3[%add3A_28, %dma_start3A_32, %dma_start3A_33] : memref<4000x2x80xi32, #tpu.memory_space<hbm>> -> memref<1x2x80xi32, #tpu.memory_space<hbm>>
    %dma_start3A_35 = tpu.memref_squeeze %dma_start3A_34 : memref<1x2x80xi32, #tpu.memory_space<hbm>> -> memref<2x80xi32, #tpu.memory_space<hbm>>
    tpu.enqueue_dma source(%dma_start3A_35 : memref<2x80xi32, #tpu.memory_space<hbm>>) target(%arg6 : memref<2x80xi32, #tpu.memory_space<vmem>>) target_semaphore(%arg15 : memref<!tpu.dma_semaphore, #tpu.memory_space<semaphore_mem>>)
    %add3A_36 = arith.constant 1 : i32
    %add3A_37 = arith.addi %mul3A_26, %add3A_36 : i32
    %dma_start3A_38 = arith.constant 0 : i32
    %dma_start3A_39 = arith.constant 0 : i32
    %dma_start3A_40 = tpu.memref_slice %arg3[%add3A_37, %dma_start3A_38, %dma_start3A_39] : memref<4000x2x80xi32, #tpu.memory_space<hbm>> -> memref<1x2x80xi32, #tpu.memory_space<hbm>>
    %dma_start3A_41 = tpu.memref_squeeze %dma_start3A_40 : memref<1x2x80xi32, #tpu.memory_space<hbm>> -> memref<2x80xi32, #tpu.memory_space<hbm>>
    %dma_start3A_42 = arith.constant 0 : i32
    %dma_start3A_43 = arith.constant 0 : i32
    %dma_start3A_44 = tpu.memref_slice %arg3[%add3A_37, %dma_start3A_42, %dma_start3A_43] : memref<4000x2x80xi32, #tpu.memory_space<hbm>> -> memref<1x2x80xi32, #tpu.memory_space<hbm>>
    %dma_start3A_45 = tpu.memref_squeeze %dma_start3A_44 : memref<1x2x80xi32, #tpu.memory_space<hbm>> -> memref<2x80xi32, #tpu.memory_space<hbm>>
    tpu.enqueue_dma source(%dma_start3A_45 : memref<2x80xi32, #tpu.memory_space<hbm>>) target(%arg7 : memref<2x80xi32, #tpu.memory_space<vmem>>) target_semaphore(%arg16 : memref<!tpu.dma_semaphore, #tpu.memory_space<semaphore_mem>>)
    %add3A_46 = arith.constant 2 : i32
    %add3A_47 = arith.addi %mul3A_26, %add3A_46 : i32
    %dma_start3A_48 = arith.constant 0 : i32
    %dma_start3A_49 = arith.constant 0 : i32
    %dma_start3A_50 = tpu.memref_slice %arg3[%add3A_47, %dma_start3A_48, %dma_start3A_49] : memref<4000x2x80xi32, #tpu.memory_space<hbm>> -> memref<1x2x80xi32, #tpu.memory_space<hbm>>
    %dma_start3A_51 = tpu.memref_squeeze %dma_start3A_50 : memref<1x2x80xi32, #tpu.memory_space<hbm>> -> memref<2x80xi32, #tpu.memory_space<hbm>>
    %dma_start3A_52 = arith.constant 0 : i32
    %dma_start3A_53 = arith.constant 0 : i32
    %dma_start3A_54 = tpu.memref_slice %arg3[%add3A_47, %dma_start3A_52, %dma_start3A_53] : memref<4000x2x80xi32, #tpu.memory_space<hbm>> -> memref<1x2x80xi32, #tpu.memory_space<hbm>>
    %dma_start3A_55 = tpu.memref_squeeze %dma_start3A_54 : memref<1x2x80xi32, #tpu.memory_space<hbm>> -> memref<2x80xi32, #tpu.memory_space<hbm>>
    tpu.enqueue_dma source(%dma_start3A_55 : memref<2x80xi32, #tpu.memory_space<hbm>>) target(%arg8 : memref<2x80xi32, #tpu.memory_space<vmem>>) target_semaphore(%arg17 : memref<!tpu.dma_semaphore, #tpu.memory_space<semaphore_mem>>)
    %add3A_56 = arith.constant 3 : i32
    %add3A_57 = arith.addi %mul3A_26, %add3A_56 : i32
    %dma_start3A_58 = arith.constant 0 : i32
    %dma_start3A_59 = arith.constant 0 : i32
    %dma_start3A_60 = tpu.memref_slice %arg3[%add3A_57, %dma_start3A_58, %dma_start3A_59] : memref<4000x2x80xi32, #tpu.memory_space<hbm>> -> memref<1x2x80xi32, #tpu.memory_space<hbm>>
    %dma_start3A_61 = tpu.memref_squeeze %dma_start3A_60 : memref<1x2x80xi32, #tpu.memory_space<hbm>> -> memref<2x80xi32, #tpu.memory_space<hbm>>
    %dma_start3A_62 = arith.constant 0 : i32
    %dma_start3A_63 = arith.constant 0 : i32
    %dma_start3A_64 = tpu.memref_slice %arg3[%add3A_57, %dma_start3A_62, %dma_start3A_63] : memref<4000x2x80xi32, #tpu.memory_space<hbm>> -> memref<1x2x80xi32, #tpu.memory_space<hbm>>
    %dma_start3A_65 = tpu.memref_squeeze %dma_start3A_64 : memref<1x2x80xi32, #tpu.memory_space<hbm>> -> memref<2x80xi32, #tpu.memory_space<hbm>>
    tpu.enqueue_dma source(%dma_start3A_65 : memref<2x80xi32, #tpu.memory_space<hbm>>) target(%arg9 : memref<2x80xi32, #tpu.memory_space<vmem>>) target_semaphore(%arg18 : memref<!tpu.dma_semaphore, #tpu.memory_space<semaphore_mem>>)
    %scan3A_66 = arith.constant 0 : i32
    %scan3A_67 = arith.constant 0 : i32
    %scan3A_68 = arith.constant 31 : i32
    %scan3A_69 = arith.addi %scan3A_67, %scan3A_68 : i32
    %scan3A_70 = arith.constant 1 : i32
    %scan3A_71 = scf.for %scan3A_156 = %scan3A_67 to %scan3A_69 step %scan3A_70 iter_args(%scan3A_157 = %scan3A_66) -> (i32)  : i32 {
      %mul3A_158 = arith.constant 4 : i32
      %mul3A_159 = arith.muli %mul3A_158, %scan3A_156 : i32
      %add3A_160 = arith.constant 0 : i32
      %add3A_161 = arith.addi %mul3A_159, %add3A_160 : i32
      %add3A_162 = arith.addi %mul3A_26, %add3A_161 : i32
      %dma_wait3A_163 = arith.constant 0 : i32
      %dma_wait3A_164 = arith.constant 0 : i32
      %dma_wait3A_165 = tpu.memref_slice %arg3[%add3A_162, %dma_wait3A_163, %dma_wait3A_164] : memref<4000x2x80xi32, #tpu.memory_space<hbm>> -> memref<1x2x80xi32, #tpu.memory_space<hbm>>
      %dma_wait3A_166 = tpu.memref_squeeze %dma_wait3A_165 : memref<1x2x80xi32, #tpu.memory_space<hbm>> -> memref<2x80xi32, #tpu.memory_space<hbm>>
      %dma_wait3A_167 = arith.constant 0 : i32
      %dma_wait3A_168 = arith.constant 0 : i32
      %dma_wait3A_169 = tpu.memref_slice %arg3[%add3A_162, %dma_wait3A_167, %dma_wait3A_168] : memref<4000x2x80xi32, #tpu.memory_space<hbm>> -> memref<1x2x80xi32, #tpu.memory_space<hbm>>
      %dma_wait3A_170 = tpu.memref_squeeze %dma_wait3A_169 : memref<1x2x80xi32, #tpu.memory_space<hbm>> -> memref<2x80xi32, #tpu.memory_space<hbm>>
      tpu.wait_dma2 semaphore(%arg15 : memref<!tpu.dma_semaphore, #tpu.memory_space<semaphore_mem>>) src(%dma_wait3A_170 : memref<2x80xi32, #tpu.memory_space<hbm>>) dst(%arg6 : memref<2x80xi32, #tpu.memory_space<vmem>>)
      %dma_start3A_171 = arith.constant 0 : i32
      %dma_start3A_172 = arith.constant 0 : i32
      %dma_start3A_173 = tpu.memref_slice %arg6[%dma_start3A_171, %dma_start3A_172] : memref<2x80xi32, #tpu.memory_space<vmem>> -> memref<1x80xi32, #tpu.memory_space<vmem>>
      %dma_start3A_174 = tpu.memref_squeeze %dma_start3A_173 : memref<1x80xi32, #tpu.memory_space<vmem>> -> memref<80xi32, #tpu.memory_space<vmem>>
      %dma_start3A_175 = arith.constant 0 : i32
      %dma_start3A_176 = arith.constant 0 : i32
      %dma_start3A_177 = tpu.memref_slice %arg2[%dma_start3A_175, %dma_start3A_176] : memref<10000x128xf32, #tpu.memory_space<hbm>> -> memref<10000x128xf32, #tpu.memory_space<hbm>>
      tpu.enqueue_indirect_dma source(%dma_start3A_177 : memref<10000x128xf32, #tpu.memory_space<hbm>>) target(%arg10 : memref<80x128xf32, #tpu.memory_space<vmem>>) offsets(%dma_start3A_174 : memref<80xi32, #tpu.memory_space<vmem>>) semaphore(%arg19 : memref<!tpu.dma_semaphore, #tpu.memory_space<semaphore_mem>>)
      %mul3A_178 = arith.constant 4 : i32
      %mul3A_179 = arith.muli %mul3A_178, %scan3A_156 : i32
      %add3A_180 = arith.constant 1 : i32
      %add3A_181 = arith.addi %mul3A_179, %add3A_180 : i32
      %add3A_182 = arith.addi %mul3A_26, %add3A_181 : i32
      %dma_wait3A_183 = arith.constant 0 : i32
      %dma_wait3A_184 = arith.constant 0 : i32
      %dma_wait3A_185 = tpu.memref_slice %arg3[%add3A_182, %dma_wait3A_183, %dma_wait3A_184] : memref<4000x2x80xi32, #tpu.memory_space<hbm>> -> memref<1x2x80xi32, #tpu.memory_space<hbm>>
      %dma_wait3A_186 = tpu.memref_squeeze %dma_wait3A_185 : memref<1x2x80xi32, #tpu.memory_space<hbm>> -> memref<2x80xi32, #tpu.memory_space<hbm>>
      %dma_wait3A_187 = arith.constant 0 : i32
      %dma_wait3A_188 = arith.constant 0 : i32
      %dma_wait3A_189 = tpu.memref_slice %arg3[%add3A_182, %dma_wait3A_187, %dma_wait3A_188] : memref<4000x2x80xi32, #tpu.memory_space<hbm>> -> memref<1x2x80xi32, #tpu.memory_space<hbm>>
      %dma_wait3A_190 = tpu.memref_squeeze %dma_wait3A_189 : memref<1x2x80xi32, #tpu.memory_space<hbm>> -> memref<2x80xi32, #tpu.memory_space<hbm>>
      tpu.wait_dma2 semaphore(%arg16 : memref<!tpu.dma_semaphore, #tpu.memory_space<semaphore_mem>>) src(%dma_wait3A_190 : memref<2x80xi32, #tpu.memory_space<hbm>>) dst(%arg7 : memref<2x80xi32, #tpu.memory_space<vmem>>)
      %dma_start3A_191 = arith.constant 0 : i32
      %dma_start3A_192 = arith.constant 0 : i32
      %dma_start3A_193 = tpu.memref_slice %arg7[%dma_start3A_191, %dma_start3A_192] : memref<2x80xi32, #tpu.memory_space<vmem>> -> memref<1x80xi32, #tpu.memory_space<vmem>>
      %dma_start3A_194 = tpu.memref_squeeze %dma_start3A_193 : memref<1x80xi32, #tpu.memory_space<vmem>> -> memref<80xi32, #tpu.memory_space<vmem>>
      %dma_start3A_195 = arith.constant 0 : i32
      %dma_start3A_196 = arith.constant 0 : i32
      %dma_start3A_197 = tpu.memref_slice %arg2[%dma_start3A_195, %dma_start3A_196] : memref<10000x128xf32, #tpu.memory_space<hbm>> -> memref<10000x128xf32, #tpu.memory_space<hbm>>
      tpu.enqueue_indirect_dma source(%dma_start3A_197 : memref<10000x128xf32, #tpu.memory_space<hbm>>) target(%arg11 : memref<80x128xf32, #tpu.memory_space<vmem>>) offsets(%dma_start3A_194 : memref<80xi32, #tpu.memory_space<vmem>>) semaphore(%arg20 : memref<!tpu.dma_semaphore, #tpu.memory_space<semaphore_mem>>)
      %mul3A_198 = arith.constant 4 : i32
      %mul3A_199 = arith.muli %mul3A_198, %scan3A_156 : i32
      %add3A_200 = arith.constant 2 : i32
      %add3A_201 = arith.addi %mul3A_199, %add3A_200 : i32
      %add3A_202 = arith.addi %mul3A_26, %add3A_201 : i32
      %dma_wait3A_203 = arith.constant 0 : i32
      %dma_wait3A_204 = arith.constant 0 : i32
      %dma_wait3A_205 = tpu.memref_slice %arg3[%add3A_202, %dma_wait3A_203, %dma_wait3A_204] : memref<4000x2x80xi32, #tpu.memory_space<hbm>> -> memref<1x2x80xi32, #tpu.memory_space<hbm>>
      %dma_wait3A_206 = tpu.memref_squeeze %dma_wait3A_205 : memref<1x2x80xi32, #tpu.memory_space<hbm>> -> memref<2x80xi32, #tpu.memory_space<hbm>>
      %dma_wait3A_207 = arith.constant 0 : i32
      %dma_wait3A_208 = arith.constant 0 : i32
      %dma_wait3A_209 = tpu.memref_slice %arg3[%add3A_202, %dma_wait3A_207, %dma_wait3A_208] : memref<4000x2x80xi32, #tpu.memory_space<hbm>> -> memref<1x2x80xi32, #tpu.memory_space<hbm>>
      %dma_wait3A_210 = tpu.memref_squeeze %dma_wait3A_209 : memref<1x2x80xi32, #tpu.memory_space<hbm>> -> memref<2x80xi32, #tpu.memory_space<hbm>>
      tpu.wait_dma2 semaphore(%arg17 : memref<!tpu.dma_semaphore, #tpu.memory_space<semaphore_mem>>) src(%dma_wait3A_210 : memref<2x80xi32, #tpu.memory_space<hbm>>) dst(%arg8 : memref<2x80xi32, #tpu.memory_space<vmem>>)
      %dma_start3A_211 = arith.constant 0 : i32
      %dma_start3A_212 = arith.constant 0 : i32
      %dma_start3A_213 = tpu.memref_slice %arg8[%dma_start3A_211, %dma_start3A_212] : memref<2x80xi32, #tpu.memory_space<vmem>> -> memref<1x80xi32, #tpu.memory_space<vmem>>
      %dma_start3A_214 = tpu.memref_squeeze %dma_start3A_213 : memref<1x80xi32, #tpu.memory_space<vmem>> -> memref<80xi32, #tpu.memory_space<vmem>>
      %dma_start3A_215 = arith.constant 0 : i32
      %dma_start3A_216 = arith.constant 0 : i32
      %dma_start3A_217 = tpu.memref_slice %arg2[%dma_start3A_215, %dma_start3A_216] : memref<10000x128xf32, #tpu.memory_space<hbm>> -> memref<10000x128xf32, #tpu.memory_space<hbm>>
      tpu.enqueue_indirect_dma source(%dma_start3A_217 : memref<10000x128xf32, #tpu.memory_space<hbm>>) target(%arg12 : memref<80x128xf32, #tpu.memory_space<vmem>>) offsets(%dma_start3A_214 : memref<80xi32, #tpu.memory_space<vmem>>) semaphore(%arg21 : memref<!tpu.dma_semaphore, #tpu.memory_space<semaphore_mem>>)
      %mul3A_218 = arith.constant 4 : i32
      %mul3A_219 = arith.muli %mul3A_218, %scan3A_156 : i32
      %add3A_220 = arith.constant 3 : i32
      %add3A_221 = arith.addi %mul3A_219, %add3A_220 : i32
      %add3A_222 = arith.addi %mul3A_26, %add3A_221 : i32
      %dma_wait3A_223 = arith.constant 0 : i32
      %dma_wait3A_224 = arith.constant 0 : i32
      %dma_wait3A_225 = tpu.memref_slice %arg3[%add3A_222, %dma_wait3A_223, %dma_wait3A_224] : memref<4000x2x80xi32, #tpu.memory_space<hbm>> -> memref<1x2x80xi32, #tpu.memory_space<hbm>>
      %dma_wait3A_226 = tpu.memref_squeeze %dma_wait3A_225 : memref<1x2x80xi32, #tpu.memory_space<hbm>> -> memref<2x80xi32, #tpu.memory_space<hbm>>
      %dma_wait3A_227 = arith.constant 0 : i32
      %dma_wait3A_228 = arith.constant 0 : i32
      %dma_wait3A_229 = tpu.memref_slice %arg3[%add3A_222, %dma_wait3A_227, %dma_wait3A_228] : memref<4000x2x80xi32, #tpu.memory_space<hbm>> -> memref<1x2x80xi32, #tpu.memory_space<hbm>>
      %dma_wait3A_230 = tpu.memref_squeeze %dma_wait3A_229 : memref<1x2x80xi32, #tpu.memory_space<hbm>> -> memref<2x80xi32, #tpu.memory_space<hbm>>
      tpu.wait_dma2 semaphore(%arg18 : memref<!tpu.dma_semaphore, #tpu.memory_space<semaphore_mem>>) src(%dma_wait3A_230 : memref<2x80xi32, #tpu.memory_space<hbm>>) dst(%arg9 : memref<2x80xi32, #tpu.memory_space<vmem>>)
      %dma_start3A_231 = arith.constant 0 : i32
      %dma_start3A_232 = arith.constant 0 : i32
      %dma_start3A_233 = tpu.memref_slice %arg9[%dma_start3A_231, %dma_start3A_232] : memref<2x80xi32, #tpu.memory_space<vmem>> -> memref<1x80xi32, #tpu.memory_space<vmem>>
      %dma_start3A_234 = tpu.memref_squeeze %dma_start3A_233 : memref<1x80xi32, #tpu.memory_space<vmem>> -> memref<80xi32, #tpu.memory_space<vmem>>
      %dma_start3A_235 = arith.constant 0 : i32
      %dma_start3A_236 = arith.constant 0 : i32
      %dma_start3A_237 = tpu.memref_slice %arg2[%dma_start3A_235, %dma_start3A_236] : memref<10000x128xf32, #tpu.memory_space<hbm>> -> memref<10000x128xf32, #tpu.memory_space<hbm>>
      tpu.enqueue_indirect_dma source(%dma_start3A_237 : memref<10000x128xf32, #tpu.memory_space<hbm>>) target(%arg13 : memref<80x128xf32, #tpu.memory_space<vmem>>) offsets(%dma_start3A_234 : memref<80xi32, #tpu.memory_space<vmem>>) semaphore(%arg22 : memref<!tpu.dma_semaphore, #tpu.memory_space<semaphore_mem>>)
      %dma_wait3A_238 = arith.constant 0 : i32
      %dma_wait3A_239 = arith.constant 0 : i32
      %dma_wait3A_240 = tpu.memref_slice %arg6[%dma_wait3A_238, %dma_wait3A_239] : memref<2x80xi32, #tpu.memory_space<vmem>> -> memref<1x80xi32, #tpu.memory_space<vmem>>
      %dma_wait3A_241 = tpu.memref_squeeze %dma_wait3A_240 : memref<1x80xi32, #tpu.memory_space<vmem>> -> memref<80xi32, #tpu.memory_space<vmem>>
      %dma_wait3A_242 = arith.constant 0 : i32
      %dma_wait3A_243 = arith.constant 0 : i32
      %dma_wait3A_244 = tpu.memref_slice %arg2[%dma_wait3A_242, %dma_wait3A_243] : memref<10000x128xf32, #tpu.memory_space<hbm>> -> memref<10000x128xf32, #tpu.memory_space<hbm>>
      tpu.wait_indirect_dma semaphore(%arg19 : memref<!tpu.dma_semaphore, #tpu.memory_space<semaphore_mem>>) src(%dma_wait3A_244 : memref<10000x128xf32, #tpu.memory_space<hbm>>) dst(%arg10 : memref<80x128xf32, #tpu.memory_space<vmem>>)
      %dma_start3A_245 = arith.constant 1 : i32
      %dma_start3A_246 = arith.constant 0 : i32
      %dma_start3A_247 = tpu.memref_slice %arg6[%dma_start3A_245, %dma_start3A_246] : memref<2x80xi32, #tpu.memory_space<vmem>> -> memref<1x80xi32, #tpu.memory_space<vmem>>
      %dma_start3A_248 = tpu.memref_squeeze %dma_start3A_247 : memref<1x80xi32, #tpu.memory_space<vmem>> -> memref<80xi32, #tpu.memory_space<vmem>>
      %dma_start3A_249 = arith.constant 0 : i32
      %dma_start3A_250 = arith.constant 0 : i32
      %dma_start3A_251 = tpu.memref_slice %arg14[%dma_start3A_249, %dma_start3A_250] : memref<10112x128xf32, #tpu.memory_space<vmem_shared>> -> memref<10112x128xf32, #tpu.memory_space<vmem_shared>>
      tpu.enqueue_indirect_dma source(%arg10 : memref<80x128xf32, #tpu.memory_space<vmem>>) target(%dma_start3A_251 : memref<10112x128xf32, #tpu.memory_space<vmem_shared>>) offsets(%dma_start3A_248 : memref<80xi32, #tpu.memory_space<vmem>>) semaphore(%arg23 : memref<!tpu.dma_semaphore, #tpu.memory_space<semaphore_mem>>) {add = true}
      %dma_wait3A_252 = arith.constant 0 : i32
      %dma_wait3A_253 = arith.constant 0 : i32
      %dma_wait3A_254 = tpu.memref_slice %arg7[%dma_wait3A_252, %dma_wait3A_253] : memref<2x80xi32, #tpu.memory_space<vmem>> -> memref<1x80xi32, #tpu.memory_space<vmem>>
      %dma_wait3A_255 = tpu.memref_squeeze %dma_wait3A_254 : memref<1x80xi32, #tpu.memory_space<vmem>> -> memref<80xi32, #tpu.memory_space<vmem>>
      %dma_wait3A_256 = arith.constant 0 : i32
      %dma_wait3A_257 = arith.constant 0 : i32
      %dma_wait3A_258 = tpu.memref_slice %arg2[%dma_wait3A_256, %dma_wait3A_257] : memref<10000x128xf32, #tpu.memory_space<hbm>> -> memref<10000x128xf32, #tpu.memory_space<hbm>>
      tpu.wait_indirect_dma semaphore(%arg20 : memref<!tpu.dma_semaphore, #tpu.memory_space<semaphore_mem>>) src(%dma_wait3A_258 : memref<10000x128xf32, #tpu.memory_space<hbm>>) dst(%arg11 : memref<80x128xf32, #tpu.memory_space<vmem>>)
      %dma_start3A_259 = arith.constant 1 : i32
      %dma_start3A_260 = arith.constant 0 : i32
      %dma_start3A_261 = tpu.memref_slice %arg7[%dma_start3A_259, %dma_start3A_260] : memref<2x80xi32, #tpu.memory_space<vmem>> -> memref<1x80xi32, #tpu.memory_space<vmem>>
      %dma_start3A_262 = tpu.memref_squeeze %dma_start3A_261 : memref<1x80xi32, #tpu.memory_space<vmem>> -> memref<80xi32, #tpu.memory_space<vmem>>
      %dma_start3A_263 = arith.constant 0 : i32
      %dma_start3A_264 = arith.constant 0 : i32
      %dma_start3A_265 = tpu.memref_slice %arg14[%dma_start3A_263, %dma_start3A_264] : memref<10112x128xf32, #tpu.memory_space<vmem_shared>> -> memref<10112x128xf32, #tpu.memory_space<vmem_shared>>
      tpu.enqueue_indirect_dma source(%arg11 : memref<80x128xf32, #tpu.memory_space<vmem>>) target(%dma_start3A_265 : memref<10112x128xf32, #tpu.memory_space<vmem_shared>>) offsets(%dma_start3A_262 : memref<80xi32, #tpu.memory_space<vmem>>) semaphore(%arg24 : memref<!tpu.dma_semaphore, #tpu.memory_space<semaphore_mem>>) {add = true}
      %dma_wait3A_266 = arith.constant 0 : i32
      %dma_wait3A_267 = arith.constant 0 : i32
      %dma_wait3A_268 = tpu.memref_slice %arg8[%dma_wait3A_266, %dma_wait3A_267] : memref<2x80xi32, #tpu.memory_space<vmem>> -> memref<1x80xi32, #tpu.memory_space<vmem>>
      %dma_wait3A_269 = tpu.memref_squeeze %dma_wait3A_268 : memref<1x80xi32, #tpu.memory_space<vmem>> -> memref<80xi32, #tpu.memory_space<vmem>>
      %dma_wait3A_270 = arith.constant 0 : i32
      %dma_wait3A_271 = arith.constant 0 : i32
      %dma_wait3A_272 = tpu.memref_slice %arg2[%dma_wait3A_270, %dma_wait3A_271] : memref<10000x128xf32, #tpu.memory_space<hbm>> -> memref<10000x128xf32, #tpu.memory_space<hbm>>
      tpu.wait_indirect_dma semaphore(%arg21 : memref<!tpu.dma_semaphore, #tpu.memory_space<semaphore_mem>>) src(%dma_wait3A_272 : memref<10000x128xf32, #tpu.memory_space<hbm>>) dst(%arg12 : memref<80x128xf32, #tpu.memory_space<vmem>>)
      %dma_start3A_273 = arith.constant 1 : i32
      %dma_start3A_274 = arith.constant 0 : i32
      %dma_start3A_275 = tpu.memref_slice %arg8[%dma_start3A_273, %dma_start3A_274] : memref<2x80xi32, #tpu.memory_space<vmem>> -> memref<1x80xi32, #tpu.memory_space<vmem>>
      %dma_start3A_276 = tpu.memref_squeeze %dma_start3A_275 : memref<1x80xi32, #tpu.memory_space<vmem>> -> memref<80xi32, #tpu.memory_space<vmem>>
      %dma_start3A_277 = arith.constant 0 : i32
      %dma_start3A_278 = arith.constant 0 : i32
      %dma_start3A_279 = tpu.memref_slice %arg14[%dma_start3A_277, %dma_start3A_278] : memref<10112x128xf32, #tpu.memory_space<vmem_shared>> -> memref<10112x128xf32, #tpu.memory_space<vmem_shared>>
      tpu.enqueue_indirect_dma source(%arg12 : memref<80x128xf32, #tpu.memory_space<vmem>>) target(%dma_start3A_279 : memref<10112x128xf32, #tpu.memory_space<vmem_shared>>) offsets(%dma_start3A_276 : memref<80xi32, #tpu.memory_space<vmem>>) semaphore(%arg25 : memref<!tpu.dma_semaphore, #tpu.memory_space<semaphore_mem>>) {add = true}
      %dma_wait3A_280 = arith.constant 0 : i32
      %dma_wait3A_281 = arith.constant 0 : i32
      %dma_wait3A_282 = tpu.memref_slice %arg9[%dma_wait3A_280, %dma_wait3A_281] : memref<2x80xi32, #tpu.memory_space<vmem>> -> memref<1x80xi32, #tpu.memory_space<vmem>>
      %dma_wait3A_283 = tpu.memref_squeeze %dma_wait3A_282 : memref<1x80xi32, #tpu.memory_space<vmem>> -> memref<80xi32, #tpu.memory_space<vmem>>
      %dma_wait3A_284 = arith.constant 0 : i32
      %dma_wait3A_285 = arith.constant 0 : i32
      %dma_wait3A_286 = tpu.memref_slice %arg2[%dma_wait3A_284, %dma_wait3A_285] : memref<10000x128xf32, #tpu.memory_space<hbm>> -> memref<10000x128xf32, #tpu.memory_space<hbm>>
      tpu.wait_indirect_dma semaphore(%arg22 : memref<!tpu.dma_semaphore, #tpu.memory_space<semaphore_mem>>) src(%dma_wait3A_286 : memref<10000x128xf32, #tpu.memory_space<hbm>>) dst(%arg13 : memref<80x128xf32, #tpu.memory_space<vmem>>)
      %dma_start3A_287 = arith.constant 1 : i32
      %dma_start3A_288 = arith.constant 0 : i32
      %dma_start3A_289 = tpu.memref_slice %arg9[%dma_start3A_287, %dma_start3A_288] : memref<2x80xi32, #tpu.memory_space<vmem>> -> memref<1x80xi32, #tpu.memory_space<vmem>>
      %dma_start3A_290 = tpu.memref_squeeze %dma_start3A_289 : memref<1x80xi32, #tpu.memory_space<vmem>> -> memref<80xi32, #tpu.memory_space<vmem>>
      %dma_start3A_291 = arith.constant 0 : i32
      %dma_start3A_292 = arith.constant 0 : i32
      %dma_start3A_293 = tpu.memref_slice %arg14[%dma_start3A_291, %dma_start3A_292] : memref<10112x128xf32, #tpu.memory_space<vmem_shared>> -> memref<10112x128xf32, #tpu.memory_space<vmem_shared>>
      tpu.enqueue_indirect_dma source(%arg13 : memref<80x128xf32, #tpu.memory_space<vmem>>) target(%dma_start3A_293 : memref<10112x128xf32, #tpu.memory_space<vmem_shared>>) offsets(%dma_start3A_290 : memref<80xi32, #tpu.memory_space<vmem>>) semaphore(%arg26 : memref<!tpu.dma_semaphore, #tpu.memory_space<semaphore_mem>>) {add = true}
      %add3A_294 = arith.constant 1 : i32
      %add3A_295 = arith.addi %scan3A_156, %add3A_294 : i32
      %lt3A = arith.constant 31 : i32
      %lt3A_296 = arith.cmpi slt, %add3A_295, %lt3A : i32
      %convert_element_type3A_297 = arith.extui %lt3A_296 : i1 to i32
      %cond3A_298 = arith.constant 0 : i32
      %cond3A_299 = arith.cmpi ne, %convert_element_type3A_297, %cond3A_298 : i32
      scf.if %cond3A_299 {
        %dma_wait3A_301 = arith.constant 1 : i32
        %dma_wait3A_302 = arith.constant 0 : i32
        %dma_wait3A_303 = tpu.memref_slice %arg6[%dma_wait3A_301, %dma_wait3A_302] : memref<2x80xi32, #tpu.memory_space<vmem>> -> memref<1x80xi32, #tpu.memory_space<vmem>>
        %dma_wait3A_304 = tpu.memref_squeeze %dma_wait3A_303 : memref<1x80xi32, #tpu.memory_space<vmem>> -> memref<80xi32, #tpu.memory_space<vmem>>
        %dma_wait3A_305 = arith.constant 0 : i32
        %dma_wait3A_306 = arith.constant 0 : i32
        %dma_wait3A_307 = tpu.memref_slice %arg14[%dma_wait3A_305, %dma_wait3A_306] : memref<10112x128xf32, #tpu.memory_space<vmem_shared>> -> memref<10112x128xf32, #tpu.memory_space<vmem_shared>>
        tpu.wait_indirect_dma semaphore(%arg23 : memref<!tpu.dma_semaphore, #tpu.memory_space<semaphore_mem>>) src(%arg10 : memref<80x128xf32, #tpu.memory_space<vmem>>) dst(%dma_wait3A_307 : memref<10112x128xf32, #tpu.memory_space<vmem_shared>>)
        %add3A_308 = arith.constant 1 : i32
        %add3A_309 = arith.addi %scan3A_156, %add3A_308 : i32
        %mul3A_310 = arith.constant 4 : i32
        %mul3A_311 = arith.muli %mul3A_310, %add3A_309 : i32
        %add3A_312 = arith.constant 0 : i32
        %add3A_313 = arith.addi %mul3A_311, %add3A_312 : i32
        %add3A_314 = arith.addi %mul3A_26, %add3A_313 : i32
        %dma_start3A_315 = arith.constant 0 : i32
        %dma_start3A_316 = arith.constant 0 : i32
        %dma_start3A_317 = tpu.memref_slice %arg3[%add3A_314, %dma_start3A_315, %dma_start3A_316] : memref<4000x2x80xi32, #tpu.memory_space<hbm>> -> memref<1x2x80xi32, #tpu.memory_space<hbm>>
        %dma_start3A_318 = tpu.memref_squeeze %dma_start3A_317 : memref<1x2x80xi32, #tpu.memory_space<hbm>> -> memref<2x80xi32, #tpu.memory_space<hbm>>
        %dma_start3A_319 = arith.constant 0 : i32
        %dma_start3A_320 = arith.constant 0 : i32
        %dma_start3A_321 = tpu.memref_slice %arg3[%add3A_314, %dma_start3A_319, %dma_start3A_320] : memref<4000x2x80xi32, #tpu.memory_space<hbm>> -> memref<1x2x80xi32, #tpu.memory_space<hbm>>
        %dma_start3A_322 = tpu.memref_squeeze %dma_start3A_321 : memref<1x2x80xi32, #tpu.memory_space<hbm>> -> memref<2x80xi32, #tpu.memory_space<hbm>>
        tpu.enqueue_dma source(%dma_start3A_322 : memref<2x80xi32, #tpu.memory_space<hbm>>) target(%arg6 : memref<2x80xi32, #tpu.memory_space<vmem>>) target_semaphore(%arg15 : memref<!tpu.dma_semaphore, #tpu.memory_space<semaphore_mem>>)
        %dma_wait3A_323 = arith.constant 1 : i32
        %dma_wait3A_324 = arith.constant 0 : i32
        %dma_wait3A_325 = tpu.memref_slice %arg7[%dma_wait3A_323, %dma_wait3A_324] : memref<2x80xi32, #tpu.memory_space<vmem>> -> memref<1x80xi32, #tpu.memory_space<vmem>>
        %dma_wait3A_326 = tpu.memref_squeeze %dma_wait3A_325 : memref<1x80xi32, #tpu.memory_space<vmem>> -> memref<80xi32, #tpu.memory_space<vmem>>
        %dma_wait3A_327 = arith.constant 0 : i32
        %dma_wait3A_328 = arith.constant 0 : i32
        %dma_wait3A_329 = tpu.memref_slice %arg14[%dma_wait3A_327, %dma_wait3A_328] : memref<10112x128xf32, #tpu.memory_space<vmem_shared>> -> memref<10112x128xf32, #tpu.memory_space<vmem_shared>>
        tpu.wait_indirect_dma semaphore(%arg24 : memref<!tpu.dma_semaphore, #tpu.memory_space<semaphore_mem>>) src(%arg11 : memref<80x128xf32, #tpu.memory_space<vmem>>) dst(%dma_wait3A_329 : memref<10112x128xf32, #tpu.memory_space<vmem_shared>>)
        %add3A_330 = arith.constant 1 : i32
        %add3A_331 = arith.addi %scan3A_156, %add3A_330 : i32
        %mul3A_332 = arith.constant 4 : i32
        %mul3A_333 = arith.muli %mul3A_332, %add3A_331 : i32
        %add3A_334 = arith.constant 1 : i32
        %add3A_335 = arith.addi %mul3A_333, %add3A_334 : i32
        %add3A_336 = arith.addi %mul3A_26, %add3A_335 : i32
        %dma_start3A_337 = arith.constant 0 : i32
        %dma_start3A_338 = arith.constant 0 : i32
        %dma_start3A_339 = tpu.memref_slice %arg3[%add3A_336, %dma_start3A_337, %dma_start3A_338] : memref<4000x2x80xi32, #tpu.memory_space<hbm>> -> memref<1x2x80xi32, #tpu.memory_space<hbm>>
        %dma_start3A_340 = tpu.memref_squeeze %dma_start3A_339 : memref<1x2x80xi32, #tpu.memory_space<hbm>> -> memref<2x80xi32, #tpu.memory_space<hbm>>
        %dma_start3A_341 = arith.constant 0 : i32
        %dma_start3A_342 = arith.constant 0 : i32
        %dma_start3A_343 = tpu.memref_slice %arg3[%add3A_336, %dma_start3A_341, %dma_start3A_342] : memref<4000x2x80xi32, #tpu.memory_space<hbm>> -> memref<1x2x80xi32, #tpu.memory_space<hbm>>
        %dma_start3A_344 = tpu.memref_squeeze %dma_start3A_343 : memref<1x2x80xi32, #tpu.memory_space<hbm>> -> memref<2x80xi32, #tpu.memory_space<hbm>>
        tpu.enqueue_dma source(%dma_start3A_344 : memref<2x80xi32, #tpu.memory_space<hbm>>) target(%arg7 : memref<2x80xi32, #tpu.memory_space<vmem>>) target_semaphore(%arg16 : memref<!tpu.dma_semaphore, #tpu.memory_space<semaphore_mem>>)
        %dma_wait3A_345 = arith.constant 1 : i32
        %dma_wait3A_346 = arith.constant 0 : i32
        %dma_wait3A_347 = tpu.memref_slice %arg8[%dma_wait3A_345, %dma_wait3A_346] : memref<2x80xi32, #tpu.memory_space<vmem>> -> memref<1x80xi32, #tpu.memory_space<vmem>>
        %dma_wait3A_348 = tpu.memref_squeeze %dma_wait3A_347 : memref<1x80xi32, #tpu.memory_space<vmem>> -> memref<80xi32, #tpu.memory_space<vmem>>
        %dma_wait3A_349 = arith.constant 0 : i32
        %dma_wait3A_350 = arith.constant 0 : i32
        %dma_wait3A_351 = tpu.memref_slice %arg14[%dma_wait3A_349, %dma_wait3A_350] : memref<10112x128xf32, #tpu.memory_space<vmem_shared>> -> memref<10112x128xf32, #tpu.memory_space<vmem_shared>>
        tpu.wait_indirect_dma semaphore(%arg25 : memref<!tpu.dma_semaphore, #tpu.memory_space<semaphore_mem>>) src(%arg12 : memref<80x128xf32, #tpu.memory_space<vmem>>) dst(%dma_wait3A_351 : memref<10112x128xf32, #tpu.memory_space<vmem_shared>>)
        %add3A_352 = arith.constant 1 : i32
        %add3A_353 = arith.addi %scan3A_156, %add3A_352 : i32
        %mul3A_354 = arith.constant 4 : i32
        %mul3A_355 = arith.muli %mul3A_354, %add3A_353 : i32
        %add3A_356 = arith.constant 2 : i32
        %add3A_357 = arith.addi %mul3A_355, %add3A_356 : i32
        %add3A_358 = arith.addi %mul3A_26, %add3A_357 : i32
        %dma_start3A_359 = arith.constant 0 : i32
        %dma_start3A_360 = arith.constant 0 : i32
        %dma_start3A_361 = tpu.memref_slice %arg3[%add3A_358, %dma_start3A_359, %dma_start3A_360] : memref<4000x2x80xi32, #tpu.memory_space<hbm>> -> memref<1x2x80xi32, #tpu.memory_space<hbm>>
        %dma_start3A_362 = tpu.memref_squeeze %dma_start3A_361 : memref<1x2x80xi32, #tpu.memory_space<hbm>> -> memref<2x80xi32, #tpu.memory_space<hbm>>
        %dma_start3A_363 = arith.constant 0 : i32
        %dma_start3A_364 = arith.constant 0 : i32
        %dma_start3A_365 = tpu.memref_slice %arg3[%add3A_358, %dma_start3A_363, %dma_start3A_364] : memref<4000x2x80xi32, #tpu.memory_space<hbm>> -> memref<1x2x80xi32, #tpu.memory_space<hbm>>
        %dma_start3A_366 = tpu.memref_squeeze %dma_start3A_365 : memref<1x2x80xi32, #tpu.memory_space<hbm>> -> memref<2x80xi32, #tpu.memory_space<hbm>>
        tpu.enqueue_dma source(%dma_start3A_366 : memref<2x80xi32, #tpu.memory_space<hbm>>) target(%arg8 : memref<2x80xi32, #tpu.memory_space<vmem>>) target_semaphore(%arg17 : memref<!tpu.dma_semaphore, #tpu.memory_space<semaphore_mem>>)
        %dma_wait3A_367 = arith.constant 1 : i32
        %dma_wait3A_368 = arith.constant 0 : i32
        %dma_wait3A_369 = tpu.memref_slice %arg9[%dma_wait3A_367, %dma_wait3A_368] : memref<2x80xi32, #tpu.memory_space<vmem>> -> memref<1x80xi32, #tpu.memory_space<vmem>>
        %dma_wait3A_370 = tpu.memref_squeeze %dma_wait3A_369 : memref<1x80xi32, #tpu.memory_space<vmem>> -> memref<80xi32, #tpu.memory_space<vmem>>
        %dma_wait3A_371 = arith.constant 0 : i32
        %dma_wait3A_372 = arith.constant 0 : i32
        %dma_wait3A_373 = tpu.memref_slice %arg14[%dma_wait3A_371, %dma_wait3A_372] : memref<10112x128xf32, #tpu.memory_space<vmem_shared>> -> memref<10112x128xf32, #tpu.memory_space<vmem_shared>>
        tpu.wait_indirect_dma semaphore(%arg26 : memref<!tpu.dma_semaphore, #tpu.memory_space<semaphore_mem>>) src(%arg13 : memref<80x128xf32, #tpu.memory_space<vmem>>) dst(%dma_wait3A_373 : memref<10112x128xf32, #tpu.memory_space<vmem_shared>>)
        %add3A_374 = arith.constant 1 : i32
        %add3A_375 = arith.addi %scan3A_156, %add3A_374 : i32
        %mul3A_376 = arith.constant 4 : i32
        %mul3A_377 = arith.muli %mul3A_376, %add3A_375 : i32
        %add3A_378 = arith.constant 3 : i32
        %add3A_379 = arith.addi %mul3A_377, %add3A_378 : i32
        %add3A_380 = arith.addi %mul3A_26, %add3A_379 : i32
        %dma_start3A_381 = arith.constant 0 : i32
        %dma_start3A_382 = arith.constant 0 : i32
        %dma_start3A_383 = tpu.memref_slice %arg3[%add3A_380, %dma_start3A_381, %dma_start3A_382] : memref<4000x2x80xi32, #tpu.memory_space<hbm>> -> memref<1x2x80xi32, #tpu.memory_space<hbm>>
        %dma_start3A_384 = tpu.memref_squeeze %dma_start3A_383 : memref<1x2x80xi32, #tpu.memory_space<hbm>> -> memref<2x80xi32, #tpu.memory_space<hbm>>
        %dma_start3A_385 = arith.constant 0 : i32
        %dma_start3A_386 = arith.constant 0 : i32
        %dma_start3A_387 = tpu.memref_slice %arg3[%add3A_380, %dma_start3A_385, %dma_start3A_386] : memref<4000x2x80xi32, #tpu.memory_space<hbm>> -> memref<1x2x80xi32, #tpu.memory_space<hbm>>
        %dma_start3A_388 = tpu.memref_squeeze %dma_start3A_387 : memref<1x2x80xi32, #tpu.memory_space<hbm>> -> memref<2x80xi32, #tpu.memory_space<hbm>>
        tpu.enqueue_dma source(%dma_start3A_388 : memref<2x80xi32, #tpu.memory_space<hbm>>) target(%arg9 : memref<2x80xi32, #tpu.memory_space<vmem>>) target_semaphore(%arg18 : memref<!tpu.dma_semaphore, #tpu.memory_space<semaphore_mem>>)
      } else {
      }
      %scan3A_300 = arith.constant 0 : i32
      scf.yield %scan3A_300 : i32
    }
    %scan3A_72 = arith.constant 31 : i32
    %dma_wait3A = arith.constant 1 : i32
    %dma_wait3A_73 = arith.constant 0 : i32
    %dma_wait3A_74 = tpu.memref_slice %arg6[%dma_wait3A, %dma_wait3A_73] : memref<2x80xi32, #tpu.memory_space<vmem>> -> memref<1x80xi32, #tpu.memory_space<vmem>>
    %dma_wait3A_75 = tpu.memref_squeeze %dma_wait3A_74 : memref<1x80xi32, #tpu.memory_space<vmem>> -> memref<80xi32, #tpu.memory_space<vmem>>
    %dma_wait3A_76 = arith.constant 0 : i32
    %dma_wait3A_77 = arith.constant 0 : i32
    %dma_wait3A_78 = tpu.memref_slice %arg14[%dma_wait3A_76, %dma_wait3A_77] : memref<10112x128xf32, #tpu.memory_space<vmem_shared>> -> memref<10112x128xf32, #tpu.memory_space<vmem_shared>>
    tpu.wait_indirect_dma semaphore(%arg23 : memref<!tpu.dma_semaphore, #tpu.memory_space<semaphore_mem>>) src(%arg10 : memref<80x128xf32, #tpu.memory_space<vmem>>) dst(%dma_wait3A_78 : memref<10112x128xf32, #tpu.memory_space<vmem_shared>>)
    %dma_wait3A_79 = arith.constant 1 : i32
    %dma_wait3A_80 = arith.constant 0 : i32
    %dma_wait3A_81 = tpu.memref_slice %arg7[%dma_wait3A_79, %dma_wait3A_80] : memref<2x80xi32, #tpu.memory_space<vmem>> -> memref<1x80xi32, #tpu.memory_space<vmem>>
    %dma_wait3A_82 = tpu.memref_squeeze %dma_wait3A_81 : memref<1x80xi32, #tpu.memory_space<vmem>> -> memref<80xi32, #tpu.memory_space<vmem>>
    %dma_wait3A_83 = arith.constant 0 : i32
    %dma_wait3A_84 = arith.constant 0 : i32
    %dma_wait3A_85 = tpu.memref_slice %arg14[%dma_wait3A_83, %dma_wait3A_84] : memref<10112x128xf32, #tpu.memory_space<vmem_shared>> -> memref<10112x128xf32, #tpu.memory_space<vmem_shared>>
    tpu.wait_indirect_dma semaphore(%arg24 : memref<!tpu.dma_semaphore, #tpu.memory_space<semaphore_mem>>) src(%arg11 : memref<80x128xf32, #tpu.memory_space<vmem>>) dst(%dma_wait3A_85 : memref<10112x128xf32, #tpu.memory_space<vmem_shared>>)
    %dma_wait3A_86 = arith.constant 1 : i32
    %dma_wait3A_87 = arith.constant 0 : i32
    %dma_wait3A_88 = tpu.memref_slice %arg8[%dma_wait3A_86, %dma_wait3A_87] : memref<2x80xi32, #tpu.memory_space<vmem>> -> memref<1x80xi32, #tpu.memory_space<vmem>>
    %dma_wait3A_89 = tpu.memref_squeeze %dma_wait3A_88 : memref<1x80xi32, #tpu.memory_space<vmem>> -> memref<80xi32, #tpu.memory_space<vmem>>
    %dma_wait3A_90 = arith.constant 0 : i32
    %dma_wait3A_91 = arith.constant 0 : i32
    %dma_wait3A_92 = tpu.memref_slice %arg14[%dma_wait3A_90, %dma_wait3A_91] : memref<10112x128xf32, #tpu.memory_space<vmem_shared>> -> memref<10112x128xf32, #tpu.memory_space<vmem_shared>>
    tpu.wait_indirect_dma semaphore(%arg25 : memref<!tpu.dma_semaphore, #tpu.memory_space<semaphore_mem>>) src(%arg12 : memref<80x128xf32, #tpu.memory_space<vmem>>) dst(%dma_wait3A_92 : memref<10112x128xf32, #tpu.memory_space<vmem_shared>>)
    %dma_wait3A_93 = arith.constant 1 : i32
    %dma_wait3A_94 = arith.constant 0 : i32
    %dma_wait3A_95 = tpu.memref_slice %arg9[%dma_wait3A_93, %dma_wait3A_94] : memref<2x80xi32, #tpu.memory_space<vmem>> -> memref<1x80xi32, #tpu.memory_space<vmem>>
    %dma_wait3A_96 = tpu.memref_squeeze %dma_wait3A_95 : memref<1x80xi32, #tpu.memory_space<vmem>> -> memref<80xi32, #tpu.memory_space<vmem>>
    %dma_wait3A_97 = arith.constant 0 : i32
    %dma_wait3A_98 = arith.constant 0 : i32
    %dma_wait3A_99 = tpu.memref_slice %arg14[%dma_wait3A_97, %dma_wait3A_98] : memref<10112x128xf32, #tpu.memory_space<vmem_shared>> -> memref<10112x128xf32, #tpu.memory_space<vmem_shared>>
    tpu.wait_indirect_dma semaphore(%arg26 : memref<!tpu.dma_semaphore, #tpu.memory_space<semaphore_mem>>) src(%arg13 : memref<80x128xf32, #tpu.memory_space<vmem>>) dst(%dma_wait3A_99 : memref<10112x128xf32, #tpu.memory_space<vmem_shared>>)
    %add3A_100 = arith.constant 124 : i32
    %add3A_101 = arith.addi %mul3A_26, %add3A_100 : i32
    %dma_start3A_102 = arith.constant 0 : i32
    %dma_start3A_103 = arith.constant 0 : i32
    %dma_start3A_104 = tpu.memref_slice %arg3[%add3A_101, %dma_start3A_102, %dma_start3A_103] : memref<4000x2x80xi32, #tpu.memory_space<hbm>> -> memref<1x2x80xi32, #tpu.memory_space<hbm>>
    %dma_start3A_105 = tpu.memref_squeeze %dma_start3A_104 : memref<1x2x80xi32, #tpu.memory_space<hbm>> -> memref<2x80xi32, #tpu.memory_space<hbm>>
    %dma_start3A_106 = arith.constant 0 : i32
    %dma_start3A_107 = arith.constant 0 : i32
    %dma_start3A_108 = tpu.memref_slice %arg3[%add3A_101, %dma_start3A_106, %dma_start3A_107] : memref<4000x2x80xi32, #tpu.memory_space<hbm>> -> memref<1x2x80xi32, #tpu.memory_space<hbm>>
    %dma_start3A_109 = tpu.memref_squeeze %dma_start3A_108 : memref<1x2x80xi32, #tpu.memory_space<hbm>> -> memref<2x80xi32, #tpu.memory_space<hbm>>
    tpu.enqueue_dma source(%dma_start3A_109 : memref<2x80xi32, #tpu.memory_space<hbm>>) target(%arg6 : memref<2x80xi32, #tpu.memory_space<vmem>>) target_semaphore(%arg15 : memref<!tpu.dma_semaphore, #tpu.memory_space<semaphore_mem>>)
    %add3A_110 = arith.constant 124 : i32
    %add3A_111 = arith.addi %mul3A_26, %add3A_110 : i32
    %dma_wait3A_112 = arith.constant 0 : i32
    %dma_wait3A_113 = arith.constant 0 : i32
    %dma_wait3A_114 = tpu.memref_slice %arg3[%add3A_111, %dma_wait3A_112, %dma_wait3A_113] : memref<4000x2x80xi32, #tpu.memory_space<hbm>> -> memref<1x2x80xi32, #tpu.memory_space<hbm>>
    %dma_wait3A_115 = tpu.memref_squeeze %dma_wait3A_114 : memref<1x2x80xi32, #tpu.memory_space<hbm>> -> memref<2x80xi32, #tpu.memory_space<hbm>>
    %dma_wait3A_116 = arith.constant 0 : i32
    %dma_wait3A_117 = arith.constant 0 : i32
    %dma_wait3A_118 = tpu.memref_slice %arg3[%add3A_111, %dma_wait3A_116, %dma_wait3A_117] : memref<4000x2x80xi32, #tpu.memory_space<hbm>> -> memref<1x2x80xi32, #tpu.memory_space<hbm>>
    %dma_wait3A_119 = tpu.memref_squeeze %dma_wait3A_118 : memref<1x2x80xi32, #tpu.memory_space<hbm>> -> memref<2x80xi32, #tpu.memory_space<hbm>>
    tpu.wait_dma2 semaphore(%arg15 : memref<!tpu.dma_semaphore, #tpu.memory_space<semaphore_mem>>) src(%dma_wait3A_119 : memref<2x80xi32, #tpu.memory_space<hbm>>) dst(%arg6 : memref<2x80xi32, #tpu.memory_space<vmem>>)
    %dma_start3A_120 = arith.constant 0 : i32
    %dma_start3A_121 = arith.constant 0 : i32
    %dma_start3A_122 = tpu.memref_slice %arg6[%dma_start3A_120, %dma_start3A_121] : memref<2x80xi32, #tpu.memory_space<vmem>> -> memref<1x80xi32, #tpu.memory_space<vmem>>
    %dma_start3A_123 = tpu.memref_squeeze %dma_start3A_122 : memref<1x80xi32, #tpu.memory_space<vmem>> -> memref<80xi32, #tpu.memory_space<vmem>>
    %dma_start3A_124 = arith.constant 0 : i32
    %dma_start3A_125 = arith.constant 0 : i32
    %dma_start3A_126 = tpu.memref_slice %arg2[%dma_start3A_124, %dma_start3A_125] : memref<10000x128xf32, #tpu.memory_space<hbm>> -> memref<10000x128xf32, #tpu.memory_space<hbm>>
    tpu.enqueue_indirect_dma source(%dma_start3A_126 : memref<10000x128xf32, #tpu.memory_space<hbm>>) target(%arg10 : memref<80x128xf32, #tpu.memory_space<vmem>>) offsets(%dma_start3A_123 : memref<80xi32, #tpu.memory_space<vmem>>) semaphore(%arg19 : memref<!tpu.dma_semaphore, #tpu.memory_space<semaphore_mem>>)
    %dma_wait3A_127 = arith.constant 0 : i32
    %dma_wait3A_128 = arith.constant 0 : i32
    %dma_wait3A_129 = tpu.memref_slice %arg6[%dma_wait3A_127, %dma_wait3A_128] : memref<2x80xi32, #tpu.memory_space<vmem>> -> memref<1x80xi32, #tpu.memory_space<vmem>>
    %dma_wait3A_130 = tpu.memref_squeeze %dma_wait3A_129 : memref<1x80xi32, #tpu.memory_space<vmem>> -> memref<80xi32, #tpu.memory_space<vmem>>
    %dma_wait3A_131 = arith.constant 0 : i32
    %dma_wait3A_132 = arith.constant 0 : i32
    %dma_wait3A_133 = tpu.memref_slice %arg2[%dma_wait3A_131, %dma_wait3A_132] : memref<10000x128xf32, #tpu.memory_space<hbm>> -> memref<10000x128xf32, #tpu.memory_space<hbm>>
    tpu.wait_indirect_dma semaphore(%arg19 : memref<!tpu.dma_semaphore, #tpu.memory_space<semaphore_mem>>) src(%dma_wait3A_133 : memref<10000x128xf32, #tpu.memory_space<hbm>>) dst(%arg10 : memref<80x128xf32, #tpu.memory_space<vmem>>)
    %dma_start3A_134 = arith.constant 1 : i32
    %dma_start3A_135 = arith.constant 0 : i32
    %dma_start3A_136 = tpu.memref_slice %arg6[%dma_start3A_134, %dma_start3A_135] : memref<2x80xi32, #tpu.memory_space<vmem>> -> memref<1x80xi32, #tpu.memory_space<vmem>>
    %dma_start3A_137 = tpu.memref_squeeze %dma_start3A_136 : memref<1x80xi32, #tpu.memory_space<vmem>> -> memref<80xi32, #tpu.memory_space<vmem>>
    %dma_start3A_138 = arith.constant 0 : i32
    %dma_start3A_139 = arith.constant 0 : i32
    %dma_start3A_140 = tpu.memref_slice %arg14[%dma_start3A_138, %dma_start3A_139] : memref<10112x128xf32, #tpu.memory_space<vmem_shared>> -> memref<10112x128xf32, #tpu.memory_space<vmem_shared>>
    tpu.enqueue_indirect_dma source(%arg10 : memref<80x128xf32, #tpu.memory_space<vmem>>) target(%dma_start3A_140 : memref<10112x128xf32, #tpu.memory_space<vmem_shared>>) offsets(%dma_start3A_137 : memref<80xi32, #tpu.memory_space<vmem>>) semaphore(%arg23 : memref<!tpu.dma_semaphore, #tpu.memory_space<semaphore_mem>>) {add = true}
    %dma_wait3A_141 = arith.constant 1 : i32
    %dma_wait3A_142 = arith.constant 0 : i32
    %dma_wait3A_143 = tpu.memref_slice %arg6[%dma_wait3A_141, %dma_wait3A_142] : memref<2x80xi32, #tpu.memory_space<vmem>> -> memref<1x80xi32, #tpu.memory_space<vmem>>
    %dma_wait3A_144 = tpu.memref_squeeze %dma_wait3A_143 : memref<1x80xi32, #tpu.memory_space<vmem>> -> memref<80xi32, #tpu.memory_space<vmem>>
    %dma_wait3A_145 = arith.constant 0 : i32
    %dma_wait3A_146 = arith.constant 0 : i32
    %dma_wait3A_147 = tpu.memref_slice %arg14[%dma_wait3A_145, %dma_wait3A_146] : memref<10112x128xf32, #tpu.memory_space<vmem_shared>> -> memref<10112x128xf32, #tpu.memory_space<vmem_shared>>
    tpu.wait_indirect_dma semaphore(%arg23 : memref<!tpu.dma_semaphore, #tpu.memory_space<semaphore_mem>>) src(%arg10 : memref<80x128xf32, #tpu.memory_space<vmem>>) dst(%dma_wait3A_147 : memref<10112x128xf32, #tpu.memory_space<vmem_shared>>)
    %barrier3A_148 = arith.constant 0 : index
    tpu.barrier barrier_id(%barrier3A_148)
    %eq3A = arith.constant 0 : i32
    %eq3A_149 = arith.cmpi eq, %arg0, %eq3A : i32
    %convert_element_type3A = arith.extui %eq3A_149 : i1 to i32
    %cond3A = arith.constant 0 : i32
    %cond3A_150 = arith.cmpi ne, %convert_element_type3A, %cond3A : i32
    scf.if %cond3A_150 {
      "tpu.region"() ({
        %run_scoped3A = tpu.sem_alloc : memref<!tpu.dma_semaphore, #tpu.memory_space<semaphore_mem>>
        %dma_start3A_156 = arith.constant 0 : i32
        %dma_start3A_157 = tpu.memref_slice %arg4[%mul3A_0, %dma_start3A_156] : memref<10112x128xf32, #tpu.memory_space<hbm>> -> memref<632x128xf32, #tpu.memory_space<hbm>>
        %dma_start3A_158 = arith.constant 0 : i32
        %dma_start3A_159 = tpu.memref_slice %arg14[%mul3A_0, %dma_start3A_158] : memref<10112x128xf32, #tpu.memory_space<vmem_shared>> -> memref<632x128xf32, #tpu.memory_space<vmem_shared>>
        tpu.enqueue_dma source(%dma_start3A_159 : memref<632x128xf32, #tpu.memory_space<vmem_shared>>) target(%dma_start3A_157 : memref<632x128xf32, #tpu.memory_space<hbm>>) target_semaphore(%run_scoped3A : memref<!tpu.dma_semaphore, #tpu.memory_space<semaphore_mem>>)
        %dma_wait3A_160 = arith.constant 0 : i32
        %dma_wait3A_161 = tpu.memref_slice %arg4[%mul3A_0, %dma_wait3A_160] : memref<10112x128xf32, #tpu.memory_space<hbm>> -> memref<632x128xf32, #tpu.memory_space<hbm>>
        %dma_wait3A_162 = arith.constant 0 : i32
        %dma_wait3A_163 = tpu.memref_slice %arg14[%mul3A_0, %dma_wait3A_162] : memref<10112x128xf32, #tpu.memory_space<vmem_shared>> -> memref<632x128xf32, #tpu.memory_space<vmem_shared>>
        tpu.wait_dma2 semaphore(%run_scoped3A : memref<!tpu.dma_semaphore, #tpu.memory_space<semaphore_mem>>) src(%dma_wait3A_163 : memref<632x128xf32, #tpu.memory_space<vmem_shared>>) dst(%dma_wait3A_161 : memref<632x128xf32, #tpu.memory_space<hbm>>)
        tpu.yield
      }) : () -> ()
    } else {
    }
    %eq3A_151 = arith.constant 1 : i32
    %eq3A_152 = arith.cmpi eq, %arg0, %eq3A_151 : i32
    %convert_element_type3A_153 = arith.extui %eq3A_152 : i1 to i32
    %cond3A_154 = arith.constant 0 : i32
    %cond3A_155 = arith.cmpi ne, %convert_element_type3A_153, %cond3A_154 : i32
    scf.if %cond3A_155 {
      "tpu.region"() ({
        %run_scoped3A = tpu.sem_alloc : memref<!tpu.dma_semaphore, #tpu.memory_space<semaphore_mem>>
        %dma_start3A_156 = arith.constant 0 : i32
        %dma_start3A_157 = tpu.memref_slice %arg5[%mul3A_0, %dma_start3A_156] : memref<10112x128xf32, #tpu.memory_space<hbm>> -> memref<632x128xf32, #tpu.memory_space<hbm>>
        %dma_start3A_158 = arith.constant 0 : i32
        %dma_start3A_159 = tpu.memref_slice %arg14[%mul3A_0, %dma_start3A_158] : memref<10112x128xf32, #tpu.memory_space<vmem_shared>> -> memref<632x128xf32, #tpu.memory_space<vmem_shared>>
        tpu.enqueue_dma source(%dma_start3A_159 : memref<632x128xf32, #tpu.memory_space<vmem_shared>>) target(%dma_start3A_157 : memref<632x128xf32, #tpu.memory_space<hbm>>) target_semaphore(%run_scoped3A : memref<!tpu.dma_semaphore, #tpu.memory_space<semaphore_mem>>)
        %dma_wait3A_160 = arith.constant 0 : i32
        %dma_wait3A_161 = tpu.memref_slice %arg5[%mul3A_0, %dma_wait3A_160] : memref<10112x128xf32, #tpu.memory_space<hbm>> -> memref<632x128xf32, #tpu.memory_space<hbm>>
        %dma_wait3A_162 = arith.constant 0 : i32
        %dma_wait3A_163 = tpu.memref_slice %arg14[%mul3A_0, %dma_wait3A_162] : memref<10112x128xf32, #tpu.memory_space<vmem_shared>> -> memref<632x128xf32, #tpu.memory_space<vmem_shared>>
        tpu.wait_dma2 semaphore(%run_scoped3A : memref<!tpu.dma_semaphore, #tpu.memory_space<semaphore_mem>>) src(%dma_wait3A_163 : memref<632x128xf32, #tpu.memory_space<vmem_shared>>) dst(%dma_wait3A_161 : memref<632x128xf32, #tpu.memory_space<hbm>>)
        tpu.yield
      }) : () -> ()
    } else {
    }
    return
  }
}

#map = affine_map<(d0, d1) -> (0, 0)>
#map1 = affine_map<(d0, d1) -> (0, 0, 0)>
module attributes {stable_mosaic.version = 14 : i64} {
  func.func @agg(%arg0: i32, %arg1: i32, %arg2: memref<10000x128xf32, #tpu.memory_space<hbm>>, %arg3: memref<10000x128xf32, #tpu.memory_space<hbm>>, %arg4: memref<4000x2x80xi32, #tpu.memory_space<hbm>>, %arg5: memref<10112x128xf32, #tpu.memory_space<hbm>>, %arg6: memref<10112x128xf32, #tpu.memory_space<hbm>>, %arg7: memref<2x80xi32, #tpu.memory_space<vmem>>, %arg8: memref<2x80xi32, #tpu.memory_space<vmem>>, %arg9: memref<2x80xi32, #tpu.memory_space<vmem>>, %arg10: memref<2x80xi32, #tpu.memory_space<vmem>>, %arg11: memref<80x128xf32, #tpu.memory_space<vmem>>, %arg12: memref<80x128xf32, #tpu.memory_space<vmem>>, %arg13: memref<80x128xf32, #tpu.memory_space<vmem>>, %arg14: memref<80x128xf32, #tpu.memory_space<vmem>>, %arg15: memref<10112x128xf32, #tpu.memory_space<vmem_shared>>, %arg16: memref<!tpu.dma_semaphore, #tpu.memory_space<semaphore_mem>>, %arg17: memref<!tpu.dma_semaphore, #tpu.memory_space<semaphore_mem>>, %arg18: memref<!tpu.dma_semaphore, #tpu.memory_space<semaphore_mem>>, %arg19: memref<!tpu.dma_semaphore, #tpu.memory_space<semaphore_mem>>, %arg20: memref<!tpu.dma_semaphore, #tpu.memory_space<semaphore_mem>>, %arg21: memref<!tpu.dma_semaphore, #tpu.memory_space<semaphore_mem>>, %arg22: memref<!tpu.dma_semaphore, #tpu.memory_space<semaphore_mem>>, %arg23: memref<!tpu.dma_semaphore, #tpu.memory_space<semaphore_mem>>, %arg24: memref<!tpu.dma_semaphore, #tpu.memory_space<semaphore_mem>>, %arg25: memref<!tpu.dma_semaphore, #tpu.memory_space<semaphore_mem>>, %arg26: memref<!tpu.dma_semaphore, #tpu.memory_space<semaphore_mem>>, %arg27: memref<!tpu.dma_semaphore, #tpu.memory_space<semaphore_mem>>) attributes {dimension_semantics = [#tpu.dimension_semantics<core_parallel>, #tpu.dimension_semantics<subcore_parallel>], iteration_bounds = array<i64: 2, 16>, scalar_prefetch = 0 : i64, scratch_operands = 21 : i64, tpu.core_type = #tpu.core_type<sc_vector_subcore>, window_params = [{transform_indices = #map}, {transform_indices = #map}, {transform_indices = #map1}, {transform_indices = #map}, {transform_indices = #map}]} {
    %mul3A = arith.constant 632 : i32
    %mul3A_0 = arith.muli %arg1, %mul3A : i32
    %scan3A = arith.constant 0 : i32
    %scan3A_1 = arith.constant 0 : i32
    %scan3A_2 = arith.constant 80 : i32
    %scan3A_3 = arith.addi %scan3A_1, %scan3A_2 : i32
    %scan3A_4 = arith.constant 1 : i32
    %scan3A_5 = scf.for %scan3A_42 = %scan3A_1 to %scan3A_3 step %scan3A_4 iter_args(%scan3A_43 = %scan3A) -> (i32)  : i32 {
      %scan3A_44 = arith.constant 0 : i32
      %scan3A_45 = arith.constant 0 : i32
      %scan3A_46 = arith.constant 8 : i32
      %scan3A_47 = arith.addi %scan3A_45, %scan3A_46 : i32
      %scan3A_48 = arith.constant 1 : i32
      %scan3A_49 = scf.for %scan3A_51 = %scan3A_45 to %scan3A_47 step %scan3A_48 iter_args(%scan3A_52 = %scan3A_44) -> (i32)  : i32 {
        %broadcast_in_dim3A = arith.constant 0.000000e+00 : f32
        %broadcast_in_dim3A_53 = vector.broadcast %broadcast_in_dim3A : f32 to vector<16xf32>
        %mul3A_54 = arith.constant 16 : i32
        %mul3A_55 = arith.muli %scan3A_51, %mul3A_54 : i32
        %swap3A = arith.index_cast %scan3A_42 : i32 to index
        %swap3A_56 = arith.index_cast %mul3A_55 : i32 to index
        %swap3A_57 = tpu.vector_load %arg11[%swap3A, %swap3A_56] {strides = array<i32>} : memref<80x128xf32, #tpu.memory_space<vmem>>, vector<1x16xf32>,
        %swap3A_58 = vector.shape_cast %swap3A_57 : vector<1x16xf32> to vector<16xf32>
        %swap3A_59 = vector.shape_cast %broadcast_in_dim3A_53 : vector<16xf32> to vector<1x16xf32>
        tpu.vector_store %arg11[%swap3A, %swap3A_56], %swap3A_59 {strides = array<i32>} : memref<80x128xf32, #tpu.memory_space<vmem>>, vector<1x16xf32>,
        %scan3A_60 = arith.constant 0 : i32
        scf.yield %scan3A_60 : i32
      }
      %scan3A_50 = arith.constant 8 : i32
      scf.yield %scan3A_49 : i32
    }
    %scan3A_6 = arith.constant 80 : i32
    %add3A = arith.constant 0 : i32
    %add3A_7 = arith.addi %mul3A_0, %add3A : i32
    "tpu.region"() ({
      %run_scoped3A = tpu.sem_alloc : memref<!tpu.dma_semaphore, #tpu.memory_space<semaphore_mem>>
      %dma_start3A = arith.constant 0 : i32
      %dma_start3A_42 = tpu.memref_slice %arg15[%add3A_7, %dma_start3A] : memref<10112x128xf32, #tpu.memory_space<vmem_shared>> -> memref<80x128xf32, #tpu.memory_space<vmem_shared>>
      %dma_start3A_43 = arith.constant 0 : i32
      %dma_start3A_44 = tpu.memref_slice %arg15[%add3A_7, %dma_start3A_43] : memref<10112x128xf32, #tpu.memory_space<vmem_shared>> -> memref<80x128xf32, #tpu.memory_space<vmem_shared>>
      tpu.enqueue_dma source(%arg11 : memref<80x128xf32, #tpu.memory_space<vmem>>) target(%dma_start3A_44 : memref<80x128xf32, #tpu.memory_space<vmem_shared>>) target_semaphore(%run_scoped3A : memref<!tpu.dma_semaphore, #tpu.memory_space<semaphore_mem>>)
      %dma_wait3A = arith.constant 0 : i32
      %dma_wait3A_45 = tpu.memref_slice %arg15[%add3A_7, %dma_wait3A] : memref<10112x128xf32, #tpu.memory_space<vmem_shared>> -> memref<80x128xf32, #tpu.memory_space<vmem_shared>>
      %dma_wait3A_46 = arith.constant 0 : i32
      %dma_wait3A_47 = tpu.memref_slice %arg15[%add3A_7, %dma_wait3A_46] : memref<10112x128xf32, #tpu.memory_space<vmem_shared>> -> memref<80x128xf32, #tpu.memory_space<vmem_shared>>
      tpu.wait_dma2 semaphore(%run_scoped3A : memref<!tpu.dma_semaphore, #tpu.memory_space<semaphore_mem>>) src(%arg11 : memref<80x128xf32, #tpu.memory_space<vmem>>) dst(%dma_wait3A_47 : memref<80x128xf32, #tpu.memory_space<vmem_shared>>)
      tpu.yield
    }) : () -> ()
    %add3A_8 = arith.constant 80 : i32
    %add3A_9 = arith.addi %mul3A_0, %add3A_8 : i32
    "tpu.region"() ({
      %run_scoped3A = tpu.sem_alloc : memref<!tpu.dma_semaphore, #tpu.memory_space<semaphore_mem>>
      %dma_start3A = arith.constant 0 : i32
      %dma_start3A_42 = tpu.memref_slice %arg15[%add3A_9, %dma_start3A] : memref<10112x128xf32, #tpu.memory_space<vmem_shared>> -> memref<80x128xf32, #tpu.memory_space<vmem_shared>>
      %dma_start3A_43 = arith.constant 0 : i32
      %dma_start3A_44 = tpu.memref_slice %arg15[%add3A_9, %dma_start3A_43] : memref<10112x128xf32, #tpu.memory_space<vmem_shared>> -> memref<80x128xf32, #tpu.memory_space<vmem_shared>>
      tpu.enqueue_dma source(%arg11 : memref<80x128xf32, #tpu.memory_space<vmem>>) target(%dma_start3A_44 : memref<80x128xf32, #tpu.memory_space<vmem_shared>>) target_semaphore(%run_scoped3A : memref<!tpu.dma_semaphore, #tpu.memory_space<semaphore_mem>>)
      %dma_wait3A = arith.constant 0 : i32
      %dma_wait3A_45 = tpu.memref_slice %arg15[%add3A_9, %dma_wait3A] : memref<10112x128xf32, #tpu.memory_space<vmem_shared>> -> memref<80x128xf32, #tpu.memory_space<vmem_shared>>
      %dma_wait3A_46 = arith.constant 0 : i32
      %dma_wait3A_47 = tpu.memref_slice %arg15[%add3A_9, %dma_wait3A_46] : memref<10112x128xf32, #tpu.memory_space<vmem_shared>> -> memref<80x128xf32, #tpu.memory_space<vmem_shared>>
      tpu.wait_dma2 semaphore(%run_scoped3A : memref<!tpu.dma_semaphore, #tpu.memory_space<semaphore_mem>>) src(%arg11 : memref<80x128xf32, #tpu.memory_space<vmem>>) dst(%dma_wait3A_47 : memref<80x128xf32, #tpu.memory_space<vmem_shared>>)
      tpu.yield
    }) : () -> ()
    %add3A_10 = arith.constant 160 : i32
    %add3A_11 = arith.addi %mul3A_0, %add3A_10 : i32
    "tpu.region"() ({
      %run_scoped3A = tpu.sem_alloc : memref<!tpu.dma_semaphore, #tpu.memory_space<semaphore_mem>>
      %dma_start3A = arith.constant 0 : i32
      %dma_start3A_42 = tpu.memref_slice %arg15[%add3A_11, %dma_start3A] : memref<10112x128xf32, #tpu.memory_space<vmem_shared>> -> memref<80x128xf32, #tpu.memory_space<vmem_shared>>
      %dma_start3A_43 = arith.constant 0 : i32
      %dma_start3A_44 = tpu.memref_slice %arg15[%add3A_11, %dma_start3A_43] : memref<10112x128xf32, #tpu.memory_space<vmem_shared>> -> memref<80x128xf32, #tpu.memory_space<vmem_shared>>
      tpu.enqueue_dma source(%arg11 : memref<80x128xf32, #tpu.memory_space<vmem>>) target(%dma_start3A_44 : memref<80x128xf32, #tpu.memory_space<vmem_shared>>) target_semaphore(%run_scoped3A : memref<!tpu.dma_semaphore, #tpu.memory_space<semaphore_mem>>)
      %dma_wait3A = arith.constant 0 : i32
      %dma_wait3A_45 = tpu.memref_slice %arg15[%add3A_11, %dma_wait3A] : memref<10112x128xf32, #tpu.memory_space<vmem_shared>> -> memref<80x128xf32, #tpu.memory_space<vmem_shared>>
      %dma_wait3A_46 = arith.constant 0 : i32
      %dma_wait3A_47 = tpu.memref_slice %arg15[%add3A_11, %dma_wait3A_46] : memref<10112x128xf32, #tpu.memory_space<vmem_shared>> -> memref<80x128xf32, #tpu.memory_space<vmem_shared>>
      tpu.wait_dma2 semaphore(%run_scoped3A : memref<!tpu.dma_semaphore, #tpu.memory_space<semaphore_mem>>) src(%arg11 : memref<80x128xf32, #tpu.memory_space<vmem>>) dst(%dma_wait3A_47 : memref<80x128xf32, #tpu.memory_space<vmem_shared>>)
      tpu.yield
    }) : () -> ()
    %add3A_12 = arith.constant 240 : i32
    %add3A_13 = arith.addi %mul3A_0, %add3A_12 : i32
    "tpu.region"() ({
      %run_scoped3A = tpu.sem_alloc : memref<!tpu.dma_semaphore, #tpu.memory_space<semaphore_mem>>
      %dma_start3A = arith.constant 0 : i32
      %dma_start3A_42 = tpu.memref_slice %arg15[%add3A_13, %dma_start3A] : memref<10112x128xf32, #tpu.memory_space<vmem_shared>> -> memref<80x128xf32, #tpu.memory_space<vmem_shared>>
      %dma_start3A_43 = arith.constant 0 : i32
      %dma_start3A_44 = tpu.memref_slice %arg15[%add3A_13, %dma_start3A_43] : memref<10112x128xf32, #tpu.memory_space<vmem_shared>> -> memref<80x128xf32, #tpu.memory_space<vmem_shared>>
      tpu.enqueue_dma source(%arg11 : memref<80x128xf32, #tpu.memory_space<vmem>>) target(%dma_start3A_44 : memref<80x128xf32, #tpu.memory_space<vmem_shared>>) target_semaphore(%run_scoped3A : memref<!tpu.dma_semaphore, #tpu.memory_space<semaphore_mem>>)
      %dma_wait3A = arith.constant 0 : i32
      %dma_wait3A_45 = tpu.memref_slice %arg15[%add3A_13, %dma_wait3A] : memref<10112x128xf32, #tpu.memory_space<vmem_shared>> -> memref<80x128xf32, #tpu.memory_space<vmem_shared>>
      %dma_wait3A_46 = arith.constant 0 : i32
      %dma_wait3A_47 = tpu.memref_slice %arg15[%add3A_13, %dma_wait3A_46] : memref<10112x128xf32, #tpu.memory_space<vmem_shared>> -> memref<80x128xf32, #tpu.memory_space<vmem_shared>>
      tpu.wait_dma2 semaphore(%run_scoped3A : memref<!tpu.dma_semaphore, #tpu.memory_space<semaphore_mem>>) src(%arg11 : memref<80x128xf32, #tpu.memory_space<vmem>>) dst(%dma_wait3A_47 : memref<80x128xf32, #tpu.memory_space<vmem_shared>>)
      tpu.yield
    }) : () -> ()
    %add3A_14 = arith.constant 320 : i32
    %add3A_15 = arith.addi %mul3A_0, %add3A_14 : i32
    "tpu.region"() ({
      %run_scoped3A = tpu.sem_alloc : memref<!tpu.dma_semaphore, #tpu.memory_space<semaphore_mem>>
      %dma_start3A = arith.constant 0 : i32
      %dma_start3A_42 = tpu.memref_slice %arg15[%add3A_15, %dma_start3A] : memref<10112x128xf32, #tpu.memory_space<vmem_shared>> -> memref<80x128xf32, #tpu.memory_space<vmem_shared>>
      %dma_start3A_43 = arith.constant 0 : i32
      %dma_start3A_44 = tpu.memref_slice %arg15[%add3A_15, %dma_start3A_43] : memref<10112x128xf32, #tpu.memory_space<vmem_shared>> -> memref<80x128xf32, #tpu.memory_space<vmem_shared>>
      tpu.enqueue_dma source(%arg11 : memref<80x128xf32, #tpu.memory_space<vmem>>) target(%dma_start3A_44 : memref<80x128xf32, #tpu.memory_space<vmem_shared>>) target_semaphore(%run_scoped3A : memref<!tpu.dma_semaphore, #tpu.memory_space<semaphore_mem>>)
      %dma_wait3A = arith.constant 0 : i32
      %dma_wait3A_45 = tpu.memref_slice %arg15[%add3A_15, %dma_wait3A] : memref<10112x128xf32, #tpu.memory_space<vmem_shared>> -> memref<80x128xf32, #tpu.memory_space<vmem_shared>>
      %dma_wait3A_46 = arith.constant 0 : i32
      %dma_wait3A_47 = tpu.memref_slice %arg15[%add3A_15, %dma_wait3A_46] : memref<10112x128xf32, #tpu.memory_space<vmem_shared>> -> memref<80x128xf32, #tpu.memory_space<vmem_shared>>
      tpu.wait_dma2 semaphore(%run_scoped3A : memref<!tpu.dma_semaphore, #tpu.memory_space<semaphore_mem>>) src(%arg11 : memref<80x128xf32, #tpu.memory_space<vmem>>) dst(%dma_wait3A_47 : memref<80x128xf32, #tpu.memory_space<vmem_shared>>)
      tpu.yield
    }) : () -> ()
    %add3A_16 = arith.constant 400 : i32
    %add3A_17 = arith.addi %mul3A_0, %add3A_16 : i32
    "tpu.region"() ({
      %run_scoped3A = tpu.sem_alloc : memref<!tpu.dma_semaphore, #tpu.memory_space<semaphore_mem>>
      %dma_start3A = arith.constant 0 : i32
      %dma_start3A_42 = tpu.memref_slice %arg15[%add3A_17, %dma_start3A] : memref<10112x128xf32, #tpu.memory_space<vmem_shared>> -> memref<80x128xf32, #tpu.memory_space<vmem_shared>>
      %dma_start3A_43 = arith.constant 0 : i32
      %dma_start3A_44 = tpu.memref_slice %arg15[%add3A_17, %dma_start3A_43] : memref<10112x128xf32, #tpu.memory_space<vmem_shared>> -> memref<80x128xf32, #tpu.memory_space<vmem_shared>>
      tpu.enqueue_dma source(%arg11 : memref<80x128xf32, #tpu.memory_space<vmem>>) target(%dma_start3A_44 : memref<80x128xf32, #tpu.memory_space<vmem_shared>>) target_semaphore(%run_scoped3A : memref<!tpu.dma_semaphore, #tpu.memory_space<semaphore_mem>>)
      %dma_wait3A = arith.constant 0 : i32
      %dma_wait3A_45 = tpu.memref_slice %arg15[%add3A_17, %dma_wait3A] : memref<10112x128xf32, #tpu.memory_space<vmem_shared>> -> memref<80x128xf32, #tpu.memory_space<vmem_shared>>
      %dma_wait3A_46 = arith.constant 0 : i32
      %dma_wait3A_47 = tpu.memref_slice %arg15[%add3A_17, %dma_wait3A_46] : memref<10112x128xf32, #tpu.memory_space<vmem_shared>> -> memref<80x128xf32, #tpu.memory_space<vmem_shared>>
      tpu.wait_dma2 semaphore(%run_scoped3A : memref<!tpu.dma_semaphore, #tpu.memory_space<semaphore_mem>>) src(%arg11 : memref<80x128xf32, #tpu.memory_space<vmem>>) dst(%dma_wait3A_47 : memref<80x128xf32, #tpu.memory_space<vmem_shared>>)
      tpu.yield
    }) : () -> ()
    %add3A_18 = arith.constant 480 : i32
    %add3A_19 = arith.addi %mul3A_0, %add3A_18 : i32
    "tpu.region"() ({
      %run_scoped3A = tpu.sem_alloc : memref<!tpu.dma_semaphore, #tpu.memory_space<semaphore_mem>>
      %dma_start3A = arith.constant 0 : i32
      %dma_start3A_42 = tpu.memref_slice %arg15[%add3A_19, %dma_start3A] : memref<10112x128xf32, #tpu.memory_space<vmem_shared>> -> memref<80x128xf32, #tpu.memory_space<vmem_shared>>
      %dma_start3A_43 = arith.constant 0 : i32
      %dma_start3A_44 = tpu.memref_slice %arg15[%add3A_19, %dma_start3A_43] : memref<10112x128xf32, #tpu.memory_space<vmem_shared>> -> memref<80x128xf32, #tpu.memory_space<vmem_shared>>
      tpu.enqueue_dma source(%arg11 : memref<80x128xf32, #tpu.memory_space<vmem>>) target(%dma_start3A_44 : memref<80x128xf32, #tpu.memory_space<vmem_shared>>) target_semaphore(%run_scoped3A : memref<!tpu.dma_semaphore, #tpu.memory_space<semaphore_mem>>)
      %dma_wait3A = arith.constant 0 : i32
      %dma_wait3A_45 = tpu.memref_slice %arg15[%add3A_19, %dma_wait3A] : memref<10112x128xf32, #tpu.memory_space<vmem_shared>> -> memref<80x128xf32, #tpu.memory_space<vmem_shared>>
      %dma_wait3A_46 = arith.constant 0 : i32
      %dma_wait3A_47 = tpu.memref_slice %arg15[%add3A_19, %dma_wait3A_46] : memref<10112x128xf32, #tpu.memory_space<vmem_shared>> -> memref<80x128xf32, #tpu.memory_space<vmem_shared>>
      tpu.wait_dma2 semaphore(%run_scoped3A : memref<!tpu.dma_semaphore, #tpu.memory_space<semaphore_mem>>) src(%arg11 : memref<80x128xf32, #tpu.memory_space<vmem>>) dst(%dma_wait3A_47 : memref<80x128xf32, #tpu.memory_space<vmem_shared>>)
      tpu.yield
    }) : () -> ()
    %add3A_20 = arith.constant 560 : i32
    %add3A_21 = arith.addi %mul3A_0, %add3A_20 : i32
    "tpu.region"() ({
      %run_scoped3A = tpu.sem_alloc : memref<!tpu.dma_semaphore, #tpu.memory_space<semaphore_mem>>
      %dma_start3A = arith.constant 0 : i32
      %dma_start3A_42 = arith.constant 0 : i32
      %dma_start3A_43 = tpu.memref_slice %arg11[%dma_start3A, %dma_start3A_42] : memref<80x128xf32, #tpu.memory_space<vmem>> -> memref<72x128xf32, #tpu.memory_space<vmem>>
      %dma_start3A_44 = arith.constant 0 : i32
      %dma_start3A_45 = tpu.memref_slice %arg15[%add3A_21, %dma_start3A_44] : memref<10112x128xf32, #tpu.memory_space<vmem_shared>> -> memref<72x128xf32, #tpu.memory_space<vmem_shared>>
      %dma_start3A_46 = arith.constant 0 : i32
      %dma_start3A_47 = tpu.memref_slice %arg15[%add3A_21, %dma_start3A_46] : memref<10112x128xf32, #tpu.memory_space<vmem_shared>> -> memref<72x128xf32, #tpu.memory_space<vmem_shared>>
      %dma_start3A_48 = arith.constant 0 : i32
      %dma_start3A_49 = arith.constant 0 : i32
      %dma_start3A_50 = tpu.memref_slice %arg11[%dma_start3A_48, %dma_start3A_49] : memref<80x128xf32, #tpu.memory_space<vmem>> -> memref<72x128xf32, #tpu.memory_space<vmem>>
      tpu.enqueue_dma source(%dma_start3A_50 : memref<72x128xf32, #tpu.memory_space<vmem>>) target(%dma_start3A_47 : memref<72x128xf32, #tpu.memory_space<vmem_shared>>) target_semaphore(%run_scoped3A : memref<!tpu.dma_semaphore, #tpu.memory_space<semaphore_mem>>)
      %dma_wait3A = arith.constant 0 : i32
      %dma_wait3A_51 = arith.constant 0 : i32
      %dma_wait3A_52 = tpu.memref_slice %arg11[%dma_wait3A, %dma_wait3A_51] : memref<80x128xf32, #tpu.memory_space<vmem>> -> memref<72x128xf32, #tpu.memory_space<vmem>>
      %dma_wait3A_53 = arith.constant 0 : i32
      %dma_wait3A_54 = tpu.memref_slice %arg15[%add3A_21, %dma_wait3A_53] : memref<10112x128xf32, #tpu.memory_space<vmem_shared>> -> memref<72x128xf32, #tpu.memory_space<vmem_shared>>
      %dma_wait3A_55 = arith.constant 0 : i32
      %dma_wait3A_56 = tpu.memref_slice %arg15[%add3A_21, %dma_wait3A_55] : memref<10112x128xf32, #tpu.memory_space<vmem_shared>> -> memref<72x128xf32, #tpu.memory_space<vmem_shared>>
      %dma_wait3A_57 = arith.constant 0 : i32
      %dma_wait3A_58 = arith.constant 0 : i32
      %dma_wait3A_59 = tpu.memref_slice %arg11[%dma_wait3A_57, %dma_wait3A_58] : memref<80x128xf32, #tpu.memory_space<vmem>> -> memref<72x128xf32, #tpu.memory_space<vmem>>
      tpu.wait_dma2 semaphore(%run_scoped3A : memref<!tpu.dma_semaphore, #tpu.memory_space<semaphore_mem>>) src(%dma_wait3A_59 : memref<72x128xf32, #tpu.memory_space<vmem>>) dst(%dma_wait3A_56 : memref<72x128xf32, #tpu.memory_space<vmem_shared>>)
      tpu.yield
    }) : () -> ()
    %barrier3A = arith.constant 0 : index
    tpu.barrier barrier_id(%barrier3A)
    %mul3A_22 = arith.constant 250 : i32
    %mul3A_23 = arith.muli %arg1, %mul3A_22 : i32
    %eq3A = arith.constant 0 : i32
    %eq3A_24 = arith.cmpi eq, %arg0, %eq3A : i32
    %convert_element_type3A = arith.extui %eq3A_24 : i1 to i32
    %cond3A = arith.constant 0 : i32
    %cond3A_25 = arith.cmpi ne, %convert_element_type3A, %cond3A : i32
    scf.if %cond3A_25 {
      %add3A_42 = arith.constant 0 : i32
      %add3A_43 = arith.addi %mul3A_23, %add3A_42 : i32
      %dma_start3A = arith.constant 0 : i32
      %dma_start3A_44 = arith.constant 0 : i32
      %dma_start3A_45 = tpu.memref_slice %arg4[%add3A_43, %dma_start3A, %dma_start3A_44] : memref<4000x2x80xi32, #tpu.memory_space<hbm>> -> memref<1x2x80xi32, #tpu.memory_space<hbm>>
      %dma_start3A_46 = tpu.memref_squeeze %dma_start3A_45 : memref<1x2x80xi32, #tpu.memory_space<hbm>> -> memref<2x80xi32, #tpu.memory_space<hbm>>
      %dma_start3A_47 = arith.constant 0 : i32
      %dma_start3A_48 = arith.constant 0 : i32
      %dma_start3A_49 = tpu.memref_slice %arg4[%add3A_43, %dma_start3A_47, %dma_start3A_48] : memref<4000x2x80xi32, #tpu.memory_space<hbm>> -> memref<1x2x80xi32, #tpu.memory_space<hbm>>
      %dma_start3A_50 = tpu.memref_squeeze %dma_start3A_49 : memref<1x2x80xi32, #tpu.memory_space<hbm>> -> memref<2x80xi32, #tpu.memory_space<hbm>>
      tpu.enqueue_dma source(%dma_start3A_50 : memref<2x80xi32, #tpu.memory_space<hbm>>) target(%arg7 : memref<2x80xi32, #tpu.memory_space<vmem>>) target_semaphore(%arg16 : memref<!tpu.dma_semaphore, #tpu.memory_space<semaphore_mem>>)
      %add3A_51 = arith.constant 1 : i32
      %add3A_52 = arith.addi %mul3A_23, %add3A_51 : i32
      %dma_start3A_53 = arith.constant 0 : i32
      %dma_start3A_54 = arith.constant 0 : i32
      %dma_start3A_55 = tpu.memref_slice %arg4[%add3A_52, %dma_start3A_53, %dma_start3A_54] : memref<4000x2x80xi32, #tpu.memory_space<hbm>> -> memref<1x2x80xi32, #tpu.memory_space<hbm>>
      %dma_start3A_56 = tpu.memref_squeeze %dma_start3A_55 : memref<1x2x80xi32, #tpu.memory_space<hbm>> -> memref<2x80xi32, #tpu.memory_space<hbm>>
      %dma_start3A_57 = arith.constant 0 : i32
      %dma_start3A_58 = arith.constant 0 : i32
      %dma_start3A_59 = tpu.memref_slice %arg4[%add3A_52, %dma_start3A_57, %dma_start3A_58] : memref<4000x2x80xi32, #tpu.memory_space<hbm>> -> memref<1x2x80xi32, #tpu.memory_space<hbm>>
      %dma_start3A_60 = tpu.memref_squeeze %dma_start3A_59 : memref<1x2x80xi32, #tpu.memory_space<hbm>> -> memref<2x80xi32, #tpu.memory_space<hbm>>
      tpu.enqueue_dma source(%dma_start3A_60 : memref<2x80xi32, #tpu.memory_space<hbm>>) target(%arg8 : memref<2x80xi32, #tpu.memory_space<vmem>>) target_semaphore(%arg17 : memref<!tpu.dma_semaphore, #tpu.memory_space<semaphore_mem>>)
      %add3A_61 = arith.constant 2 : i32
      %add3A_62 = arith.addi %mul3A_23, %add3A_61 : i32
      %dma_start3A_63 = arith.constant 0 : i32
      %dma_start3A_64 = arith.constant 0 : i32
      %dma_start3A_65 = tpu.memref_slice %arg4[%add3A_62, %dma_start3A_63, %dma_start3A_64] : memref<4000x2x80xi32, #tpu.memory_space<hbm>> -> memref<1x2x80xi32, #tpu.memory_space<hbm>>
      %dma_start3A_66 = tpu.memref_squeeze %dma_start3A_65 : memref<1x2x80xi32, #tpu.memory_space<hbm>> -> memref<2x80xi32, #tpu.memory_space<hbm>>
      %dma_start3A_67 = arith.constant 0 : i32
      %dma_start3A_68 = arith.constant 0 : i32
      %dma_start3A_69 = tpu.memref_slice %arg4[%add3A_62, %dma_start3A_67, %dma_start3A_68] : memref<4000x2x80xi32, #tpu.memory_space<hbm>> -> memref<1x2x80xi32, #tpu.memory_space<hbm>>
      %dma_start3A_70 = tpu.memref_squeeze %dma_start3A_69 : memref<1x2x80xi32, #tpu.memory_space<hbm>> -> memref<2x80xi32, #tpu.memory_space<hbm>>
      tpu.enqueue_dma source(%dma_start3A_70 : memref<2x80xi32, #tpu.memory_space<hbm>>) target(%arg9 : memref<2x80xi32, #tpu.memory_space<vmem>>) target_semaphore(%arg18 : memref<!tpu.dma_semaphore, #tpu.memory_space<semaphore_mem>>)
      %add3A_71 = arith.constant 3 : i32
      %add3A_72 = arith.addi %mul3A_23, %add3A_71 : i32
      %dma_start3A_73 = arith.constant 0 : i32
      %dma_start3A_74 = arith.constant 0 : i32
      %dma_start3A_75 = tpu.memref_slice %arg4[%add3A_72, %dma_start3A_73, %dma_start3A_74] : memref<4000x2x80xi32, #tpu.memory_space<hbm>> -> memref<1x2x80xi32, #tpu.memory_space<hbm>>
      %dma_start3A_76 = tpu.memref_squeeze %dma_start3A_75 : memref<1x2x80xi32, #tpu.memory_space<hbm>> -> memref<2x80xi32, #tpu.memory_space<hbm>>
      %dma_start3A_77 = arith.constant 0 : i32
      %dma_start3A_78 = arith.constant 0 : i32
      %dma_start3A_79 = tpu.memref_slice %arg4[%add3A_72, %dma_start3A_77, %dma_start3A_78] : memref<4000x2x80xi32, #tpu.memory_space<hbm>> -> memref<1x2x80xi32, #tpu.memory_space<hbm>>
      %dma_start3A_80 = tpu.memref_squeeze %dma_start3A_79 : memref<1x2x80xi32, #tpu.memory_space<hbm>> -> memref<2x80xi32, #tpu.memory_space<hbm>>
      tpu.enqueue_dma source(%dma_start3A_80 : memref<2x80xi32, #tpu.memory_space<hbm>>) target(%arg10 : memref<2x80xi32, #tpu.memory_space<vmem>>) target_semaphore(%arg19 : memref<!tpu.dma_semaphore, #tpu.memory_space<semaphore_mem>>)
      %scan3A_81 = arith.constant 0 : i32
      %scan3A_82 = arith.constant 0 : i32
      %scan3A_83 = arith.constant 62 : i32
      %scan3A_84 = arith.addi %scan3A_82, %scan3A_83 : i32
      %scan3A_85 = arith.constant 1 : i32
      %scan3A_86 = scf.for %scan3A_211 = %scan3A_82 to %scan3A_84 step %scan3A_85 iter_args(%scan3A_212 = %scan3A_81) -> (i32)  : i32 {
        %mul3A_213 = arith.constant 4 : i32
        %mul3A_214 = arith.muli %mul3A_213, %scan3A_211 : i32
        %add3A_215 = arith.constant 0 : i32
        %add3A_216 = arith.addi %mul3A_214, %add3A_215 : i32
        %add3A_217 = arith.addi %mul3A_23, %add3A_216 : i32
        %dma_wait3A_218 = arith.constant 0 : i32
        %dma_wait3A_219 = arith.constant 0 : i32
        %dma_wait3A_220 = tpu.memref_slice %arg4[%add3A_217, %dma_wait3A_218, %dma_wait3A_219] : memref<4000x2x80xi32, #tpu.memory_space<hbm>> -> memref<1x2x80xi32, #tpu.memory_space<hbm>>
        %dma_wait3A_221 = tpu.memref_squeeze %dma_wait3A_220 : memref<1x2x80xi32, #tpu.memory_space<hbm>> -> memref<2x80xi32, #tpu.memory_space<hbm>>
        %dma_wait3A_222 = arith.constant 0 : i32
        %dma_wait3A_223 = arith.constant 0 : i32
        %dma_wait3A_224 = tpu.memref_slice %arg4[%add3A_217, %dma_wait3A_222, %dma_wait3A_223] : memref<4000x2x80xi32, #tpu.memory_space<hbm>> -> memref<1x2x80xi32, #tpu.memory_space<hbm>>
        %dma_wait3A_225 = tpu.memref_squeeze %dma_wait3A_224 : memref<1x2x80xi32, #tpu.memory_space<hbm>> -> memref<2x80xi32, #tpu.memory_space<hbm>>
        tpu.wait_dma2 semaphore(%arg16 : memref<!tpu.dma_semaphore, #tpu.memory_space<semaphore_mem>>) src(%dma_wait3A_225 : memref<2x80xi32, #tpu.memory_space<hbm>>) dst(%arg7 : memref<2x80xi32, #tpu.memory_space<vmem>>)
        %dma_start3A_226 = arith.constant 0 : i32
        %dma_start3A_227 = arith.constant 0 : i32
        %dma_start3A_228 = tpu.memref_slice %arg7[%dma_start3A_226, %dma_start3A_227] : memref<2x80xi32, #tpu.memory_space<vmem>> -> memref<1x80xi32, #tpu.memory_space<vmem>>
        %dma_start3A_229 = tpu.memref_squeeze %dma_start3A_228 : memref<1x80xi32, #tpu.memory_space<vmem>> -> memref<80xi32, #tpu.memory_space<vmem>>
        %dma_start3A_230 = arith.constant 0 : i32
        %dma_start3A_231 = arith.constant 0 : i32
        %dma_start3A_232 = tpu.memref_slice %arg2[%dma_start3A_230, %dma_start3A_231] : memref<10000x128xf32, #tpu.memory_space<hbm>> -> memref<10000x128xf32, #tpu.memory_space<hbm>>
        tpu.enqueue_indirect_dma source(%dma_start3A_232 : memref<10000x128xf32, #tpu.memory_space<hbm>>) target(%arg11 : memref<80x128xf32, #tpu.memory_space<vmem>>) offsets(%dma_start3A_229 : memref<80xi32, #tpu.memory_space<vmem>>) semaphore(%arg20 : memref<!tpu.dma_semaphore, #tpu.memory_space<semaphore_mem>>)
        %mul3A_233 = arith.constant 4 : i32
        %mul3A_234 = arith.muli %mul3A_233, %scan3A_211 : i32
        %add3A_235 = arith.constant 1 : i32
        %add3A_236 = arith.addi %mul3A_234, %add3A_235 : i32
        %add3A_237 = arith.addi %mul3A_23, %add3A_236 : i32
        %dma_wait3A_238 = arith.constant 0 : i32
        %dma_wait3A_239 = arith.constant 0 : i32
        %dma_wait3A_240 = tpu.memref_slice %arg4[%add3A_237, %dma_wait3A_238, %dma_wait3A_239] : memref<4000x2x80xi32, #tpu.memory_space<hbm>> -> memref<1x2x80xi32, #tpu.memory_space<hbm>>
        %dma_wait3A_241 = tpu.memref_squeeze %dma_wait3A_240 : memref<1x2x80xi32, #tpu.memory_space<hbm>> -> memref<2x80xi32, #tpu.memory_space<hbm>>
        %dma_wait3A_242 = arith.constant 0 : i32
        %dma_wait3A_243 = arith.constant 0 : i32
        %dma_wait3A_244 = tpu.memref_slice %arg4[%add3A_237, %dma_wait3A_242, %dma_wait3A_243] : memref<4000x2x80xi32, #tpu.memory_space<hbm>> -> memref<1x2x80xi32, #tpu.memory_space<hbm>>
        %dma_wait3A_245 = tpu.memref_squeeze %dma_wait3A_244 : memref<1x2x80xi32, #tpu.memory_space<hbm>> -> memref<2x80xi32, #tpu.memory_space<hbm>>
        tpu.wait_dma2 semaphore(%arg17 : memref<!tpu.dma_semaphore, #tpu.memory_space<semaphore_mem>>) src(%dma_wait3A_245 : memref<2x80xi32, #tpu.memory_space<hbm>>) dst(%arg8 : memref<2x80xi32, #tpu.memory_space<vmem>>)
        %dma_start3A_246 = arith.constant 0 : i32
        %dma_start3A_247 = arith.constant 0 : i32
        %dma_start3A_248 = tpu.memref_slice %arg8[%dma_start3A_246, %dma_start3A_247] : memref<2x80xi32, #tpu.memory_space<vmem>> -> memref<1x80xi32, #tpu.memory_space<vmem>>
        %dma_start3A_249 = tpu.memref_squeeze %dma_start3A_248 : memref<1x80xi32, #tpu.memory_space<vmem>> -> memref<80xi32, #tpu.memory_space<vmem>>
        %dma_start3A_250 = arith.constant 0 : i32
        %dma_start3A_251 = arith.constant 0 : i32
        %dma_start3A_252 = tpu.memref_slice %arg2[%dma_start3A_250, %dma_start3A_251] : memref<10000x128xf32, #tpu.memory_space<hbm>> -> memref<10000x128xf32, #tpu.memory_space<hbm>>
        tpu.enqueue_indirect_dma source(%dma_start3A_252 : memref<10000x128xf32, #tpu.memory_space<hbm>>) target(%arg12 : memref<80x128xf32, #tpu.memory_space<vmem>>) offsets(%dma_start3A_249 : memref<80xi32, #tpu.memory_space<vmem>>) semaphore(%arg21 : memref<!tpu.dma_semaphore, #tpu.memory_space<semaphore_mem>>)
        %mul3A_253 = arith.constant 4 : i32
        %mul3A_254 = arith.muli %mul3A_253, %scan3A_211 : i32
        %add3A_255 = arith.constant 2 : i32
        %add3A_256 = arith.addi %mul3A_254, %add3A_255 : i32
        %add3A_257 = arith.addi %mul3A_23, %add3A_256 : i32
        %dma_wait3A_258 = arith.constant 0 : i32
        %dma_wait3A_259 = arith.constant 0 : i32
        %dma_wait3A_260 = tpu.memref_slice %arg4[%add3A_257, %dma_wait3A_258, %dma_wait3A_259] : memref<4000x2x80xi32, #tpu.memory_space<hbm>> -> memref<1x2x80xi32, #tpu.memory_space<hbm>>
        %dma_wait3A_261 = tpu.memref_squeeze %dma_wait3A_260 : memref<1x2x80xi32, #tpu.memory_space<hbm>> -> memref<2x80xi32, #tpu.memory_space<hbm>>
        %dma_wait3A_262 = arith.constant 0 : i32
        %dma_wait3A_263 = arith.constant 0 : i32
        %dma_wait3A_264 = tpu.memref_slice %arg4[%add3A_257, %dma_wait3A_262, %dma_wait3A_263] : memref<4000x2x80xi32, #tpu.memory_space<hbm>> -> memref<1x2x80xi32, #tpu.memory_space<hbm>>
        %dma_wait3A_265 = tpu.memref_squeeze %dma_wait3A_264 : memref<1x2x80xi32, #tpu.memory_space<hbm>> -> memref<2x80xi32, #tpu.memory_space<hbm>>
        tpu.wait_dma2 semaphore(%arg18 : memref<!tpu.dma_semaphore, #tpu.memory_space<semaphore_mem>>) src(%dma_wait3A_265 : memref<2x80xi32, #tpu.memory_space<hbm>>) dst(%arg9 : memref<2x80xi32, #tpu.memory_space<vmem>>)
        %dma_start3A_266 = arith.constant 0 : i32
        %dma_start3A_267 = arith.constant 0 : i32
        %dma_start3A_268 = tpu.memref_slice %arg9[%dma_start3A_266, %dma_start3A_267] : memref<2x80xi32, #tpu.memory_space<vmem>> -> memref<1x80xi32, #tpu.memory_space<vmem>>
        %dma_start3A_269 = tpu.memref_squeeze %dma_start3A_268 : memref<1x80xi32, #tpu.memory_space<vmem>> -> memref<80xi32, #tpu.memory_space<vmem>>
        %dma_start3A_270 = arith.constant 0 : i32
        %dma_start3A_271 = arith.constant 0 : i32
        %dma_start3A_272 = tpu.memref_slice %arg2[%dma_start3A_270, %dma_start3A_271] : memref<10000x128xf32, #tpu.memory_space<hbm>> -> memref<10000x128xf32, #tpu.memory_space<hbm>>
        tpu.enqueue_indirect_dma source(%dma_start3A_272 : memref<10000x128xf32, #tpu.memory_space<hbm>>) target(%arg13 : memref<80x128xf32, #tpu.memory_space<vmem>>) offsets(%dma_start3A_269 : memref<80xi32, #tpu.memory_space<vmem>>) semaphore(%arg22 : memref<!tpu.dma_semaphore, #tpu.memory_space<semaphore_mem>>)
        %mul3A_273 = arith.constant 4 : i32
        %mul3A_274 = arith.muli %mul3A_273, %scan3A_211 : i32
        %add3A_275 = arith.constant 3 : i32
        %add3A_276 = arith.addi %mul3A_274, %add3A_275 : i32
        %add3A_277 = arith.addi %mul3A_23, %add3A_276 : i32
        %dma_wait3A_278 = arith.constant 0 : i32
        %dma_wait3A_279 = arith.constant 0 : i32
        %dma_wait3A_280 = tpu.memref_slice %arg4[%add3A_277, %dma_wait3A_278, %dma_wait3A_279] : memref<4000x2x80xi32, #tpu.memory_space<hbm>> -> memref<1x2x80xi32, #tpu.memory_space<hbm>>
        %dma_wait3A_281 = tpu.memref_squeeze %dma_wait3A_280 : memref<1x2x80xi32, #tpu.memory_space<hbm>> -> memref<2x80xi32, #tpu.memory_space<hbm>>
        %dma_wait3A_282 = arith.constant 0 : i32
        %dma_wait3A_283 = arith.constant 0 : i32
        %dma_wait3A_284 = tpu.memref_slice %arg4[%add3A_277, %dma_wait3A_282, %dma_wait3A_283] : memref<4000x2x80xi32, #tpu.memory_space<hbm>> -> memref<1x2x80xi32, #tpu.memory_space<hbm>>
        %dma_wait3A_285 = tpu.memref_squeeze %dma_wait3A_284 : memref<1x2x80xi32, #tpu.memory_space<hbm>> -> memref<2x80xi32, #tpu.memory_space<hbm>>
        tpu.wait_dma2 semaphore(%arg19 : memref<!tpu.dma_semaphore, #tpu.memory_space<semaphore_mem>>) src(%dma_wait3A_285 : memref<2x80xi32, #tpu.memory_space<hbm>>) dst(%arg10 : memref<2x80xi32, #tpu.memory_space<vmem>>)
        %dma_start3A_286 = arith.constant 0 : i32
        %dma_start3A_287 = arith.constant 0 : i32
        %dma_start3A_288 = tpu.memref_slice %arg10[%dma_start3A_286, %dma_start3A_287] : memref<2x80xi32, #tpu.memory_space<vmem>> -> memref<1x80xi32, #tpu.memory_space<vmem>>
        %dma_start3A_289 = tpu.memref_squeeze %dma_start3A_288 : memref<1x80xi32, #tpu.memory_space<vmem>> -> memref<80xi32, #tpu.memory_space<vmem>>
        %dma_start3A_290 = arith.constant 0 : i32
        %dma_start3A_291 = arith.constant 0 : i32
        %dma_start3A_292 = tpu.memref_slice %arg2[%dma_start3A_290, %dma_start3A_291] : memref<10000x128xf32, #tpu.memory_space<hbm>> -> memref<10000x128xf32, #tpu.memory_space<hbm>>
        tpu.enqueue_indirect_dma source(%dma_start3A_292 : memref<10000x128xf32, #tpu.memory_space<hbm>>) target(%arg14 : memref<80x128xf32, #tpu.memory_space<vmem>>) offsets(%dma_start3A_289 : memref<80xi32, #tpu.memory_space<vmem>>) semaphore(%arg23 : memref<!tpu.dma_semaphore, #tpu.memory_space<semaphore_mem>>)
        %dma_wait3A_293 = arith.constant 0 : i32
        %dma_wait3A_294 = arith.constant 0 : i32
        %dma_wait3A_295 = tpu.memref_slice %arg7[%dma_wait3A_293, %dma_wait3A_294] : memref<2x80xi32, #tpu.memory_space<vmem>> -> memref<1x80xi32, #tpu.memory_space<vmem>>
        %dma_wait3A_296 = tpu.memref_squeeze %dma_wait3A_295 : memref<1x80xi32, #tpu.memory_space<vmem>> -> memref<80xi32, #tpu.memory_space<vmem>>
        %dma_wait3A_297 = arith.constant 0 : i32
        %dma_wait3A_298 = arith.constant 0 : i32
        %dma_wait3A_299 = tpu.memref_slice %arg2[%dma_wait3A_297, %dma_wait3A_298] : memref<10000x128xf32, #tpu.memory_space<hbm>> -> memref<10000x128xf32, #tpu.memory_space<hbm>>
        tpu.wait_indirect_dma semaphore(%arg20 : memref<!tpu.dma_semaphore, #tpu.memory_space<semaphore_mem>>) src(%dma_wait3A_299 : memref<10000x128xf32, #tpu.memory_space<hbm>>) dst(%arg11 : memref<80x128xf32, #tpu.memory_space<vmem>>)
        %dma_start3A_300 = arith.constant 1 : i32
        %dma_start3A_301 = arith.constant 0 : i32
        %dma_start3A_302 = tpu.memref_slice %arg7[%dma_start3A_300, %dma_start3A_301] : memref<2x80xi32, #tpu.memory_space<vmem>> -> memref<1x80xi32, #tpu.memory_space<vmem>>
        %dma_start3A_303 = tpu.memref_squeeze %dma_start3A_302 : memref<1x80xi32, #tpu.memory_space<vmem>> -> memref<80xi32, #tpu.memory_space<vmem>>
        %dma_start3A_304 = arith.constant 0 : i32
        %dma_start3A_305 = arith.constant 0 : i32
        %dma_start3A_306 = tpu.memref_slice %arg15[%dma_start3A_304, %dma_start3A_305] : memref<10112x128xf32, #tpu.memory_space<vmem_shared>> -> memref<10112x128xf32, #tpu.memory_space<vmem_shared>>
        tpu.enqueue_indirect_dma source(%arg11 : memref<80x128xf32, #tpu.memory_space<vmem>>) target(%dma_start3A_306 : memref<10112x128xf32, #tpu.memory_space<vmem_shared>>) offsets(%dma_start3A_303 : memref<80xi32, #tpu.memory_space<vmem>>) semaphore(%arg24 : memref<!tpu.dma_semaphore, #tpu.memory_space<semaphore_mem>>) {add = true}
        %dma_wait3A_307 = arith.constant 0 : i32
        %dma_wait3A_308 = arith.constant 0 : i32
        %dma_wait3A_309 = tpu.memref_slice %arg8[%dma_wait3A_307, %dma_wait3A_308] : memref<2x80xi32, #tpu.memory_space<vmem>> -> memref<1x80xi32, #tpu.memory_space<vmem>>
        %dma_wait3A_310 = tpu.memref_squeeze %dma_wait3A_309 : memref<1x80xi32, #tpu.memory_space<vmem>> -> memref<80xi32, #tpu.memory_space<vmem>>
        %dma_wait3A_311 = arith.constant 0 : i32
        %dma_wait3A_312 = arith.constant 0 : i32
        %dma_wait3A_313 = tpu.memref_slice %arg2[%dma_wait3A_311, %dma_wait3A_312] : memref<10000x128xf32, #tpu.memory_space<hbm>> -> memref<10000x128xf32, #tpu.memory_space<hbm>>
        tpu.wait_indirect_dma semaphore(%arg21 : memref<!tpu.dma_semaphore, #tpu.memory_space<semaphore_mem>>) src(%dma_wait3A_313 : memref<10000x128xf32, #tpu.memory_space<hbm>>) dst(%arg12 : memref<80x128xf32, #tpu.memory_space<vmem>>)
        %dma_start3A_314 = arith.constant 1 : i32
        %dma_start3A_315 = arith.constant 0 : i32
        %dma_start3A_316 = tpu.memref_slice %arg8[%dma_start3A_314, %dma_start3A_315] : memref<2x80xi32, #tpu.memory_space<vmem>> -> memref<1x80xi32, #tpu.memory_space<vmem>>
        %dma_start3A_317 = tpu.memref_squeeze %dma_start3A_316 : memref<1x80xi32, #tpu.memory_space<vmem>> -> memref<80xi32, #tpu.memory_space<vmem>>
        %dma_start3A_318 = arith.constant 0 : i32
        %dma_start3A_319 = arith.constant 0 : i32
        %dma_start3A_320 = tpu.memref_slice %arg15[%dma_start3A_318, %dma_start3A_319] : memref<10112x128xf32, #tpu.memory_space<vmem_shared>> -> memref<10112x128xf32, #tpu.memory_space<vmem_shared>>
        tpu.enqueue_indirect_dma source(%arg12 : memref<80x128xf32, #tpu.memory_space<vmem>>) target(%dma_start3A_320 : memref<10112x128xf32, #tpu.memory_space<vmem_shared>>) offsets(%dma_start3A_317 : memref<80xi32, #tpu.memory_space<vmem>>) semaphore(%arg25 : memref<!tpu.dma_semaphore, #tpu.memory_space<semaphore_mem>>) {add = true}
        %dma_wait3A_321 = arith.constant 0 : i32
        %dma_wait3A_322 = arith.constant 0 : i32
        %dma_wait3A_323 = tpu.memref_slice %arg9[%dma_wait3A_321, %dma_wait3A_322] : memref<2x80xi32, #tpu.memory_space<vmem>> -> memref<1x80xi32, #tpu.memory_space<vmem>>
        %dma_wait3A_324 = tpu.memref_squeeze %dma_wait3A_323 : memref<1x80xi32, #tpu.memory_space<vmem>> -> memref<80xi32, #tpu.memory_space<vmem>>
        %dma_wait3A_325 = arith.constant 0 : i32
        %dma_wait3A_326 = arith.constant 0 : i32
        %dma_wait3A_327 = tpu.memref_slice %arg2[%dma_wait3A_325, %dma_wait3A_326] : memref<10000x128xf32, #tpu.memory_space<hbm>> -> memref<10000x128xf32, #tpu.memory_space<hbm>>
        tpu.wait_indirect_dma semaphore(%arg22 : memref<!tpu.dma_semaphore, #tpu.memory_space<semaphore_mem>>) src(%dma_wait3A_327 : memref<10000x128xf32, #tpu.memory_space<hbm>>) dst(%arg13 : memref<80x128xf32, #tpu.memory_space<vmem>>)
        %dma_start3A_328 = arith.constant 1 : i32
        %dma_start3A_329 = arith.constant 0 : i32
        %dma_start3A_330 = tpu.memref_slice %arg9[%dma_start3A_328, %dma_start3A_329] : memref<2x80xi32, #tpu.memory_space<vmem>> -> memref<1x80xi32, #tpu.memory_space<vmem>>
        %dma_start3A_331 = tpu.memref_squeeze %dma_start3A_330 : memref<1x80xi32, #tpu.memory_space<vmem>> -> memref<80xi32, #tpu.memory_space<vmem>>
        %dma_start3A_332 = arith.constant 0 : i32
        %dma_start3A_333 = arith.constant 0 : i32
        %dma_start3A_334 = tpu.memref_slice %arg15[%dma_start3A_332, %dma_start3A_333] : memref<10112x128xf32, #tpu.memory_space<vmem_shared>> -> memref<10112x128xf32, #tpu.memory_space<vmem_shared>>
        tpu.enqueue_indirect_dma source(%arg13 : memref<80x128xf32, #tpu.memory_space<vmem>>) target(%dma_start3A_334 : memref<10112x128xf32, #tpu.memory_space<vmem_shared>>) offsets(%dma_start3A_331 : memref<80xi32, #tpu.memory_space<vmem>>) semaphore(%arg26 : memref<!tpu.dma_semaphore, #tpu.memory_space<semaphore_mem>>) {add = true}
        %dma_wait3A_335 = arith.constant 0 : i32
        %dma_wait3A_336 = arith.constant 0 : i32
        %dma_wait3A_337 = tpu.memref_slice %arg10[%dma_wait3A_335, %dma_wait3A_336] : memref<2x80xi32, #tpu.memory_space<vmem>> -> memref<1x80xi32, #tpu.memory_space<vmem>>
        %dma_wait3A_338 = tpu.memref_squeeze %dma_wait3A_337 : memref<1x80xi32, #tpu.memory_space<vmem>> -> memref<80xi32, #tpu.memory_space<vmem>>
        %dma_wait3A_339 = arith.constant 0 : i32
        %dma_wait3A_340 = arith.constant 0 : i32
        %dma_wait3A_341 = tpu.memref_slice %arg2[%dma_wait3A_339, %dma_wait3A_340] : memref<10000x128xf32, #tpu.memory_space<hbm>> -> memref<10000x128xf32, #tpu.memory_space<hbm>>
        tpu.wait_indirect_dma semaphore(%arg23 : memref<!tpu.dma_semaphore, #tpu.memory_space<semaphore_mem>>) src(%dma_wait3A_341 : memref<10000x128xf32, #tpu.memory_space<hbm>>) dst(%arg14 : memref<80x128xf32, #tpu.memory_space<vmem>>)
        %dma_start3A_342 = arith.constant 1 : i32
        %dma_start3A_343 = arith.constant 0 : i32
        %dma_start3A_344 = tpu.memref_slice %arg10[%dma_start3A_342, %dma_start3A_343] : memref<2x80xi32, #tpu.memory_space<vmem>> -> memref<1x80xi32, #tpu.memory_space<vmem>>
        %dma_start3A_345 = tpu.memref_squeeze %dma_start3A_344 : memref<1x80xi32, #tpu.memory_space<vmem>> -> memref<80xi32, #tpu.memory_space<vmem>>
        %dma_start3A_346 = arith.constant 0 : i32
        %dma_start3A_347 = arith.constant 0 : i32
        %dma_start3A_348 = tpu.memref_slice %arg15[%dma_start3A_346, %dma_start3A_347] : memref<10112x128xf32, #tpu.memory_space<vmem_shared>> -> memref<10112x128xf32, #tpu.memory_space<vmem_shared>>
        tpu.enqueue_indirect_dma source(%arg14 : memref<80x128xf32, #tpu.memory_space<vmem>>) target(%dma_start3A_348 : memref<10112x128xf32, #tpu.memory_space<vmem_shared>>) offsets(%dma_start3A_345 : memref<80xi32, #tpu.memory_space<vmem>>) semaphore(%arg27 : memref<!tpu.dma_semaphore, #tpu.memory_space<semaphore_mem>>) {add = true}
        %add3A_349 = arith.constant 1 : i32
        %add3A_350 = arith.addi %scan3A_211, %add3A_349 : i32
        %lt3A = arith.constant 62 : i32
        %lt3A_351 = arith.cmpi slt, %add3A_350, %lt3A : i32
        %convert_element_type3A_352 = arith.extui %lt3A_351 : i1 to i32
        %cond3A_353 = arith.constant 0 : i32
        %cond3A_354 = arith.cmpi ne, %convert_element_type3A_352, %cond3A_353 : i32
        scf.if %cond3A_354 {
          %dma_wait3A_356 = arith.constant 1 : i32
          %dma_wait3A_357 = arith.constant 0 : i32
          %dma_wait3A_358 = tpu.memref_slice %arg7[%dma_wait3A_356, %dma_wait3A_357] : memref<2x80xi32, #tpu.memory_space<vmem>> -> memref<1x80xi32, #tpu.memory_space<vmem>>
          %dma_wait3A_359 = tpu.memref_squeeze %dma_wait3A_358 : memref<1x80xi32, #tpu.memory_space<vmem>> -> memref<80xi32, #tpu.memory_space<vmem>>
          %dma_wait3A_360 = arith.constant 0 : i32
          %dma_wait3A_361 = arith.constant 0 : i32
          %dma_wait3A_362 = tpu.memref_slice %arg15[%dma_wait3A_360, %dma_wait3A_361] : memref<10112x128xf32, #tpu.memory_space<vmem_shared>> -> memref<10112x128xf32, #tpu.memory_space<vmem_shared>>
          tpu.wait_indirect_dma semaphore(%arg24 : memref<!tpu.dma_semaphore, #tpu.memory_space<semaphore_mem>>) src(%arg11 : memref<80x128xf32, #tpu.memory_space<vmem>>) dst(%dma_wait3A_362 : memref<10112x128xf32, #tpu.memory_space<vmem_shared>>)
          %add3A_363 = arith.constant 1 : i32
          %add3A_364 = arith.addi %scan3A_211, %add3A_363 : i32
          %mul3A_365 = arith.constant 4 : i32
          %mul3A_366 = arith.muli %mul3A_365, %add3A_364 : i32
          %add3A_367 = arith.constant 0 : i32
          %add3A_368 = arith.addi %mul3A_366, %add3A_367 : i32
          %add3A_369 = arith.addi %mul3A_23, %add3A_368 : i32
          %dma_start3A_370 = arith.constant 0 : i32
          %dma_start3A_371 = arith.constant 0 : i32
          %dma_start3A_372 = tpu.memref_slice %arg4[%add3A_369, %dma_start3A_370, %dma_start3A_371] : memref<4000x2x80xi32, #tpu.memory_space<hbm>> -> memref<1x2x80xi32, #tpu.memory_space<hbm>>
          %dma_start3A_373 = tpu.memref_squeeze %dma_start3A_372 : memref<1x2x80xi32, #tpu.memory_space<hbm>> -> memref<2x80xi32, #tpu.memory_space<hbm>>
          %dma_start3A_374 = arith.constant 0 : i32
          %dma_start3A_375 = arith.constant 0 : i32
          %dma_start3A_376 = tpu.memref_slice %arg4[%add3A_369, %dma_start3A_374, %dma_start3A_375] : memref<4000x2x80xi32, #tpu.memory_space<hbm>> -> memref<1x2x80xi32, #tpu.memory_space<hbm>>
          %dma_start3A_377 = tpu.memref_squeeze %dma_start3A_376 : memref<1x2x80xi32, #tpu.memory_space<hbm>> -> memref<2x80xi32, #tpu.memory_space<hbm>>
          tpu.enqueue_dma source(%dma_start3A_377 : memref<2x80xi32, #tpu.memory_space<hbm>>) target(%arg7 : memref<2x80xi32, #tpu.memory_space<vmem>>) target_semaphore(%arg16 : memref<!tpu.dma_semaphore, #tpu.memory_space<semaphore_mem>>)
          %dma_wait3A_378 = arith.constant 1 : i32
          %dma_wait3A_379 = arith.constant 0 : i32
          %dma_wait3A_380 = tpu.memref_slice %arg8[%dma_wait3A_378, %dma_wait3A_379] : memref<2x80xi32, #tpu.memory_space<vmem>> -> memref<1x80xi32, #tpu.memory_space<vmem>>
          %dma_wait3A_381 = tpu.memref_squeeze %dma_wait3A_380 : memref<1x80xi32, #tpu.memory_space<vmem>> -> memref<80xi32, #tpu.memory_space<vmem>>
          %dma_wait3A_382 = arith.constant 0 : i32
          %dma_wait3A_383 = arith.constant 0 : i32
          %dma_wait3A_384 = tpu.memref_slice %arg15[%dma_wait3A_382, %dma_wait3A_383] : memref<10112x128xf32, #tpu.memory_space<vmem_shared>> -> memref<10112x128xf32, #tpu.memory_space<vmem_shared>>
          tpu.wait_indirect_dma semaphore(%arg25 : memref<!tpu.dma_semaphore, #tpu.memory_space<semaphore_mem>>) src(%arg12 : memref<80x128xf32, #tpu.memory_space<vmem>>) dst(%dma_wait3A_384 : memref<10112x128xf32, #tpu.memory_space<vmem_shared>>)
          %add3A_385 = arith.constant 1 : i32
          %add3A_386 = arith.addi %scan3A_211, %add3A_385 : i32
          %mul3A_387 = arith.constant 4 : i32
          %mul3A_388 = arith.muli %mul3A_387, %add3A_386 : i32
          %add3A_389 = arith.constant 1 : i32
          %add3A_390 = arith.addi %mul3A_388, %add3A_389 : i32
          %add3A_391 = arith.addi %mul3A_23, %add3A_390 : i32
          %dma_start3A_392 = arith.constant 0 : i32
          %dma_start3A_393 = arith.constant 0 : i32
          %dma_start3A_394 = tpu.memref_slice %arg4[%add3A_391, %dma_start3A_392, %dma_start3A_393] : memref<4000x2x80xi32, #tpu.memory_space<hbm>> -> memref<1x2x80xi32, #tpu.memory_space<hbm>>
          %dma_start3A_395 = tpu.memref_squeeze %dma_start3A_394 : memref<1x2x80xi32, #tpu.memory_space<hbm>> -> memref<2x80xi32, #tpu.memory_space<hbm>>
          %dma_start3A_396 = arith.constant 0 : i32
          %dma_start3A_397 = arith.constant 0 : i32
          %dma_start3A_398 = tpu.memref_slice %arg4[%add3A_391, %dma_start3A_396, %dma_start3A_397] : memref<4000x2x80xi32, #tpu.memory_space<hbm>> -> memref<1x2x80xi32, #tpu.memory_space<hbm>>
          %dma_start3A_399 = tpu.memref_squeeze %dma_start3A_398 : memref<1x2x80xi32, #tpu.memory_space<hbm>> -> memref<2x80xi32, #tpu.memory_space<hbm>>
          tpu.enqueue_dma source(%dma_start3A_399 : memref<2x80xi32, #tpu.memory_space<hbm>>) target(%arg8 : memref<2x80xi32, #tpu.memory_space<vmem>>) target_semaphore(%arg17 : memref<!tpu.dma_semaphore, #tpu.memory_space<semaphore_mem>>)
          %dma_wait3A_400 = arith.constant 1 : i32
          %dma_wait3A_401 = arith.constant 0 : i32
          %dma_wait3A_402 = tpu.memref_slice %arg9[%dma_wait3A_400, %dma_wait3A_401] : memref<2x80xi32, #tpu.memory_space<vmem>> -> memref<1x80xi32, #tpu.memory_space<vmem>>
          %dma_wait3A_403 = tpu.memref_squeeze %dma_wait3A_402 : memref<1x80xi32, #tpu.memory_space<vmem>> -> memref<80xi32, #tpu.memory_space<vmem>>
          %dma_wait3A_404 = arith.constant 0 : i32
          %dma_wait3A_405 = arith.constant 0 : i32
          %dma_wait3A_406 = tpu.memref_slice %arg15[%dma_wait3A_404, %dma_wait3A_405] : memref<10112x128xf32, #tpu.memory_space<vmem_shared>> -> memref<10112x128xf32, #tpu.memory_space<vmem_shared>>
          tpu.wait_indirect_dma semaphore(%arg26 : memref<!tpu.dma_semaphore, #tpu.memory_space<semaphore_mem>>) src(%arg13 : memref<80x128xf32, #tpu.memory_space<vmem>>) dst(%dma_wait3A_406 : memref<10112x128xf32, #tpu.memory_space<vmem_shared>>)
          %add3A_407 = arith.constant 1 : i32
          %add3A_408 = arith.addi %scan3A_211, %add3A_407 : i32
          %mul3A_409 = arith.constant 4 : i32
          %mul3A_410 = arith.muli %mul3A_409, %add3A_408 : i32
          %add3A_411 = arith.constant 2 : i32
          %add3A_412 = arith.addi %mul3A_410, %add3A_411 : i32
          %add3A_413 = arith.addi %mul3A_23, %add3A_412 : i32
          %dma_start3A_414 = arith.constant 0 : i32
          %dma_start3A_415 = arith.constant 0 : i32
          %dma_start3A_416 = tpu.memref_slice %arg4[%add3A_413, %dma_start3A_414, %dma_start3A_415] : memref<4000x2x80xi32, #tpu.memory_space<hbm>> -> memref<1x2x80xi32, #tpu.memory_space<hbm>>
          %dma_start3A_417 = tpu.memref_squeeze %dma_start3A_416 : memref<1x2x80xi32, #tpu.memory_space<hbm>> -> memref<2x80xi32, #tpu.memory_space<hbm>>
          %dma_start3A_418 = arith.constant 0 : i32
          %dma_start3A_419 = arith.constant 0 : i32
          %dma_start3A_420 = tpu.memref_slice %arg4[%add3A_413, %dma_start3A_418, %dma_start3A_419] : memref<4000x2x80xi32, #tpu.memory_space<hbm>> -> memref<1x2x80xi32, #tpu.memory_space<hbm>>
          %dma_start3A_421 = tpu.memref_squeeze %dma_start3A_420 : memref<1x2x80xi32, #tpu.memory_space<hbm>> -> memref<2x80xi32, #tpu.memory_space<hbm>>
          tpu.enqueue_dma source(%dma_start3A_421 : memref<2x80xi32, #tpu.memory_space<hbm>>) target(%arg9 : memref<2x80xi32, #tpu.memory_space<vmem>>) target_semaphore(%arg18 : memref<!tpu.dma_semaphore, #tpu.memory_space<semaphore_mem>>)
          %dma_wait3A_422 = arith.constant 1 : i32
          %dma_wait3A_423 = arith.constant 0 : i32
          %dma_wait3A_424 = tpu.memref_slice %arg10[%dma_wait3A_422, %dma_wait3A_423] : memref<2x80xi32, #tpu.memory_space<vmem>> -> memref<1x80xi32, #tpu.memory_space<vmem>>
          %dma_wait3A_425 = tpu.memref_squeeze %dma_wait3A_424 : memref<1x80xi32, #tpu.memory_space<vmem>> -> memref<80xi32, #tpu.memory_space<vmem>>
          %dma_wait3A_426 = arith.constant 0 : i32
          %dma_wait3A_427 = arith.constant 0 : i32
          %dma_wait3A_428 = tpu.memref_slice %arg15[%dma_wait3A_426, %dma_wait3A_427] : memref<10112x128xf32, #tpu.memory_space<vmem_shared>> -> memref<10112x128xf32, #tpu.memory_space<vmem_shared>>
          tpu.wait_indirect_dma semaphore(%arg27 : memref<!tpu.dma_semaphore, #tpu.memory_space<semaphore_mem>>) src(%arg14 : memref<80x128xf32, #tpu.memory_space<vmem>>) dst(%dma_wait3A_428 : memref<10112x128xf32, #tpu.memory_space<vmem_shared>>)
          %add3A_429 = arith.constant 1 : i32
          %add3A_430 = arith.addi %scan3A_211, %add3A_429 : i32
          %mul3A_431 = arith.constant 4 : i32
          %mul3A_432 = arith.muli %mul3A_431, %add3A_430 : i32
          %add3A_433 = arith.constant 3 : i32
          %add3A_434 = arith.addi %mul3A_432, %add3A_433 : i32
          %add3A_435 = arith.addi %mul3A_23, %add3A_434 : i32
          %dma_start3A_436 = arith.constant 0 : i32
          %dma_start3A_437 = arith.constant 0 : i32
          %dma_start3A_438 = tpu.memref_slice %arg4[%add3A_435, %dma_start3A_436, %dma_start3A_437] : memref<4000x2x80xi32, #tpu.memory_space<hbm>> -> memref<1x2x80xi32, #tpu.memory_space<hbm>>
          %dma_start3A_439 = tpu.memref_squeeze %dma_start3A_438 : memref<1x2x80xi32, #tpu.memory_space<hbm>> -> memref<2x80xi32, #tpu.memory_space<hbm>>
          %dma_start3A_440 = arith.constant 0 : i32
          %dma_start3A_441 = arith.constant 0 : i32
          %dma_start3A_442 = tpu.memref_slice %arg4[%add3A_435, %dma_start3A_440, %dma_start3A_441] : memref<4000x2x80xi32, #tpu.memory_space<hbm>> -> memref<1x2x80xi32, #tpu.memory_space<hbm>>
          %dma_start3A_443 = tpu.memref_squeeze %dma_start3A_442 : memref<1x2x80xi32, #tpu.memory_space<hbm>> -> memref<2x80xi32, #tpu.memory_space<hbm>>
          tpu.enqueue_dma source(%dma_start3A_443 : memref<2x80xi32, #tpu.memory_space<hbm>>) target(%arg10 : memref<2x80xi32, #tpu.memory_space<vmem>>) target_semaphore(%arg19 : memref<!tpu.dma_semaphore, #tpu.memory_space<semaphore_mem>>)
        } else {
        }
        %scan3A_355 = arith.constant 0 : i32
        scf.yield %scan3A_355 : i32
      }
      %scan3A_87 = arith.constant 62 : i32
      %dma_wait3A = arith.constant 1 : i32
      %dma_wait3A_88 = arith.constant 0 : i32
      %dma_wait3A_89 = tpu.memref_slice %arg7[%dma_wait3A, %dma_wait3A_88] : memref<2x80xi32, #tpu.memory_space<vmem>> -> memref<1x80xi32, #tpu.memory_space<vmem>>
      %dma_wait3A_90 = tpu.memref_squeeze %dma_wait3A_89 : memref<1x80xi32, #tpu.memory_space<vmem>> -> memref<80xi32, #tpu.memory_space<vmem>>
      %dma_wait3A_91 = arith.constant 0 : i32
      %dma_wait3A_92 = arith.constant 0 : i32
      %dma_wait3A_93 = tpu.memref_slice %arg15[%dma_wait3A_91, %dma_wait3A_92] : memref<10112x128xf32, #tpu.memory_space<vmem_shared>> -> memref<10112x128xf32, #tpu.memory_space<vmem_shared>>
      tpu.wait_indirect_dma semaphore(%arg24 : memref<!tpu.dma_semaphore, #tpu.memory_space<semaphore_mem>>) src(%arg11 : memref<80x128xf32, #tpu.memory_space<vmem>>) dst(%dma_wait3A_93 : memref<10112x128xf32, #tpu.memory_space<vmem_shared>>)
      %dma_wait3A_94 = arith.constant 1 : i32
      %dma_wait3A_95 = arith.constant 0 : i32
      %dma_wait3A_96 = tpu.memref_slice %arg8[%dma_wait3A_94, %dma_wait3A_95] : memref<2x80xi32, #tpu.memory_space<vmem>> -> memref<1x80xi32, #tpu.memory_space<vmem>>
      %dma_wait3A_97 = tpu.memref_squeeze %dma_wait3A_96 : memref<1x80xi32, #tpu.memory_space<vmem>> -> memref<80xi32, #tpu.memory_space<vmem>>
      %dma_wait3A_98 = arith.constant 0 : i32
      %dma_wait3A_99 = arith.constant 0 : i32
      %dma_wait3A_100 = tpu.memref_slice %arg15[%dma_wait3A_98, %dma_wait3A_99] : memref<10112x128xf32, #tpu.memory_space<vmem_shared>> -> memref<10112x128xf32, #tpu.memory_space<vmem_shared>>
      tpu.wait_indirect_dma semaphore(%arg25 : memref<!tpu.dma_semaphore, #tpu.memory_space<semaphore_mem>>) src(%arg12 : memref<80x128xf32, #tpu.memory_space<vmem>>) dst(%dma_wait3A_100 : memref<10112x128xf32, #tpu.memory_space<vmem_shared>>)
      %dma_wait3A_101 = arith.constant 1 : i32
      %dma_wait3A_102 = arith.constant 0 : i32
      %dma_wait3A_103 = tpu.memref_slice %arg9[%dma_wait3A_101, %dma_wait3A_102] : memref<2x80xi32, #tpu.memory_space<vmem>> -> memref<1x80xi32, #tpu.memory_space<vmem>>
      %dma_wait3A_104 = tpu.memref_squeeze %dma_wait3A_103 : memref<1x80xi32, #tpu.memory_space<vmem>> -> memref<80xi32, #tpu.memory_space<vmem>>
      %dma_wait3A_105 = arith.constant 0 : i32
      %dma_wait3A_106 = arith.constant 0 : i32
      %dma_wait3A_107 = tpu.memref_slice %arg15[%dma_wait3A_105, %dma_wait3A_106] : memref<10112x128xf32, #tpu.memory_space<vmem_shared>> -> memref<10112x128xf32, #tpu.memory_space<vmem_shared>>
      tpu.wait_indirect_dma semaphore(%arg26 : memref<!tpu.dma_semaphore, #tpu.memory_space<semaphore_mem>>) src(%arg13 : memref<80x128xf32, #tpu.memory_space<vmem>>) dst(%dma_wait3A_107 : memref<10112x128xf32, #tpu.memory_space<vmem_shared>>)
      %dma_wait3A_108 = arith.constant 1 : i32
      %dma_wait3A_109 = arith.constant 0 : i32
      %dma_wait3A_110 = tpu.memref_slice %arg10[%dma_wait3A_108, %dma_wait3A_109] : memref<2x80xi32, #tpu.memory_space<vmem>> -> memref<1x80xi32, #tpu.memory_space<vmem>>
      %dma_wait3A_111 = tpu.memref_squeeze %dma_wait3A_110 : memref<1x80xi32, #tpu.memory_space<vmem>> -> memref<80xi32, #tpu.memory_space<vmem>>
      %dma_wait3A_112 = arith.constant 0 : i32
      %dma_wait3A_113 = arith.constant 0 : i32
      %dma_wait3A_114 = tpu.memref_slice %arg15[%dma_wait3A_112, %dma_wait3A_113] : memref<10112x128xf32, #tpu.memory_space<vmem_shared>> -> memref<10112x128xf32, #tpu.memory_space<vmem_shared>>
      tpu.wait_indirect_dma semaphore(%arg27 : memref<!tpu.dma_semaphore, #tpu.memory_space<semaphore_mem>>) src(%arg14 : memref<80x128xf32, #tpu.memory_space<vmem>>) dst(%dma_wait3A_114 : memref<10112x128xf32, #tpu.memory_space<vmem_shared>>)
      %add3A_115 = arith.constant 248 : i32
      %add3A_116 = arith.addi %mul3A_23, %add3A_115 : i32
      %dma_start3A_117 = arith.constant 0 : i32
      %dma_start3A_118 = arith.constant 0 : i32
      %dma_start3A_119 = tpu.memref_slice %arg4[%add3A_116, %dma_start3A_117, %dma_start3A_118] : memref<4000x2x80xi32, #tpu.memory_space<hbm>> -> memref<1x2x80xi32, #tpu.memory_space<hbm>>
      %dma_start3A_120 = tpu.memref_squeeze %dma_start3A_119 : memref<1x2x80xi32, #tpu.memory_space<hbm>> -> memref<2x80xi32, #tpu.memory_space<hbm>>
      %dma_start3A_121 = arith.constant 0 : i32
      %dma_start3A_122 = arith.constant 0 : i32
      %dma_start3A_123 = tpu.memref_slice %arg4[%add3A_116, %dma_start3A_121, %dma_start3A_122] : memref<4000x2x80xi32, #tpu.memory_space<hbm>> -> memref<1x2x80xi32, #tpu.memory_space<hbm>>
      %dma_start3A_124 = tpu.memref_squeeze %dma_start3A_123 : memref<1x2x80xi32, #tpu.memory_space<hbm>> -> memref<2x80xi32, #tpu.memory_space<hbm>>
      tpu.enqueue_dma source(%dma_start3A_124 : memref<2x80xi32, #tpu.memory_space<hbm>>) target(%arg7 : memref<2x80xi32, #tpu.memory_space<vmem>>) target_semaphore(%arg16 : memref<!tpu.dma_semaphore, #tpu.memory_space<semaphore_mem>>)
      %add3A_125 = arith.constant 248 : i32
      %add3A_126 = arith.addi %mul3A_23, %add3A_125 : i32
      %dma_wait3A_127 = arith.constant 0 : i32
      %dma_wait3A_128 = arith.constant 0 : i32
      %dma_wait3A_129 = tpu.memref_slice %arg4[%add3A_126, %dma_wait3A_127, %dma_wait3A_128] : memref<4000x2x80xi32, #tpu.memory_space<hbm>> -> memref<1x2x80xi32, #tpu.memory_space<hbm>>
      %dma_wait3A_130 = tpu.memref_squeeze %dma_wait3A_129 : memref<1x2x80xi32, #tpu.memory_space<hbm>> -> memref<2x80xi32, #tpu.memory_space<hbm>>
      %dma_wait3A_131 = arith.constant 0 : i32
      %dma_wait3A_132 = arith.constant 0 : i32
      %dma_wait3A_133 = tpu.memref_slice %arg4[%add3A_126, %dma_wait3A_131, %dma_wait3A_132] : memref<4000x2x80xi32, #tpu.memory_space<hbm>> -> memref<1x2x80xi32, #tpu.memory_space<hbm>>
      %dma_wait3A_134 = tpu.memref_squeeze %dma_wait3A_133 : memref<1x2x80xi32, #tpu.memory_space<hbm>> -> memref<2x80xi32, #tpu.memory_space<hbm>>
      tpu.wait_dma2 semaphore(%arg16 : memref<!tpu.dma_semaphore, #tpu.memory_space<semaphore_mem>>) src(%dma_wait3A_134 : memref<2x80xi32, #tpu.memory_space<hbm>>) dst(%arg7 : memref<2x80xi32, #tpu.memory_space<vmem>>)
      %dma_start3A_135 = arith.constant 0 : i32
      %dma_start3A_136 = arith.constant 0 : i32
      %dma_start3A_137 = tpu.memref_slice %arg7[%dma_start3A_135, %dma_start3A_136] : memref<2x80xi32, #tpu.memory_space<vmem>> -> memref<1x80xi32, #tpu.memory_space<vmem>>
      %dma_start3A_138 = tpu.memref_squeeze %dma_start3A_137 : memref<1x80xi32, #tpu.memory_space<vmem>> -> memref<80xi32, #tpu.memory_space<vmem>>
      %dma_start3A_139 = arith.constant 0 : i32
      %dma_start3A_140 = arith.constant 0 : i32
      %dma_start3A_141 = tpu.memref_slice %arg2[%dma_start3A_139, %dma_start3A_140] : memref<10000x128xf32, #tpu.memory_space<hbm>> -> memref<10000x128xf32, #tpu.memory_space<hbm>>
      tpu.enqueue_indirect_dma source(%dma_start3A_141 : memref<10000x128xf32, #tpu.memory_space<hbm>>) target(%arg11 : memref<80x128xf32, #tpu.memory_space<vmem>>) offsets(%dma_start3A_138 : memref<80xi32, #tpu.memory_space<vmem>>) semaphore(%arg20 : memref<!tpu.dma_semaphore, #tpu.memory_space<semaphore_mem>>)
      %dma_wait3A_142 = arith.constant 0 : i32
      %dma_wait3A_143 = arith.constant 0 : i32
      %dma_wait3A_144 = tpu.memref_slice %arg7[%dma_wait3A_142, %dma_wait3A_143] : memref<2x80xi32, #tpu.memory_space<vmem>> -> memref<1x80xi32, #tpu.memory_space<vmem>>
      %dma_wait3A_145 = tpu.memref_squeeze %dma_wait3A_144 : memref<1x80xi32, #tpu.memory_space<vmem>> -> memref<80xi32, #tpu.memory_space<vmem>>
      %dma_wait3A_146 = arith.constant 0 : i32
      %dma_wait3A_147 = arith.constant 0 : i32
      %dma_wait3A_148 = tpu.memref_slice %arg2[%dma_wait3A_146, %dma_wait3A_147] : memref<10000x128xf32, #tpu.memory_space<hbm>> -> memref<10000x128xf32, #tpu.memory_space<hbm>>
      tpu.wait_indirect_dma semaphore(%arg20 : memref<!tpu.dma_semaphore, #tpu.memory_space<semaphore_mem>>) src(%dma_wait3A_148 : memref<10000x128xf32, #tpu.memory_space<hbm>>) dst(%arg11 : memref<80x128xf32, #tpu.memory_space<vmem>>)
      %dma_start3A_149 = arith.constant 1 : i32
      %dma_start3A_150 = arith.constant 0 : i32
      %dma_start3A_151 = tpu.memref_slice %arg7[%dma_start3A_149, %dma_start3A_150] : memref<2x80xi32, #tpu.memory_space<vmem>> -> memref<1x80xi32, #tpu.memory_space<vmem>>
      %dma_start3A_152 = tpu.memref_squeeze %dma_start3A_151 : memref<1x80xi32, #tpu.memory_space<vmem>> -> memref<80xi32, #tpu.memory_space<vmem>>
      %dma_start3A_153 = arith.constant 0 : i32
      %dma_start3A_154 = arith.constant 0 : i32
      %dma_start3A_155 = tpu.memref_slice %arg15[%dma_start3A_153, %dma_start3A_154] : memref<10112x128xf32, #tpu.memory_space<vmem_shared>> -> memref<10112x128xf32, #tpu.memory_space<vmem_shared>>
      tpu.enqueue_indirect_dma source(%arg11 : memref<80x128xf32, #tpu.memory_space<vmem>>) target(%dma_start3A_155 : memref<10112x128xf32, #tpu.memory_space<vmem_shared>>) offsets(%dma_start3A_152 : memref<80xi32, #tpu.memory_space<vmem>>) semaphore(%arg24 : memref<!tpu.dma_semaphore, #tpu.memory_space<semaphore_mem>>) {add = true}
      %dma_wait3A_156 = arith.constant 1 : i32
      %dma_wait3A_157 = arith.constant 0 : i32
      %dma_wait3A_158 = tpu.memref_slice %arg7[%dma_wait3A_156, %dma_wait3A_157] : memref<2x80xi32, #tpu.memory_space<vmem>> -> memref<1x80xi32, #tpu.memory_space<vmem>>
      %dma_wait3A_159 = tpu.memref_squeeze %dma_wait3A_158 : memref<1x80xi32, #tpu.memory_space<vmem>> -> memref<80xi32, #tpu.memory_space<vmem>>
      %dma_wait3A_160 = arith.constant 0 : i32
      %dma_wait3A_161 = arith.constant 0 : i32
      %dma_wait3A_162 = tpu.memref_slice %arg15[%dma_wait3A_160, %dma_wait3A_161] : memref<10112x128xf32, #tpu.memory_space<vmem_shared>> -> memref<10112x128xf32, #tpu.memory_space<vmem_shared>>
      tpu.wait_indirect_dma semaphore(%arg24 : memref<!tpu.dma_semaphore, #tpu.memory_space<semaphore_mem>>) src(%arg11 : memref<80x128xf32, #tpu.memory_space<vmem>>) dst(%dma_wait3A_162 : memref<10112x128xf32, #tpu.memory_space<vmem_shared>>)
      %add3A_163 = arith.constant 249 : i32
      %add3A_164 = arith.addi %mul3A_23, %add3A_163 : i32
      %dma_start3A_165 = arith.constant 0 : i32
      %dma_start3A_166 = arith.constant 0 : i32
      %dma_start3A_167 = tpu.memref_slice %arg4[%add3A_164, %dma_start3A_165, %dma_start3A_166] : memref<4000x2x80xi32, #tpu.memory_space<hbm>> -> memref<1x2x80xi32, #tpu.memory_space<hbm>>
      %dma_start3A_168 = tpu.memref_squeeze %dma_start3A_167 : memref<1x2x80xi32, #tpu.memory_space<hbm>> -> memref<2x80xi32, #tpu.memory_space<hbm>>
      %dma_start3A_169 = arith.constant 0 : i32
      %dma_start3A_170 = arith.constant 0 : i32
      %dma_start3A_171 = tpu.memref_slice %arg4[%add3A_164, %dma_start3A_169, %dma_start3A_170] : memref<4000x2x80xi32, #tpu.memory_space<hbm>> -> memref<1x2x80xi32, #tpu.memory_space<hbm>>
      %dma_start3A_172 = tpu.memref_squeeze %dma_start3A_171 : memref<1x2x80xi32, #tpu.memory_space<hbm>> -> memref<2x80xi32, #tpu.memory_space<hbm>>
      tpu.enqueue_dma source(%dma_start3A_172 : memref<2x80xi32, #tpu.memory_space<hbm>>) target(%arg7 : memref<2x80xi32, #tpu.memory_space<vmem>>) target_semaphore(%arg16 : memref<!tpu.dma_semaphore, #tpu.memory_space<semaphore_mem>>)
      %add3A_173 = arith.constant 249 : i32
      %add3A_174 = arith.addi %mul3A_23, %add3A_173 : i32
      %dma_wait3A_175 = arith.constant 0 : i32
      %dma_wait3A_176 = arith.constant 0 : i32
      %dma_wait3A_177 = tpu.memref_slice %arg4[%add3A_174, %dma_wait3A_175, %dma_wait3A_176] : memref<4000x2x80xi32, #tpu.memory_space<hbm>> -> memref<1x2x80xi32, #tpu.memory_space<hbm>>
      %dma_wait3A_178 = tpu.memref_squeeze %dma_wait3A_177 : memref<1x2x80xi32, #tpu.memory_space<hbm>> -> memref<2x80xi32, #tpu.memory_space<hbm>>
      %dma_wait3A_179 = arith.constant 0 : i32
      %dma_wait3A_180 = arith.constant 0 : i32
      %dma_wait3A_181 = tpu.memref_slice %arg4[%add3A_174, %dma_wait3A_179, %dma_wait3A_180] : memref<4000x2x80xi32, #tpu.memory_space<hbm>> -> memref<1x2x80xi32, #tpu.memory_space<hbm>>
      %dma_wait3A_182 = tpu.memref_squeeze %dma_wait3A_181 : memref<1x2x80xi32, #tpu.memory_space<hbm>> -> memref<2x80xi32, #tpu.memory_space<hbm>>
      tpu.wait_dma2 semaphore(%arg16 : memref<!tpu.dma_semaphore, #tpu.memory_space<semaphore_mem>>) src(%dma_wait3A_182 : memref<2x80xi32, #tpu.memory_space<hbm>>) dst(%arg7 : memref<2x80xi32, #tpu.memory_space<vmem>>)
      %dma_start3A_183 = arith.constant 0 : i32
      %dma_start3A_184 = arith.constant 0 : i32
      %dma_start3A_185 = tpu.memref_slice %arg7[%dma_start3A_183, %dma_start3A_184] : memref<2x80xi32, #tpu.memory_space<vmem>> -> memref<1x80xi32, #tpu.memory_space<vmem>>
      %dma_start3A_186 = tpu.memref_squeeze %dma_start3A_185 : memref<1x80xi32, #tpu.memory_space<vmem>> -> memref<80xi32, #tpu.memory_space<vmem>>
      %dma_start3A_187 = arith.constant 0 : i32
      %dma_start3A_188 = arith.constant 0 : i32
      %dma_start3A_189 = tpu.memref_slice %arg2[%dma_start3A_187, %dma_start3A_188] : memref<10000x128xf32, #tpu.memory_space<hbm>> -> memref<10000x128xf32, #tpu.memory_space<hbm>>
      tpu.enqueue_indirect_dma source(%dma_start3A_189 : memref<10000x128xf32, #tpu.memory_space<hbm>>) target(%arg11 : memref<80x128xf32, #tpu.memory_space<vmem>>) offsets(%dma_start3A_186 : memref<80xi32, #tpu.memory_space<vmem>>) semaphore(%arg20 : memref<!tpu.dma_semaphore, #tpu.memory_space<semaphore_mem>>)
      %dma_wait3A_190 = arith.constant 0 : i32
      %dma_wait3A_191 = arith.constant 0 : i32
      %dma_wait3A_192 = tpu.memref_slice %arg7[%dma_wait3A_190, %dma_wait3A_191] : memref<2x80xi32, #tpu.memory_space<vmem>> -> memref<1x80xi32, #tpu.memory_space<vmem>>
      %dma_wait3A_193 = tpu.memref_squeeze %dma_wait3A_192 : memref<1x80xi32, #tpu.memory_space<vmem>> -> memref<80xi32, #tpu.memory_space<vmem>>
      %dma_wait3A_194 = arith.constant 0 : i32
      %dma_wait3A_195 = arith.constant 0 : i32
      %dma_wait3A_196 = tpu.memref_slice %arg2[%dma_wait3A_194, %dma_wait3A_195] : memref<10000x128xf32, #tpu.memory_space<hbm>> -> memref<10000x128xf32, #tpu.memory_space<hbm>>
      tpu.wait_indirect_dma semaphore(%arg20 : memref<!tpu.dma_semaphore, #tpu.memory_space<semaphore_mem>>) src(%dma_wait3A_196 : memref<10000x128xf32, #tpu.memory_space<hbm>>) dst(%arg11 : memref<80x128xf32, #tpu.memory_space<vmem>>)
      %dma_start3A_197 = arith.constant 1 : i32
      %dma_start3A_198 = arith.constant 0 : i32
      %dma_start3A_199 = tpu.memref_slice %arg7[%dma_start3A_197, %dma_start3A_198] : memref<2x80xi32, #tpu.memory_space<vmem>> -> memref<1x80xi32, #tpu.memory_space<vmem>>
      %dma_start3A_200 = tpu.memref_squeeze %dma_start3A_199 : memref<1x80xi32, #tpu.memory_space<vmem>> -> memref<80xi32, #tpu.memory_space<vmem>>
      %dma_start3A_201 = arith.constant 0 : i32
      %dma_start3A_202 = arith.constant 0 : i32
      %dma_start3A_203 = tpu.memref_slice %arg15[%dma_start3A_201, %dma_start3A_202] : memref<10112x128xf32, #tpu.memory_space<vmem_shared>> -> memref<10112x128xf32, #tpu.memory_space<vmem_shared>>
      tpu.enqueue_indirect_dma source(%arg11 : memref<80x128xf32, #tpu.memory_space<vmem>>) target(%dma_start3A_203 : memref<10112x128xf32, #tpu.memory_space<vmem_shared>>) offsets(%dma_start3A_200 : memref<80xi32, #tpu.memory_space<vmem>>) semaphore(%arg24 : memref<!tpu.dma_semaphore, #tpu.memory_space<semaphore_mem>>) {add = true}
      %dma_wait3A_204 = arith.constant 1 : i32
      %dma_wait3A_205 = arith.constant 0 : i32
      %dma_wait3A_206 = tpu.memref_slice %arg7[%dma_wait3A_204, %dma_wait3A_205] : memref<2x80xi32, #tpu.memory_space<vmem>> -> memref<1x80xi32, #tpu.memory_space<vmem>>
      %dma_wait3A_207 = tpu.memref_squeeze %dma_wait3A_206 : memref<1x80xi32, #tpu.memory_space<vmem>> -> memref<80xi32, #tpu.memory_space<vmem>>
      %dma_wait3A_208 = arith.constant 0 : i32
      %dma_wait3A_209 = arith.constant 0 : i32
      %dma_wait3A_210 = tpu.memref_slice %arg15[%dma_wait3A_208, %dma_wait3A_209] : memref<10112x128xf32, #tpu.memory_space<vmem_shared>> -> memref<10112x128xf32, #tpu.memory_space<vmem_shared>>
      tpu.wait_indirect_dma semaphore(%arg24 : memref<!tpu.dma_semaphore, #tpu.memory_space<semaphore_mem>>) src(%arg11 : memref<80x128xf32, #tpu.memory_space<vmem>>) dst(%dma_wait3A_210 : memref<10112x128xf32, #tpu.memory_space<vmem_shared>>)
    } else {
    }
    %eq3A_26 = arith.constant 1 : i32
    %eq3A_27 = arith.cmpi eq, %arg0, %eq3A_26 : i32
    %convert_element_type3A_28 = arith.extui %eq3A_27 : i1 to i32
    %cond3A_29 = arith.constant 0 : i32
    %cond3A_30 = arith.cmpi ne, %convert_element_type3A_28, %cond3A_29 : i32
    scf.if %cond3A_30 {
      %add3A_42 = arith.constant 0 : i32
      %add3A_43 = arith.addi %mul3A_23, %add3A_42 : i32
      %dma_start3A = arith.constant 0 : i32
      %dma_start3A_44 = arith.constant 0 : i32
      %dma_start3A_45 = tpu.memref_slice %arg4[%add3A_43, %dma_start3A, %dma_start3A_44] : memref<4000x2x80xi32, #tpu.memory_space<hbm>> -> memref<1x2x80xi32, #tpu.memory_space<hbm>>
      %dma_start3A_46 = tpu.memref_squeeze %dma_start3A_45 : memref<1x2x80xi32, #tpu.memory_space<hbm>> -> memref<2x80xi32, #tpu.memory_space<hbm>>
      %dma_start3A_47 = arith.constant 0 : i32
      %dma_start3A_48 = arith.constant 0 : i32
      %dma_start3A_49 = tpu.memref_slice %arg4[%add3A_43, %dma_start3A_47, %dma_start3A_48] : memref<4000x2x80xi32, #tpu.memory_space<hbm>> -> memref<1x2x80xi32, #tpu.memory_space<hbm>>
      %dma_start3A_50 = tpu.memref_squeeze %dma_start3A_49 : memref<1x2x80xi32, #tpu.memory_space<hbm>> -> memref<2x80xi32, #tpu.memory_space<hbm>>
      tpu.enqueue_dma source(%dma_start3A_50 : memref<2x80xi32, #tpu.memory_space<hbm>>) target(%arg7 : memref<2x80xi32, #tpu.memory_space<vmem>>) target_semaphore(%arg16 : memref<!tpu.dma_semaphore, #tpu.memory_space<semaphore_mem>>)
      %add3A_51 = arith.constant 1 : i32
      %add3A_52 = arith.addi %mul3A_23, %add3A_51 : i32
      %dma_start3A_53 = arith.constant 0 : i32
      %dma_start3A_54 = arith.constant 0 : i32
      %dma_start3A_55 = tpu.memref_slice %arg4[%add3A_52, %dma_start3A_53, %dma_start3A_54] : memref<4000x2x80xi32, #tpu.memory_space<hbm>> -> memref<1x2x80xi32, #tpu.memory_space<hbm>>
      %dma_start3A_56 = tpu.memref_squeeze %dma_start3A_55 : memref<1x2x80xi32, #tpu.memory_space<hbm>> -> memref<2x80xi32, #tpu.memory_space<hbm>>
      %dma_start3A_57 = arith.constant 0 : i32
      %dma_start3A_58 = arith.constant 0 : i32
      %dma_start3A_59 = tpu.memref_slice %arg4[%add3A_52, %dma_start3A_57, %dma_start3A_58] : memref<4000x2x80xi32, #tpu.memory_space<hbm>> -> memref<1x2x80xi32, #tpu.memory_space<hbm>>
      %dma_start3A_60 = tpu.memref_squeeze %dma_start3A_59 : memref<1x2x80xi32, #tpu.memory_space<hbm>> -> memref<2x80xi32, #tpu.memory_space<hbm>>
      tpu.enqueue_dma source(%dma_start3A_60 : memref<2x80xi32, #tpu.memory_space<hbm>>) target(%arg8 : memref<2x80xi32, #tpu.memory_space<vmem>>) target_semaphore(%arg17 : memref<!tpu.dma_semaphore, #tpu.memory_space<semaphore_mem>>)
      %add3A_61 = arith.constant 2 : i32
      %add3A_62 = arith.addi %mul3A_23, %add3A_61 : i32
      %dma_start3A_63 = arith.constant 0 : i32
      %dma_start3A_64 = arith.constant 0 : i32
      %dma_start3A_65 = tpu.memref_slice %arg4[%add3A_62, %dma_start3A_63, %dma_start3A_64] : memref<4000x2x80xi32, #tpu.memory_space<hbm>> -> memref<1x2x80xi32, #tpu.memory_space<hbm>>
      %dma_start3A_66 = tpu.memref_squeeze %dma_start3A_65 : memref<1x2x80xi32, #tpu.memory_space<hbm>> -> memref<2x80xi32, #tpu.memory_space<hbm>>
      %dma_start3A_67 = arith.constant 0 : i32
      %dma_start3A_68 = arith.constant 0 : i32
      %dma_start3A_69 = tpu.memref_slice %arg4[%add3A_62, %dma_start3A_67, %dma_start3A_68] : memref<4000x2x80xi32, #tpu.memory_space<hbm>> -> memref<1x2x80xi32, #tpu.memory_space<hbm>>
      %dma_start3A_70 = tpu.memref_squeeze %dma_start3A_69 : memref<1x2x80xi32, #tpu.memory_space<hbm>> -> memref<2x80xi32, #tpu.memory_space<hbm>>
      tpu.enqueue_dma source(%dma_start3A_70 : memref<2x80xi32, #tpu.memory_space<hbm>>) target(%arg9 : memref<2x80xi32, #tpu.memory_space<vmem>>) target_semaphore(%arg18 : memref<!tpu.dma_semaphore, #tpu.memory_space<semaphore_mem>>)
      %add3A_71 = arith.constant 3 : i32
      %add3A_72 = arith.addi %mul3A_23, %add3A_71 : i32
      %dma_start3A_73 = arith.constant 0 : i32
      %dma_start3A_74 = arith.constant 0 : i32
      %dma_start3A_75 = tpu.memref_slice %arg4[%add3A_72, %dma_start3A_73, %dma_start3A_74] : memref<4000x2x80xi32, #tpu.memory_space<hbm>> -> memref<1x2x80xi32, #tpu.memory_space<hbm>>
      %dma_start3A_76 = tpu.memref_squeeze %dma_start3A_75 : memref<1x2x80xi32, #tpu.memory_space<hbm>> -> memref<2x80xi32, #tpu.memory_space<hbm>>
      %dma_start3A_77 = arith.constant 0 : i32
      %dma_start3A_78 = arith.constant 0 : i32
      %dma_start3A_79 = tpu.memref_slice %arg4[%add3A_72, %dma_start3A_77, %dma_start3A_78] : memref<4000x2x80xi32, #tpu.memory_space<hbm>> -> memref<1x2x80xi32, #tpu.memory_space<hbm>>
      %dma_start3A_80 = tpu.memref_squeeze %dma_start3A_79 : memref<1x2x80xi32, #tpu.memory_space<hbm>> -> memref<2x80xi32, #tpu.memory_space<hbm>>
      tpu.enqueue_dma source(%dma_start3A_80 : memref<2x80xi32, #tpu.memory_space<hbm>>) target(%arg10 : memref<2x80xi32, #tpu.memory_space<vmem>>) target_semaphore(%arg19 : memref<!tpu.dma_semaphore, #tpu.memory_space<semaphore_mem>>)
      %scan3A_81 = arith.constant 0 : i32
      %scan3A_82 = arith.constant 0 : i32
      %scan3A_83 = arith.constant 62 : i32
      %scan3A_84 = arith.addi %scan3A_82, %scan3A_83 : i32
      %scan3A_85 = arith.constant 1 : i32
      %scan3A_86 = scf.for %scan3A_211 = %scan3A_82 to %scan3A_84 step %scan3A_85 iter_args(%scan3A_212 = %scan3A_81) -> (i32)  : i32 {
        %mul3A_213 = arith.constant 4 : i32
        %mul3A_214 = arith.muli %mul3A_213, %scan3A_211 : i32
        %add3A_215 = arith.constant 0 : i32
        %add3A_216 = arith.addi %mul3A_214, %add3A_215 : i32
        %add3A_217 = arith.addi %mul3A_23, %add3A_216 : i32
        %dma_wait3A_218 = arith.constant 0 : i32
        %dma_wait3A_219 = arith.constant 0 : i32
        %dma_wait3A_220 = tpu.memref_slice %arg4[%add3A_217, %dma_wait3A_218, %dma_wait3A_219] : memref<4000x2x80xi32, #tpu.memory_space<hbm>> -> memref<1x2x80xi32, #tpu.memory_space<hbm>>
        %dma_wait3A_221 = tpu.memref_squeeze %dma_wait3A_220 : memref<1x2x80xi32, #tpu.memory_space<hbm>> -> memref<2x80xi32, #tpu.memory_space<hbm>>
        %dma_wait3A_222 = arith.constant 0 : i32
        %dma_wait3A_223 = arith.constant 0 : i32
        %dma_wait3A_224 = tpu.memref_slice %arg4[%add3A_217, %dma_wait3A_222, %dma_wait3A_223] : memref<4000x2x80xi32, #tpu.memory_space<hbm>> -> memref<1x2x80xi32, #tpu.memory_space<hbm>>
        %dma_wait3A_225 = tpu.memref_squeeze %dma_wait3A_224 : memref<1x2x80xi32, #tpu.memory_space<hbm>> -> memref<2x80xi32, #tpu.memory_space<hbm>>
        tpu.wait_dma2 semaphore(%arg16 : memref<!tpu.dma_semaphore, #tpu.memory_space<semaphore_mem>>) src(%dma_wait3A_225 : memref<2x80xi32, #tpu.memory_space<hbm>>) dst(%arg7 : memref<2x80xi32, #tpu.memory_space<vmem>>)
        %dma_start3A_226 = arith.constant 0 : i32
        %dma_start3A_227 = arith.constant 0 : i32
        %dma_start3A_228 = tpu.memref_slice %arg7[%dma_start3A_226, %dma_start3A_227] : memref<2x80xi32, #tpu.memory_space<vmem>> -> memref<1x80xi32, #tpu.memory_space<vmem>>
        %dma_start3A_229 = tpu.memref_squeeze %dma_start3A_228 : memref<1x80xi32, #tpu.memory_space<vmem>> -> memref<80xi32, #tpu.memory_space<vmem>>
        %dma_start3A_230 = arith.constant 0 : i32
        %dma_start3A_231 = arith.constant 0 : i32
        %dma_start3A_232 = tpu.memref_slice %arg3[%dma_start3A_230, %dma_start3A_231] : memref<10000x128xf32, #tpu.memory_space<hbm>> -> memref<10000x128xf32, #tpu.memory_space<hbm>>
        tpu.enqueue_indirect_dma source(%dma_start3A_232 : memref<10000x128xf32, #tpu.memory_space<hbm>>) target(%arg11 : memref<80x128xf32, #tpu.memory_space<vmem>>) offsets(%dma_start3A_229 : memref<80xi32, #tpu.memory_space<vmem>>) semaphore(%arg20 : memref<!tpu.dma_semaphore, #tpu.memory_space<semaphore_mem>>)
        %mul3A_233 = arith.constant 4 : i32
        %mul3A_234 = arith.muli %mul3A_233, %scan3A_211 : i32
        %add3A_235 = arith.constant 1 : i32
        %add3A_236 = arith.addi %mul3A_234, %add3A_235 : i32
        %add3A_237 = arith.addi %mul3A_23, %add3A_236 : i32
        %dma_wait3A_238 = arith.constant 0 : i32
        %dma_wait3A_239 = arith.constant 0 : i32
        %dma_wait3A_240 = tpu.memref_slice %arg4[%add3A_237, %dma_wait3A_238, %dma_wait3A_239] : memref<4000x2x80xi32, #tpu.memory_space<hbm>> -> memref<1x2x80xi32, #tpu.memory_space<hbm>>
        %dma_wait3A_241 = tpu.memref_squeeze %dma_wait3A_240 : memref<1x2x80xi32, #tpu.memory_space<hbm>> -> memref<2x80xi32, #tpu.memory_space<hbm>>
        %dma_wait3A_242 = arith.constant 0 : i32
        %dma_wait3A_243 = arith.constant 0 : i32
        %dma_wait3A_244 = tpu.memref_slice %arg4[%add3A_237, %dma_wait3A_242, %dma_wait3A_243] : memref<4000x2x80xi32, #tpu.memory_space<hbm>> -> memref<1x2x80xi32, #tpu.memory_space<hbm>>
        %dma_wait3A_245 = tpu.memref_squeeze %dma_wait3A_244 : memref<1x2x80xi32, #tpu.memory_space<hbm>> -> memref<2x80xi32, #tpu.memory_space<hbm>>
        tpu.wait_dma2 semaphore(%arg17 : memref<!tpu.dma_semaphore, #tpu.memory_space<semaphore_mem>>) src(%dma_wait3A_245 : memref<2x80xi32, #tpu.memory_space<hbm>>) dst(%arg8 : memref<2x80xi32, #tpu.memory_space<vmem>>)
        %dma_start3A_246 = arith.constant 0 : i32
        %dma_start3A_247 = arith.constant 0 : i32
        %dma_start3A_248 = tpu.memref_slice %arg8[%dma_start3A_246, %dma_start3A_247] : memref<2x80xi32, #tpu.memory_space<vmem>> -> memref<1x80xi32, #tpu.memory_space<vmem>>
        %dma_start3A_249 = tpu.memref_squeeze %dma_start3A_248 : memref<1x80xi32, #tpu.memory_space<vmem>> -> memref<80xi32, #tpu.memory_space<vmem>>
        %dma_start3A_250 = arith.constant 0 : i32
        %dma_start3A_251 = arith.constant 0 : i32
        %dma_start3A_252 = tpu.memref_slice %arg3[%dma_start3A_250, %dma_start3A_251] : memref<10000x128xf32, #tpu.memory_space<hbm>> -> memref<10000x128xf32, #tpu.memory_space<hbm>>
        tpu.enqueue_indirect_dma source(%dma_start3A_252 : memref<10000x128xf32, #tpu.memory_space<hbm>>) target(%arg12 : memref<80x128xf32, #tpu.memory_space<vmem>>) offsets(%dma_start3A_249 : memref<80xi32, #tpu.memory_space<vmem>>) semaphore(%arg21 : memref<!tpu.dma_semaphore, #tpu.memory_space<semaphore_mem>>)
        %mul3A_253 = arith.constant 4 : i32
        %mul3A_254 = arith.muli %mul3A_253, %scan3A_211 : i32
        %add3A_255 = arith.constant 2 : i32
        %add3A_256 = arith.addi %mul3A_254, %add3A_255 : i32
        %add3A_257 = arith.addi %mul3A_23, %add3A_256 : i32
        %dma_wait3A_258 = arith.constant 0 : i32
        %dma_wait3A_259 = arith.constant 0 : i32
        %dma_wait3A_260 = tpu.memref_slice %arg4[%add3A_257, %dma_wait3A_258, %dma_wait3A_259] : memref<4000x2x80xi32, #tpu.memory_space<hbm>> -> memref<1x2x80xi32, #tpu.memory_space<hbm>>
        %dma_wait3A_261 = tpu.memref_squeeze %dma_wait3A_260 : memref<1x2x80xi32, #tpu.memory_space<hbm>> -> memref<2x80xi32, #tpu.memory_space<hbm>>
        %dma_wait3A_262 = arith.constant 0 : i32
        %dma_wait3A_263 = arith.constant 0 : i32
        %dma_wait3A_264 = tpu.memref_slice %arg4[%add3A_257, %dma_wait3A_262, %dma_wait3A_263] : memref<4000x2x80xi32, #tpu.memory_space<hbm>> -> memref<1x2x80xi32, #tpu.memory_space<hbm>>
        %dma_wait3A_265 = tpu.memref_squeeze %dma_wait3A_264 : memref<1x2x80xi32, #tpu.memory_space<hbm>> -> memref<2x80xi32, #tpu.memory_space<hbm>>
        tpu.wait_dma2 semaphore(%arg18 : memref<!tpu.dma_semaphore, #tpu.memory_space<semaphore_mem>>) src(%dma_wait3A_265 : memref<2x80xi32, #tpu.memory_space<hbm>>) dst(%arg9 : memref<2x80xi32, #tpu.memory_space<vmem>>)
        %dma_start3A_266 = arith.constant 0 : i32
        %dma_start3A_267 = arith.constant 0 : i32
        %dma_start3A_268 = tpu.memref_slice %arg9[%dma_start3A_266, %dma_start3A_267] : memref<2x80xi32, #tpu.memory_space<vmem>> -> memref<1x80xi32, #tpu.memory_space<vmem>>
        %dma_start3A_269 = tpu.memref_squeeze %dma_start3A_268 : memref<1x80xi32, #tpu.memory_space<vmem>> -> memref<80xi32, #tpu.memory_space<vmem>>
        %dma_start3A_270 = arith.constant 0 : i32
        %dma_start3A_271 = arith.constant 0 : i32
        %dma_start3A_272 = tpu.memref_slice %arg3[%dma_start3A_270, %dma_start3A_271] : memref<10000x128xf32, #tpu.memory_space<hbm>> -> memref<10000x128xf32, #tpu.memory_space<hbm>>
        tpu.enqueue_indirect_dma source(%dma_start3A_272 : memref<10000x128xf32, #tpu.memory_space<hbm>>) target(%arg13 : memref<80x128xf32, #tpu.memory_space<vmem>>) offsets(%dma_start3A_269 : memref<80xi32, #tpu.memory_space<vmem>>) semaphore(%arg22 : memref<!tpu.dma_semaphore, #tpu.memory_space<semaphore_mem>>)
        %mul3A_273 = arith.constant 4 : i32
        %mul3A_274 = arith.muli %mul3A_273, %scan3A_211 : i32
        %add3A_275 = arith.constant 3 : i32
        %add3A_276 = arith.addi %mul3A_274, %add3A_275 : i32
        %add3A_277 = arith.addi %mul3A_23, %add3A_276 : i32
        %dma_wait3A_278 = arith.constant 0 : i32
        %dma_wait3A_279 = arith.constant 0 : i32
        %dma_wait3A_280 = tpu.memref_slice %arg4[%add3A_277, %dma_wait3A_278, %dma_wait3A_279] : memref<4000x2x80xi32, #tpu.memory_space<hbm>> -> memref<1x2x80xi32, #tpu.memory_space<hbm>>
        %dma_wait3A_281 = tpu.memref_squeeze %dma_wait3A_280 : memref<1x2x80xi32, #tpu.memory_space<hbm>> -> memref<2x80xi32, #tpu.memory_space<hbm>>
        %dma_wait3A_282 = arith.constant 0 : i32
        %dma_wait3A_283 = arith.constant 0 : i32
        %dma_wait3A_284 = tpu.memref_slice %arg4[%add3A_277, %dma_wait3A_282, %dma_wait3A_283] : memref<4000x2x80xi32, #tpu.memory_space<hbm>> -> memref<1x2x80xi32, #tpu.memory_space<hbm>>
        %dma_wait3A_285 = tpu.memref_squeeze %dma_wait3A_284 : memref<1x2x80xi32, #tpu.memory_space<hbm>> -> memref<2x80xi32, #tpu.memory_space<hbm>>
        tpu.wait_dma2 semaphore(%arg19 : memref<!tpu.dma_semaphore, #tpu.memory_space<semaphore_mem>>) src(%dma_wait3A_285 : memref<2x80xi32, #tpu.memory_space<hbm>>) dst(%arg10 : memref<2x80xi32, #tpu.memory_space<vmem>>)
        %dma_start3A_286 = arith.constant 0 : i32
        %dma_start3A_287 = arith.constant 0 : i32
        %dma_start3A_288 = tpu.memref_slice %arg10[%dma_start3A_286, %dma_start3A_287] : memref<2x80xi32, #tpu.memory_space<vmem>> -> memref<1x80xi32, #tpu.memory_space<vmem>>
        %dma_start3A_289 = tpu.memref_squeeze %dma_start3A_288 : memref<1x80xi32, #tpu.memory_space<vmem>> -> memref<80xi32, #tpu.memory_space<vmem>>
        %dma_start3A_290 = arith.constant 0 : i32
        %dma_start3A_291 = arith.constant 0 : i32
        %dma_start3A_292 = tpu.memref_slice %arg3[%dma_start3A_290, %dma_start3A_291] : memref<10000x128xf32, #tpu.memory_space<hbm>> -> memref<10000x128xf32, #tpu.memory_space<hbm>>
        tpu.enqueue_indirect_dma source(%dma_start3A_292 : memref<10000x128xf32, #tpu.memory_space<hbm>>) target(%arg14 : memref<80x128xf32, #tpu.memory_space<vmem>>) offsets(%dma_start3A_289 : memref<80xi32, #tpu.memory_space<vmem>>) semaphore(%arg23 : memref<!tpu.dma_semaphore, #tpu.memory_space<semaphore_mem>>)
        %dma_wait3A_293 = arith.constant 0 : i32
        %dma_wait3A_294 = arith.constant 0 : i32
        %dma_wait3A_295 = tpu.memref_slice %arg7[%dma_wait3A_293, %dma_wait3A_294] : memref<2x80xi32, #tpu.memory_space<vmem>> -> memref<1x80xi32, #tpu.memory_space<vmem>>
        %dma_wait3A_296 = tpu.memref_squeeze %dma_wait3A_295 : memref<1x80xi32, #tpu.memory_space<vmem>> -> memref<80xi32, #tpu.memory_space<vmem>>
        %dma_wait3A_297 = arith.constant 0 : i32
        %dma_wait3A_298 = arith.constant 0 : i32
        %dma_wait3A_299 = tpu.memref_slice %arg3[%dma_wait3A_297, %dma_wait3A_298] : memref<10000x128xf32, #tpu.memory_space<hbm>> -> memref<10000x128xf32, #tpu.memory_space<hbm>>
        tpu.wait_indirect_dma semaphore(%arg20 : memref<!tpu.dma_semaphore, #tpu.memory_space<semaphore_mem>>) src(%dma_wait3A_299 : memref<10000x128xf32, #tpu.memory_space<hbm>>) dst(%arg11 : memref<80x128xf32, #tpu.memory_space<vmem>>)
        %dma_start3A_300 = arith.constant 1 : i32
        %dma_start3A_301 = arith.constant 0 : i32
        %dma_start3A_302 = tpu.memref_slice %arg7[%dma_start3A_300, %dma_start3A_301] : memref<2x80xi32, #tpu.memory_space<vmem>> -> memref<1x80xi32, #tpu.memory_space<vmem>>
        %dma_start3A_303 = tpu.memref_squeeze %dma_start3A_302 : memref<1x80xi32, #tpu.memory_space<vmem>> -> memref<80xi32, #tpu.memory_space<vmem>>
        %dma_start3A_304 = arith.constant 0 : i32
        %dma_start3A_305 = arith.constant 0 : i32
        %dma_start3A_306 = tpu.memref_slice %arg15[%dma_start3A_304, %dma_start3A_305] : memref<10112x128xf32, #tpu.memory_space<vmem_shared>> -> memref<10112x128xf32, #tpu.memory_space<vmem_shared>>
        tpu.enqueue_indirect_dma source(%arg11 : memref<80x128xf32, #tpu.memory_space<vmem>>) target(%dma_start3A_306 : memref<10112x128xf32, #tpu.memory_space<vmem_shared>>) offsets(%dma_start3A_303 : memref<80xi32, #tpu.memory_space<vmem>>) semaphore(%arg24 : memref<!tpu.dma_semaphore, #tpu.memory_space<semaphore_mem>>) {add = true}
        %dma_wait3A_307 = arith.constant 0 : i32
        %dma_wait3A_308 = arith.constant 0 : i32
        %dma_wait3A_309 = tpu.memref_slice %arg8[%dma_wait3A_307, %dma_wait3A_308] : memref<2x80xi32, #tpu.memory_space<vmem>> -> memref<1x80xi32, #tpu.memory_space<vmem>>
        %dma_wait3A_310 = tpu.memref_squeeze %dma_wait3A_309 : memref<1x80xi32, #tpu.memory_space<vmem>> -> memref<80xi32, #tpu.memory_space<vmem>>
        %dma_wait3A_311 = arith.constant 0 : i32
        %dma_wait3A_312 = arith.constant 0 : i32
        %dma_wait3A_313 = tpu.memref_slice %arg3[%dma_wait3A_311, %dma_wait3A_312] : memref<10000x128xf32, #tpu.memory_space<hbm>> -> memref<10000x128xf32, #tpu.memory_space<hbm>>
        tpu.wait_indirect_dma semaphore(%arg21 : memref<!tpu.dma_semaphore, #tpu.memory_space<semaphore_mem>>) src(%dma_wait3A_313 : memref<10000x128xf32, #tpu.memory_space<hbm>>) dst(%arg12 : memref<80x128xf32, #tpu.memory_space<vmem>>)
        %dma_start3A_314 = arith.constant 1 : i32
        %dma_start3A_315 = arith.constant 0 : i32
        %dma_start3A_316 = tpu.memref_slice %arg8[%dma_start3A_314, %dma_start3A_315] : memref<2x80xi32, #tpu.memory_space<vmem>> -> memref<1x80xi32, #tpu.memory_space<vmem>>
        %dma_start3A_317 = tpu.memref_squeeze %dma_start3A_316 : memref<1x80xi32, #tpu.memory_space<vmem>> -> memref<80xi32, #tpu.memory_space<vmem>>
        %dma_start3A_318 = arith.constant 0 : i32
        %dma_start3A_319 = arith.constant 0 : i32
        %dma_start3A_320 = tpu.memref_slice %arg15[%dma_start3A_318, %dma_start3A_319] : memref<10112x128xf32, #tpu.memory_space<vmem_shared>> -> memref<10112x128xf32, #tpu.memory_space<vmem_shared>>
        tpu.enqueue_indirect_dma source(%arg12 : memref<80x128xf32, #tpu.memory_space<vmem>>) target(%dma_start3A_320 : memref<10112x128xf32, #tpu.memory_space<vmem_shared>>) offsets(%dma_start3A_317 : memref<80xi32, #tpu.memory_space<vmem>>) semaphore(%arg25 : memref<!tpu.dma_semaphore, #tpu.memory_space<semaphore_mem>>) {add = true}
        %dma_wait3A_321 = arith.constant 0 : i32
        %dma_wait3A_322 = arith.constant 0 : i32
        %dma_wait3A_323 = tpu.memref_slice %arg9[%dma_wait3A_321, %dma_wait3A_322] : memref<2x80xi32, #tpu.memory_space<vmem>> -> memref<1x80xi32, #tpu.memory_space<vmem>>
        %dma_wait3A_324 = tpu.memref_squeeze %dma_wait3A_323 : memref<1x80xi32, #tpu.memory_space<vmem>> -> memref<80xi32, #tpu.memory_space<vmem>>
        %dma_wait3A_325 = arith.constant 0 : i32
        %dma_wait3A_326 = arith.constant 0 : i32
        %dma_wait3A_327 = tpu.memref_slice %arg3[%dma_wait3A_325, %dma_wait3A_326] : memref<10000x128xf32, #tpu.memory_space<hbm>> -> memref<10000x128xf32, #tpu.memory_space<hbm>>
        tpu.wait_indirect_dma semaphore(%arg22 : memref<!tpu.dma_semaphore, #tpu.memory_space<semaphore_mem>>) src(%dma_wait3A_327 : memref<10000x128xf32, #tpu.memory_space<hbm>>) dst(%arg13 : memref<80x128xf32, #tpu.memory_space<vmem>>)
        %dma_start3A_328 = arith.constant 1 : i32
        %dma_start3A_329 = arith.constant 0 : i32
        %dma_start3A_330 = tpu.memref_slice %arg9[%dma_start3A_328, %dma_start3A_329] : memref<2x80xi32, #tpu.memory_space<vmem>> -> memref<1x80xi32, #tpu.memory_space<vmem>>
        %dma_start3A_331 = tpu.memref_squeeze %dma_start3A_330 : memref<1x80xi32, #tpu.memory_space<vmem>> -> memref<80xi32, #tpu.memory_space<vmem>>
        %dma_start3A_332 = arith.constant 0 : i32
        %dma_start3A_333 = arith.constant 0 : i32
        %dma_start3A_334 = tpu.memref_slice %arg15[%dma_start3A_332, %dma_start3A_333] : memref<10112x128xf32, #tpu.memory_space<vmem_shared>> -> memref<10112x128xf32, #tpu.memory_space<vmem_shared>>
        tpu.enqueue_indirect_dma source(%arg13 : memref<80x128xf32, #tpu.memory_space<vmem>>) target(%dma_start3A_334 : memref<10112x128xf32, #tpu.memory_space<vmem_shared>>) offsets(%dma_start3A_331 : memref<80xi32, #tpu.memory_space<vmem>>) semaphore(%arg26 : memref<!tpu.dma_semaphore, #tpu.memory_space<semaphore_mem>>) {add = true}
        %dma_wait3A_335 = arith.constant 0 : i32
        %dma_wait3A_336 = arith.constant 0 : i32
        %dma_wait3A_337 = tpu.memref_slice %arg10[%dma_wait3A_335, %dma_wait3A_336] : memref<2x80xi32, #tpu.memory_space<vmem>> -> memref<1x80xi32, #tpu.memory_space<vmem>>
        %dma_wait3A_338 = tpu.memref_squeeze %dma_wait3A_337 : memref<1x80xi32, #tpu.memory_space<vmem>> -> memref<80xi32, #tpu.memory_space<vmem>>
        %dma_wait3A_339 = arith.constant 0 : i32
        %dma_wait3A_340 = arith.constant 0 : i32
        %dma_wait3A_341 = tpu.memref_slice %arg3[%dma_wait3A_339, %dma_wait3A_340] : memref<10000x128xf32, #tpu.memory_space<hbm>> -> memref<10000x128xf32, #tpu.memory_space<hbm>>
        tpu.wait_indirect_dma semaphore(%arg23 : memref<!tpu.dma_semaphore, #tpu.memory_space<semaphore_mem>>) src(%dma_wait3A_341 : memref<10000x128xf32, #tpu.memory_space<hbm>>) dst(%arg14 : memref<80x128xf32, #tpu.memory_space<vmem>>)
        %dma_start3A_342 = arith.constant 1 : i32
        %dma_start3A_343 = arith.constant 0 : i32
        %dma_start3A_344 = tpu.memref_slice %arg10[%dma_start3A_342, %dma_start3A_343] : memref<2x80xi32, #tpu.memory_space<vmem>> -> memref<1x80xi32, #tpu.memory_space<vmem>>
        %dma_start3A_345 = tpu.memref_squeeze %dma_start3A_344 : memref<1x80xi32, #tpu.memory_space<vmem>> -> memref<80xi32, #tpu.memory_space<vmem>>
        %dma_start3A_346 = arith.constant 0 : i32
        %dma_start3A_347 = arith.constant 0 : i32
        %dma_start3A_348 = tpu.memref_slice %arg15[%dma_start3A_346, %dma_start3A_347] : memref<10112x128xf32, #tpu.memory_space<vmem_shared>> -> memref<10112x128xf32, #tpu.memory_space<vmem_shared>>
        tpu.enqueue_indirect_dma source(%arg14 : memref<80x128xf32, #tpu.memory_space<vmem>>) target(%dma_start3A_348 : memref<10112x128xf32, #tpu.memory_space<vmem_shared>>) offsets(%dma_start3A_345 : memref<80xi32, #tpu.memory_space<vmem>>) semaphore(%arg27 : memref<!tpu.dma_semaphore, #tpu.memory_space<semaphore_mem>>) {add = true}
        %add3A_349 = arith.constant 1 : i32
        %add3A_350 = arith.addi %scan3A_211, %add3A_349 : i32
        %lt3A = arith.constant 62 : i32
        %lt3A_351 = arith.cmpi slt, %add3A_350, %lt3A : i32
        %convert_element_type3A_352 = arith.extui %lt3A_351 : i1 to i32
        %cond3A_353 = arith.constant 0 : i32
        %cond3A_354 = arith.cmpi ne, %convert_element_type3A_352, %cond3A_353 : i32
        scf.if %cond3A_354 {
          %dma_wait3A_356 = arith.constant 1 : i32
          %dma_wait3A_357 = arith.constant 0 : i32
          %dma_wait3A_358 = tpu.memref_slice %arg7[%dma_wait3A_356, %dma_wait3A_357] : memref<2x80xi32, #tpu.memory_space<vmem>> -> memref<1x80xi32, #tpu.memory_space<vmem>>
          %dma_wait3A_359 = tpu.memref_squeeze %dma_wait3A_358 : memref<1x80xi32, #tpu.memory_space<vmem>> -> memref<80xi32, #tpu.memory_space<vmem>>
          %dma_wait3A_360 = arith.constant 0 : i32
          %dma_wait3A_361 = arith.constant 0 : i32
          %dma_wait3A_362 = tpu.memref_slice %arg15[%dma_wait3A_360, %dma_wait3A_361] : memref<10112x128xf32, #tpu.memory_space<vmem_shared>> -> memref<10112x128xf32, #tpu.memory_space<vmem_shared>>
          tpu.wait_indirect_dma semaphore(%arg24 : memref<!tpu.dma_semaphore, #tpu.memory_space<semaphore_mem>>) src(%arg11 : memref<80x128xf32, #tpu.memory_space<vmem>>) dst(%dma_wait3A_362 : memref<10112x128xf32, #tpu.memory_space<vmem_shared>>)
          %add3A_363 = arith.constant 1 : i32
          %add3A_364 = arith.addi %scan3A_211, %add3A_363 : i32
          %mul3A_365 = arith.constant 4 : i32
          %mul3A_366 = arith.muli %mul3A_365, %add3A_364 : i32
          %add3A_367 = arith.constant 0 : i32
          %add3A_368 = arith.addi %mul3A_366, %add3A_367 : i32
          %add3A_369 = arith.addi %mul3A_23, %add3A_368 : i32
          %dma_start3A_370 = arith.constant 0 : i32
          %dma_start3A_371 = arith.constant 0 : i32
          %dma_start3A_372 = tpu.memref_slice %arg4[%add3A_369, %dma_start3A_370, %dma_start3A_371] : memref<4000x2x80xi32, #tpu.memory_space<hbm>> -> memref<1x2x80xi32, #tpu.memory_space<hbm>>
          %dma_start3A_373 = tpu.memref_squeeze %dma_start3A_372 : memref<1x2x80xi32, #tpu.memory_space<hbm>> -> memref<2x80xi32, #tpu.memory_space<hbm>>
          %dma_start3A_374 = arith.constant 0 : i32
          %dma_start3A_375 = arith.constant 0 : i32
          %dma_start3A_376 = tpu.memref_slice %arg4[%add3A_369, %dma_start3A_374, %dma_start3A_375] : memref<4000x2x80xi32, #tpu.memory_space<hbm>> -> memref<1x2x80xi32, #tpu.memory_space<hbm>>
          %dma_start3A_377 = tpu.memref_squeeze %dma_start3A_376 : memref<1x2x80xi32, #tpu.memory_space<hbm>> -> memref<2x80xi32, #tpu.memory_space<hbm>>
          tpu.enqueue_dma source(%dma_start3A_377 : memref<2x80xi32, #tpu.memory_space<hbm>>) target(%arg7 : memref<2x80xi32, #tpu.memory_space<vmem>>) target_semaphore(%arg16 : memref<!tpu.dma_semaphore, #tpu.memory_space<semaphore_mem>>)
          %dma_wait3A_378 = arith.constant 1 : i32
          %dma_wait3A_379 = arith.constant 0 : i32
          %dma_wait3A_380 = tpu.memref_slice %arg8[%dma_wait3A_378, %dma_wait3A_379] : memref<2x80xi32, #tpu.memory_space<vmem>> -> memref<1x80xi32, #tpu.memory_space<vmem>>
          %dma_wait3A_381 = tpu.memref_squeeze %dma_wait3A_380 : memref<1x80xi32, #tpu.memory_space<vmem>> -> memref<80xi32, #tpu.memory_space<vmem>>
          %dma_wait3A_382 = arith.constant 0 : i32
          %dma_wait3A_383 = arith.constant 0 : i32
          %dma_wait3A_384 = tpu.memref_slice %arg15[%dma_wait3A_382, %dma_wait3A_383] : memref<10112x128xf32, #tpu.memory_space<vmem_shared>> -> memref<10112x128xf32, #tpu.memory_space<vmem_shared>>
          tpu.wait_indirect_dma semaphore(%arg25 : memref<!tpu.dma_semaphore, #tpu.memory_space<semaphore_mem>>) src(%arg12 : memref<80x128xf32, #tpu.memory_space<vmem>>) dst(%dma_wait3A_384 : memref<10112x128xf32, #tpu.memory_space<vmem_shared>>)
          %add3A_385 = arith.constant 1 : i32
          %add3A_386 = arith.addi %scan3A_211, %add3A_385 : i32
          %mul3A_387 = arith.constant 4 : i32
          %mul3A_388 = arith.muli %mul3A_387, %add3A_386 : i32
          %add3A_389 = arith.constant 1 : i32
          %add3A_390 = arith.addi %mul3A_388, %add3A_389 : i32
          %add3A_391 = arith.addi %mul3A_23, %add3A_390 : i32
          %dma_start3A_392 = arith.constant 0 : i32
          %dma_start3A_393 = arith.constant 0 : i32
          %dma_start3A_394 = tpu.memref_slice %arg4[%add3A_391, %dma_start3A_392, %dma_start3A_393] : memref<4000x2x80xi32, #tpu.memory_space<hbm>> -> memref<1x2x80xi32, #tpu.memory_space<hbm>>
          %dma_start3A_395 = tpu.memref_squeeze %dma_start3A_394 : memref<1x2x80xi32, #tpu.memory_space<hbm>> -> memref<2x80xi32, #tpu.memory_space<hbm>>
          %dma_start3A_396 = arith.constant 0 : i32
          %dma_start3A_397 = arith.constant 0 : i32
          %dma_start3A_398 = tpu.memref_slice %arg4[%add3A_391, %dma_start3A_396, %dma_start3A_397] : memref<4000x2x80xi32, #tpu.memory_space<hbm>> -> memref<1x2x80xi32, #tpu.memory_space<hbm>>
          %dma_start3A_399 = tpu.memref_squeeze %dma_start3A_398 : memref<1x2x80xi32, #tpu.memory_space<hbm>> -> memref<2x80xi32, #tpu.memory_space<hbm>>
          tpu.enqueue_dma source(%dma_start3A_399 : memref<2x80xi32, #tpu.memory_space<hbm>>) target(%arg8 : memref<2x80xi32, #tpu.memory_space<vmem>>) target_semaphore(%arg17 : memref<!tpu.dma_semaphore, #tpu.memory_space<semaphore_mem>>)
          %dma_wait3A_400 = arith.constant 1 : i32
          %dma_wait3A_401 = arith.constant 0 : i32
          %dma_wait3A_402 = tpu.memref_slice %arg9[%dma_wait3A_400, %dma_wait3A_401] : memref<2x80xi32, #tpu.memory_space<vmem>> -> memref<1x80xi32, #tpu.memory_space<vmem>>
          %dma_wait3A_403 = tpu.memref_squeeze %dma_wait3A_402 : memref<1x80xi32, #tpu.memory_space<vmem>> -> memref<80xi32, #tpu.memory_space<vmem>>
          %dma_wait3A_404 = arith.constant 0 : i32
          %dma_wait3A_405 = arith.constant 0 : i32
          %dma_wait3A_406 = tpu.memref_slice %arg15[%dma_wait3A_404, %dma_wait3A_405] : memref<10112x128xf32, #tpu.memory_space<vmem_shared>> -> memref<10112x128xf32, #tpu.memory_space<vmem_shared>>
          tpu.wait_indirect_dma semaphore(%arg26 : memref<!tpu.dma_semaphore, #tpu.memory_space<semaphore_mem>>) src(%arg13 : memref<80x128xf32, #tpu.memory_space<vmem>>) dst(%dma_wait3A_406 : memref<10112x128xf32, #tpu.memory_space<vmem_shared>>)
          %add3A_407 = arith.constant 1 : i32
          %add3A_408 = arith.addi %scan3A_211, %add3A_407 : i32
          %mul3A_409 = arith.constant 4 : i32
          %mul3A_410 = arith.muli %mul3A_409, %add3A_408 : i32
          %add3A_411 = arith.constant 2 : i32
          %add3A_412 = arith.addi %mul3A_410, %add3A_411 : i32
          %add3A_413 = arith.addi %mul3A_23, %add3A_412 : i32
          %dma_start3A_414 = arith.constant 0 : i32
          %dma_start3A_415 = arith.constant 0 : i32
          %dma_start3A_416 = tpu.memref_slice %arg4[%add3A_413, %dma_start3A_414, %dma_start3A_415] : memref<4000x2x80xi32, #tpu.memory_space<hbm>> -> memref<1x2x80xi32, #tpu.memory_space<hbm>>
          %dma_start3A_417 = tpu.memref_squeeze %dma_start3A_416 : memref<1x2x80xi32, #tpu.memory_space<hbm>> -> memref<2x80xi32, #tpu.memory_space<hbm>>
          %dma_start3A_418 = arith.constant 0 : i32
          %dma_start3A_419 = arith.constant 0 : i32
          %dma_start3A_420 = tpu.memref_slice %arg4[%add3A_413, %dma_start3A_418, %dma_start3A_419] : memref<4000x2x80xi32, #tpu.memory_space<hbm>> -> memref<1x2x80xi32, #tpu.memory_space<hbm>>
          %dma_start3A_421 = tpu.memref_squeeze %dma_start3A_420 : memref<1x2x80xi32, #tpu.memory_space<hbm>> -> memref<2x80xi32, #tpu.memory_space<hbm>>
          tpu.enqueue_dma source(%dma_start3A_421 : memref<2x80xi32, #tpu.memory_space<hbm>>) target(%arg9 : memref<2x80xi32, #tpu.memory_space<vmem>>) target_semaphore(%arg18 : memref<!tpu.dma_semaphore, #tpu.memory_space<semaphore_mem>>)
          %dma_wait3A_422 = arith.constant 1 : i32
          %dma_wait3A_423 = arith.constant 0 : i32
          %dma_wait3A_424 = tpu.memref_slice %arg10[%dma_wait3A_422, %dma_wait3A_423] : memref<2x80xi32, #tpu.memory_space<vmem>> -> memref<1x80xi32, #tpu.memory_space<vmem>>
          %dma_wait3A_425 = tpu.memref_squeeze %dma_wait3A_424 : memref<1x80xi32, #tpu.memory_space<vmem>> -> memref<80xi32, #tpu.memory_space<vmem>>
          %dma_wait3A_426 = arith.constant 0 : i32
          %dma_wait3A_427 = arith.constant 0 : i32
          %dma_wait3A_428 = tpu.memref_slice %arg15[%dma_wait3A_426, %dma_wait3A_427] : memref<10112x128xf32, #tpu.memory_space<vmem_shared>> -> memref<10112x128xf32, #tpu.memory_space<vmem_shared>>
          tpu.wait_indirect_dma semaphore(%arg27 : memref<!tpu.dma_semaphore, #tpu.memory_space<semaphore_mem>>) src(%arg14 : memref<80x128xf32, #tpu.memory_space<vmem>>) dst(%dma_wait3A_428 : memref<10112x128xf32, #tpu.memory_space<vmem_shared>>)
          %add3A_429 = arith.constant 1 : i32
          %add3A_430 = arith.addi %scan3A_211, %add3A_429 : i32
          %mul3A_431 = arith.constant 4 : i32
          %mul3A_432 = arith.muli %mul3A_431, %add3A_430 : i32
          %add3A_433 = arith.constant 3 : i32
          %add3A_434 = arith.addi %mul3A_432, %add3A_433 : i32
          %add3A_435 = arith.addi %mul3A_23, %add3A_434 : i32
          %dma_start3A_436 = arith.constant 0 : i32
          %dma_start3A_437 = arith.constant 0 : i32
          %dma_start3A_438 = tpu.memref_slice %arg4[%add3A_435, %dma_start3A_436, %dma_start3A_437] : memref<4000x2x80xi32, #tpu.memory_space<hbm>> -> memref<1x2x80xi32, #tpu.memory_space<hbm>>
          %dma_start3A_439 = tpu.memref_squeeze %dma_start3A_438 : memref<1x2x80xi32, #tpu.memory_space<hbm>> -> memref<2x80xi32, #tpu.memory_space<hbm>>
          %dma_start3A_440 = arith.constant 0 : i32
          %dma_start3A_441 = arith.constant 0 : i32
          %dma_start3A_442 = tpu.memref_slice %arg4[%add3A_435, %dma_start3A_440, %dma_start3A_441] : memref<4000x2x80xi32, #tpu.memory_space<hbm>> -> memref<1x2x80xi32, #tpu.memory_space<hbm>>
          %dma_start3A_443 = tpu.memref_squeeze %dma_start3A_442 : memref<1x2x80xi32, #tpu.memory_space<hbm>> -> memref<2x80xi32, #tpu.memory_space<hbm>>
          tpu.enqueue_dma source(%dma_start3A_443 : memref<2x80xi32, #tpu.memory_space<hbm>>) target(%arg10 : memref<2x80xi32, #tpu.memory_space<vmem>>) target_semaphore(%arg19 : memref<!tpu.dma_semaphore, #tpu.memory_space<semaphore_mem>>)
        } else {
        }
        %scan3A_355 = arith.constant 0 : i32
        scf.yield %scan3A_355 : i32
      }
      %scan3A_87 = arith.constant 62 : i32
      %dma_wait3A = arith.constant 1 : i32
      %dma_wait3A_88 = arith.constant 0 : i32
      %dma_wait3A_89 = tpu.memref_slice %arg7[%dma_wait3A, %dma_wait3A_88] : memref<2x80xi32, #tpu.memory_space<vmem>> -> memref<1x80xi32, #tpu.memory_space<vmem>>
      %dma_wait3A_90 = tpu.memref_squeeze %dma_wait3A_89 : memref<1x80xi32, #tpu.memory_space<vmem>> -> memref<80xi32, #tpu.memory_space<vmem>>
      %dma_wait3A_91 = arith.constant 0 : i32
      %dma_wait3A_92 = arith.constant 0 : i32
      %dma_wait3A_93 = tpu.memref_slice %arg15[%dma_wait3A_91, %dma_wait3A_92] : memref<10112x128xf32, #tpu.memory_space<vmem_shared>> -> memref<10112x128xf32, #tpu.memory_space<vmem_shared>>
      tpu.wait_indirect_dma semaphore(%arg24 : memref<!tpu.dma_semaphore, #tpu.memory_space<semaphore_mem>>) src(%arg11 : memref<80x128xf32, #tpu.memory_space<vmem>>) dst(%dma_wait3A_93 : memref<10112x128xf32, #tpu.memory_space<vmem_shared>>)
      %dma_wait3A_94 = arith.constant 1 : i32
      %dma_wait3A_95 = arith.constant 0 : i32
      %dma_wait3A_96 = tpu.memref_slice %arg8[%dma_wait3A_94, %dma_wait3A_95] : memref<2x80xi32, #tpu.memory_space<vmem>> -> memref<1x80xi32, #tpu.memory_space<vmem>>
      %dma_wait3A_97 = tpu.memref_squeeze %dma_wait3A_96 : memref<1x80xi32, #tpu.memory_space<vmem>> -> memref<80xi32, #tpu.memory_space<vmem>>
      %dma_wait3A_98 = arith.constant 0 : i32
      %dma_wait3A_99 = arith.constant 0 : i32
      %dma_wait3A_100 = tpu.memref_slice %arg15[%dma_wait3A_98, %dma_wait3A_99] : memref<10112x128xf32, #tpu.memory_space<vmem_shared>> -> memref<10112x128xf32, #tpu.memory_space<vmem_shared>>
      tpu.wait_indirect_dma semaphore(%arg25 : memref<!tpu.dma_semaphore, #tpu.memory_space<semaphore_mem>>) src(%arg12 : memref<80x128xf32, #tpu.memory_space<vmem>>) dst(%dma_wait3A_100 : memref<10112x128xf32, #tpu.memory_space<vmem_shared>>)
      %dma_wait3A_101 = arith.constant 1 : i32
      %dma_wait3A_102 = arith.constant 0 : i32
      %dma_wait3A_103 = tpu.memref_slice %arg9[%dma_wait3A_101, %dma_wait3A_102] : memref<2x80xi32, #tpu.memory_space<vmem>> -> memref<1x80xi32, #tpu.memory_space<vmem>>
      %dma_wait3A_104 = tpu.memref_squeeze %dma_wait3A_103 : memref<1x80xi32, #tpu.memory_space<vmem>> -> memref<80xi32, #tpu.memory_space<vmem>>
      %dma_wait3A_105 = arith.constant 0 : i32
      %dma_wait3A_106 = arith.constant 0 : i32
      %dma_wait3A_107 = tpu.memref_slice %arg15[%dma_wait3A_105, %dma_wait3A_106] : memref<10112x128xf32, #tpu.memory_space<vmem_shared>> -> memref<10112x128xf32, #tpu.memory_space<vmem_shared>>
      tpu.wait_indirect_dma semaphore(%arg26 : memref<!tpu.dma_semaphore, #tpu.memory_space<semaphore_mem>>) src(%arg13 : memref<80x128xf32, #tpu.memory_space<vmem>>) dst(%dma_wait3A_107 : memref<10112x128xf32, #tpu.memory_space<vmem_shared>>)
      %dma_wait3A_108 = arith.constant 1 : i32
      %dma_wait3A_109 = arith.constant 0 : i32
      %dma_wait3A_110 = tpu.memref_slice %arg10[%dma_wait3A_108, %dma_wait3A_109] : memref<2x80xi32, #tpu.memory_space<vmem>> -> memref<1x80xi32, #tpu.memory_space<vmem>>
      %dma_wait3A_111 = tpu.memref_squeeze %dma_wait3A_110 : memref<1x80xi32, #tpu.memory_space<vmem>> -> memref<80xi32, #tpu.memory_space<vmem>>
      %dma_wait3A_112 = arith.constant 0 : i32
      %dma_wait3A_113 = arith.constant 0 : i32
      %dma_wait3A_114 = tpu.memref_slice %arg15[%dma_wait3A_112, %dma_wait3A_113] : memref<10112x128xf32, #tpu.memory_space<vmem_shared>> -> memref<10112x128xf32, #tpu.memory_space<vmem_shared>>
      tpu.wait_indirect_dma semaphore(%arg27 : memref<!tpu.dma_semaphore, #tpu.memory_space<semaphore_mem>>) src(%arg14 : memref<80x128xf32, #tpu.memory_space<vmem>>) dst(%dma_wait3A_114 : memref<10112x128xf32, #tpu.memory_space<vmem_shared>>)
      %add3A_115 = arith.constant 248 : i32
      %add3A_116 = arith.addi %mul3A_23, %add3A_115 : i32
      %dma_start3A_117 = arith.constant 0 : i32
      %dma_start3A_118 = arith.constant 0 : i32
      %dma_start3A_119 = tpu.memref_slice %arg4[%add3A_116, %dma_start3A_117, %dma_start3A_118] : memref<4000x2x80xi32, #tpu.memory_space<hbm>> -> memref<1x2x80xi32, #tpu.memory_space<hbm>>
      %dma_start3A_120 = tpu.memref_squeeze %dma_start3A_119 : memref<1x2x80xi32, #tpu.memory_space<hbm>> -> memref<2x80xi32, #tpu.memory_space<hbm>>
      %dma_start3A_121 = arith.constant 0 : i32
      %dma_start3A_122 = arith.constant 0 : i32
      %dma_start3A_123 = tpu.memref_slice %arg4[%add3A_116, %dma_start3A_121, %dma_start3A_122] : memref<4000x2x80xi32, #tpu.memory_space<hbm>> -> memref<1x2x80xi32, #tpu.memory_space<hbm>>
      %dma_start3A_124 = tpu.memref_squeeze %dma_start3A_123 : memref<1x2x80xi32, #tpu.memory_space<hbm>> -> memref<2x80xi32, #tpu.memory_space<hbm>>
      tpu.enqueue_dma source(%dma_start3A_124 : memref<2x80xi32, #tpu.memory_space<hbm>>) target(%arg7 : memref<2x80xi32, #tpu.memory_space<vmem>>) target_semaphore(%arg16 : memref<!tpu.dma_semaphore, #tpu.memory_space<semaphore_mem>>)
      %add3A_125 = arith.constant 248 : i32
      %add3A_126 = arith.addi %mul3A_23, %add3A_125 : i32
      %dma_wait3A_127 = arith.constant 0 : i32
      %dma_wait3A_128 = arith.constant 0 : i32
      %dma_wait3A_129 = tpu.memref_slice %arg4[%add3A_126, %dma_wait3A_127, %dma_wait3A_128] : memref<4000x2x80xi32, #tpu.memory_space<hbm>> -> memref<1x2x80xi32, #tpu.memory_space<hbm>>
      %dma_wait3A_130 = tpu.memref_squeeze %dma_wait3A_129 : memref<1x2x80xi32, #tpu.memory_space<hbm>> -> memref<2x80xi32, #tpu.memory_space<hbm>>
      %dma_wait3A_131 = arith.constant 0 : i32
      %dma_wait3A_132 = arith.constant 0 : i32
      %dma_wait3A_133 = tpu.memref_slice %arg4[%add3A_126, %dma_wait3A_131, %dma_wait3A_132] : memref<4000x2x80xi32, #tpu.memory_space<hbm>> -> memref<1x2x80xi32, #tpu.memory_space<hbm>>
      %dma_wait3A_134 = tpu.memref_squeeze %dma_wait3A_133 : memref<1x2x80xi32, #tpu.memory_space<hbm>> -> memref<2x80xi32, #tpu.memory_space<hbm>>
      tpu.wait_dma2 semaphore(%arg16 : memref<!tpu.dma_semaphore, #tpu.memory_space<semaphore_mem>>) src(%dma_wait3A_134 : memref<2x80xi32, #tpu.memory_space<hbm>>) dst(%arg7 : memref<2x80xi32, #tpu.memory_space<vmem>>)
      %dma_start3A_135 = arith.constant 0 : i32
      %dma_start3A_136 = arith.constant 0 : i32
      %dma_start3A_137 = tpu.memref_slice %arg7[%dma_start3A_135, %dma_start3A_136] : memref<2x80xi32, #tpu.memory_space<vmem>> -> memref<1x80xi32, #tpu.memory_space<vmem>>
      %dma_start3A_138 = tpu.memref_squeeze %dma_start3A_137 : memref<1x80xi32, #tpu.memory_space<vmem>> -> memref<80xi32, #tpu.memory_space<vmem>>
      %dma_start3A_139 = arith.constant 0 : i32
      %dma_start3A_140 = arith.constant 0 : i32
      %dma_start3A_141 = tpu.memref_slice %arg3[%dma_start3A_139, %dma_start3A_140] : memref<10000x128xf32, #tpu.memory_space<hbm>> -> memref<10000x128xf32, #tpu.memory_space<hbm>>
      tpu.enqueue_indirect_dma source(%dma_start3A_141 : memref<10000x128xf32, #tpu.memory_space<hbm>>) target(%arg11 : memref<80x128xf32, #tpu.memory_space<vmem>>) offsets(%dma_start3A_138 : memref<80xi32, #tpu.memory_space<vmem>>) semaphore(%arg20 : memref<!tpu.dma_semaphore, #tpu.memory_space<semaphore_mem>>)
      %dma_wait3A_142 = arith.constant 0 : i32
      %dma_wait3A_143 = arith.constant 0 : i32
      %dma_wait3A_144 = tpu.memref_slice %arg7[%dma_wait3A_142, %dma_wait3A_143] : memref<2x80xi32, #tpu.memory_space<vmem>> -> memref<1x80xi32, #tpu.memory_space<vmem>>
      %dma_wait3A_145 = tpu.memref_squeeze %dma_wait3A_144 : memref<1x80xi32, #tpu.memory_space<vmem>> -> memref<80xi32, #tpu.memory_space<vmem>>
      %dma_wait3A_146 = arith.constant 0 : i32
      %dma_wait3A_147 = arith.constant 0 : i32
      %dma_wait3A_148 = tpu.memref_slice %arg3[%dma_wait3A_146, %dma_wait3A_147] : memref<10000x128xf32, #tpu.memory_space<hbm>> -> memref<10000x128xf32, #tpu.memory_space<hbm>>
      tpu.wait_indirect_dma semaphore(%arg20 : memref<!tpu.dma_semaphore, #tpu.memory_space<semaphore_mem>>) src(%dma_wait3A_148 : memref<10000x128xf32, #tpu.memory_space<hbm>>) dst(%arg11 : memref<80x128xf32, #tpu.memory_space<vmem>>)
      %dma_start3A_149 = arith.constant 1 : i32
      %dma_start3A_150 = arith.constant 0 : i32
      %dma_start3A_151 = tpu.memref_slice %arg7[%dma_start3A_149, %dma_start3A_150] : memref<2x80xi32, #tpu.memory_space<vmem>> -> memref<1x80xi32, #tpu.memory_space<vmem>>
      %dma_start3A_152 = tpu.memref_squeeze %dma_start3A_151 : memref<1x80xi32, #tpu.memory_space<vmem>> -> memref<80xi32, #tpu.memory_space<vmem>>
      %dma_start3A_153 = arith.constant 0 : i32
      %dma_start3A_154 = arith.constant 0 : i32
      %dma_start3A_155 = tpu.memref_slice %arg15[%dma_start3A_153, %dma_start3A_154] : memref<10112x128xf32, #tpu.memory_space<vmem_shared>> -> memref<10112x128xf32, #tpu.memory_space<vmem_shared>>
      tpu.enqueue_indirect_dma source(%arg11 : memref<80x128xf32, #tpu.memory_space<vmem>>) target(%dma_start3A_155 : memref<10112x128xf32, #tpu.memory_space<vmem_shared>>) offsets(%dma_start3A_152 : memref<80xi32, #tpu.memory_space<vmem>>) semaphore(%arg24 : memref<!tpu.dma_semaphore, #tpu.memory_space<semaphore_mem>>) {add = true}
      %dma_wait3A_156 = arith.constant 1 : i32
      %dma_wait3A_157 = arith.constant 0 : i32
      %dma_wait3A_158 = tpu.memref_slice %arg7[%dma_wait3A_156, %dma_wait3A_157] : memref<2x80xi32, #tpu.memory_space<vmem>> -> memref<1x80xi32, #tpu.memory_space<vmem>>
      %dma_wait3A_159 = tpu.memref_squeeze %dma_wait3A_158 : memref<1x80xi32, #tpu.memory_space<vmem>> -> memref<80xi32, #tpu.memory_space<vmem>>
      %dma_wait3A_160 = arith.constant 0 : i32
      %dma_wait3A_161 = arith.constant 0 : i32
      %dma_wait3A_162 = tpu.memref_slice %arg15[%dma_wait3A_160, %dma_wait3A_161] : memref<10112x128xf32, #tpu.memory_space<vmem_shared>> -> memref<10112x128xf32, #tpu.memory_space<vmem_shared>>
      tpu.wait_indirect_dma semaphore(%arg24 : memref<!tpu.dma_semaphore, #tpu.memory_space<semaphore_mem>>) src(%arg11 : memref<80x128xf32, #tpu.memory_space<vmem>>) dst(%dma_wait3A_162 : memref<10112x128xf32, #tpu.memory_space<vmem_shared>>)
      %add3A_163 = arith.constant 249 : i32
      %add3A_164 = arith.addi %mul3A_23, %add3A_163 : i32
      %dma_start3A_165 = arith.constant 0 : i32
      %dma_start3A_166 = arith.constant 0 : i32
      %dma_start3A_167 = tpu.memref_slice %arg4[%add3A_164, %dma_start3A_165, %dma_start3A_166] : memref<4000x2x80xi32, #tpu.memory_space<hbm>> -> memref<1x2x80xi32, #tpu.memory_space<hbm>>
      %dma_start3A_168 = tpu.memref_squeeze %dma_start3A_167 : memref<1x2x80xi32, #tpu.memory_space<hbm>> -> memref<2x80xi32, #tpu.memory_space<hbm>>
      %dma_start3A_169 = arith.constant 0 : i32
      %dma_start3A_170 = arith.constant 0 : i32
      %dma_start3A_171 = tpu.memref_slice %arg4[%add3A_164, %dma_start3A_169, %dma_start3A_170] : memref<4000x2x80xi32, #tpu.memory_space<hbm>> -> memref<1x2x80xi32, #tpu.memory_space<hbm>>
      %dma_start3A_172 = tpu.memref_squeeze %dma_start3A_171 : memref<1x2x80xi32, #tpu.memory_space<hbm>> -> memref<2x80xi32, #tpu.memory_space<hbm>>
      tpu.enqueue_dma source(%dma_start3A_172 : memref<2x80xi32, #tpu.memory_space<hbm>>) target(%arg7 : memref<2x80xi32, #tpu.memory_space<vmem>>) target_semaphore(%arg16 : memref<!tpu.dma_semaphore, #tpu.memory_space<semaphore_mem>>)
      %add3A_173 = arith.constant 249 : i32
      %add3A_174 = arith.addi %mul3A_23, %add3A_173 : i32
      %dma_wait3A_175 = arith.constant 0 : i32
      %dma_wait3A_176 = arith.constant 0 : i32
      %dma_wait3A_177 = tpu.memref_slice %arg4[%add3A_174, %dma_wait3A_175, %dma_wait3A_176] : memref<4000x2x80xi32, #tpu.memory_space<hbm>> -> memref<1x2x80xi32, #tpu.memory_space<hbm>>
      %dma_wait3A_178 = tpu.memref_squeeze %dma_wait3A_177 : memref<1x2x80xi32, #tpu.memory_space<hbm>> -> memref<2x80xi32, #tpu.memory_space<hbm>>
      %dma_wait3A_179 = arith.constant 0 : i32
      %dma_wait3A_180 = arith.constant 0 : i32
      %dma_wait3A_181 = tpu.memref_slice %arg4[%add3A_174, %dma_wait3A_179, %dma_wait3A_180] : memref<4000x2x80xi32, #tpu.memory_space<hbm>> -> memref<1x2x80xi32, #tpu.memory_space<hbm>>
      %dma_wait3A_182 = tpu.memref_squeeze %dma_wait3A_181 : memref<1x2x80xi32, #tpu.memory_space<hbm>> -> memref<2x80xi32, #tpu.memory_space<hbm>>
      tpu.wait_dma2 semaphore(%arg16 : memref<!tpu.dma_semaphore, #tpu.memory_space<semaphore_mem>>) src(%dma_wait3A_182 : memref<2x80xi32, #tpu.memory_space<hbm>>) dst(%arg7 : memref<2x80xi32, #tpu.memory_space<vmem>>)
      %dma_start3A_183 = arith.constant 0 : i32
      %dma_start3A_184 = arith.constant 0 : i32
      %dma_start3A_185 = tpu.memref_slice %arg7[%dma_start3A_183, %dma_start3A_184] : memref<2x80xi32, #tpu.memory_space<vmem>> -> memref<1x80xi32, #tpu.memory_space<vmem>>
      %dma_start3A_186 = tpu.memref_squeeze %dma_start3A_185 : memref<1x80xi32, #tpu.memory_space<vmem>> -> memref<80xi32, #tpu.memory_space<vmem>>
      %dma_start3A_187 = arith.constant 0 : i32
      %dma_start3A_188 = arith.constant 0 : i32
      %dma_start3A_189 = tpu.memref_slice %arg3[%dma_start3A_187, %dma_start3A_188] : memref<10000x128xf32, #tpu.memory_space<hbm>> -> memref<10000x128xf32, #tpu.memory_space<hbm>>
      tpu.enqueue_indirect_dma source(%dma_start3A_189 : memref<10000x128xf32, #tpu.memory_space<hbm>>) target(%arg11 : memref<80x128xf32, #tpu.memory_space<vmem>>) offsets(%dma_start3A_186 : memref<80xi32, #tpu.memory_space<vmem>>) semaphore(%arg20 : memref<!tpu.dma_semaphore, #tpu.memory_space<semaphore_mem>>)
      %dma_wait3A_190 = arith.constant 0 : i32
      %dma_wait3A_191 = arith.constant 0 : i32
      %dma_wait3A_192 = tpu.memref_slice %arg7[%dma_wait3A_190, %dma_wait3A_191] : memref<2x80xi32, #tpu.memory_space<vmem>> -> memref<1x80xi32, #tpu.memory_space<vmem>>
      %dma_wait3A_193 = tpu.memref_squeeze %dma_wait3A_192 : memref<1x80xi32, #tpu.memory_space<vmem>> -> memref<80xi32, #tpu.memory_space<vmem>>
      %dma_wait3A_194 = arith.constant 0 : i32
      %dma_wait3A_195 = arith.constant 0 : i32
      %dma_wait3A_196 = tpu.memref_slice %arg3[%dma_wait3A_194, %dma_wait3A_195] : memref<10000x128xf32, #tpu.memory_space<hbm>> -> memref<10000x128xf32, #tpu.memory_space<hbm>>
      tpu.wait_indirect_dma semaphore(%arg20 : memref<!tpu.dma_semaphore, #tpu.memory_space<semaphore_mem>>) src(%dma_wait3A_196 : memref<10000x128xf32, #tpu.memory_space<hbm>>) dst(%arg11 : memref<80x128xf32, #tpu.memory_space<vmem>>)
      %dma_start3A_197 = arith.constant 1 : i32
      %dma_start3A_198 = arith.constant 0 : i32
      %dma_start3A_199 = tpu.memref_slice %arg7[%dma_start3A_197, %dma_start3A_198] : memref<2x80xi32, #tpu.memory_space<vmem>> -> memref<1x80xi32, #tpu.memory_space<vmem>>
      %dma_start3A_200 = tpu.memref_squeeze %dma_start3A_199 : memref<1x80xi32, #tpu.memory_space<vmem>> -> memref<80xi32, #tpu.memory_space<vmem>>
      %dma_start3A_201 = arith.constant 0 : i32
      %dma_start3A_202 = arith.constant 0 : i32
      %dma_start3A_203 = tpu.memref_slice %arg15[%dma_start3A_201, %dma_start3A_202] : memref<10112x128xf32, #tpu.memory_space<vmem_shared>> -> memref<10112x128xf32, #tpu.memory_space<vmem_shared>>
      tpu.enqueue_indirect_dma source(%arg11 : memref<80x128xf32, #tpu.memory_space<vmem>>) target(%dma_start3A_203 : memref<10112x128xf32, #tpu.memory_space<vmem_shared>>) offsets(%dma_start3A_200 : memref<80xi32, #tpu.memory_space<vmem>>) semaphore(%arg24 : memref<!tpu.dma_semaphore, #tpu.memory_space<semaphore_mem>>) {add = true}
      %dma_wait3A_204 = arith.constant 1 : i32
      %dma_wait3A_205 = arith.constant 0 : i32
      %dma_wait3A_206 = tpu.memref_slice %arg7[%dma_wait3A_204, %dma_wait3A_205] : memref<2x80xi32, #tpu.memory_space<vmem>> -> memref<1x80xi32, #tpu.memory_space<vmem>>
      %dma_wait3A_207 = tpu.memref_squeeze %dma_wait3A_206 : memref<1x80xi32, #tpu.memory_space<vmem>> -> memref<80xi32, #tpu.memory_space<vmem>>
      %dma_wait3A_208 = arith.constant 0 : i32
      %dma_wait3A_209 = arith.constant 0 : i32
      %dma_wait3A_210 = tpu.memref_slice %arg15[%dma_wait3A_208, %dma_wait3A_209] : memref<10112x128xf32, #tpu.memory_space<vmem_shared>> -> memref<10112x128xf32, #tpu.memory_space<vmem_shared>>
      tpu.wait_indirect_dma semaphore(%arg24 : memref<!tpu.dma_semaphore, #tpu.memory_space<semaphore_mem>>) src(%arg11 : memref<80x128xf32, #tpu.memory_space<vmem>>) dst(%dma_wait3A_210 : memref<10112x128xf32, #tpu.memory_space<vmem_shared>>)
    } else {
    }
    %barrier3A_31 = arith.constant 0 : index
    tpu.barrier barrier_id(%barrier3A_31)
    %eq3A_32 = arith.constant 0 : i32
    %eq3A_33 = arith.cmpi eq, %arg0, %eq3A_32 : i32
    %convert_element_type3A_34 = arith.extui %eq3A_33 : i1 to i32
    %cond3A_35 = arith.constant 0 : i32
    %cond3A_36 = arith.cmpi ne, %convert_element_type3A_34, %cond3A_35 : i32
    scf.if %cond3A_36 {
      "tpu.region"() ({
        %run_scoped3A = tpu.sem_alloc : memref<!tpu.dma_semaphore, #tpu.memory_space<semaphore_mem>>
        %dma_start3A = arith.constant 0 : i32
        %dma_start3A_42 = tpu.memref_slice %arg5[%mul3A_0, %dma_start3A] : memref<10112x128xf32, #tpu.memory_space<hbm>> -> memref<632x128xf32, #tpu.memory_space<hbm>>
        %dma_start3A_43 = arith.constant 0 : i32
        %dma_start3A_44 = tpu.memref_slice %arg15[%mul3A_0, %dma_start3A_43] : memref<10112x128xf32, #tpu.memory_space<vmem_shared>> -> memref<632x128xf32, #tpu.memory_space<vmem_shared>>
        tpu.enqueue_dma source(%dma_start3A_44 : memref<632x128xf32, #tpu.memory_space<vmem_shared>>) target(%dma_start3A_42 : memref<632x128xf32, #tpu.memory_space<hbm>>) target_semaphore(%run_scoped3A : memref<!tpu.dma_semaphore, #tpu.memory_space<semaphore_mem>>)
        %dma_wait3A = arith.constant 0 : i32
        %dma_wait3A_45 = tpu.memref_slice %arg5[%mul3A_0, %dma_wait3A] : memref<10112x128xf32, #tpu.memory_space<hbm>> -> memref<632x128xf32, #tpu.memory_space<hbm>>
        %dma_wait3A_46 = arith.constant 0 : i32
        %dma_wait3A_47 = tpu.memref_slice %arg15[%mul3A_0, %dma_wait3A_46] : memref<10112x128xf32, #tpu.memory_space<vmem_shared>> -> memref<632x128xf32, #tpu.memory_space<vmem_shared>>
        tpu.wait_dma2 semaphore(%run_scoped3A : memref<!tpu.dma_semaphore, #tpu.memory_space<semaphore_mem>>) src(%dma_wait3A_47 : memref<632x128xf32, #tpu.memory_space<vmem_shared>>) dst(%dma_wait3A_45 : memref<632x128xf32, #tpu.memory_space<hbm>>)
        tpu.yield
      }) : () -> ()
    } else {
    }
    %eq3A_37 = arith.constant 1 : i32
    %eq3A_38 = arith.cmpi eq, %arg0, %eq3A_37 : i32
    %convert_element_type3A_39 = arith.extui %eq3A_38 : i1 to i32
    %cond3A_40 = arith.constant 0 : i32
    %cond3A_41 = arith.cmpi ne, %convert_element_type3A_39, %cond3A_40 : i32
    scf.if %cond3A_41 {
      "tpu.region"() ({
        %run_scoped3A = tpu.sem_alloc : memref<!tpu.dma_semaphore, #tpu.memory_space<semaphore_mem>>
        %dma_start3A = arith.constant 0 : i32
        %dma_start3A_42 = tpu.memref_slice %arg6[%mul3A_0, %dma_start3A] : memref<10112x128xf32, #tpu.memory_space<hbm>> -> memref<632x128xf32, #tpu.memory_space<hbm>>
        %dma_start3A_43 = arith.constant 0 : i32
        %dma_start3A_44 = tpu.memref_slice %arg15[%mul3A_0, %dma_start3A_43] : memref<10112x128xf32, #tpu.memory_space<vmem_shared>> -> memref<632x128xf32, #tpu.memory_space<vmem_shared>>
        tpu.enqueue_dma source(%dma_start3A_44 : memref<632x128xf32, #tpu.memory_space<vmem_shared>>) target(%dma_start3A_42 : memref<632x128xf32, #tpu.memory_space<hbm>>) target_semaphore(%run_scoped3A : memref<!tpu.dma_semaphore, #tpu.memory_space<semaphore_mem>>)
        %dma_wait3A = arith.constant 0 : i32
        %dma_wait3A_45 = tpu.memref_slice %arg6[%mul3A_0, %dma_wait3A] : memref<10112x128xf32, #tpu.memory_space<hbm>> -> memref<632x128xf32, #tpu.memory_space<hbm>>
        %dma_wait3A_46 = arith.constant 0 : i32
        %dma_wait3A_47 = tpu.memref_slice %arg15[%mul3A_0, %dma_wait3A_46] : memref<10112x128xf32, #tpu.memory_space<vmem_shared>> -> memref<632x128xf32, #tpu.memory_space<vmem_shared>>
        tpu.wait_dma2 semaphore(%run_scoped3A : memref<!tpu.dma_semaphore, #tpu.memory_space<semaphore_mem>>) src(%dma_wait3A_47 : memref<632x128xf32, #tpu.memory_space<vmem_shared>>) dst(%dma_wait3A_45 : memref<632x128xf32, #tpu.memory_space<hbm>>)
        tpu.yield
      }) : () -> ()
    } else {
    }
    return
  }
}

#map = affine_map<(d0, d1) -> (0, 0)>
#map1 = affine_map<(d0, d1) -> (0, 0, 0)>
module attributes {stable_mosaic.version = 14 : i64} {
  func.func @agg(%arg0: i32, %arg1: i32, %arg2: memref<10000x128xf32, #tpu.memory_space<hbm>>, %arg3: memref<10000x128xf32, #tpu.memory_space<hbm>>, %arg4: memref<4000x2x80xi32, #tpu.memory_space<hbm>>, %arg5: memref<10112x128xf32, #tpu.memory_space<hbm>>, %arg6: memref<10112x128xf32, #tpu.memory_space<hbm>>, %arg7: memref<2x80xi32, #tpu.memory_space<vmem>>, %arg8: memref<2x80xi32, #tpu.memory_space<vmem>>, %arg9: memref<2x80xi32, #tpu.memory_space<vmem>>, %arg10: memref<2x80xi32, #tpu.memory_space<vmem>>, %arg11: memref<80x128xf32, #tpu.memory_space<vmem>>, %arg12: memref<80x128xf32, #tpu.memory_space<vmem>>, %arg13: memref<80x128xf32, #tpu.memory_space<vmem>>, %arg14: memref<80x128xf32, #tpu.memory_space<vmem>>, %arg15: memref<10112x128xf32, #tpu.memory_space<vmem_shared>>, %arg16: memref<!tpu.dma_semaphore, #tpu.memory_space<semaphore_mem>>, %arg17: memref<!tpu.dma_semaphore, #tpu.memory_space<semaphore_mem>>, %arg18: memref<!tpu.dma_semaphore, #tpu.memory_space<semaphore_mem>>, %arg19: memref<!tpu.dma_semaphore, #tpu.memory_space<semaphore_mem>>, %arg20: memref<!tpu.dma_semaphore, #tpu.memory_space<semaphore_mem>>, %arg21: memref<!tpu.dma_semaphore, #tpu.memory_space<semaphore_mem>>, %arg22: memref<!tpu.dma_semaphore, #tpu.memory_space<semaphore_mem>>, %arg23: memref<!tpu.dma_semaphore, #tpu.memory_space<semaphore_mem>>, %arg24: memref<!tpu.dma_semaphore, #tpu.memory_space<semaphore_mem>>, %arg25: memref<!tpu.dma_semaphore, #tpu.memory_space<semaphore_mem>>, %arg26: memref<!tpu.dma_semaphore, #tpu.memory_space<semaphore_mem>>, %arg27: memref<!tpu.dma_semaphore, #tpu.memory_space<semaphore_mem>>) attributes {dimension_semantics = [#tpu.dimension_semantics<core_parallel>, #tpu.dimension_semantics<subcore_parallel>], iteration_bounds = array<i64: 2, 16>, scalar_prefetch = 0 : i64, scratch_operands = 21 : i64, tpu.core_type = #tpu.core_type<sc_vector_subcore>, window_params = [{transform_indices = #map}, {transform_indices = #map}, {transform_indices = #map1}, {transform_indices = #map}, {transform_indices = #map}]} {
    %mul3A = arith.constant 632 : i32
    %mul3A_0 = arith.muli %arg1, %mul3A : i32
    %scan3A = arith.constant 0 : i32
    %scan3A_1 = arith.constant 0 : i32
    %scan3A_2 = arith.constant 80 : i32
    %scan3A_3 = arith.addi %scan3A_1, %scan3A_2 : i32
    %scan3A_4 = arith.constant 1 : i32
    %scan3A_5 = scf.for %scan3A_42 = %scan3A_1 to %scan3A_3 step %scan3A_4 iter_args(%scan3A_43 = %scan3A) -> (i32)  : i32 {
      %scan3A_44 = arith.constant 0 : i32
      %scan3A_45 = arith.constant 0 : i32
      %scan3A_46 = arith.constant 8 : i32
      %scan3A_47 = arith.addi %scan3A_45, %scan3A_46 : i32
      %scan3A_48 = arith.constant 1 : i32
      %scan3A_49 = scf.for %scan3A_51 = %scan3A_45 to %scan3A_47 step %scan3A_48 iter_args(%scan3A_52 = %scan3A_44) -> (i32)  : i32 {
        %broadcast_in_dim3A = arith.constant 0.000000e+00 : f32
        %broadcast_in_dim3A_53 = vector.broadcast %broadcast_in_dim3A : f32 to vector<16xf32>
        %mul3A_54 = arith.constant 16 : i32
        %mul3A_55 = arith.muli %scan3A_51, %mul3A_54 : i32
        %swap3A = arith.index_cast %scan3A_42 : i32 to index
        %swap3A_56 = arith.index_cast %mul3A_55 : i32 to index
        %swap3A_57 = tpu.vector_load %arg11[%swap3A, %swap3A_56] {strides = array<i32>} : memref<80x128xf32, #tpu.memory_space<vmem>>, vector<1x16xf32>,
        %swap3A_58 = vector.shape_cast %swap3A_57 : vector<1x16xf32> to vector<16xf32>
        %swap3A_59 = vector.shape_cast %broadcast_in_dim3A_53 : vector<16xf32> to vector<1x16xf32>
        tpu.vector_store %arg11[%swap3A, %swap3A_56], %swap3A_59 {strides = array<i32>} : memref<80x128xf32, #tpu.memory_space<vmem>>, vector<1x16xf32>,
        %scan3A_60 = arith.constant 0 : i32
        scf.yield %scan3A_60 : i32
      }
      %scan3A_50 = arith.constant 8 : i32
      scf.yield %scan3A_49 : i32
    }
    %scan3A_6 = arith.constant 80 : i32
    %add3A = arith.constant 0 : i32
    %add3A_7 = arith.addi %mul3A_0, %add3A : i32
    "tpu.region"() ({
      %run_scoped3A = tpu.sem_alloc : memref<!tpu.dma_semaphore, #tpu.memory_space<semaphore_mem>>
      %dma_start3A = arith.constant 0 : i32
      %dma_start3A_42 = tpu.memref_slice %arg15[%add3A_7, %dma_start3A] : memref<10112x128xf32, #tpu.memory_space<vmem_shared>> -> memref<80x128xf32, #tpu.memory_space<vmem_shared>>
      %dma_start3A_43 = arith.constant 0 : i32
      %dma_start3A_44 = tpu.memref_slice %arg15[%add3A_7, %dma_start3A_43] : memref<10112x128xf32, #tpu.memory_space<vmem_shared>> -> memref<80x128xf32, #tpu.memory_space<vmem_shared>>
      tpu.enqueue_dma source(%arg11 : memref<80x128xf32, #tpu.memory_space<vmem>>) target(%dma_start3A_44 : memref<80x128xf32, #tpu.memory_space<vmem_shared>>) target_semaphore(%run_scoped3A : memref<!tpu.dma_semaphore, #tpu.memory_space<semaphore_mem>>)
      %dma_wait3A = arith.constant 0 : i32
      %dma_wait3A_45 = tpu.memref_slice %arg15[%add3A_7, %dma_wait3A] : memref<10112x128xf32, #tpu.memory_space<vmem_shared>> -> memref<80x128xf32, #tpu.memory_space<vmem_shared>>
      %dma_wait3A_46 = arith.constant 0 : i32
      %dma_wait3A_47 = tpu.memref_slice %arg15[%add3A_7, %dma_wait3A_46] : memref<10112x128xf32, #tpu.memory_space<vmem_shared>> -> memref<80x128xf32, #tpu.memory_space<vmem_shared>>
      tpu.wait_dma2 semaphore(%run_scoped3A : memref<!tpu.dma_semaphore, #tpu.memory_space<semaphore_mem>>) src(%arg11 : memref<80x128xf32, #tpu.memory_space<vmem>>) dst(%dma_wait3A_47 : memref<80x128xf32, #tpu.memory_space<vmem_shared>>)
      tpu.yield
    }) : () -> ()
    %add3A_8 = arith.constant 80 : i32
    %add3A_9 = arith.addi %mul3A_0, %add3A_8 : i32
    "tpu.region"() ({
      %run_scoped3A = tpu.sem_alloc : memref<!tpu.dma_semaphore, #tpu.memory_space<semaphore_mem>>
      %dma_start3A = arith.constant 0 : i32
      %dma_start3A_42 = tpu.memref_slice %arg15[%add3A_9, %dma_start3A] : memref<10112x128xf32, #tpu.memory_space<vmem_shared>> -> memref<80x128xf32, #tpu.memory_space<vmem_shared>>
      %dma_start3A_43 = arith.constant 0 : i32
      %dma_start3A_44 = tpu.memref_slice %arg15[%add3A_9, %dma_start3A_43] : memref<10112x128xf32, #tpu.memory_space<vmem_shared>> -> memref<80x128xf32, #tpu.memory_space<vmem_shared>>
      tpu.enqueue_dma source(%arg11 : memref<80x128xf32, #tpu.memory_space<vmem>>) target(%dma_start3A_44 : memref<80x128xf32, #tpu.memory_space<vmem_shared>>) target_semaphore(%run_scoped3A : memref<!tpu.dma_semaphore, #tpu.memory_space<semaphore_mem>>)
      %dma_wait3A = arith.constant 0 : i32
      %dma_wait3A_45 = tpu.memref_slice %arg15[%add3A_9, %dma_wait3A] : memref<10112x128xf32, #tpu.memory_space<vmem_shared>> -> memref<80x128xf32, #tpu.memory_space<vmem_shared>>
      %dma_wait3A_46 = arith.constant 0 : i32
      %dma_wait3A_47 = tpu.memref_slice %arg15[%add3A_9, %dma_wait3A_46] : memref<10112x128xf32, #tpu.memory_space<vmem_shared>> -> memref<80x128xf32, #tpu.memory_space<vmem_shared>>
      tpu.wait_dma2 semaphore(%run_scoped3A : memref<!tpu.dma_semaphore, #tpu.memory_space<semaphore_mem>>) src(%arg11 : memref<80x128xf32, #tpu.memory_space<vmem>>) dst(%dma_wait3A_47 : memref<80x128xf32, #tpu.memory_space<vmem_shared>>)
      tpu.yield
    }) : () -> ()
    %add3A_10 = arith.constant 160 : i32
    %add3A_11 = arith.addi %mul3A_0, %add3A_10 : i32
    "tpu.region"() ({
      %run_scoped3A = tpu.sem_alloc : memref<!tpu.dma_semaphore, #tpu.memory_space<semaphore_mem>>
      %dma_start3A = arith.constant 0 : i32
      %dma_start3A_42 = tpu.memref_slice %arg15[%add3A_11, %dma_start3A] : memref<10112x128xf32, #tpu.memory_space<vmem_shared>> -> memref<80x128xf32, #tpu.memory_space<vmem_shared>>
      %dma_start3A_43 = arith.constant 0 : i32
      %dma_start3A_44 = tpu.memref_slice %arg15[%add3A_11, %dma_start3A_43] : memref<10112x128xf32, #tpu.memory_space<vmem_shared>> -> memref<80x128xf32, #tpu.memory_space<vmem_shared>>
      tpu.enqueue_dma source(%arg11 : memref<80x128xf32, #tpu.memory_space<vmem>>) target(%dma_start3A_44 : memref<80x128xf32, #tpu.memory_space<vmem_shared>>) target_semaphore(%run_scoped3A : memref<!tpu.dma_semaphore, #tpu.memory_space<semaphore_mem>>)
      %dma_wait3A = arith.constant 0 : i32
      %dma_wait3A_45 = tpu.memref_slice %arg15[%add3A_11, %dma_wait3A] : memref<10112x128xf32, #tpu.memory_space<vmem_shared>> -> memref<80x128xf32, #tpu.memory_space<vmem_shared>>
      %dma_wait3A_46 = arith.constant 0 : i32
      %dma_wait3A_47 = tpu.memref_slice %arg15[%add3A_11, %dma_wait3A_46] : memref<10112x128xf32, #tpu.memory_space<vmem_shared>> -> memref<80x128xf32, #tpu.memory_space<vmem_shared>>
      tpu.wait_dma2 semaphore(%run_scoped3A : memref<!tpu.dma_semaphore, #tpu.memory_space<semaphore_mem>>) src(%arg11 : memref<80x128xf32, #tpu.memory_space<vmem>>) dst(%dma_wait3A_47 : memref<80x128xf32, #tpu.memory_space<vmem_shared>>)
      tpu.yield
    }) : () -> ()
    %add3A_12 = arith.constant 240 : i32
    %add3A_13 = arith.addi %mul3A_0, %add3A_12 : i32
    "tpu.region"() ({
      %run_scoped3A = tpu.sem_alloc : memref<!tpu.dma_semaphore, #tpu.memory_space<semaphore_mem>>
      %dma_start3A = arith.constant 0 : i32
      %dma_start3A_42 = tpu.memref_slice %arg15[%add3A_13, %dma_start3A] : memref<10112x128xf32, #tpu.memory_space<vmem_shared>> -> memref<80x128xf32, #tpu.memory_space<vmem_shared>>
      %dma_start3A_43 = arith.constant 0 : i32
      %dma_start3A_44 = tpu.memref_slice %arg15[%add3A_13, %dma_start3A_43] : memref<10112x128xf32, #tpu.memory_space<vmem_shared>> -> memref<80x128xf32, #tpu.memory_space<vmem_shared>>
      tpu.enqueue_dma source(%arg11 : memref<80x128xf32, #tpu.memory_space<vmem>>) target(%dma_start3A_44 : memref<80x128xf32, #tpu.memory_space<vmem_shared>>) target_semaphore(%run_scoped3A : memref<!tpu.dma_semaphore, #tpu.memory_space<semaphore_mem>>)
      %dma_wait3A = arith.constant 0 : i32
      %dma_wait3A_45 = tpu.memref_slice %arg15[%add3A_13, %dma_wait3A] : memref<10112x128xf32, #tpu.memory_space<vmem_shared>> -> memref<80x128xf32, #tpu.memory_space<vmem_shared>>
      %dma_wait3A_46 = arith.constant 0 : i32
      %dma_wait3A_47 = tpu.memref_slice %arg15[%add3A_13, %dma_wait3A_46] : memref<10112x128xf32, #tpu.memory_space<vmem_shared>> -> memref<80x128xf32, #tpu.memory_space<vmem_shared>>
      tpu.wait_dma2 semaphore(%run_scoped3A : memref<!tpu.dma_semaphore, #tpu.memory_space<semaphore_mem>>) src(%arg11 : memref<80x128xf32, #tpu.memory_space<vmem>>) dst(%dma_wait3A_47 : memref<80x128xf32, #tpu.memory_space<vmem_shared>>)
      tpu.yield
    }) : () -> ()
    %add3A_14 = arith.constant 320 : i32
    %add3A_15 = arith.addi %mul3A_0, %add3A_14 : i32
    "tpu.region"() ({
      %run_scoped3A = tpu.sem_alloc : memref<!tpu.dma_semaphore, #tpu.memory_space<semaphore_mem>>
      %dma_start3A = arith.constant 0 : i32
      %dma_start3A_42 = tpu.memref_slice %arg15[%add3A_15, %dma_start3A] : memref<10112x128xf32, #tpu.memory_space<vmem_shared>> -> memref<80x128xf32, #tpu.memory_space<vmem_shared>>
      %dma_start3A_43 = arith.constant 0 : i32
      %dma_start3A_44 = tpu.memref_slice %arg15[%add3A_15, %dma_start3A_43] : memref<10112x128xf32, #tpu.memory_space<vmem_shared>> -> memref<80x128xf32, #tpu.memory_space<vmem_shared>>
      tpu.enqueue_dma source(%arg11 : memref<80x128xf32, #tpu.memory_space<vmem>>) target(%dma_start3A_44 : memref<80x128xf32, #tpu.memory_space<vmem_shared>>) target_semaphore(%run_scoped3A : memref<!tpu.dma_semaphore, #tpu.memory_space<semaphore_mem>>)
      %dma_wait3A = arith.constant 0 : i32
      %dma_wait3A_45 = tpu.memref_slice %arg15[%add3A_15, %dma_wait3A] : memref<10112x128xf32, #tpu.memory_space<vmem_shared>> -> memref<80x128xf32, #tpu.memory_space<vmem_shared>>
      %dma_wait3A_46 = arith.constant 0 : i32
      %dma_wait3A_47 = tpu.memref_slice %arg15[%add3A_15, %dma_wait3A_46] : memref<10112x128xf32, #tpu.memory_space<vmem_shared>> -> memref<80x128xf32, #tpu.memory_space<vmem_shared>>
      tpu.wait_dma2 semaphore(%run_scoped3A : memref<!tpu.dma_semaphore, #tpu.memory_space<semaphore_mem>>) src(%arg11 : memref<80x128xf32, #tpu.memory_space<vmem>>) dst(%dma_wait3A_47 : memref<80x128xf32, #tpu.memory_space<vmem_shared>>)
      tpu.yield
    }) : () -> ()
    %add3A_16 = arith.constant 400 : i32
    %add3A_17 = arith.addi %mul3A_0, %add3A_16 : i32
    "tpu.region"() ({
      %run_scoped3A = tpu.sem_alloc : memref<!tpu.dma_semaphore, #tpu.memory_space<semaphore_mem>>
      %dma_start3A = arith.constant 0 : i32
      %dma_start3A_42 = tpu.memref_slice %arg15[%add3A_17, %dma_start3A] : memref<10112x128xf32, #tpu.memory_space<vmem_shared>> -> memref<80x128xf32, #tpu.memory_space<vmem_shared>>
      %dma_start3A_43 = arith.constant 0 : i32
      %dma_start3A_44 = tpu.memref_slice %arg15[%add3A_17, %dma_start3A_43] : memref<10112x128xf32, #tpu.memory_space<vmem_shared>> -> memref<80x128xf32, #tpu.memory_space<vmem_shared>>
      tpu.enqueue_dma source(%arg11 : memref<80x128xf32, #tpu.memory_space<vmem>>) target(%dma_start3A_44 : memref<80x128xf32, #tpu.memory_space<vmem_shared>>) target_semaphore(%run_scoped3A : memref<!tpu.dma_semaphore, #tpu.memory_space<semaphore_mem>>)
      %dma_wait3A = arith.constant 0 : i32
      %dma_wait3A_45 = tpu.memref_slice %arg15[%add3A_17, %dma_wait3A] : memref<10112x128xf32, #tpu.memory_space<vmem_shared>> -> memref<80x128xf32, #tpu.memory_space<vmem_shared>>
      %dma_wait3A_46 = arith.constant 0 : i32
      %dma_wait3A_47 = tpu.memref_slice %arg15[%add3A_17, %dma_wait3A_46] : memref<10112x128xf32, #tpu.memory_space<vmem_shared>> -> memref<80x128xf32, #tpu.memory_space<vmem_shared>>
      tpu.wait_dma2 semaphore(%run_scoped3A : memref<!tpu.dma_semaphore, #tpu.memory_space<semaphore_mem>>) src(%arg11 : memref<80x128xf32, #tpu.memory_space<vmem>>) dst(%dma_wait3A_47 : memref<80x128xf32, #tpu.memory_space<vmem_shared>>)
      tpu.yield
    }) : () -> ()
    %add3A_18 = arith.constant 480 : i32
    %add3A_19 = arith.addi %mul3A_0, %add3A_18 : i32
    "tpu.region"() ({
      %run_scoped3A = tpu.sem_alloc : memref<!tpu.dma_semaphore, #tpu.memory_space<semaphore_mem>>
      %dma_start3A = arith.constant 0 : i32
      %dma_start3A_42 = tpu.memref_slice %arg15[%add3A_19, %dma_start3A] : memref<10112x128xf32, #tpu.memory_space<vmem_shared>> -> memref<80x128xf32, #tpu.memory_space<vmem_shared>>
      %dma_start3A_43 = arith.constant 0 : i32
      %dma_start3A_44 = tpu.memref_slice %arg15[%add3A_19, %dma_start3A_43] : memref<10112x128xf32, #tpu.memory_space<vmem_shared>> -> memref<80x128xf32, #tpu.memory_space<vmem_shared>>
      tpu.enqueue_dma source(%arg11 : memref<80x128xf32, #tpu.memory_space<vmem>>) target(%dma_start3A_44 : memref<80x128xf32, #tpu.memory_space<vmem_shared>>) target_semaphore(%run_scoped3A : memref<!tpu.dma_semaphore, #tpu.memory_space<semaphore_mem>>)
      %dma_wait3A = arith.constant 0 : i32
      %dma_wait3A_45 = tpu.memref_slice %arg15[%add3A_19, %dma_wait3A] : memref<10112x128xf32, #tpu.memory_space<vmem_shared>> -> memref<80x128xf32, #tpu.memory_space<vmem_shared>>
      %dma_wait3A_46 = arith.constant 0 : i32
      %dma_wait3A_47 = tpu.memref_slice %arg15[%add3A_19, %dma_wait3A_46] : memref<10112x128xf32, #tpu.memory_space<vmem_shared>> -> memref<80x128xf32, #tpu.memory_space<vmem_shared>>
      tpu.wait_dma2 semaphore(%run_scoped3A : memref<!tpu.dma_semaphore, #tpu.memory_space<semaphore_mem>>) src(%arg11 : memref<80x128xf32, #tpu.memory_space<vmem>>) dst(%dma_wait3A_47 : memref<80x128xf32, #tpu.memory_space<vmem_shared>>)
      tpu.yield
    }) : () -> ()
    %add3A_20 = arith.constant 560 : i32
    %add3A_21 = arith.addi %mul3A_0, %add3A_20 : i32
    "tpu.region"() ({
      %run_scoped3A = tpu.sem_alloc : memref<!tpu.dma_semaphore, #tpu.memory_space<semaphore_mem>>
      %dma_start3A = arith.constant 0 : i32
      %dma_start3A_42 = arith.constant 0 : i32
      %dma_start3A_43 = tpu.memref_slice %arg11[%dma_start3A, %dma_start3A_42] : memref<80x128xf32, #tpu.memory_space<vmem>> -> memref<72x128xf32, #tpu.memory_space<vmem>>
      %dma_start3A_44 = arith.constant 0 : i32
      %dma_start3A_45 = tpu.memref_slice %arg15[%add3A_21, %dma_start3A_44] : memref<10112x128xf32, #tpu.memory_space<vmem_shared>> -> memref<72x128xf32, #tpu.memory_space<vmem_shared>>
      %dma_start3A_46 = arith.constant 0 : i32
      %dma_start3A_47 = tpu.memref_slice %arg15[%add3A_21, %dma_start3A_46] : memref<10112x128xf32, #tpu.memory_space<vmem_shared>> -> memref<72x128xf32, #tpu.memory_space<vmem_shared>>
      %dma_start3A_48 = arith.constant 0 : i32
      %dma_start3A_49 = arith.constant 0 : i32
      %dma_start3A_50 = tpu.memref_slice %arg11[%dma_start3A_48, %dma_start3A_49] : memref<80x128xf32, #tpu.memory_space<vmem>> -> memref<72x128xf32, #tpu.memory_space<vmem>>
      tpu.enqueue_dma source(%dma_start3A_50 : memref<72x128xf32, #tpu.memory_space<vmem>>) target(%dma_start3A_47 : memref<72x128xf32, #tpu.memory_space<vmem_shared>>) target_semaphore(%run_scoped3A : memref<!tpu.dma_semaphore, #tpu.memory_space<semaphore_mem>>)
      %dma_wait3A = arith.constant 0 : i32
      %dma_wait3A_51 = arith.constant 0 : i32
      %dma_wait3A_52 = tpu.memref_slice %arg11[%dma_wait3A, %dma_wait3A_51] : memref<80x128xf32, #tpu.memory_space<vmem>> -> memref<72x128xf32, #tpu.memory_space<vmem>>
      %dma_wait3A_53 = arith.constant 0 : i32
      %dma_wait3A_54 = tpu.memref_slice %arg15[%add3A_21, %dma_wait3A_53] : memref<10112x128xf32, #tpu.memory_space<vmem_shared>> -> memref<72x128xf32, #tpu.memory_space<vmem_shared>>
      %dma_wait3A_55 = arith.constant 0 : i32
      %dma_wait3A_56 = tpu.memref_slice %arg15[%add3A_21, %dma_wait3A_55] : memref<10112x128xf32, #tpu.memory_space<vmem_shared>> -> memref<72x128xf32, #tpu.memory_space<vmem_shared>>
      %dma_wait3A_57 = arith.constant 0 : i32
      %dma_wait3A_58 = arith.constant 0 : i32
      %dma_wait3A_59 = tpu.memref_slice %arg11[%dma_wait3A_57, %dma_wait3A_58] : memref<80x128xf32, #tpu.memory_space<vmem>> -> memref<72x128xf32, #tpu.memory_space<vmem>>
      tpu.wait_dma2 semaphore(%run_scoped3A : memref<!tpu.dma_semaphore, #tpu.memory_space<semaphore_mem>>) src(%dma_wait3A_59 : memref<72x128xf32, #tpu.memory_space<vmem>>) dst(%dma_wait3A_56 : memref<72x128xf32, #tpu.memory_space<vmem_shared>>)
      tpu.yield
    }) : () -> ()
    %barrier3A = arith.constant 0 : index
    tpu.barrier barrier_id(%barrier3A)
    %mul3A_22 = arith.constant 250 : i32
    %mul3A_23 = arith.muli %arg1, %mul3A_22 : i32
    %eq3A = arith.constant 0 : i32
    %eq3A_24 = arith.cmpi eq, %arg0, %eq3A : i32
    %convert_element_type3A = arith.extui %eq3A_24 : i1 to i32
    %cond3A = arith.constant 0 : i32
    %cond3A_25 = arith.cmpi ne, %convert_element_type3A, %cond3A : i32
    scf.if %cond3A_25 {
      %add3A_42 = arith.constant 0 : i32
      %add3A_43 = arith.addi %mul3A_23, %add3A_42 : i32
      %dma_start3A = arith.constant 0 : i32
      %dma_start3A_44 = arith.constant 0 : i32
      %dma_start3A_45 = tpu.memref_slice %arg4[%add3A_43, %dma_start3A, %dma_start3A_44] : memref<4000x2x80xi32, #tpu.memory_space<hbm>> -> memref<1x2x80xi32, #tpu.memory_space<hbm>>
      %dma_start3A_46 = tpu.memref_squeeze %dma_start3A_45 : memref<1x2x80xi32, #tpu.memory_space<hbm>> -> memref<2x80xi32, #tpu.memory_space<hbm>>
      %dma_start3A_47 = arith.constant 0 : i32
      %dma_start3A_48 = arith.constant 0 : i32
      %dma_start3A_49 = tpu.memref_slice %arg4[%add3A_43, %dma_start3A_47, %dma_start3A_48] : memref<4000x2x80xi32, #tpu.memory_space<hbm>> -> memref<1x2x80xi32, #tpu.memory_space<hbm>>
      %dma_start3A_50 = tpu.memref_squeeze %dma_start3A_49 : memref<1x2x80xi32, #tpu.memory_space<hbm>> -> memref<2x80xi32, #tpu.memory_space<hbm>>
      tpu.enqueue_dma source(%dma_start3A_50 : memref<2x80xi32, #tpu.memory_space<hbm>>) target(%arg7 : memref<2x80xi32, #tpu.memory_space<vmem>>) target_semaphore(%arg16 : memref<!tpu.dma_semaphore, #tpu.memory_space<semaphore_mem>>)
      %add3A_51 = arith.constant 1 : i32
      %add3A_52 = arith.addi %mul3A_23, %add3A_51 : i32
      %dma_start3A_53 = arith.constant 0 : i32
      %dma_start3A_54 = arith.constant 0 : i32
      %dma_start3A_55 = tpu.memref_slice %arg4[%add3A_52, %dma_start3A_53, %dma_start3A_54] : memref<4000x2x80xi32, #tpu.memory_space<hbm>> -> memref<1x2x80xi32, #tpu.memory_space<hbm>>
      %dma_start3A_56 = tpu.memref_squeeze %dma_start3A_55 : memref<1x2x80xi32, #tpu.memory_space<hbm>> -> memref<2x80xi32, #tpu.memory_space<hbm>>
      %dma_start3A_57 = arith.constant 0 : i32
      %dma_start3A_58 = arith.constant 0 : i32
      %dma_start3A_59 = tpu.memref_slice %arg4[%add3A_52, %dma_start3A_57, %dma_start3A_58] : memref<4000x2x80xi32, #tpu.memory_space<hbm>> -> memref<1x2x80xi32, #tpu.memory_space<hbm>>
      %dma_start3A_60 = tpu.memref_squeeze %dma_start3A_59 : memref<1x2x80xi32, #tpu.memory_space<hbm>> -> memref<2x80xi32, #tpu.memory_space<hbm>>
      tpu.enqueue_dma source(%dma_start3A_60 : memref<2x80xi32, #tpu.memory_space<hbm>>) target(%arg8 : memref<2x80xi32, #tpu.memory_space<vmem>>) target_semaphore(%arg17 : memref<!tpu.dma_semaphore, #tpu.memory_space<semaphore_mem>>)
      %add3A_61 = arith.constant 2 : i32
      %add3A_62 = arith.addi %mul3A_23, %add3A_61 : i32
      %dma_start3A_63 = arith.constant 0 : i32
      %dma_start3A_64 = arith.constant 0 : i32
      %dma_start3A_65 = tpu.memref_slice %arg4[%add3A_62, %dma_start3A_63, %dma_start3A_64] : memref<4000x2x80xi32, #tpu.memory_space<hbm>> -> memref<1x2x80xi32, #tpu.memory_space<hbm>>
      %dma_start3A_66 = tpu.memref_squeeze %dma_start3A_65 : memref<1x2x80xi32, #tpu.memory_space<hbm>> -> memref<2x80xi32, #tpu.memory_space<hbm>>
      %dma_start3A_67 = arith.constant 0 : i32
      %dma_start3A_68 = arith.constant 0 : i32
      %dma_start3A_69 = tpu.memref_slice %arg4[%add3A_62, %dma_start3A_67, %dma_start3A_68] : memref<4000x2x80xi32, #tpu.memory_space<hbm>> -> memref<1x2x80xi32, #tpu.memory_space<hbm>>
      %dma_start3A_70 = tpu.memref_squeeze %dma_start3A_69 : memref<1x2x80xi32, #tpu.memory_space<hbm>> -> memref<2x80xi32, #tpu.memory_space<hbm>>
      tpu.enqueue_dma source(%dma_start3A_70 : memref<2x80xi32, #tpu.memory_space<hbm>>) target(%arg9 : memref<2x80xi32, #tpu.memory_space<vmem>>) target_semaphore(%arg18 : memref<!tpu.dma_semaphore, #tpu.memory_space<semaphore_mem>>)
      %add3A_71 = arith.constant 3 : i32
      %add3A_72 = arith.addi %mul3A_23, %add3A_71 : i32
      %dma_start3A_73 = arith.constant 0 : i32
      %dma_start3A_74 = arith.constant 0 : i32
      %dma_start3A_75 = tpu.memref_slice %arg4[%add3A_72, %dma_start3A_73, %dma_start3A_74] : memref<4000x2x80xi32, #tpu.memory_space<hbm>> -> memref<1x2x80xi32, #tpu.memory_space<hbm>>
      %dma_start3A_76 = tpu.memref_squeeze %dma_start3A_75 : memref<1x2x80xi32, #tpu.memory_space<hbm>> -> memref<2x80xi32, #tpu.memory_space<hbm>>
      %dma_start3A_77 = arith.constant 0 : i32
      %dma_start3A_78 = arith.constant 0 : i32
      %dma_start3A_79 = tpu.memref_slice %arg4[%add3A_72, %dma_start3A_77, %dma_start3A_78] : memref<4000x2x80xi32, #tpu.memory_space<hbm>> -> memref<1x2x80xi32, #tpu.memory_space<hbm>>
      %dma_start3A_80 = tpu.memref_squeeze %dma_start3A_79 : memref<1x2x80xi32, #tpu.memory_space<hbm>> -> memref<2x80xi32, #tpu.memory_space<hbm>>
      tpu.enqueue_dma source(%dma_start3A_80 : memref<2x80xi32, #tpu.memory_space<hbm>>) target(%arg10 : memref<2x80xi32, #tpu.memory_space<vmem>>) target_semaphore(%arg19 : memref<!tpu.dma_semaphore, #tpu.memory_space<semaphore_mem>>)
      %scan3A_81 = arith.constant 0 : i32
      %scan3A_82 = arith.constant 0 : i32
      %scan3A_83 = arith.constant 62 : i32
      %scan3A_84 = arith.addi %scan3A_82, %scan3A_83 : i32
      %scan3A_85 = arith.constant 1 : i32
      %scan3A_86 = scf.for %scan3A_211 = %scan3A_82 to %scan3A_84 step %scan3A_85 iter_args(%scan3A_212 = %scan3A_81) -> (i32)  : i32 {
        %mul3A_213 = arith.constant 4 : i32
        %mul3A_214 = arith.muli %mul3A_213, %scan3A_211 : i32
        %add3A_215 = arith.constant 0 : i32
        %add3A_216 = arith.addi %mul3A_214, %add3A_215 : i32
        %add3A_217 = arith.addi %mul3A_23, %add3A_216 : i32
        %dma_wait3A_218 = arith.constant 0 : i32
        %dma_wait3A_219 = arith.constant 0 : i32
        %dma_wait3A_220 = tpu.memref_slice %arg4[%add3A_217, %dma_wait3A_218, %dma_wait3A_219] : memref<4000x2x80xi32, #tpu.memory_space<hbm>> -> memref<1x2x80xi32, #tpu.memory_space<hbm>>
        %dma_wait3A_221 = tpu.memref_squeeze %dma_wait3A_220 : memref<1x2x80xi32, #tpu.memory_space<hbm>> -> memref<2x80xi32, #tpu.memory_space<hbm>>
        %dma_wait3A_222 = arith.constant 0 : i32
        %dma_wait3A_223 = arith.constant 0 : i32
        %dma_wait3A_224 = tpu.memref_slice %arg4[%add3A_217, %dma_wait3A_222, %dma_wait3A_223] : memref<4000x2x80xi32, #tpu.memory_space<hbm>> -> memref<1x2x80xi32, #tpu.memory_space<hbm>>
        %dma_wait3A_225 = tpu.memref_squeeze %dma_wait3A_224 : memref<1x2x80xi32, #tpu.memory_space<hbm>> -> memref<2x80xi32, #tpu.memory_space<hbm>>
        tpu.wait_dma2 semaphore(%arg16 : memref<!tpu.dma_semaphore, #tpu.memory_space<semaphore_mem>>) src(%dma_wait3A_225 : memref<2x80xi32, #tpu.memory_space<hbm>>) dst(%arg7 : memref<2x80xi32, #tpu.memory_space<vmem>>)
        %dma_start3A_226 = arith.constant 0 : i32
        %dma_start3A_227 = arith.constant 0 : i32
        %dma_start3A_228 = tpu.memref_slice %arg7[%dma_start3A_226, %dma_start3A_227] : memref<2x80xi32, #tpu.memory_space<vmem>> -> memref<1x80xi32, #tpu.memory_space<vmem>>
        %dma_start3A_229 = tpu.memref_squeeze %dma_start3A_228 : memref<1x80xi32, #tpu.memory_space<vmem>> -> memref<80xi32, #tpu.memory_space<vmem>>
        %dma_start3A_230 = arith.constant 0 : i32
        %dma_start3A_231 = arith.constant 0 : i32
        %dma_start3A_232 = tpu.memref_slice %arg2[%dma_start3A_230, %dma_start3A_231] : memref<10000x128xf32, #tpu.memory_space<hbm>> -> memref<10000x128xf32, #tpu.memory_space<hbm>>
        tpu.enqueue_indirect_dma source(%dma_start3A_232 : memref<10000x128xf32, #tpu.memory_space<hbm>>) target(%arg11 : memref<80x128xf32, #tpu.memory_space<vmem>>) offsets(%dma_start3A_229 : memref<80xi32, #tpu.memory_space<vmem>>) semaphore(%arg20 : memref<!tpu.dma_semaphore, #tpu.memory_space<semaphore_mem>>)
        %mul3A_233 = arith.constant 4 : i32
        %mul3A_234 = arith.muli %mul3A_233, %scan3A_211 : i32
        %add3A_235 = arith.constant 1 : i32
        %add3A_236 = arith.addi %mul3A_234, %add3A_235 : i32
        %add3A_237 = arith.addi %mul3A_23, %add3A_236 : i32
        %dma_wait3A_238 = arith.constant 0 : i32
        %dma_wait3A_239 = arith.constant 0 : i32
        %dma_wait3A_240 = tpu.memref_slice %arg4[%add3A_237, %dma_wait3A_238, %dma_wait3A_239] : memref<4000x2x80xi32, #tpu.memory_space<hbm>> -> memref<1x2x80xi32, #tpu.memory_space<hbm>>
        %dma_wait3A_241 = tpu.memref_squeeze %dma_wait3A_240 : memref<1x2x80xi32, #tpu.memory_space<hbm>> -> memref<2x80xi32, #tpu.memory_space<hbm>>
        %dma_wait3A_242 = arith.constant 0 : i32
        %dma_wait3A_243 = arith.constant 0 : i32
        %dma_wait3A_244 = tpu.memref_slice %arg4[%add3A_237, %dma_wait3A_242, %dma_wait3A_243] : memref<4000x2x80xi32, #tpu.memory_space<hbm>> -> memref<1x2x80xi32, #tpu.memory_space<hbm>>
        %dma_wait3A_245 = tpu.memref_squeeze %dma_wait3A_244 : memref<1x2x80xi32, #tpu.memory_space<hbm>> -> memref<2x80xi32, #tpu.memory_space<hbm>>
        tpu.wait_dma2 semaphore(%arg17 : memref<!tpu.dma_semaphore, #tpu.memory_space<semaphore_mem>>) src(%dma_wait3A_245 : memref<2x80xi32, #tpu.memory_space<hbm>>) dst(%arg8 : memref<2x80xi32, #tpu.memory_space<vmem>>)
        %dma_start3A_246 = arith.constant 0 : i32
        %dma_start3A_247 = arith.constant 0 : i32
        %dma_start3A_248 = tpu.memref_slice %arg8[%dma_start3A_246, %dma_start3A_247] : memref<2x80xi32, #tpu.memory_space<vmem>> -> memref<1x80xi32, #tpu.memory_space<vmem>>
        %dma_start3A_249 = tpu.memref_squeeze %dma_start3A_248 : memref<1x80xi32, #tpu.memory_space<vmem>> -> memref<80xi32, #tpu.memory_space<vmem>>
        %dma_start3A_250 = arith.constant 0 : i32
        %dma_start3A_251 = arith.constant 0 : i32
        %dma_start3A_252 = tpu.memref_slice %arg2[%dma_start3A_250, %dma_start3A_251] : memref<10000x128xf32, #tpu.memory_space<hbm>> -> memref<10000x128xf32, #tpu.memory_space<hbm>>
        tpu.enqueue_indirect_dma source(%dma_start3A_252 : memref<10000x128xf32, #tpu.memory_space<hbm>>) target(%arg12 : memref<80x128xf32, #tpu.memory_space<vmem>>) offsets(%dma_start3A_249 : memref<80xi32, #tpu.memory_space<vmem>>) semaphore(%arg21 : memref<!tpu.dma_semaphore, #tpu.memory_space<semaphore_mem>>)
        %mul3A_253 = arith.constant 4 : i32
        %mul3A_254 = arith.muli %mul3A_253, %scan3A_211 : i32
        %add3A_255 = arith.constant 2 : i32
        %add3A_256 = arith.addi %mul3A_254, %add3A_255 : i32
        %add3A_257 = arith.addi %mul3A_23, %add3A_256 : i32
        %dma_wait3A_258 = arith.constant 0 : i32
        %dma_wait3A_259 = arith.constant 0 : i32
        %dma_wait3A_260 = tpu.memref_slice %arg4[%add3A_257, %dma_wait3A_258, %dma_wait3A_259] : memref<4000x2x80xi32, #tpu.memory_space<hbm>> -> memref<1x2x80xi32, #tpu.memory_space<hbm>>
        %dma_wait3A_261 = tpu.memref_squeeze %dma_wait3A_260 : memref<1x2x80xi32, #tpu.memory_space<hbm>> -> memref<2x80xi32, #tpu.memory_space<hbm>>
        %dma_wait3A_262 = arith.constant 0 : i32
        %dma_wait3A_263 = arith.constant 0 : i32
        %dma_wait3A_264 = tpu.memref_slice %arg4[%add3A_257, %dma_wait3A_262, %dma_wait3A_263] : memref<4000x2x80xi32, #tpu.memory_space<hbm>> -> memref<1x2x80xi32, #tpu.memory_space<hbm>>
        %dma_wait3A_265 = tpu.memref_squeeze %dma_wait3A_264 : memref<1x2x80xi32, #tpu.memory_space<hbm>> -> memref<2x80xi32, #tpu.memory_space<hbm>>
        tpu.wait_dma2 semaphore(%arg18 : memref<!tpu.dma_semaphore, #tpu.memory_space<semaphore_mem>>) src(%dma_wait3A_265 : memref<2x80xi32, #tpu.memory_space<hbm>>) dst(%arg9 : memref<2x80xi32, #tpu.memory_space<vmem>>)
        %dma_start3A_266 = arith.constant 0 : i32
        %dma_start3A_267 = arith.constant 0 : i32
        %dma_start3A_268 = tpu.memref_slice %arg9[%dma_start3A_266, %dma_start3A_267] : memref<2x80xi32, #tpu.memory_space<vmem>> -> memref<1x80xi32, #tpu.memory_space<vmem>>
        %dma_start3A_269 = tpu.memref_squeeze %dma_start3A_268 : memref<1x80xi32, #tpu.memory_space<vmem>> -> memref<80xi32, #tpu.memory_space<vmem>>
        %dma_start3A_270 = arith.constant 0 : i32
        %dma_start3A_271 = arith.constant 0 : i32
        %dma_start3A_272 = tpu.memref_slice %arg2[%dma_start3A_270, %dma_start3A_271] : memref<10000x128xf32, #tpu.memory_space<hbm>> -> memref<10000x128xf32, #tpu.memory_space<hbm>>
        tpu.enqueue_indirect_dma source(%dma_start3A_272 : memref<10000x128xf32, #tpu.memory_space<hbm>>) target(%arg13 : memref<80x128xf32, #tpu.memory_space<vmem>>) offsets(%dma_start3A_269 : memref<80xi32, #tpu.memory_space<vmem>>) semaphore(%arg22 : memref<!tpu.dma_semaphore, #tpu.memory_space<semaphore_mem>>)
        %mul3A_273 = arith.constant 4 : i32
        %mul3A_274 = arith.muli %mul3A_273, %scan3A_211 : i32
        %add3A_275 = arith.constant 3 : i32
        %add3A_276 = arith.addi %mul3A_274, %add3A_275 : i32
        %add3A_277 = arith.addi %mul3A_23, %add3A_276 : i32
        %dma_wait3A_278 = arith.constant 0 : i32
        %dma_wait3A_279 = arith.constant 0 : i32
        %dma_wait3A_280 = tpu.memref_slice %arg4[%add3A_277, %dma_wait3A_278, %dma_wait3A_279] : memref<4000x2x80xi32, #tpu.memory_space<hbm>> -> memref<1x2x80xi32, #tpu.memory_space<hbm>>
        %dma_wait3A_281 = tpu.memref_squeeze %dma_wait3A_280 : memref<1x2x80xi32, #tpu.memory_space<hbm>> -> memref<2x80xi32, #tpu.memory_space<hbm>>
        %dma_wait3A_282 = arith.constant 0 : i32
        %dma_wait3A_283 = arith.constant 0 : i32
        %dma_wait3A_284 = tpu.memref_slice %arg4[%add3A_277, %dma_wait3A_282, %dma_wait3A_283] : memref<4000x2x80xi32, #tpu.memory_space<hbm>> -> memref<1x2x80xi32, #tpu.memory_space<hbm>>
        %dma_wait3A_285 = tpu.memref_squeeze %dma_wait3A_284 : memref<1x2x80xi32, #tpu.memory_space<hbm>> -> memref<2x80xi32, #tpu.memory_space<hbm>>
        tpu.wait_dma2 semaphore(%arg19 : memref<!tpu.dma_semaphore, #tpu.memory_space<semaphore_mem>>) src(%dma_wait3A_285 : memref<2x80xi32, #tpu.memory_space<hbm>>) dst(%arg10 : memref<2x80xi32, #tpu.memory_space<vmem>>)
        %dma_start3A_286 = arith.constant 0 : i32
        %dma_start3A_287 = arith.constant 0 : i32
        %dma_start3A_288 = tpu.memref_slice %arg10[%dma_start3A_286, %dma_start3A_287] : memref<2x80xi32, #tpu.memory_space<vmem>> -> memref<1x80xi32, #tpu.memory_space<vmem>>
        %dma_start3A_289 = tpu.memref_squeeze %dma_start3A_288 : memref<1x80xi32, #tpu.memory_space<vmem>> -> memref<80xi32, #tpu.memory_space<vmem>>
        %dma_start3A_290 = arith.constant 0 : i32
        %dma_start3A_291 = arith.constant 0 : i32
        %dma_start3A_292 = tpu.memref_slice %arg2[%dma_start3A_290, %dma_start3A_291] : memref<10000x128xf32, #tpu.memory_space<hbm>> -> memref<10000x128xf32, #tpu.memory_space<hbm>>
        tpu.enqueue_indirect_dma source(%dma_start3A_292 : memref<10000x128xf32, #tpu.memory_space<hbm>>) target(%arg14 : memref<80x128xf32, #tpu.memory_space<vmem>>) offsets(%dma_start3A_289 : memref<80xi32, #tpu.memory_space<vmem>>) semaphore(%arg23 : memref<!tpu.dma_semaphore, #tpu.memory_space<semaphore_mem>>)
        %dma_wait3A_293 = arith.constant 0 : i32
        %dma_wait3A_294 = arith.constant 0 : i32
        %dma_wait3A_295 = tpu.memref_slice %arg7[%dma_wait3A_293, %dma_wait3A_294] : memref<2x80xi32, #tpu.memory_space<vmem>> -> memref<1x80xi32, #tpu.memory_space<vmem>>
        %dma_wait3A_296 = tpu.memref_squeeze %dma_wait3A_295 : memref<1x80xi32, #tpu.memory_space<vmem>> -> memref<80xi32, #tpu.memory_space<vmem>>
        %dma_wait3A_297 = arith.constant 0 : i32
        %dma_wait3A_298 = arith.constant 0 : i32
        %dma_wait3A_299 = tpu.memref_slice %arg2[%dma_wait3A_297, %dma_wait3A_298] : memref<10000x128xf32, #tpu.memory_space<hbm>> -> memref<10000x128xf32, #tpu.memory_space<hbm>>
        tpu.wait_indirect_dma semaphore(%arg20 : memref<!tpu.dma_semaphore, #tpu.memory_space<semaphore_mem>>) src(%dma_wait3A_299 : memref<10000x128xf32, #tpu.memory_space<hbm>>) dst(%arg11 : memref<80x128xf32, #tpu.memory_space<vmem>>)
        %dma_start3A_300 = arith.constant 1 : i32
        %dma_start3A_301 = arith.constant 0 : i32
        %dma_start3A_302 = tpu.memref_slice %arg7[%dma_start3A_300, %dma_start3A_301] : memref<2x80xi32, #tpu.memory_space<vmem>> -> memref<1x80xi32, #tpu.memory_space<vmem>>
        %dma_start3A_303 = tpu.memref_squeeze %dma_start3A_302 : memref<1x80xi32, #tpu.memory_space<vmem>> -> memref<80xi32, #tpu.memory_space<vmem>>
        %dma_start3A_304 = arith.constant 0 : i32
        %dma_start3A_305 = arith.constant 0 : i32
        %dma_start3A_306 = tpu.memref_slice %arg15[%dma_start3A_304, %dma_start3A_305] : memref<10112x128xf32, #tpu.memory_space<vmem_shared>> -> memref<10112x128xf32, #tpu.memory_space<vmem_shared>>
        tpu.enqueue_indirect_dma source(%arg11 : memref<80x128xf32, #tpu.memory_space<vmem>>) target(%dma_start3A_306 : memref<10112x128xf32, #tpu.memory_space<vmem_shared>>) offsets(%dma_start3A_303 : memref<80xi32, #tpu.memory_space<vmem>>) semaphore(%arg24 : memref<!tpu.dma_semaphore, #tpu.memory_space<semaphore_mem>>) {add = true}
        %dma_wait3A_307 = arith.constant 0 : i32
        %dma_wait3A_308 = arith.constant 0 : i32
        %dma_wait3A_309 = tpu.memref_slice %arg8[%dma_wait3A_307, %dma_wait3A_308] : memref<2x80xi32, #tpu.memory_space<vmem>> -> memref<1x80xi32, #tpu.memory_space<vmem>>
        %dma_wait3A_310 = tpu.memref_squeeze %dma_wait3A_309 : memref<1x80xi32, #tpu.memory_space<vmem>> -> memref<80xi32, #tpu.memory_space<vmem>>
        %dma_wait3A_311 = arith.constant 0 : i32
        %dma_wait3A_312 = arith.constant 0 : i32
        %dma_wait3A_313 = tpu.memref_slice %arg2[%dma_wait3A_311, %dma_wait3A_312] : memref<10000x128xf32, #tpu.memory_space<hbm>> -> memref<10000x128xf32, #tpu.memory_space<hbm>>
        tpu.wait_indirect_dma semaphore(%arg21 : memref<!tpu.dma_semaphore, #tpu.memory_space<semaphore_mem>>) src(%dma_wait3A_313 : memref<10000x128xf32, #tpu.memory_space<hbm>>) dst(%arg12 : memref<80x128xf32, #tpu.memory_space<vmem>>)
        %dma_start3A_314 = arith.constant 1 : i32
        %dma_start3A_315 = arith.constant 0 : i32
        %dma_start3A_316 = tpu.memref_slice %arg8[%dma_start3A_314, %dma_start3A_315] : memref<2x80xi32, #tpu.memory_space<vmem>> -> memref<1x80xi32, #tpu.memory_space<vmem>>
        %dma_start3A_317 = tpu.memref_squeeze %dma_start3A_316 : memref<1x80xi32, #tpu.memory_space<vmem>> -> memref<80xi32, #tpu.memory_space<vmem>>
        %dma_start3A_318 = arith.constant 0 : i32
        %dma_start3A_319 = arith.constant 0 : i32
        %dma_start3A_320 = tpu.memref_slice %arg15[%dma_start3A_318, %dma_start3A_319] : memref<10112x128xf32, #tpu.memory_space<vmem_shared>> -> memref<10112x128xf32, #tpu.memory_space<vmem_shared>>
        tpu.enqueue_indirect_dma source(%arg12 : memref<80x128xf32, #tpu.memory_space<vmem>>) target(%dma_start3A_320 : memref<10112x128xf32, #tpu.memory_space<vmem_shared>>) offsets(%dma_start3A_317 : memref<80xi32, #tpu.memory_space<vmem>>) semaphore(%arg25 : memref<!tpu.dma_semaphore, #tpu.memory_space<semaphore_mem>>) {add = true}
        %dma_wait3A_321 = arith.constant 0 : i32
        %dma_wait3A_322 = arith.constant 0 : i32
        %dma_wait3A_323 = tpu.memref_slice %arg9[%dma_wait3A_321, %dma_wait3A_322] : memref<2x80xi32, #tpu.memory_space<vmem>> -> memref<1x80xi32, #tpu.memory_space<vmem>>
        %dma_wait3A_324 = tpu.memref_squeeze %dma_wait3A_323 : memref<1x80xi32, #tpu.memory_space<vmem>> -> memref<80xi32, #tpu.memory_space<vmem>>
        %dma_wait3A_325 = arith.constant 0 : i32
        %dma_wait3A_326 = arith.constant 0 : i32
        %dma_wait3A_327 = tpu.memref_slice %arg2[%dma_wait3A_325, %dma_wait3A_326] : memref<10000x128xf32, #tpu.memory_space<hbm>> -> memref<10000x128xf32, #tpu.memory_space<hbm>>
        tpu.wait_indirect_dma semaphore(%arg22 : memref<!tpu.dma_semaphore, #tpu.memory_space<semaphore_mem>>) src(%dma_wait3A_327 : memref<10000x128xf32, #tpu.memory_space<hbm>>) dst(%arg13 : memref<80x128xf32, #tpu.memory_space<vmem>>)
        %dma_start3A_328 = arith.constant 1 : i32
        %dma_start3A_329 = arith.constant 0 : i32
        %dma_start3A_330 = tpu.memref_slice %arg9[%dma_start3A_328, %dma_start3A_329] : memref<2x80xi32, #tpu.memory_space<vmem>> -> memref<1x80xi32, #tpu.memory_space<vmem>>
        %dma_start3A_331 = tpu.memref_squeeze %dma_start3A_330 : memref<1x80xi32, #tpu.memory_space<vmem>> -> memref<80xi32, #tpu.memory_space<vmem>>
        %dma_start3A_332 = arith.constant 0 : i32
        %dma_start3A_333 = arith.constant 0 : i32
        %dma_start3A_334 = tpu.memref_slice %arg15[%dma_start3A_332, %dma_start3A_333] : memref<10112x128xf32, #tpu.memory_space<vmem_shared>> -> memref<10112x128xf32, #tpu.memory_space<vmem_shared>>
        tpu.enqueue_indirect_dma source(%arg13 : memref<80x128xf32, #tpu.memory_space<vmem>>) target(%dma_start3A_334 : memref<10112x128xf32, #tpu.memory_space<vmem_shared>>) offsets(%dma_start3A_331 : memref<80xi32, #tpu.memory_space<vmem>>) semaphore(%arg26 : memref<!tpu.dma_semaphore, #tpu.memory_space<semaphore_mem>>) {add = true}
        %dma_wait3A_335 = arith.constant 0 : i32
        %dma_wait3A_336 = arith.constant 0 : i32
        %dma_wait3A_337 = tpu.memref_slice %arg10[%dma_wait3A_335, %dma_wait3A_336] : memref<2x80xi32, #tpu.memory_space<vmem>> -> memref<1x80xi32, #tpu.memory_space<vmem>>
        %dma_wait3A_338 = tpu.memref_squeeze %dma_wait3A_337 : memref<1x80xi32, #tpu.memory_space<vmem>> -> memref<80xi32, #tpu.memory_space<vmem>>
        %dma_wait3A_339 = arith.constant 0 : i32
        %dma_wait3A_340 = arith.constant 0 : i32
        %dma_wait3A_341 = tpu.memref_slice %arg2[%dma_wait3A_339, %dma_wait3A_340] : memref<10000x128xf32, #tpu.memory_space<hbm>> -> memref<10000x128xf32, #tpu.memory_space<hbm>>
        tpu.wait_indirect_dma semaphore(%arg23 : memref<!tpu.dma_semaphore, #tpu.memory_space<semaphore_mem>>) src(%dma_wait3A_341 : memref<10000x128xf32, #tpu.memory_space<hbm>>) dst(%arg14 : memref<80x128xf32, #tpu.memory_space<vmem>>)
        %dma_start3A_342 = arith.constant 1 : i32
        %dma_start3A_343 = arith.constant 0 : i32
        %dma_start3A_344 = tpu.memref_slice %arg10[%dma_start3A_342, %dma_start3A_343] : memref<2x80xi32, #tpu.memory_space<vmem>> -> memref<1x80xi32, #tpu.memory_space<vmem>>
        %dma_start3A_345 = tpu.memref_squeeze %dma_start3A_344 : memref<1x80xi32, #tpu.memory_space<vmem>> -> memref<80xi32, #tpu.memory_space<vmem>>
        %dma_start3A_346 = arith.constant 0 : i32
        %dma_start3A_347 = arith.constant 0 : i32
        %dma_start3A_348 = tpu.memref_slice %arg15[%dma_start3A_346, %dma_start3A_347] : memref<10112x128xf32, #tpu.memory_space<vmem_shared>> -> memref<10112x128xf32, #tpu.memory_space<vmem_shared>>
        tpu.enqueue_indirect_dma source(%arg14 : memref<80x128xf32, #tpu.memory_space<vmem>>) target(%dma_start3A_348 : memref<10112x128xf32, #tpu.memory_space<vmem_shared>>) offsets(%dma_start3A_345 : memref<80xi32, #tpu.memory_space<vmem>>) semaphore(%arg27 : memref<!tpu.dma_semaphore, #tpu.memory_space<semaphore_mem>>) {add = true}
        %add3A_349 = arith.constant 1 : i32
        %add3A_350 = arith.addi %scan3A_211, %add3A_349 : i32
        %lt3A = arith.constant 62 : i32
        %lt3A_351 = arith.cmpi slt, %add3A_350, %lt3A : i32
        %convert_element_type3A_352 = arith.extui %lt3A_351 : i1 to i32
        %cond3A_353 = arith.constant 0 : i32
        %cond3A_354 = arith.cmpi ne, %convert_element_type3A_352, %cond3A_353 : i32
        scf.if %cond3A_354 {
          %dma_wait3A_356 = arith.constant 1 : i32
          %dma_wait3A_357 = arith.constant 0 : i32
          %dma_wait3A_358 = tpu.memref_slice %arg7[%dma_wait3A_356, %dma_wait3A_357] : memref<2x80xi32, #tpu.memory_space<vmem>> -> memref<1x80xi32, #tpu.memory_space<vmem>>
          %dma_wait3A_359 = tpu.memref_squeeze %dma_wait3A_358 : memref<1x80xi32, #tpu.memory_space<vmem>> -> memref<80xi32, #tpu.memory_space<vmem>>
          %dma_wait3A_360 = arith.constant 0 : i32
          %dma_wait3A_361 = arith.constant 0 : i32
          %dma_wait3A_362 = tpu.memref_slice %arg15[%dma_wait3A_360, %dma_wait3A_361] : memref<10112x128xf32, #tpu.memory_space<vmem_shared>> -> memref<10112x128xf32, #tpu.memory_space<vmem_shared>>
          tpu.wait_indirect_dma semaphore(%arg24 : memref<!tpu.dma_semaphore, #tpu.memory_space<semaphore_mem>>) src(%arg11 : memref<80x128xf32, #tpu.memory_space<vmem>>) dst(%dma_wait3A_362 : memref<10112x128xf32, #tpu.memory_space<vmem_shared>>)
          %add3A_363 = arith.constant 1 : i32
          %add3A_364 = arith.addi %scan3A_211, %add3A_363 : i32
          %mul3A_365 = arith.constant 4 : i32
          %mul3A_366 = arith.muli %mul3A_365, %add3A_364 : i32
          %add3A_367 = arith.constant 0 : i32
          %add3A_368 = arith.addi %mul3A_366, %add3A_367 : i32
          %add3A_369 = arith.addi %mul3A_23, %add3A_368 : i32
          %dma_start3A_370 = arith.constant 0 : i32
          %dma_start3A_371 = arith.constant 0 : i32
          %dma_start3A_372 = tpu.memref_slice %arg4[%add3A_369, %dma_start3A_370, %dma_start3A_371] : memref<4000x2x80xi32, #tpu.memory_space<hbm>> -> memref<1x2x80xi32, #tpu.memory_space<hbm>>
          %dma_start3A_373 = tpu.memref_squeeze %dma_start3A_372 : memref<1x2x80xi32, #tpu.memory_space<hbm>> -> memref<2x80xi32, #tpu.memory_space<hbm>>
          %dma_start3A_374 = arith.constant 0 : i32
          %dma_start3A_375 = arith.constant 0 : i32
          %dma_start3A_376 = tpu.memref_slice %arg4[%add3A_369, %dma_start3A_374, %dma_start3A_375] : memref<4000x2x80xi32, #tpu.memory_space<hbm>> -> memref<1x2x80xi32, #tpu.memory_space<hbm>>
          %dma_start3A_377 = tpu.memref_squeeze %dma_start3A_376 : memref<1x2x80xi32, #tpu.memory_space<hbm>> -> memref<2x80xi32, #tpu.memory_space<hbm>>
          tpu.enqueue_dma source(%dma_start3A_377 : memref<2x80xi32, #tpu.memory_space<hbm>>) target(%arg7 : memref<2x80xi32, #tpu.memory_space<vmem>>) target_semaphore(%arg16 : memref<!tpu.dma_semaphore, #tpu.memory_space<semaphore_mem>>)
          %dma_wait3A_378 = arith.constant 1 : i32
          %dma_wait3A_379 = arith.constant 0 : i32
          %dma_wait3A_380 = tpu.memref_slice %arg8[%dma_wait3A_378, %dma_wait3A_379] : memref<2x80xi32, #tpu.memory_space<vmem>> -> memref<1x80xi32, #tpu.memory_space<vmem>>
          %dma_wait3A_381 = tpu.memref_squeeze %dma_wait3A_380 : memref<1x80xi32, #tpu.memory_space<vmem>> -> memref<80xi32, #tpu.memory_space<vmem>>
          %dma_wait3A_382 = arith.constant 0 : i32
          %dma_wait3A_383 = arith.constant 0 : i32
          %dma_wait3A_384 = tpu.memref_slice %arg15[%dma_wait3A_382, %dma_wait3A_383] : memref<10112x128xf32, #tpu.memory_space<vmem_shared>> -> memref<10112x128xf32, #tpu.memory_space<vmem_shared>>
          tpu.wait_indirect_dma semaphore(%arg25 : memref<!tpu.dma_semaphore, #tpu.memory_space<semaphore_mem>>) src(%arg12 : memref<80x128xf32, #tpu.memory_space<vmem>>) dst(%dma_wait3A_384 : memref<10112x128xf32, #tpu.memory_space<vmem_shared>>)
          %add3A_385 = arith.constant 1 : i32
          %add3A_386 = arith.addi %scan3A_211, %add3A_385 : i32
          %mul3A_387 = arith.constant 4 : i32
          %mul3A_388 = arith.muli %mul3A_387, %add3A_386 : i32
          %add3A_389 = arith.constant 1 : i32
          %add3A_390 = arith.addi %mul3A_388, %add3A_389 : i32
          %add3A_391 = arith.addi %mul3A_23, %add3A_390 : i32
          %dma_start3A_392 = arith.constant 0 : i32
          %dma_start3A_393 = arith.constant 0 : i32
          %dma_start3A_394 = tpu.memref_slice %arg4[%add3A_391, %dma_start3A_392, %dma_start3A_393] : memref<4000x2x80xi32, #tpu.memory_space<hbm>> -> memref<1x2x80xi32, #tpu.memory_space<hbm>>
          %dma_start3A_395 = tpu.memref_squeeze %dma_start3A_394 : memref<1x2x80xi32, #tpu.memory_space<hbm>> -> memref<2x80xi32, #tpu.memory_space<hbm>>
          %dma_start3A_396 = arith.constant 0 : i32
          %dma_start3A_397 = arith.constant 0 : i32
          %dma_start3A_398 = tpu.memref_slice %arg4[%add3A_391, %dma_start3A_396, %dma_start3A_397] : memref<4000x2x80xi32, #tpu.memory_space<hbm>> -> memref<1x2x80xi32, #tpu.memory_space<hbm>>
          %dma_start3A_399 = tpu.memref_squeeze %dma_start3A_398 : memref<1x2x80xi32, #tpu.memory_space<hbm>> -> memref<2x80xi32, #tpu.memory_space<hbm>>
          tpu.enqueue_dma source(%dma_start3A_399 : memref<2x80xi32, #tpu.memory_space<hbm>>) target(%arg8 : memref<2x80xi32, #tpu.memory_space<vmem>>) target_semaphore(%arg17 : memref<!tpu.dma_semaphore, #tpu.memory_space<semaphore_mem>>)
          %dma_wait3A_400 = arith.constant 1 : i32
          %dma_wait3A_401 = arith.constant 0 : i32
          %dma_wait3A_402 = tpu.memref_slice %arg9[%dma_wait3A_400, %dma_wait3A_401] : memref<2x80xi32, #tpu.memory_space<vmem>> -> memref<1x80xi32, #tpu.memory_space<vmem>>
          %dma_wait3A_403 = tpu.memref_squeeze %dma_wait3A_402 : memref<1x80xi32, #tpu.memory_space<vmem>> -> memref<80xi32, #tpu.memory_space<vmem>>
          %dma_wait3A_404 = arith.constant 0 : i32
          %dma_wait3A_405 = arith.constant 0 : i32
          %dma_wait3A_406 = tpu.memref_slice %arg15[%dma_wait3A_404, %dma_wait3A_405] : memref<10112x128xf32, #tpu.memory_space<vmem_shared>> -> memref<10112x128xf32, #tpu.memory_space<vmem_shared>>
          tpu.wait_indirect_dma semaphore(%arg26 : memref<!tpu.dma_semaphore, #tpu.memory_space<semaphore_mem>>) src(%arg13 : memref<80x128xf32, #tpu.memory_space<vmem>>) dst(%dma_wait3A_406 : memref<10112x128xf32, #tpu.memory_space<vmem_shared>>)
          %add3A_407 = arith.constant 1 : i32
          %add3A_408 = arith.addi %scan3A_211, %add3A_407 : i32
          %mul3A_409 = arith.constant 4 : i32
          %mul3A_410 = arith.muli %mul3A_409, %add3A_408 : i32
          %add3A_411 = arith.constant 2 : i32
          %add3A_412 = arith.addi %mul3A_410, %add3A_411 : i32
          %add3A_413 = arith.addi %mul3A_23, %add3A_412 : i32
          %dma_start3A_414 = arith.constant 0 : i32
          %dma_start3A_415 = arith.constant 0 : i32
          %dma_start3A_416 = tpu.memref_slice %arg4[%add3A_413, %dma_start3A_414, %dma_start3A_415] : memref<4000x2x80xi32, #tpu.memory_space<hbm>> -> memref<1x2x80xi32, #tpu.memory_space<hbm>>
          %dma_start3A_417 = tpu.memref_squeeze %dma_start3A_416 : memref<1x2x80xi32, #tpu.memory_space<hbm>> -> memref<2x80xi32, #tpu.memory_space<hbm>>
          %dma_start3A_418 = arith.constant 0 : i32
          %dma_start3A_419 = arith.constant 0 : i32
          %dma_start3A_420 = tpu.memref_slice %arg4[%add3A_413, %dma_start3A_418, %dma_start3A_419] : memref<4000x2x80xi32, #tpu.memory_space<hbm>> -> memref<1x2x80xi32, #tpu.memory_space<hbm>>
          %dma_start3A_421 = tpu.memref_squeeze %dma_start3A_420 : memref<1x2x80xi32, #tpu.memory_space<hbm>> -> memref<2x80xi32, #tpu.memory_space<hbm>>
          tpu.enqueue_dma source(%dma_start3A_421 : memref<2x80xi32, #tpu.memory_space<hbm>>) target(%arg9 : memref<2x80xi32, #tpu.memory_space<vmem>>) target_semaphore(%arg18 : memref<!tpu.dma_semaphore, #tpu.memory_space<semaphore_mem>>)
          %dma_wait3A_422 = arith.constant 1 : i32
          %dma_wait3A_423 = arith.constant 0 : i32
          %dma_wait3A_424 = tpu.memref_slice %arg10[%dma_wait3A_422, %dma_wait3A_423] : memref<2x80xi32, #tpu.memory_space<vmem>> -> memref<1x80xi32, #tpu.memory_space<vmem>>
          %dma_wait3A_425 = tpu.memref_squeeze %dma_wait3A_424 : memref<1x80xi32, #tpu.memory_space<vmem>> -> memref<80xi32, #tpu.memory_space<vmem>>
          %dma_wait3A_426 = arith.constant 0 : i32
          %dma_wait3A_427 = arith.constant 0 : i32
          %dma_wait3A_428 = tpu.memref_slice %arg15[%dma_wait3A_426, %dma_wait3A_427] : memref<10112x128xf32, #tpu.memory_space<vmem_shared>> -> memref<10112x128xf32, #tpu.memory_space<vmem_shared>>
          tpu.wait_indirect_dma semaphore(%arg27 : memref<!tpu.dma_semaphore, #tpu.memory_space<semaphore_mem>>) src(%arg14 : memref<80x128xf32, #tpu.memory_space<vmem>>) dst(%dma_wait3A_428 : memref<10112x128xf32, #tpu.memory_space<vmem_shared>>)
          %add3A_429 = arith.constant 1 : i32
          %add3A_430 = arith.addi %scan3A_211, %add3A_429 : i32
          %mul3A_431 = arith.constant 4 : i32
          %mul3A_432 = arith.muli %mul3A_431, %add3A_430 : i32
          %add3A_433 = arith.constant 3 : i32
          %add3A_434 = arith.addi %mul3A_432, %add3A_433 : i32
          %add3A_435 = arith.addi %mul3A_23, %add3A_434 : i32
          %dma_start3A_436 = arith.constant 0 : i32
          %dma_start3A_437 = arith.constant 0 : i32
          %dma_start3A_438 = tpu.memref_slice %arg4[%add3A_435, %dma_start3A_436, %dma_start3A_437] : memref<4000x2x80xi32, #tpu.memory_space<hbm>> -> memref<1x2x80xi32, #tpu.memory_space<hbm>>
          %dma_start3A_439 = tpu.memref_squeeze %dma_start3A_438 : memref<1x2x80xi32, #tpu.memory_space<hbm>> -> memref<2x80xi32, #tpu.memory_space<hbm>>
          %dma_start3A_440 = arith.constant 0 : i32
          %dma_start3A_441 = arith.constant 0 : i32
          %dma_start3A_442 = tpu.memref_slice %arg4[%add3A_435, %dma_start3A_440, %dma_start3A_441] : memref<4000x2x80xi32, #tpu.memory_space<hbm>> -> memref<1x2x80xi32, #tpu.memory_space<hbm>>
          %dma_start3A_443 = tpu.memref_squeeze %dma_start3A_442 : memref<1x2x80xi32, #tpu.memory_space<hbm>> -> memref<2x80xi32, #tpu.memory_space<hbm>>
          tpu.enqueue_dma source(%dma_start3A_443 : memref<2x80xi32, #tpu.memory_space<hbm>>) target(%arg10 : memref<2x80xi32, #tpu.memory_space<vmem>>) target_semaphore(%arg19 : memref<!tpu.dma_semaphore, #tpu.memory_space<semaphore_mem>>)
        } else {
        }
        %scan3A_355 = arith.constant 0 : i32
        scf.yield %scan3A_355 : i32
      }
      %scan3A_87 = arith.constant 62 : i32
      %dma_wait3A = arith.constant 1 : i32
      %dma_wait3A_88 = arith.constant 0 : i32
      %dma_wait3A_89 = tpu.memref_slice %arg7[%dma_wait3A, %dma_wait3A_88] : memref<2x80xi32, #tpu.memory_space<vmem>> -> memref<1x80xi32, #tpu.memory_space<vmem>>
      %dma_wait3A_90 = tpu.memref_squeeze %dma_wait3A_89 : memref<1x80xi32, #tpu.memory_space<vmem>> -> memref<80xi32, #tpu.memory_space<vmem>>
      %dma_wait3A_91 = arith.constant 0 : i32
      %dma_wait3A_92 = arith.constant 0 : i32
      %dma_wait3A_93 = tpu.memref_slice %arg15[%dma_wait3A_91, %dma_wait3A_92] : memref<10112x128xf32, #tpu.memory_space<vmem_shared>> -> memref<10112x128xf32, #tpu.memory_space<vmem_shared>>
      tpu.wait_indirect_dma semaphore(%arg24 : memref<!tpu.dma_semaphore, #tpu.memory_space<semaphore_mem>>) src(%arg11 : memref<80x128xf32, #tpu.memory_space<vmem>>) dst(%dma_wait3A_93 : memref<10112x128xf32, #tpu.memory_space<vmem_shared>>)
      %dma_wait3A_94 = arith.constant 1 : i32
      %dma_wait3A_95 = arith.constant 0 : i32
      %dma_wait3A_96 = tpu.memref_slice %arg8[%dma_wait3A_94, %dma_wait3A_95] : memref<2x80xi32, #tpu.memory_space<vmem>> -> memref<1x80xi32, #tpu.memory_space<vmem>>
      %dma_wait3A_97 = tpu.memref_squeeze %dma_wait3A_96 : memref<1x80xi32, #tpu.memory_space<vmem>> -> memref<80xi32, #tpu.memory_space<vmem>>
      %dma_wait3A_98 = arith.constant 0 : i32
      %dma_wait3A_99 = arith.constant 0 : i32
      %dma_wait3A_100 = tpu.memref_slice %arg15[%dma_wait3A_98, %dma_wait3A_99] : memref<10112x128xf32, #tpu.memory_space<vmem_shared>> -> memref<10112x128xf32, #tpu.memory_space<vmem_shared>>
      tpu.wait_indirect_dma semaphore(%arg25 : memref<!tpu.dma_semaphore, #tpu.memory_space<semaphore_mem>>) src(%arg12 : memref<80x128xf32, #tpu.memory_space<vmem>>) dst(%dma_wait3A_100 : memref<10112x128xf32, #tpu.memory_space<vmem_shared>>)
      %dma_wait3A_101 = arith.constant 1 : i32
      %dma_wait3A_102 = arith.constant 0 : i32
      %dma_wait3A_103 = tpu.memref_slice %arg9[%dma_wait3A_101, %dma_wait3A_102] : memref<2x80xi32, #tpu.memory_space<vmem>> -> memref<1x80xi32, #tpu.memory_space<vmem>>
      %dma_wait3A_104 = tpu.memref_squeeze %dma_wait3A_103 : memref<1x80xi32, #tpu.memory_space<vmem>> -> memref<80xi32, #tpu.memory_space<vmem>>
      %dma_wait3A_105 = arith.constant 0 : i32
      %dma_wait3A_106 = arith.constant 0 : i32
      %dma_wait3A_107 = tpu.memref_slice %arg15[%dma_wait3A_105, %dma_wait3A_106] : memref<10112x128xf32, #tpu.memory_space<vmem_shared>> -> memref<10112x128xf32, #tpu.memory_space<vmem_shared>>
      tpu.wait_indirect_dma semaphore(%arg26 : memref<!tpu.dma_semaphore, #tpu.memory_space<semaphore_mem>>) src(%arg13 : memref<80x128xf32, #tpu.memory_space<vmem>>) dst(%dma_wait3A_107 : memref<10112x128xf32, #tpu.memory_space<vmem_shared>>)
      %dma_wait3A_108 = arith.constant 1 : i32
      %dma_wait3A_109 = arith.constant 0 : i32
      %dma_wait3A_110 = tpu.memref_slice %arg10[%dma_wait3A_108, %dma_wait3A_109] : memref<2x80xi32, #tpu.memory_space<vmem>> -> memref<1x80xi32, #tpu.memory_space<vmem>>
      %dma_wait3A_111 = tpu.memref_squeeze %dma_wait3A_110 : memref<1x80xi32, #tpu.memory_space<vmem>> -> memref<80xi32, #tpu.memory_space<vmem>>
      %dma_wait3A_112 = arith.constant 0 : i32
      %dma_wait3A_113 = arith.constant 0 : i32
      %dma_wait3A_114 = tpu.memref_slice %arg15[%dma_wait3A_112, %dma_wait3A_113] : memref<10112x128xf32, #tpu.memory_space<vmem_shared>> -> memref<10112x128xf32, #tpu.memory_space<vmem_shared>>
      tpu.wait_indirect_dma semaphore(%arg27 : memref<!tpu.dma_semaphore, #tpu.memory_space<semaphore_mem>>) src(%arg14 : memref<80x128xf32, #tpu.memory_space<vmem>>) dst(%dma_wait3A_114 : memref<10112x128xf32, #tpu.memory_space<vmem_shared>>)
      %add3A_115 = arith.constant 248 : i32
      %add3A_116 = arith.addi %mul3A_23, %add3A_115 : i32
      %dma_start3A_117 = arith.constant 0 : i32
      %dma_start3A_118 = arith.constant 0 : i32
      %dma_start3A_119 = tpu.memref_slice %arg4[%add3A_116, %dma_start3A_117, %dma_start3A_118] : memref<4000x2x80xi32, #tpu.memory_space<hbm>> -> memref<1x2x80xi32, #tpu.memory_space<hbm>>
      %dma_start3A_120 = tpu.memref_squeeze %dma_start3A_119 : memref<1x2x80xi32, #tpu.memory_space<hbm>> -> memref<2x80xi32, #tpu.memory_space<hbm>>
      %dma_start3A_121 = arith.constant 0 : i32
      %dma_start3A_122 = arith.constant 0 : i32
      %dma_start3A_123 = tpu.memref_slice %arg4[%add3A_116, %dma_start3A_121, %dma_start3A_122] : memref<4000x2x80xi32, #tpu.memory_space<hbm>> -> memref<1x2x80xi32, #tpu.memory_space<hbm>>
      %dma_start3A_124 = tpu.memref_squeeze %dma_start3A_123 : memref<1x2x80xi32, #tpu.memory_space<hbm>> -> memref<2x80xi32, #tpu.memory_space<hbm>>
      tpu.enqueue_dma source(%dma_start3A_124 : memref<2x80xi32, #tpu.memory_space<hbm>>) target(%arg7 : memref<2x80xi32, #tpu.memory_space<vmem>>) target_semaphore(%arg16 : memref<!tpu.dma_semaphore, #tpu.memory_space<semaphore_mem>>)
      %add3A_125 = arith.constant 248 : i32
      %add3A_126 = arith.addi %mul3A_23, %add3A_125 : i32
      %dma_wait3A_127 = arith.constant 0 : i32
      %dma_wait3A_128 = arith.constant 0 : i32
      %dma_wait3A_129 = tpu.memref_slice %arg4[%add3A_126, %dma_wait3A_127, %dma_wait3A_128] : memref<4000x2x80xi32, #tpu.memory_space<hbm>> -> memref<1x2x80xi32, #tpu.memory_space<hbm>>
      %dma_wait3A_130 = tpu.memref_squeeze %dma_wait3A_129 : memref<1x2x80xi32, #tpu.memory_space<hbm>> -> memref<2x80xi32, #tpu.memory_space<hbm>>
      %dma_wait3A_131 = arith.constant 0 : i32
      %dma_wait3A_132 = arith.constant 0 : i32
      %dma_wait3A_133 = tpu.memref_slice %arg4[%add3A_126, %dma_wait3A_131, %dma_wait3A_132] : memref<4000x2x80xi32, #tpu.memory_space<hbm>> -> memref<1x2x80xi32, #tpu.memory_space<hbm>>
      %dma_wait3A_134 = tpu.memref_squeeze %dma_wait3A_133 : memref<1x2x80xi32, #tpu.memory_space<hbm>> -> memref<2x80xi32, #tpu.memory_space<hbm>>
      tpu.wait_dma2 semaphore(%arg16 : memref<!tpu.dma_semaphore, #tpu.memory_space<semaphore_mem>>) src(%dma_wait3A_134 : memref<2x80xi32, #tpu.memory_space<hbm>>) dst(%arg7 : memref<2x80xi32, #tpu.memory_space<vmem>>)
      %dma_start3A_135 = arith.constant 0 : i32
      %dma_start3A_136 = arith.constant 0 : i32
      %dma_start3A_137 = tpu.memref_slice %arg7[%dma_start3A_135, %dma_start3A_136] : memref<2x80xi32, #tpu.memory_space<vmem>> -> memref<1x80xi32, #tpu.memory_space<vmem>>
      %dma_start3A_138 = tpu.memref_squeeze %dma_start3A_137 : memref<1x80xi32, #tpu.memory_space<vmem>> -> memref<80xi32, #tpu.memory_space<vmem>>
      %dma_start3A_139 = arith.constant 0 : i32
      %dma_start3A_140 = arith.constant 0 : i32
      %dma_start3A_141 = tpu.memref_slice %arg2[%dma_start3A_139, %dma_start3A_140] : memref<10000x128xf32, #tpu.memory_space<hbm>> -> memref<10000x128xf32, #tpu.memory_space<hbm>>
      tpu.enqueue_indirect_dma source(%dma_start3A_141 : memref<10000x128xf32, #tpu.memory_space<hbm>>) target(%arg11 : memref<80x128xf32, #tpu.memory_space<vmem>>) offsets(%dma_start3A_138 : memref<80xi32, #tpu.memory_space<vmem>>) semaphore(%arg20 : memref<!tpu.dma_semaphore, #tpu.memory_space<semaphore_mem>>)
      %dma_wait3A_142 = arith.constant 0 : i32
      %dma_wait3A_143 = arith.constant 0 : i32
      %dma_wait3A_144 = tpu.memref_slice %arg7[%dma_wait3A_142, %dma_wait3A_143] : memref<2x80xi32, #tpu.memory_space<vmem>> -> memref<1x80xi32, #tpu.memory_space<vmem>>
      %dma_wait3A_145 = tpu.memref_squeeze %dma_wait3A_144 : memref<1x80xi32, #tpu.memory_space<vmem>> -> memref<80xi32, #tpu.memory_space<vmem>>
      %dma_wait3A_146 = arith.constant 0 : i32
      %dma_wait3A_147 = arith.constant 0 : i32
      %dma_wait3A_148 = tpu.memref_slice %arg2[%dma_wait3A_146, %dma_wait3A_147] : memref<10000x128xf32, #tpu.memory_space<hbm>> -> memref<10000x128xf32, #tpu.memory_space<hbm>>
      tpu.wait_indirect_dma semaphore(%arg20 : memref<!tpu.dma_semaphore, #tpu.memory_space<semaphore_mem>>) src(%dma_wait3A_148 : memref<10000x128xf32, #tpu.memory_space<hbm>>) dst(%arg11 : memref<80x128xf32, #tpu.memory_space<vmem>>)
      %dma_start3A_149 = arith.constant 1 : i32
      %dma_start3A_150 = arith.constant 0 : i32
      %dma_start3A_151 = tpu.memref_slice %arg7[%dma_start3A_149, %dma_start3A_150] : memref<2x80xi32, #tpu.memory_space<vmem>> -> memref<1x80xi32, #tpu.memory_space<vmem>>
      %dma_start3A_152 = tpu.memref_squeeze %dma_start3A_151 : memref<1x80xi32, #tpu.memory_space<vmem>> -> memref<80xi32, #tpu.memory_space<vmem>>
      %dma_start3A_153 = arith.constant 0 : i32
      %dma_start3A_154 = arith.constant 0 : i32
      %dma_start3A_155 = tpu.memref_slice %arg15[%dma_start3A_153, %dma_start3A_154] : memref<10112x128xf32, #tpu.memory_space<vmem_shared>> -> memref<10112x128xf32, #tpu.memory_space<vmem_shared>>
      tpu.enqueue_indirect_dma source(%arg11 : memref<80x128xf32, #tpu.memory_space<vmem>>) target(%dma_start3A_155 : memref<10112x128xf32, #tpu.memory_space<vmem_shared>>) offsets(%dma_start3A_152 : memref<80xi32, #tpu.memory_space<vmem>>) semaphore(%arg24 : memref<!tpu.dma_semaphore, #tpu.memory_space<semaphore_mem>>) {add = true}
      %dma_wait3A_156 = arith.constant 1 : i32
      %dma_wait3A_157 = arith.constant 0 : i32
      %dma_wait3A_158 = tpu.memref_slice %arg7[%dma_wait3A_156, %dma_wait3A_157] : memref<2x80xi32, #tpu.memory_space<vmem>> -> memref<1x80xi32, #tpu.memory_space<vmem>>
      %dma_wait3A_159 = tpu.memref_squeeze %dma_wait3A_158 : memref<1x80xi32, #tpu.memory_space<vmem>> -> memref<80xi32, #tpu.memory_space<vmem>>
      %dma_wait3A_160 = arith.constant 0 : i32
      %dma_wait3A_161 = arith.constant 0 : i32
      %dma_wait3A_162 = tpu.memref_slice %arg15[%dma_wait3A_160, %dma_wait3A_161] : memref<10112x128xf32, #tpu.memory_space<vmem_shared>> -> memref<10112x128xf32, #tpu.memory_space<vmem_shared>>
      tpu.wait_indirect_dma semaphore(%arg24 : memref<!tpu.dma_semaphore, #tpu.memory_space<semaphore_mem>>) src(%arg11 : memref<80x128xf32, #tpu.memory_space<vmem>>) dst(%dma_wait3A_162 : memref<10112x128xf32, #tpu.memory_space<vmem_shared>>)
      %add3A_163 = arith.constant 249 : i32
      %add3A_164 = arith.addi %mul3A_23, %add3A_163 : i32
      %dma_start3A_165 = arith.constant 0 : i32
      %dma_start3A_166 = arith.constant 0 : i32
      %dma_start3A_167 = tpu.memref_slice %arg4[%add3A_164, %dma_start3A_165, %dma_start3A_166] : memref<4000x2x80xi32, #tpu.memory_space<hbm>> -> memref<1x2x80xi32, #tpu.memory_space<hbm>>
      %dma_start3A_168 = tpu.memref_squeeze %dma_start3A_167 : memref<1x2x80xi32, #tpu.memory_space<hbm>> -> memref<2x80xi32, #tpu.memory_space<hbm>>
      %dma_start3A_169 = arith.constant 0 : i32
      %dma_start3A_170 = arith.constant 0 : i32
      %dma_start3A_171 = tpu.memref_slice %arg4[%add3A_164, %dma_start3A_169, %dma_start3A_170] : memref<4000x2x80xi32, #tpu.memory_space<hbm>> -> memref<1x2x80xi32, #tpu.memory_space<hbm>>
      %dma_start3A_172 = tpu.memref_squeeze %dma_start3A_171 : memref<1x2x80xi32, #tpu.memory_space<hbm>> -> memref<2x80xi32, #tpu.memory_space<hbm>>
      tpu.enqueue_dma source(%dma_start3A_172 : memref<2x80xi32, #tpu.memory_space<hbm>>) target(%arg7 : memref<2x80xi32, #tpu.memory_space<vmem>>) target_semaphore(%arg16 : memref<!tpu.dma_semaphore, #tpu.memory_space<semaphore_mem>>)
      %add3A_173 = arith.constant 249 : i32
      %add3A_174 = arith.addi %mul3A_23, %add3A_173 : i32
      %dma_wait3A_175 = arith.constant 0 : i32
      %dma_wait3A_176 = arith.constant 0 : i32
      %dma_wait3A_177 = tpu.memref_slice %arg4[%add3A_174, %dma_wait3A_175, %dma_wait3A_176] : memref<4000x2x80xi32, #tpu.memory_space<hbm>> -> memref<1x2x80xi32, #tpu.memory_space<hbm>>
      %dma_wait3A_178 = tpu.memref_squeeze %dma_wait3A_177 : memref<1x2x80xi32, #tpu.memory_space<hbm>> -> memref<2x80xi32, #tpu.memory_space<hbm>>
      %dma_wait3A_179 = arith.constant 0 : i32
      %dma_wait3A_180 = arith.constant 0 : i32
      %dma_wait3A_181 = tpu.memref_slice %arg4[%add3A_174, %dma_wait3A_179, %dma_wait3A_180] : memref<4000x2x80xi32, #tpu.memory_space<hbm>> -> memref<1x2x80xi32, #tpu.memory_space<hbm>>
      %dma_wait3A_182 = tpu.memref_squeeze %dma_wait3A_181 : memref<1x2x80xi32, #tpu.memory_space<hbm>> -> memref<2x80xi32, #tpu.memory_space<hbm>>
      tpu.wait_dma2 semaphore(%arg16 : memref<!tpu.dma_semaphore, #tpu.memory_space<semaphore_mem>>) src(%dma_wait3A_182 : memref<2x80xi32, #tpu.memory_space<hbm>>) dst(%arg7 : memref<2x80xi32, #tpu.memory_space<vmem>>)
      %dma_start3A_183 = arith.constant 0 : i32
      %dma_start3A_184 = arith.constant 0 : i32
      %dma_start3A_185 = tpu.memref_slice %arg7[%dma_start3A_183, %dma_start3A_184] : memref<2x80xi32, #tpu.memory_space<vmem>> -> memref<1x80xi32, #tpu.memory_space<vmem>>
      %dma_start3A_186 = tpu.memref_squeeze %dma_start3A_185 : memref<1x80xi32, #tpu.memory_space<vmem>> -> memref<80xi32, #tpu.memory_space<vmem>>
      %dma_start3A_187 = arith.constant 0 : i32
      %dma_start3A_188 = arith.constant 0 : i32
      %dma_start3A_189 = tpu.memref_slice %arg2[%dma_start3A_187, %dma_start3A_188] : memref<10000x128xf32, #tpu.memory_space<hbm>> -> memref<10000x128xf32, #tpu.memory_space<hbm>>
      tpu.enqueue_indirect_dma source(%dma_start3A_189 : memref<10000x128xf32, #tpu.memory_space<hbm>>) target(%arg11 : memref<80x128xf32, #tpu.memory_space<vmem>>) offsets(%dma_start3A_186 : memref<80xi32, #tpu.memory_space<vmem>>) semaphore(%arg20 : memref<!tpu.dma_semaphore, #tpu.memory_space<semaphore_mem>>)
      %dma_wait3A_190 = arith.constant 0 : i32
      %dma_wait3A_191 = arith.constant 0 : i32
      %dma_wait3A_192 = tpu.memref_slice %arg7[%dma_wait3A_190, %dma_wait3A_191] : memref<2x80xi32, #tpu.memory_space<vmem>> -> memref<1x80xi32, #tpu.memory_space<vmem>>
      %dma_wait3A_193 = tpu.memref_squeeze %dma_wait3A_192 : memref<1x80xi32, #tpu.memory_space<vmem>> -> memref<80xi32, #tpu.memory_space<vmem>>
      %dma_wait3A_194 = arith.constant 0 : i32
      %dma_wait3A_195 = arith.constant 0 : i32
      %dma_wait3A_196 = tpu.memref_slice %arg2[%dma_wait3A_194, %dma_wait3A_195] : memref<10000x128xf32, #tpu.memory_space<hbm>> -> memref<10000x128xf32, #tpu.memory_space<hbm>>
      tpu.wait_indirect_dma semaphore(%arg20 : memref<!tpu.dma_semaphore, #tpu.memory_space<semaphore_mem>>) src(%dma_wait3A_196 : memref<10000x128xf32, #tpu.memory_space<hbm>>) dst(%arg11 : memref<80x128xf32, #tpu.memory_space<vmem>>)
      %dma_start3A_197 = arith.constant 1 : i32
      %dma_start3A_198 = arith.constant 0 : i32
      %dma_start3A_199 = tpu.memref_slice %arg7[%dma_start3A_197, %dma_start3A_198] : memref<2x80xi32, #tpu.memory_space<vmem>> -> memref<1x80xi32, #tpu.memory_space<vmem>>
      %dma_start3A_200 = tpu.memref_squeeze %dma_start3A_199 : memref<1x80xi32, #tpu.memory_space<vmem>> -> memref<80xi32, #tpu.memory_space<vmem>>
      %dma_start3A_201 = arith.constant 0 : i32
      %dma_start3A_202 = arith.constant 0 : i32
      %dma_start3A_203 = tpu.memref_slice %arg15[%dma_start3A_201, %dma_start3A_202] : memref<10112x128xf32, #tpu.memory_space<vmem_shared>> -> memref<10112x128xf32, #tpu.memory_space<vmem_shared>>
      tpu.enqueue_indirect_dma source(%arg11 : memref<80x128xf32, #tpu.memory_space<vmem>>) target(%dma_start3A_203 : memref<10112x128xf32, #tpu.memory_space<vmem_shared>>) offsets(%dma_start3A_200 : memref<80xi32, #tpu.memory_space<vmem>>) semaphore(%arg24 : memref<!tpu.dma_semaphore, #tpu.memory_space<semaphore_mem>>) {add = true}
      %dma_wait3A_204 = arith.constant 1 : i32
      %dma_wait3A_205 = arith.constant 0 : i32
      %dma_wait3A_206 = tpu.memref_slice %arg7[%dma_wait3A_204, %dma_wait3A_205] : memref<2x80xi32, #tpu.memory_space<vmem>> -> memref<1x80xi32, #tpu.memory_space<vmem>>
      %dma_wait3A_207 = tpu.memref_squeeze %dma_wait3A_206 : memref<1x80xi32, #tpu.memory_space<vmem>> -> memref<80xi32, #tpu.memory_space<vmem>>
      %dma_wait3A_208 = arith.constant 0 : i32
      %dma_wait3A_209 = arith.constant 0 : i32
      %dma_wait3A_210 = tpu.memref_slice %arg15[%dma_wait3A_208, %dma_wait3A_209] : memref<10112x128xf32, #tpu.memory_space<vmem_shared>> -> memref<10112x128xf32, #tpu.memory_space<vmem_shared>>
      tpu.wait_indirect_dma semaphore(%arg24 : memref<!tpu.dma_semaphore, #tpu.memory_space<semaphore_mem>>) src(%arg11 : memref<80x128xf32, #tpu.memory_space<vmem>>) dst(%dma_wait3A_210 : memref<10112x128xf32, #tpu.memory_space<vmem_shared>>)
    } else {
    }
    %eq3A_26 = arith.constant 1 : i32
    %eq3A_27 = arith.cmpi eq, %arg0, %eq3A_26 : i32
    %convert_element_type3A_28 = arith.extui %eq3A_27 : i1 to i32
    %cond3A_29 = arith.constant 0 : i32
    %cond3A_30 = arith.cmpi ne, %convert_element_type3A_28, %cond3A_29 : i32
    scf.if %cond3A_30 {
      %add3A_42 = arith.constant 0 : i32
      %add3A_43 = arith.addi %mul3A_23, %add3A_42 : i32
      %dma_start3A = arith.constant 0 : i32
      %dma_start3A_44 = arith.constant 0 : i32
      %dma_start3A_45 = tpu.memref_slice %arg4[%add3A_43, %dma_start3A, %dma_start3A_44] : memref<4000x2x80xi32, #tpu.memory_space<hbm>> -> memref<1x2x80xi32, #tpu.memory_space<hbm>>
      %dma_start3A_46 = tpu.memref_squeeze %dma_start3A_45 : memref<1x2x80xi32, #tpu.memory_space<hbm>> -> memref<2x80xi32, #tpu.memory_space<hbm>>
      %dma_start3A_47 = arith.constant 0 : i32
      %dma_start3A_48 = arith.constant 0 : i32
      %dma_start3A_49 = tpu.memref_slice %arg4[%add3A_43, %dma_start3A_47, %dma_start3A_48] : memref<4000x2x80xi32, #tpu.memory_space<hbm>> -> memref<1x2x80xi32, #tpu.memory_space<hbm>>
      %dma_start3A_50 = tpu.memref_squeeze %dma_start3A_49 : memref<1x2x80xi32, #tpu.memory_space<hbm>> -> memref<2x80xi32, #tpu.memory_space<hbm>>
      tpu.enqueue_dma source(%dma_start3A_50 : memref<2x80xi32, #tpu.memory_space<hbm>>) target(%arg7 : memref<2x80xi32, #tpu.memory_space<vmem>>) target_semaphore(%arg16 : memref<!tpu.dma_semaphore, #tpu.memory_space<semaphore_mem>>)
      %add3A_51 = arith.constant 1 : i32
      %add3A_52 = arith.addi %mul3A_23, %add3A_51 : i32
      %dma_start3A_53 = arith.constant 0 : i32
      %dma_start3A_54 = arith.constant 0 : i32
      %dma_start3A_55 = tpu.memref_slice %arg4[%add3A_52, %dma_start3A_53, %dma_start3A_54] : memref<4000x2x80xi32, #tpu.memory_space<hbm>> -> memref<1x2x80xi32, #tpu.memory_space<hbm>>
      %dma_start3A_56 = tpu.memref_squeeze %dma_start3A_55 : memref<1x2x80xi32, #tpu.memory_space<hbm>> -> memref<2x80xi32, #tpu.memory_space<hbm>>
      %dma_start3A_57 = arith.constant 0 : i32
      %dma_start3A_58 = arith.constant 0 : i32
      %dma_start3A_59 = tpu.memref_slice %arg4[%add3A_52, %dma_start3A_57, %dma_start3A_58] : memref<4000x2x80xi32, #tpu.memory_space<hbm>> -> memref<1x2x80xi32, #tpu.memory_space<hbm>>
      %dma_start3A_60 = tpu.memref_squeeze %dma_start3A_59 : memref<1x2x80xi32, #tpu.memory_space<hbm>> -> memref<2x80xi32, #tpu.memory_space<hbm>>
      tpu.enqueue_dma source(%dma_start3A_60 : memref<2x80xi32, #tpu.memory_space<hbm>>) target(%arg8 : memref<2x80xi32, #tpu.memory_space<vmem>>) target_semaphore(%arg17 : memref<!tpu.dma_semaphore, #tpu.memory_space<semaphore_mem>>)
      %add3A_61 = arith.constant 2 : i32
      %add3A_62 = arith.addi %mul3A_23, %add3A_61 : i32
      %dma_start3A_63 = arith.constant 0 : i32
      %dma_start3A_64 = arith.constant 0 : i32
      %dma_start3A_65 = tpu.memref_slice %arg4[%add3A_62, %dma_start3A_63, %dma_start3A_64] : memref<4000x2x80xi32, #tpu.memory_space<hbm>> -> memref<1x2x80xi32, #tpu.memory_space<hbm>>
      %dma_start3A_66 = tpu.memref_squeeze %dma_start3A_65 : memref<1x2x80xi32, #tpu.memory_space<hbm>> -> memref<2x80xi32, #tpu.memory_space<hbm>>
      %dma_start3A_67 = arith.constant 0 : i32
      %dma_start3A_68 = arith.constant 0 : i32
      %dma_start3A_69 = tpu.memref_slice %arg4[%add3A_62, %dma_start3A_67, %dma_start3A_68] : memref<4000x2x80xi32, #tpu.memory_space<hbm>> -> memref<1x2x80xi32, #tpu.memory_space<hbm>>
      %dma_start3A_70 = tpu.memref_squeeze %dma_start3A_69 : memref<1x2x80xi32, #tpu.memory_space<hbm>> -> memref<2x80xi32, #tpu.memory_space<hbm>>
      tpu.enqueue_dma source(%dma_start3A_70 : memref<2x80xi32, #tpu.memory_space<hbm>>) target(%arg9 : memref<2x80xi32, #tpu.memory_space<vmem>>) target_semaphore(%arg18 : memref<!tpu.dma_semaphore, #tpu.memory_space<semaphore_mem>>)
      %add3A_71 = arith.constant 3 : i32
      %add3A_72 = arith.addi %mul3A_23, %add3A_71 : i32
      %dma_start3A_73 = arith.constant 0 : i32
      %dma_start3A_74 = arith.constant 0 : i32
      %dma_start3A_75 = tpu.memref_slice %arg4[%add3A_72, %dma_start3A_73, %dma_start3A_74] : memref<4000x2x80xi32, #tpu.memory_space<hbm>> -> memref<1x2x80xi32, #tpu.memory_space<hbm>>
      %dma_start3A_76 = tpu.memref_squeeze %dma_start3A_75 : memref<1x2x80xi32, #tpu.memory_space<hbm>> -> memref<2x80xi32, #tpu.memory_space<hbm>>
      %dma_start3A_77 = arith.constant 0 : i32
      %dma_start3A_78 = arith.constant 0 : i32
      %dma_start3A_79 = tpu.memref_slice %arg4[%add3A_72, %dma_start3A_77, %dma_start3A_78] : memref<4000x2x80xi32, #tpu.memory_space<hbm>> -> memref<1x2x80xi32, #tpu.memory_space<hbm>>
      %dma_start3A_80 = tpu.memref_squeeze %dma_start3A_79 : memref<1x2x80xi32, #tpu.memory_space<hbm>> -> memref<2x80xi32, #tpu.memory_space<hbm>>
      tpu.enqueue_dma source(%dma_start3A_80 : memref<2x80xi32, #tpu.memory_space<hbm>>) target(%arg10 : memref<2x80xi32, #tpu.memory_space<vmem>>) target_semaphore(%arg19 : memref<!tpu.dma_semaphore, #tpu.memory_space<semaphore_mem>>)
      %scan3A_81 = arith.constant 0 : i32
      %scan3A_82 = arith.constant 0 : i32
      %scan3A_83 = arith.constant 62 : i32
      %scan3A_84 = arith.addi %scan3A_82, %scan3A_83 : i32
      %scan3A_85 = arith.constant 1 : i32
      %scan3A_86 = scf.for %scan3A_211 = %scan3A_82 to %scan3A_84 step %scan3A_85 iter_args(%scan3A_212 = %scan3A_81) -> (i32)  : i32 {
        %mul3A_213 = arith.constant 4 : i32
        %mul3A_214 = arith.muli %mul3A_213, %scan3A_211 : i32
        %add3A_215 = arith.constant 0 : i32
        %add3A_216 = arith.addi %mul3A_214, %add3A_215 : i32
        %add3A_217 = arith.addi %mul3A_23, %add3A_216 : i32
        %dma_wait3A_218 = arith.constant 0 : i32
        %dma_wait3A_219 = arith.constant 0 : i32
        %dma_wait3A_220 = tpu.memref_slice %arg4[%add3A_217, %dma_wait3A_218, %dma_wait3A_219] : memref<4000x2x80xi32, #tpu.memory_space<hbm>> -> memref<1x2x80xi32, #tpu.memory_space<hbm>>
        %dma_wait3A_221 = tpu.memref_squeeze %dma_wait3A_220 : memref<1x2x80xi32, #tpu.memory_space<hbm>> -> memref<2x80xi32, #tpu.memory_space<hbm>>
        %dma_wait3A_222 = arith.constant 0 : i32
        %dma_wait3A_223 = arith.constant 0 : i32
        %dma_wait3A_224 = tpu.memref_slice %arg4[%add3A_217, %dma_wait3A_222, %dma_wait3A_223] : memref<4000x2x80xi32, #tpu.memory_space<hbm>> -> memref<1x2x80xi32, #tpu.memory_space<hbm>>
        %dma_wait3A_225 = tpu.memref_squeeze %dma_wait3A_224 : memref<1x2x80xi32, #tpu.memory_space<hbm>> -> memref<2x80xi32, #tpu.memory_space<hbm>>
        tpu.wait_dma2 semaphore(%arg16 : memref<!tpu.dma_semaphore, #tpu.memory_space<semaphore_mem>>) src(%dma_wait3A_225 : memref<2x80xi32, #tpu.memory_space<hbm>>) dst(%arg7 : memref<2x80xi32, #tpu.memory_space<vmem>>)
        %dma_start3A_226 = arith.constant 0 : i32
        %dma_start3A_227 = arith.constant 0 : i32
        %dma_start3A_228 = tpu.memref_slice %arg7[%dma_start3A_226, %dma_start3A_227] : memref<2x80xi32, #tpu.memory_space<vmem>> -> memref<1x80xi32, #tpu.memory_space<vmem>>
        %dma_start3A_229 = tpu.memref_squeeze %dma_start3A_228 : memref<1x80xi32, #tpu.memory_space<vmem>> -> memref<80xi32, #tpu.memory_space<vmem>>
        %dma_start3A_230 = arith.constant 0 : i32
        %dma_start3A_231 = arith.constant 0 : i32
        %dma_start3A_232 = tpu.memref_slice %arg3[%dma_start3A_230, %dma_start3A_231] : memref<10000x128xf32, #tpu.memory_space<hbm>> -> memref<10000x128xf32, #tpu.memory_space<hbm>>
        tpu.enqueue_indirect_dma source(%dma_start3A_232 : memref<10000x128xf32, #tpu.memory_space<hbm>>) target(%arg11 : memref<80x128xf32, #tpu.memory_space<vmem>>) offsets(%dma_start3A_229 : memref<80xi32, #tpu.memory_space<vmem>>) semaphore(%arg20 : memref<!tpu.dma_semaphore, #tpu.memory_space<semaphore_mem>>)
        %mul3A_233 = arith.constant 4 : i32
        %mul3A_234 = arith.muli %mul3A_233, %scan3A_211 : i32
        %add3A_235 = arith.constant 1 : i32
        %add3A_236 = arith.addi %mul3A_234, %add3A_235 : i32
        %add3A_237 = arith.addi %mul3A_23, %add3A_236 : i32
        %dma_wait3A_238 = arith.constant 0 : i32
        %dma_wait3A_239 = arith.constant 0 : i32
        %dma_wait3A_240 = tpu.memref_slice %arg4[%add3A_237, %dma_wait3A_238, %dma_wait3A_239] : memref<4000x2x80xi32, #tpu.memory_space<hbm>> -> memref<1x2x80xi32, #tpu.memory_space<hbm>>
        %dma_wait3A_241 = tpu.memref_squeeze %dma_wait3A_240 : memref<1x2x80xi32, #tpu.memory_space<hbm>> -> memref<2x80xi32, #tpu.memory_space<hbm>>
        %dma_wait3A_242 = arith.constant 0 : i32
        %dma_wait3A_243 = arith.constant 0 : i32
        %dma_wait3A_244 = tpu.memref_slice %arg4[%add3A_237, %dma_wait3A_242, %dma_wait3A_243] : memref<4000x2x80xi32, #tpu.memory_space<hbm>> -> memref<1x2x80xi32, #tpu.memory_space<hbm>>
        %dma_wait3A_245 = tpu.memref_squeeze %dma_wait3A_244 : memref<1x2x80xi32, #tpu.memory_space<hbm>> -> memref<2x80xi32, #tpu.memory_space<hbm>>
        tpu.wait_dma2 semaphore(%arg17 : memref<!tpu.dma_semaphore, #tpu.memory_space<semaphore_mem>>) src(%dma_wait3A_245 : memref<2x80xi32, #tpu.memory_space<hbm>>) dst(%arg8 : memref<2x80xi32, #tpu.memory_space<vmem>>)
        %dma_start3A_246 = arith.constant 0 : i32
        %dma_start3A_247 = arith.constant 0 : i32
        %dma_start3A_248 = tpu.memref_slice %arg8[%dma_start3A_246, %dma_start3A_247] : memref<2x80xi32, #tpu.memory_space<vmem>> -> memref<1x80xi32, #tpu.memory_space<vmem>>
        %dma_start3A_249 = tpu.memref_squeeze %dma_start3A_248 : memref<1x80xi32, #tpu.memory_space<vmem>> -> memref<80xi32, #tpu.memory_space<vmem>>
        %dma_start3A_250 = arith.constant 0 : i32
        %dma_start3A_251 = arith.constant 0 : i32
        %dma_start3A_252 = tpu.memref_slice %arg3[%dma_start3A_250, %dma_start3A_251] : memref<10000x128xf32, #tpu.memory_space<hbm>> -> memref<10000x128xf32, #tpu.memory_space<hbm>>
        tpu.enqueue_indirect_dma source(%dma_start3A_252 : memref<10000x128xf32, #tpu.memory_space<hbm>>) target(%arg12 : memref<80x128xf32, #tpu.memory_space<vmem>>) offsets(%dma_start3A_249 : memref<80xi32, #tpu.memory_space<vmem>>) semaphore(%arg21 : memref<!tpu.dma_semaphore, #tpu.memory_space<semaphore_mem>>)
        %mul3A_253 = arith.constant 4 : i32
        %mul3A_254 = arith.muli %mul3A_253, %scan3A_211 : i32
        %add3A_255 = arith.constant 2 : i32
        %add3A_256 = arith.addi %mul3A_254, %add3A_255 : i32
        %add3A_257 = arith.addi %mul3A_23, %add3A_256 : i32
        %dma_wait3A_258 = arith.constant 0 : i32
        %dma_wait3A_259 = arith.constant 0 : i32
        %dma_wait3A_260 = tpu.memref_slice %arg4[%add3A_257, %dma_wait3A_258, %dma_wait3A_259] : memref<4000x2x80xi32, #tpu.memory_space<hbm>> -> memref<1x2x80xi32, #tpu.memory_space<hbm>>
        %dma_wait3A_261 = tpu.memref_squeeze %dma_wait3A_260 : memref<1x2x80xi32, #tpu.memory_space<hbm>> -> memref<2x80xi32, #tpu.memory_space<hbm>>
        %dma_wait3A_262 = arith.constant 0 : i32
        %dma_wait3A_263 = arith.constant 0 : i32
        %dma_wait3A_264 = tpu.memref_slice %arg4[%add3A_257, %dma_wait3A_262, %dma_wait3A_263] : memref<4000x2x80xi32, #tpu.memory_space<hbm>> -> memref<1x2x80xi32, #tpu.memory_space<hbm>>
        %dma_wait3A_265 = tpu.memref_squeeze %dma_wait3A_264 : memref<1x2x80xi32, #tpu.memory_space<hbm>> -> memref<2x80xi32, #tpu.memory_space<hbm>>
        tpu.wait_dma2 semaphore(%arg18 : memref<!tpu.dma_semaphore, #tpu.memory_space<semaphore_mem>>) src(%dma_wait3A_265 : memref<2x80xi32, #tpu.memory_space<hbm>>) dst(%arg9 : memref<2x80xi32, #tpu.memory_space<vmem>>)
        %dma_start3A_266 = arith.constant 0 : i32
        %dma_start3A_267 = arith.constant 0 : i32
        %dma_start3A_268 = tpu.memref_slice %arg9[%dma_start3A_266, %dma_start3A_267] : memref<2x80xi32, #tpu.memory_space<vmem>> -> memref<1x80xi32, #tpu.memory_space<vmem>>
        %dma_start3A_269 = tpu.memref_squeeze %dma_start3A_268 : memref<1x80xi32, #tpu.memory_space<vmem>> -> memref<80xi32, #tpu.memory_space<vmem>>
        %dma_start3A_270 = arith.constant 0 : i32
        %dma_start3A_271 = arith.constant 0 : i32
        %dma_start3A_272 = tpu.memref_slice %arg3[%dma_start3A_270, %dma_start3A_271] : memref<10000x128xf32, #tpu.memory_space<hbm>> -> memref<10000x128xf32, #tpu.memory_space<hbm>>
        tpu.enqueue_indirect_dma source(%dma_start3A_272 : memref<10000x128xf32, #tpu.memory_space<hbm>>) target(%arg13 : memref<80x128xf32, #tpu.memory_space<vmem>>) offsets(%dma_start3A_269 : memref<80xi32, #tpu.memory_space<vmem>>) semaphore(%arg22 : memref<!tpu.dma_semaphore, #tpu.memory_space<semaphore_mem>>)
        %mul3A_273 = arith.constant 4 : i32
        %mul3A_274 = arith.muli %mul3A_273, %scan3A_211 : i32
        %add3A_275 = arith.constant 3 : i32
        %add3A_276 = arith.addi %mul3A_274, %add3A_275 : i32
        %add3A_277 = arith.addi %mul3A_23, %add3A_276 : i32
        %dma_wait3A_278 = arith.constant 0 : i32
        %dma_wait3A_279 = arith.constant 0 : i32
        %dma_wait3A_280 = tpu.memref_slice %arg4[%add3A_277, %dma_wait3A_278, %dma_wait3A_279] : memref<4000x2x80xi32, #tpu.memory_space<hbm>> -> memref<1x2x80xi32, #tpu.memory_space<hbm>>
        %dma_wait3A_281 = tpu.memref_squeeze %dma_wait3A_280 : memref<1x2x80xi32, #tpu.memory_space<hbm>> -> memref<2x80xi32, #tpu.memory_space<hbm>>
        %dma_wait3A_282 = arith.constant 0 : i32
        %dma_wait3A_283 = arith.constant 0 : i32
        %dma_wait3A_284 = tpu.memref_slice %arg4[%add3A_277, %dma_wait3A_282, %dma_wait3A_283] : memref<4000x2x80xi32, #tpu.memory_space<hbm>> -> memref<1x2x80xi32, #tpu.memory_space<hbm>>
        %dma_wait3A_285 = tpu.memref_squeeze %dma_wait3A_284 : memref<1x2x80xi32, #tpu.memory_space<hbm>> -> memref<2x80xi32, #tpu.memory_space<hbm>>
        tpu.wait_dma2 semaphore(%arg19 : memref<!tpu.dma_semaphore, #tpu.memory_space<semaphore_mem>>) src(%dma_wait3A_285 : memref<2x80xi32, #tpu.memory_space<hbm>>) dst(%arg10 : memref<2x80xi32, #tpu.memory_space<vmem>>)
        %dma_start3A_286 = arith.constant 0 : i32
        %dma_start3A_287 = arith.constant 0 : i32
        %dma_start3A_288 = tpu.memref_slice %arg10[%dma_start3A_286, %dma_start3A_287] : memref<2x80xi32, #tpu.memory_space<vmem>> -> memref<1x80xi32, #tpu.memory_space<vmem>>
        %dma_start3A_289 = tpu.memref_squeeze %dma_start3A_288 : memref<1x80xi32, #tpu.memory_space<vmem>> -> memref<80xi32, #tpu.memory_space<vmem>>
        %dma_start3A_290 = arith.constant 0 : i32
        %dma_start3A_291 = arith.constant 0 : i32
        %dma_start3A_292 = tpu.memref_slice %arg3[%dma_start3A_290, %dma_start3A_291] : memref<10000x128xf32, #tpu.memory_space<hbm>> -> memref<10000x128xf32, #tpu.memory_space<hbm>>
        tpu.enqueue_indirect_dma source(%dma_start3A_292 : memref<10000x128xf32, #tpu.memory_space<hbm>>) target(%arg14 : memref<80x128xf32, #tpu.memory_space<vmem>>) offsets(%dma_start3A_289 : memref<80xi32, #tpu.memory_space<vmem>>) semaphore(%arg23 : memref<!tpu.dma_semaphore, #tpu.memory_space<semaphore_mem>>)
        %dma_wait3A_293 = arith.constant 0 : i32
        %dma_wait3A_294 = arith.constant 0 : i32
        %dma_wait3A_295 = tpu.memref_slice %arg7[%dma_wait3A_293, %dma_wait3A_294] : memref<2x80xi32, #tpu.memory_space<vmem>> -> memref<1x80xi32, #tpu.memory_space<vmem>>
        %dma_wait3A_296 = tpu.memref_squeeze %dma_wait3A_295 : memref<1x80xi32, #tpu.memory_space<vmem>> -> memref<80xi32, #tpu.memory_space<vmem>>
        %dma_wait3A_297 = arith.constant 0 : i32
        %dma_wait3A_298 = arith.constant 0 : i32
        %dma_wait3A_299 = tpu.memref_slice %arg3[%dma_wait3A_297, %dma_wait3A_298] : memref<10000x128xf32, #tpu.memory_space<hbm>> -> memref<10000x128xf32, #tpu.memory_space<hbm>>
        tpu.wait_indirect_dma semaphore(%arg20 : memref<!tpu.dma_semaphore, #tpu.memory_space<semaphore_mem>>) src(%dma_wait3A_299 : memref<10000x128xf32, #tpu.memory_space<hbm>>) dst(%arg11 : memref<80x128xf32, #tpu.memory_space<vmem>>)
        %dma_start3A_300 = arith.constant 1 : i32
        %dma_start3A_301 = arith.constant 0 : i32
        %dma_start3A_302 = tpu.memref_slice %arg7[%dma_start3A_300, %dma_start3A_301] : memref<2x80xi32, #tpu.memory_space<vmem>> -> memref<1x80xi32, #tpu.memory_space<vmem>>
        %dma_start3A_303 = tpu.memref_squeeze %dma_start3A_302 : memref<1x80xi32, #tpu.memory_space<vmem>> -> memref<80xi32, #tpu.memory_space<vmem>>
        %dma_start3A_304 = arith.constant 0 : i32
        %dma_start3A_305 = arith.constant 0 : i32
        %dma_start3A_306 = tpu.memref_slice %arg15[%dma_start3A_304, %dma_start3A_305] : memref<10112x128xf32, #tpu.memory_space<vmem_shared>> -> memref<10112x128xf32, #tpu.memory_space<vmem_shared>>
        tpu.enqueue_indirect_dma source(%arg11 : memref<80x128xf32, #tpu.memory_space<vmem>>) target(%dma_start3A_306 : memref<10112x128xf32, #tpu.memory_space<vmem_shared>>) offsets(%dma_start3A_303 : memref<80xi32, #tpu.memory_space<vmem>>) semaphore(%arg24 : memref<!tpu.dma_semaphore, #tpu.memory_space<semaphore_mem>>) {add = true}
        %dma_wait3A_307 = arith.constant 0 : i32
        %dma_wait3A_308 = arith.constant 0 : i32
        %dma_wait3A_309 = tpu.memref_slice %arg8[%dma_wait3A_307, %dma_wait3A_308] : memref<2x80xi32, #tpu.memory_space<vmem>> -> memref<1x80xi32, #tpu.memory_space<vmem>>
        %dma_wait3A_310 = tpu.memref_squeeze %dma_wait3A_309 : memref<1x80xi32, #tpu.memory_space<vmem>> -> memref<80xi32, #tpu.memory_space<vmem>>
        %dma_wait3A_311 = arith.constant 0 : i32
        %dma_wait3A_312 = arith.constant 0 : i32
        %dma_wait3A_313 = tpu.memref_slice %arg3[%dma_wait3A_311, %dma_wait3A_312] : memref<10000x128xf32, #tpu.memory_space<hbm>> -> memref<10000x128xf32, #tpu.memory_space<hbm>>
        tpu.wait_indirect_dma semaphore(%arg21 : memref<!tpu.dma_semaphore, #tpu.memory_space<semaphore_mem>>) src(%dma_wait3A_313 : memref<10000x128xf32, #tpu.memory_space<hbm>>) dst(%arg12 : memref<80x128xf32, #tpu.memory_space<vmem>>)
        %dma_start3A_314 = arith.constant 1 : i32
        %dma_start3A_315 = arith.constant 0 : i32
        %dma_start3A_316 = tpu.memref_slice %arg8[%dma_start3A_314, %dma_start3A_315] : memref<2x80xi32, #tpu.memory_space<vmem>> -> memref<1x80xi32, #tpu.memory_space<vmem>>
        %dma_start3A_317 = tpu.memref_squeeze %dma_start3A_316 : memref<1x80xi32, #tpu.memory_space<vmem>> -> memref<80xi32, #tpu.memory_space<vmem>>
        %dma_start3A_318 = arith.constant 0 : i32
        %dma_start3A_319 = arith.constant 0 : i32
        %dma_start3A_320 = tpu.memref_slice %arg15[%dma_start3A_318, %dma_start3A_319] : memref<10112x128xf32, #tpu.memory_space<vmem_shared>> -> memref<10112x128xf32, #tpu.memory_space<vmem_shared>>
        tpu.enqueue_indirect_dma source(%arg12 : memref<80x128xf32, #tpu.memory_space<vmem>>) target(%dma_start3A_320 : memref<10112x128xf32, #tpu.memory_space<vmem_shared>>) offsets(%dma_start3A_317 : memref<80xi32, #tpu.memory_space<vmem>>) semaphore(%arg25 : memref<!tpu.dma_semaphore, #tpu.memory_space<semaphore_mem>>) {add = true}
        %dma_wait3A_321 = arith.constant 0 : i32
        %dma_wait3A_322 = arith.constant 0 : i32
        %dma_wait3A_323 = tpu.memref_slice %arg9[%dma_wait3A_321, %dma_wait3A_322] : memref<2x80xi32, #tpu.memory_space<vmem>> -> memref<1x80xi32, #tpu.memory_space<vmem>>
        %dma_wait3A_324 = tpu.memref_squeeze %dma_wait3A_323 : memref<1x80xi32, #tpu.memory_space<vmem>> -> memref<80xi32, #tpu.memory_space<vmem>>
        %dma_wait3A_325 = arith.constant 0 : i32
        %dma_wait3A_326 = arith.constant 0 : i32
        %dma_wait3A_327 = tpu.memref_slice %arg3[%dma_wait3A_325, %dma_wait3A_326] : memref<10000x128xf32, #tpu.memory_space<hbm>> -> memref<10000x128xf32, #tpu.memory_space<hbm>>
        tpu.wait_indirect_dma semaphore(%arg22 : memref<!tpu.dma_semaphore, #tpu.memory_space<semaphore_mem>>) src(%dma_wait3A_327 : memref<10000x128xf32, #tpu.memory_space<hbm>>) dst(%arg13 : memref<80x128xf32, #tpu.memory_space<vmem>>)
        %dma_start3A_328 = arith.constant 1 : i32
        %dma_start3A_329 = arith.constant 0 : i32
        %dma_start3A_330 = tpu.memref_slice %arg9[%dma_start3A_328, %dma_start3A_329] : memref<2x80xi32, #tpu.memory_space<vmem>> -> memref<1x80xi32, #tpu.memory_space<vmem>>
        %dma_start3A_331 = tpu.memref_squeeze %dma_start3A_330 : memref<1x80xi32, #tpu.memory_space<vmem>> -> memref<80xi32, #tpu.memory_space<vmem>>
        %dma_start3A_332 = arith.constant 0 : i32
        %dma_start3A_333 = arith.constant 0 : i32
        %dma_start3A_334 = tpu.memref_slice %arg15[%dma_start3A_332, %dma_start3A_333] : memref<10112x128xf32, #tpu.memory_space<vmem_shared>> -> memref<10112x128xf32, #tpu.memory_space<vmem_shared>>
        tpu.enqueue_indirect_dma source(%arg13 : memref<80x128xf32, #tpu.memory_space<vmem>>) target(%dma_start3A_334 : memref<10112x128xf32, #tpu.memory_space<vmem_shared>>) offsets(%dma_start3A_331 : memref<80xi32, #tpu.memory_space<vmem>>) semaphore(%arg26 : memref<!tpu.dma_semaphore, #tpu.memory_space<semaphore_mem>>) {add = true}
        %dma_wait3A_335 = arith.constant 0 : i32
        %dma_wait3A_336 = arith.constant 0 : i32
        %dma_wait3A_337 = tpu.memref_slice %arg10[%dma_wait3A_335, %dma_wait3A_336] : memref<2x80xi32, #tpu.memory_space<vmem>> -> memref<1x80xi32, #tpu.memory_space<vmem>>
        %dma_wait3A_338 = tpu.memref_squeeze %dma_wait3A_337 : memref<1x80xi32, #tpu.memory_space<vmem>> -> memref<80xi32, #tpu.memory_space<vmem>>
        %dma_wait3A_339 = arith.constant 0 : i32
        %dma_wait3A_340 = arith.constant 0 : i32
        %dma_wait3A_341 = tpu.memref_slice %arg3[%dma_wait3A_339, %dma_wait3A_340] : memref<10000x128xf32, #tpu.memory_space<hbm>> -> memref<10000x128xf32, #tpu.memory_space<hbm>>
        tpu.wait_indirect_dma semaphore(%arg23 : memref<!tpu.dma_semaphore, #tpu.memory_space<semaphore_mem>>) src(%dma_wait3A_341 : memref<10000x128xf32, #tpu.memory_space<hbm>>) dst(%arg14 : memref<80x128xf32, #tpu.memory_space<vmem>>)
        %dma_start3A_342 = arith.constant 1 : i32
        %dma_start3A_343 = arith.constant 0 : i32
        %dma_start3A_344 = tpu.memref_slice %arg10[%dma_start3A_342, %dma_start3A_343] : memref<2x80xi32, #tpu.memory_space<vmem>> -> memref<1x80xi32, #tpu.memory_space<vmem>>
        %dma_start3A_345 = tpu.memref_squeeze %dma_start3A_344 : memref<1x80xi32, #tpu.memory_space<vmem>> -> memref<80xi32, #tpu.memory_space<vmem>>
        %dma_start3A_346 = arith.constant 0 : i32
        %dma_start3A_347 = arith.constant 0 : i32
        %dma_start3A_348 = tpu.memref_slice %arg15[%dma_start3A_346, %dma_start3A_347] : memref<10112x128xf32, #tpu.memory_space<vmem_shared>> -> memref<10112x128xf32, #tpu.memory_space<vmem_shared>>
        tpu.enqueue_indirect_dma source(%arg14 : memref<80x128xf32, #tpu.memory_space<vmem>>) target(%dma_start3A_348 : memref<10112x128xf32, #tpu.memory_space<vmem_shared>>) offsets(%dma_start3A_345 : memref<80xi32, #tpu.memory_space<vmem>>) semaphore(%arg27 : memref<!tpu.dma_semaphore, #tpu.memory_space<semaphore_mem>>) {add = true}
        %add3A_349 = arith.constant 1 : i32
        %add3A_350 = arith.addi %scan3A_211, %add3A_349 : i32
        %lt3A = arith.constant 62 : i32
        %lt3A_351 = arith.cmpi slt, %add3A_350, %lt3A : i32
        %convert_element_type3A_352 = arith.extui %lt3A_351 : i1 to i32
        %cond3A_353 = arith.constant 0 : i32
        %cond3A_354 = arith.cmpi ne, %convert_element_type3A_352, %cond3A_353 : i32
        scf.if %cond3A_354 {
          %dma_wait3A_356 = arith.constant 1 : i32
          %dma_wait3A_357 = arith.constant 0 : i32
          %dma_wait3A_358 = tpu.memref_slice %arg7[%dma_wait3A_356, %dma_wait3A_357] : memref<2x80xi32, #tpu.memory_space<vmem>> -> memref<1x80xi32, #tpu.memory_space<vmem>>
          %dma_wait3A_359 = tpu.memref_squeeze %dma_wait3A_358 : memref<1x80xi32, #tpu.memory_space<vmem>> -> memref<80xi32, #tpu.memory_space<vmem>>
          %dma_wait3A_360 = arith.constant 0 : i32
          %dma_wait3A_361 = arith.constant 0 : i32
          %dma_wait3A_362 = tpu.memref_slice %arg15[%dma_wait3A_360, %dma_wait3A_361] : memref<10112x128xf32, #tpu.memory_space<vmem_shared>> -> memref<10112x128xf32, #tpu.memory_space<vmem_shared>>
          tpu.wait_indirect_dma semaphore(%arg24 : memref<!tpu.dma_semaphore, #tpu.memory_space<semaphore_mem>>) src(%arg11 : memref<80x128xf32, #tpu.memory_space<vmem>>) dst(%dma_wait3A_362 : memref<10112x128xf32, #tpu.memory_space<vmem_shared>>)
          %add3A_363 = arith.constant 1 : i32
          %add3A_364 = arith.addi %scan3A_211, %add3A_363 : i32
          %mul3A_365 = arith.constant 4 : i32
          %mul3A_366 = arith.muli %mul3A_365, %add3A_364 : i32
          %add3A_367 = arith.constant 0 : i32
          %add3A_368 = arith.addi %mul3A_366, %add3A_367 : i32
          %add3A_369 = arith.addi %mul3A_23, %add3A_368 : i32
          %dma_start3A_370 = arith.constant 0 : i32
          %dma_start3A_371 = arith.constant 0 : i32
          %dma_start3A_372 = tpu.memref_slice %arg4[%add3A_369, %dma_start3A_370, %dma_start3A_371] : memref<4000x2x80xi32, #tpu.memory_space<hbm>> -> memref<1x2x80xi32, #tpu.memory_space<hbm>>
          %dma_start3A_373 = tpu.memref_squeeze %dma_start3A_372 : memref<1x2x80xi32, #tpu.memory_space<hbm>> -> memref<2x80xi32, #tpu.memory_space<hbm>>
          %dma_start3A_374 = arith.constant 0 : i32
          %dma_start3A_375 = arith.constant 0 : i32
          %dma_start3A_376 = tpu.memref_slice %arg4[%add3A_369, %dma_start3A_374, %dma_start3A_375] : memref<4000x2x80xi32, #tpu.memory_space<hbm>> -> memref<1x2x80xi32, #tpu.memory_space<hbm>>
          %dma_start3A_377 = tpu.memref_squeeze %dma_start3A_376 : memref<1x2x80xi32, #tpu.memory_space<hbm>> -> memref<2x80xi32, #tpu.memory_space<hbm>>
          tpu.enqueue_dma source(%dma_start3A_377 : memref<2x80xi32, #tpu.memory_space<hbm>>) target(%arg7 : memref<2x80xi32, #tpu.memory_space<vmem>>) target_semaphore(%arg16 : memref<!tpu.dma_semaphore, #tpu.memory_space<semaphore_mem>>)
          %dma_wait3A_378 = arith.constant 1 : i32
          %dma_wait3A_379 = arith.constant 0 : i32
          %dma_wait3A_380 = tpu.memref_slice %arg8[%dma_wait3A_378, %dma_wait3A_379] : memref<2x80xi32, #tpu.memory_space<vmem>> -> memref<1x80xi32, #tpu.memory_space<vmem>>
          %dma_wait3A_381 = tpu.memref_squeeze %dma_wait3A_380 : memref<1x80xi32, #tpu.memory_space<vmem>> -> memref<80xi32, #tpu.memory_space<vmem>>
          %dma_wait3A_382 = arith.constant 0 : i32
          %dma_wait3A_383 = arith.constant 0 : i32
          %dma_wait3A_384 = tpu.memref_slice %arg15[%dma_wait3A_382, %dma_wait3A_383] : memref<10112x128xf32, #tpu.memory_space<vmem_shared>> -> memref<10112x128xf32, #tpu.memory_space<vmem_shared>>
          tpu.wait_indirect_dma semaphore(%arg25 : memref<!tpu.dma_semaphore, #tpu.memory_space<semaphore_mem>>) src(%arg12 : memref<80x128xf32, #tpu.memory_space<vmem>>) dst(%dma_wait3A_384 : memref<10112x128xf32, #tpu.memory_space<vmem_shared>>)
          %add3A_385 = arith.constant 1 : i32
          %add3A_386 = arith.addi %scan3A_211, %add3A_385 : i32
          %mul3A_387 = arith.constant 4 : i32
          %mul3A_388 = arith.muli %mul3A_387, %add3A_386 : i32
          %add3A_389 = arith.constant 1 : i32
          %add3A_390 = arith.addi %mul3A_388, %add3A_389 : i32
          %add3A_391 = arith.addi %mul3A_23, %add3A_390 : i32
          %dma_start3A_392 = arith.constant 0 : i32
          %dma_start3A_393 = arith.constant 0 : i32
          %dma_start3A_394 = tpu.memref_slice %arg4[%add3A_391, %dma_start3A_392, %dma_start3A_393] : memref<4000x2x80xi32, #tpu.memory_space<hbm>> -> memref<1x2x80xi32, #tpu.memory_space<hbm>>
          %dma_start3A_395 = tpu.memref_squeeze %dma_start3A_394 : memref<1x2x80xi32, #tpu.memory_space<hbm>> -> memref<2x80xi32, #tpu.memory_space<hbm>>
          %dma_start3A_396 = arith.constant 0 : i32
          %dma_start3A_397 = arith.constant 0 : i32
          %dma_start3A_398 = tpu.memref_slice %arg4[%add3A_391, %dma_start3A_396, %dma_start3A_397] : memref<4000x2x80xi32, #tpu.memory_space<hbm>> -> memref<1x2x80xi32, #tpu.memory_space<hbm>>
          %dma_start3A_399 = tpu.memref_squeeze %dma_start3A_398 : memref<1x2x80xi32, #tpu.memory_space<hbm>> -> memref<2x80xi32, #tpu.memory_space<hbm>>
          tpu.enqueue_dma source(%dma_start3A_399 : memref<2x80xi32, #tpu.memory_space<hbm>>) target(%arg8 : memref<2x80xi32, #tpu.memory_space<vmem>>) target_semaphore(%arg17 : memref<!tpu.dma_semaphore, #tpu.memory_space<semaphore_mem>>)
          %dma_wait3A_400 = arith.constant 1 : i32
          %dma_wait3A_401 = arith.constant 0 : i32
          %dma_wait3A_402 = tpu.memref_slice %arg9[%dma_wait3A_400, %dma_wait3A_401] : memref<2x80xi32, #tpu.memory_space<vmem>> -> memref<1x80xi32, #tpu.memory_space<vmem>>
          %dma_wait3A_403 = tpu.memref_squeeze %dma_wait3A_402 : memref<1x80xi32, #tpu.memory_space<vmem>> -> memref<80xi32, #tpu.memory_space<vmem>>
          %dma_wait3A_404 = arith.constant 0 : i32
          %dma_wait3A_405 = arith.constant 0 : i32
          %dma_wait3A_406 = tpu.memref_slice %arg15[%dma_wait3A_404, %dma_wait3A_405] : memref<10112x128xf32, #tpu.memory_space<vmem_shared>> -> memref<10112x128xf32, #tpu.memory_space<vmem_shared>>
          tpu.wait_indirect_dma semaphore(%arg26 : memref<!tpu.dma_semaphore, #tpu.memory_space<semaphore_mem>>) src(%arg13 : memref<80x128xf32, #tpu.memory_space<vmem>>) dst(%dma_wait3A_406 : memref<10112x128xf32, #tpu.memory_space<vmem_shared>>)
          %add3A_407 = arith.constant 1 : i32
          %add3A_408 = arith.addi %scan3A_211, %add3A_407 : i32
          %mul3A_409 = arith.constant 4 : i32
          %mul3A_410 = arith.muli %mul3A_409, %add3A_408 : i32
          %add3A_411 = arith.constant 2 : i32
          %add3A_412 = arith.addi %mul3A_410, %add3A_411 : i32
          %add3A_413 = arith.addi %mul3A_23, %add3A_412 : i32
          %dma_start3A_414 = arith.constant 0 : i32
          %dma_start3A_415 = arith.constant 0 : i32
          %dma_start3A_416 = tpu.memref_slice %arg4[%add3A_413, %dma_start3A_414, %dma_start3A_415] : memref<4000x2x80xi32, #tpu.memory_space<hbm>> -> memref<1x2x80xi32, #tpu.memory_space<hbm>>
          %dma_start3A_417 = tpu.memref_squeeze %dma_start3A_416 : memref<1x2x80xi32, #tpu.memory_space<hbm>> -> memref<2x80xi32, #tpu.memory_space<hbm>>
          %dma_start3A_418 = arith.constant 0 : i32
          %dma_start3A_419 = arith.constant 0 : i32
          %dma_start3A_420 = tpu.memref_slice %arg4[%add3A_413, %dma_start3A_418, %dma_start3A_419] : memref<4000x2x80xi32, #tpu.memory_space<hbm>> -> memref<1x2x80xi32, #tpu.memory_space<hbm>>
          %dma_start3A_421 = tpu.memref_squeeze %dma_start3A_420 : memref<1x2x80xi32, #tpu.memory_space<hbm>> -> memref<2x80xi32, #tpu.memory_space<hbm>>
          tpu.enqueue_dma source(%dma_start3A_421 : memref<2x80xi32, #tpu.memory_space<hbm>>) target(%arg9 : memref<2x80xi32, #tpu.memory_space<vmem>>) target_semaphore(%arg18 : memref<!tpu.dma_semaphore, #tpu.memory_space<semaphore_mem>>)
          %dma_wait3A_422 = arith.constant 1 : i32
          %dma_wait3A_423 = arith.constant 0 : i32
          %dma_wait3A_424 = tpu.memref_slice %arg10[%dma_wait3A_422, %dma_wait3A_423] : memref<2x80xi32, #tpu.memory_space<vmem>> -> memref<1x80xi32, #tpu.memory_space<vmem>>
          %dma_wait3A_425 = tpu.memref_squeeze %dma_wait3A_424 : memref<1x80xi32, #tpu.memory_space<vmem>> -> memref<80xi32, #tpu.memory_space<vmem>>
          %dma_wait3A_426 = arith.constant 0 : i32
          %dma_wait3A_427 = arith.constant 0 : i32
          %dma_wait3A_428 = tpu.memref_slice %arg15[%dma_wait3A_426, %dma_wait3A_427] : memref<10112x128xf32, #tpu.memory_space<vmem_shared>> -> memref<10112x128xf32, #tpu.memory_space<vmem_shared>>
          tpu.wait_indirect_dma semaphore(%arg27 : memref<!tpu.dma_semaphore, #tpu.memory_space<semaphore_mem>>) src(%arg14 : memref<80x128xf32, #tpu.memory_space<vmem>>) dst(%dma_wait3A_428 : memref<10112x128xf32, #tpu.memory_space<vmem_shared>>)
          %add3A_429 = arith.constant 1 : i32
          %add3A_430 = arith.addi %scan3A_211, %add3A_429 : i32
          %mul3A_431 = arith.constant 4 : i32
          %mul3A_432 = arith.muli %mul3A_431, %add3A_430 : i32
          %add3A_433 = arith.constant 3 : i32
          %add3A_434 = arith.addi %mul3A_432, %add3A_433 : i32
          %add3A_435 = arith.addi %mul3A_23, %add3A_434 : i32
          %dma_start3A_436 = arith.constant 0 : i32
          %dma_start3A_437 = arith.constant 0 : i32
          %dma_start3A_438 = tpu.memref_slice %arg4[%add3A_435, %dma_start3A_436, %dma_start3A_437] : memref<4000x2x80xi32, #tpu.memory_space<hbm>> -> memref<1x2x80xi32, #tpu.memory_space<hbm>>
          %dma_start3A_439 = tpu.memref_squeeze %dma_start3A_438 : memref<1x2x80xi32, #tpu.memory_space<hbm>> -> memref<2x80xi32, #tpu.memory_space<hbm>>
          %dma_start3A_440 = arith.constant 0 : i32
          %dma_start3A_441 = arith.constant 0 : i32
          %dma_start3A_442 = tpu.memref_slice %arg4[%add3A_435, %dma_start3A_440, %dma_start3A_441] : memref<4000x2x80xi32, #tpu.memory_space<hbm>> -> memref<1x2x80xi32, #tpu.memory_space<hbm>>
          %dma_start3A_443 = tpu.memref_squeeze %dma_start3A_442 : memref<1x2x80xi32, #tpu.memory_space<hbm>> -> memref<2x80xi32, #tpu.memory_space<hbm>>
          tpu.enqueue_dma source(%dma_start3A_443 : memref<2x80xi32, #tpu.memory_space<hbm>>) target(%arg10 : memref<2x80xi32, #tpu.memory_space<vmem>>) target_semaphore(%arg19 : memref<!tpu.dma_semaphore, #tpu.memory_space<semaphore_mem>>)
        } else {
        }
        %scan3A_355 = arith.constant 0 : i32
        scf.yield %scan3A_355 : i32
      }
      %scan3A_87 = arith.constant 62 : i32
      %dma_wait3A = arith.constant 1 : i32
      %dma_wait3A_88 = arith.constant 0 : i32
      %dma_wait3A_89 = tpu.memref_slice %arg7[%dma_wait3A, %dma_wait3A_88] : memref<2x80xi32, #tpu.memory_space<vmem>> -> memref<1x80xi32, #tpu.memory_space<vmem>>
      %dma_wait3A_90 = tpu.memref_squeeze %dma_wait3A_89 : memref<1x80xi32, #tpu.memory_space<vmem>> -> memref<80xi32, #tpu.memory_space<vmem>>
      %dma_wait3A_91 = arith.constant 0 : i32
      %dma_wait3A_92 = arith.constant 0 : i32
      %dma_wait3A_93 = tpu.memref_slice %arg15[%dma_wait3A_91, %dma_wait3A_92] : memref<10112x128xf32, #tpu.memory_space<vmem_shared>> -> memref<10112x128xf32, #tpu.memory_space<vmem_shared>>
      tpu.wait_indirect_dma semaphore(%arg24 : memref<!tpu.dma_semaphore, #tpu.memory_space<semaphore_mem>>) src(%arg11 : memref<80x128xf32, #tpu.memory_space<vmem>>) dst(%dma_wait3A_93 : memref<10112x128xf32, #tpu.memory_space<vmem_shared>>)
      %dma_wait3A_94 = arith.constant 1 : i32
      %dma_wait3A_95 = arith.constant 0 : i32
      %dma_wait3A_96 = tpu.memref_slice %arg8[%dma_wait3A_94, %dma_wait3A_95] : memref<2x80xi32, #tpu.memory_space<vmem>> -> memref<1x80xi32, #tpu.memory_space<vmem>>
      %dma_wait3A_97 = tpu.memref_squeeze %dma_wait3A_96 : memref<1x80xi32, #tpu.memory_space<vmem>> -> memref<80xi32, #tpu.memory_space<vmem>>
      %dma_wait3A_98 = arith.constant 0 : i32
      %dma_wait3A_99 = arith.constant 0 : i32
      %dma_wait3A_100 = tpu.memref_slice %arg15[%dma_wait3A_98, %dma_wait3A_99] : memref<10112x128xf32, #tpu.memory_space<vmem_shared>> -> memref<10112x128xf32, #tpu.memory_space<vmem_shared>>
      tpu.wait_indirect_dma semaphore(%arg25 : memref<!tpu.dma_semaphore, #tpu.memory_space<semaphore_mem>>) src(%arg12 : memref<80x128xf32, #tpu.memory_space<vmem>>) dst(%dma_wait3A_100 : memref<10112x128xf32, #tpu.memory_space<vmem_shared>>)
      %dma_wait3A_101 = arith.constant 1 : i32
      %dma_wait3A_102 = arith.constant 0 : i32
      %dma_wait3A_103 = tpu.memref_slice %arg9[%dma_wait3A_101, %dma_wait3A_102] : memref<2x80xi32, #tpu.memory_space<vmem>> -> memref<1x80xi32, #tpu.memory_space<vmem>>
      %dma_wait3A_104 = tpu.memref_squeeze %dma_wait3A_103 : memref<1x80xi32, #tpu.memory_space<vmem>> -> memref<80xi32, #tpu.memory_space<vmem>>
      %dma_wait3A_105 = arith.constant 0 : i32
      %dma_wait3A_106 = arith.constant 0 : i32
      %dma_wait3A_107 = tpu.memref_slice %arg15[%dma_wait3A_105, %dma_wait3A_106] : memref<10112x128xf32, #tpu.memory_space<vmem_shared>> -> memref<10112x128xf32, #tpu.memory_space<vmem_shared>>
      tpu.wait_indirect_dma semaphore(%arg26 : memref<!tpu.dma_semaphore, #tpu.memory_space<semaphore_mem>>) src(%arg13 : memref<80x128xf32, #tpu.memory_space<vmem>>) dst(%dma_wait3A_107 : memref<10112x128xf32, #tpu.memory_space<vmem_shared>>)
      %dma_wait3A_108 = arith.constant 1 : i32
      %dma_wait3A_109 = arith.constant 0 : i32
      %dma_wait3A_110 = tpu.memref_slice %arg10[%dma_wait3A_108, %dma_wait3A_109] : memref<2x80xi32, #tpu.memory_space<vmem>> -> memref<1x80xi32, #tpu.memory_space<vmem>>
      %dma_wait3A_111 = tpu.memref_squeeze %dma_wait3A_110 : memref<1x80xi32, #tpu.memory_space<vmem>> -> memref<80xi32, #tpu.memory_space<vmem>>
      %dma_wait3A_112 = arith.constant 0 : i32
      %dma_wait3A_113 = arith.constant 0 : i32
      %dma_wait3A_114 = tpu.memref_slice %arg15[%dma_wait3A_112, %dma_wait3A_113] : memref<10112x128xf32, #tpu.memory_space<vmem_shared>> -> memref<10112x128xf32, #tpu.memory_space<vmem_shared>>
      tpu.wait_indirect_dma semaphore(%arg27 : memref<!tpu.dma_semaphore, #tpu.memory_space<semaphore_mem>>) src(%arg14 : memref<80x128xf32, #tpu.memory_space<vmem>>) dst(%dma_wait3A_114 : memref<10112x128xf32, #tpu.memory_space<vmem_shared>>)
      %add3A_115 = arith.constant 248 : i32
      %add3A_116 = arith.addi %mul3A_23, %add3A_115 : i32
      %dma_start3A_117 = arith.constant 0 : i32
      %dma_start3A_118 = arith.constant 0 : i32
      %dma_start3A_119 = tpu.memref_slice %arg4[%add3A_116, %dma_start3A_117, %dma_start3A_118] : memref<4000x2x80xi32, #tpu.memory_space<hbm>> -> memref<1x2x80xi32, #tpu.memory_space<hbm>>
      %dma_start3A_120 = tpu.memref_squeeze %dma_start3A_119 : memref<1x2x80xi32, #tpu.memory_space<hbm>> -> memref<2x80xi32, #tpu.memory_space<hbm>>
      %dma_start3A_121 = arith.constant 0 : i32
      %dma_start3A_122 = arith.constant 0 : i32
      %dma_start3A_123 = tpu.memref_slice %arg4[%add3A_116, %dma_start3A_121, %dma_start3A_122] : memref<4000x2x80xi32, #tpu.memory_space<hbm>> -> memref<1x2x80xi32, #tpu.memory_space<hbm>>
      %dma_start3A_124 = tpu.memref_squeeze %dma_start3A_123 : memref<1x2x80xi32, #tpu.memory_space<hbm>> -> memref<2x80xi32, #tpu.memory_space<hbm>>
      tpu.enqueue_dma source(%dma_start3A_124 : memref<2x80xi32, #tpu.memory_space<hbm>>) target(%arg7 : memref<2x80xi32, #tpu.memory_space<vmem>>) target_semaphore(%arg16 : memref<!tpu.dma_semaphore, #tpu.memory_space<semaphore_mem>>)
      %add3A_125 = arith.constant 248 : i32
      %add3A_126 = arith.addi %mul3A_23, %add3A_125 : i32
      %dma_wait3A_127 = arith.constant 0 : i32
      %dma_wait3A_128 = arith.constant 0 : i32
      %dma_wait3A_129 = tpu.memref_slice %arg4[%add3A_126, %dma_wait3A_127, %dma_wait3A_128] : memref<4000x2x80xi32, #tpu.memory_space<hbm>> -> memref<1x2x80xi32, #tpu.memory_space<hbm>>
      %dma_wait3A_130 = tpu.memref_squeeze %dma_wait3A_129 : memref<1x2x80xi32, #tpu.memory_space<hbm>> -> memref<2x80xi32, #tpu.memory_space<hbm>>
      %dma_wait3A_131 = arith.constant 0 : i32
      %dma_wait3A_132 = arith.constant 0 : i32
      %dma_wait3A_133 = tpu.memref_slice %arg4[%add3A_126, %dma_wait3A_131, %dma_wait3A_132] : memref<4000x2x80xi32, #tpu.memory_space<hbm>> -> memref<1x2x80xi32, #tpu.memory_space<hbm>>
      %dma_wait3A_134 = tpu.memref_squeeze %dma_wait3A_133 : memref<1x2x80xi32, #tpu.memory_space<hbm>> -> memref<2x80xi32, #tpu.memory_space<hbm>>
      tpu.wait_dma2 semaphore(%arg16 : memref<!tpu.dma_semaphore, #tpu.memory_space<semaphore_mem>>) src(%dma_wait3A_134 : memref<2x80xi32, #tpu.memory_space<hbm>>) dst(%arg7 : memref<2x80xi32, #tpu.memory_space<vmem>>)
      %dma_start3A_135 = arith.constant 0 : i32
      %dma_start3A_136 = arith.constant 0 : i32
      %dma_start3A_137 = tpu.memref_slice %arg7[%dma_start3A_135, %dma_start3A_136] : memref<2x80xi32, #tpu.memory_space<vmem>> -> memref<1x80xi32, #tpu.memory_space<vmem>>
      %dma_start3A_138 = tpu.memref_squeeze %dma_start3A_137 : memref<1x80xi32, #tpu.memory_space<vmem>> -> memref<80xi32, #tpu.memory_space<vmem>>
      %dma_start3A_139 = arith.constant 0 : i32
      %dma_start3A_140 = arith.constant 0 : i32
      %dma_start3A_141 = tpu.memref_slice %arg3[%dma_start3A_139, %dma_start3A_140] : memref<10000x128xf32, #tpu.memory_space<hbm>> -> memref<10000x128xf32, #tpu.memory_space<hbm>>
      tpu.enqueue_indirect_dma source(%dma_start3A_141 : memref<10000x128xf32, #tpu.memory_space<hbm>>) target(%arg11 : memref<80x128xf32, #tpu.memory_space<vmem>>) offsets(%dma_start3A_138 : memref<80xi32, #tpu.memory_space<vmem>>) semaphore(%arg20 : memref<!tpu.dma_semaphore, #tpu.memory_space<semaphore_mem>>)
      %dma_wait3A_142 = arith.constant 0 : i32
      %dma_wait3A_143 = arith.constant 0 : i32
      %dma_wait3A_144 = tpu.memref_slice %arg7[%dma_wait3A_142, %dma_wait3A_143] : memref<2x80xi32, #tpu.memory_space<vmem>> -> memref<1x80xi32, #tpu.memory_space<vmem>>
      %dma_wait3A_145 = tpu.memref_squeeze %dma_wait3A_144 : memref<1x80xi32, #tpu.memory_space<vmem>> -> memref<80xi32, #tpu.memory_space<vmem>>
      %dma_wait3A_146 = arith.constant 0 : i32
      %dma_wait3A_147 = arith.constant 0 : i32
      %dma_wait3A_148 = tpu.memref_slice %arg3[%dma_wait3A_146, %dma_wait3A_147] : memref<10000x128xf32, #tpu.memory_space<hbm>> -> memref<10000x128xf32, #tpu.memory_space<hbm>>
      tpu.wait_indirect_dma semaphore(%arg20 : memref<!tpu.dma_semaphore, #tpu.memory_space<semaphore_mem>>) src(%dma_wait3A_148 : memref<10000x128xf32, #tpu.memory_space<hbm>>) dst(%arg11 : memref<80x128xf32, #tpu.memory_space<vmem>>)
      %dma_start3A_149 = arith.constant 1 : i32
      %dma_start3A_150 = arith.constant 0 : i32
      %dma_start3A_151 = tpu.memref_slice %arg7[%dma_start3A_149, %dma_start3A_150] : memref<2x80xi32, #tpu.memory_space<vmem>> -> memref<1x80xi32, #tpu.memory_space<vmem>>
      %dma_start3A_152 = tpu.memref_squeeze %dma_start3A_151 : memref<1x80xi32, #tpu.memory_space<vmem>> -> memref<80xi32, #tpu.memory_space<vmem>>
      %dma_start3A_153 = arith.constant 0 : i32
      %dma_start3A_154 = arith.constant 0 : i32
      %dma_start3A_155 = tpu.memref_slice %arg15[%dma_start3A_153, %dma_start3A_154] : memref<10112x128xf32, #tpu.memory_space<vmem_shared>> -> memref<10112x128xf32, #tpu.memory_space<vmem_shared>>
      tpu.enqueue_indirect_dma source(%arg11 : memref<80x128xf32, #tpu.memory_space<vmem>>) target(%dma_start3A_155 : memref<10112x128xf32, #tpu.memory_space<vmem_shared>>) offsets(%dma_start3A_152 : memref<80xi32, #tpu.memory_space<vmem>>) semaphore(%arg24 : memref<!tpu.dma_semaphore, #tpu.memory_space<semaphore_mem>>) {add = true}
      %dma_wait3A_156 = arith.constant 1 : i32
      %dma_wait3A_157 = arith.constant 0 : i32
      %dma_wait3A_158 = tpu.memref_slice %arg7[%dma_wait3A_156, %dma_wait3A_157] : memref<2x80xi32, #tpu.memory_space<vmem>> -> memref<1x80xi32, #tpu.memory_space<vmem>>
      %dma_wait3A_159 = tpu.memref_squeeze %dma_wait3A_158 : memref<1x80xi32, #tpu.memory_space<vmem>> -> memref<80xi32, #tpu.memory_space<vmem>>
      %dma_wait3A_160 = arith.constant 0 : i32
      %dma_wait3A_161 = arith.constant 0 : i32
      %dma_wait3A_162 = tpu.memref_slice %arg15[%dma_wait3A_160, %dma_wait3A_161] : memref<10112x128xf32, #tpu.memory_space<vmem_shared>> -> memref<10112x128xf32, #tpu.memory_space<vmem_shared>>
      tpu.wait_indirect_dma semaphore(%arg24 : memref<!tpu.dma_semaphore, #tpu.memory_space<semaphore_mem>>) src(%arg11 : memref<80x128xf32, #tpu.memory_space<vmem>>) dst(%dma_wait3A_162 : memref<10112x128xf32, #tpu.memory_space<vmem_shared>>)
      %add3A_163 = arith.constant 249 : i32
      %add3A_164 = arith.addi %mul3A_23, %add3A_163 : i32
      %dma_start3A_165 = arith.constant 0 : i32
      %dma_start3A_166 = arith.constant 0 : i32
      %dma_start3A_167 = tpu.memref_slice %arg4[%add3A_164, %dma_start3A_165, %dma_start3A_166] : memref<4000x2x80xi32, #tpu.memory_space<hbm>> -> memref<1x2x80xi32, #tpu.memory_space<hbm>>
      %dma_start3A_168 = tpu.memref_squeeze %dma_start3A_167 : memref<1x2x80xi32, #tpu.memory_space<hbm>> -> memref<2x80xi32, #tpu.memory_space<hbm>>
      %dma_start3A_169 = arith.constant 0 : i32
      %dma_start3A_170 = arith.constant 0 : i32
      %dma_start3A_171 = tpu.memref_slice %arg4[%add3A_164, %dma_start3A_169, %dma_start3A_170] : memref<4000x2x80xi32, #tpu.memory_space<hbm>> -> memref<1x2x80xi32, #tpu.memory_space<hbm>>
      %dma_start3A_172 = tpu.memref_squeeze %dma_start3A_171 : memref<1x2x80xi32, #tpu.memory_space<hbm>> -> memref<2x80xi32, #tpu.memory_space<hbm>>
      tpu.enqueue_dma source(%dma_start3A_172 : memref<2x80xi32, #tpu.memory_space<hbm>>) target(%arg7 : memref<2x80xi32, #tpu.memory_space<vmem>>) target_semaphore(%arg16 : memref<!tpu.dma_semaphore, #tpu.memory_space<semaphore_mem>>)
      %add3A_173 = arith.constant 249 : i32
      %add3A_174 = arith.addi %mul3A_23, %add3A_173 : i32
      %dma_wait3A_175 = arith.constant 0 : i32
      %dma_wait3A_176 = arith.constant 0 : i32
      %dma_wait3A_177 = tpu.memref_slice %arg4[%add3A_174, %dma_wait3A_175, %dma_wait3A_176] : memref<4000x2x80xi32, #tpu.memory_space<hbm>> -> memref<1x2x80xi32, #tpu.memory_space<hbm>>
      %dma_wait3A_178 = tpu.memref_squeeze %dma_wait3A_177 : memref<1x2x80xi32, #tpu.memory_space<hbm>> -> memref<2x80xi32, #tpu.memory_space<hbm>>
      %dma_wait3A_179 = arith.constant 0 : i32
      %dma_wait3A_180 = arith.constant 0 : i32
      %dma_wait3A_181 = tpu.memref_slice %arg4[%add3A_174, %dma_wait3A_179, %dma_wait3A_180] : memref<4000x2x80xi32, #tpu.memory_space<hbm>> -> memref<1x2x80xi32, #tpu.memory_space<hbm>>
      %dma_wait3A_182 = tpu.memref_squeeze %dma_wait3A_181 : memref<1x2x80xi32, #tpu.memory_space<hbm>> -> memref<2x80xi32, #tpu.memory_space<hbm>>
      tpu.wait_dma2 semaphore(%arg16 : memref<!tpu.dma_semaphore, #tpu.memory_space<semaphore_mem>>) src(%dma_wait3A_182 : memref<2x80xi32, #tpu.memory_space<hbm>>) dst(%arg7 : memref<2x80xi32, #tpu.memory_space<vmem>>)
      %dma_start3A_183 = arith.constant 0 : i32
      %dma_start3A_184 = arith.constant 0 : i32
      %dma_start3A_185 = tpu.memref_slice %arg7[%dma_start3A_183, %dma_start3A_184] : memref<2x80xi32, #tpu.memory_space<vmem>> -> memref<1x80xi32, #tpu.memory_space<vmem>>
      %dma_start3A_186 = tpu.memref_squeeze %dma_start3A_185 : memref<1x80xi32, #tpu.memory_space<vmem>> -> memref<80xi32, #tpu.memory_space<vmem>>
      %dma_start3A_187 = arith.constant 0 : i32
      %dma_start3A_188 = arith.constant 0 : i32
      %dma_start3A_189 = tpu.memref_slice %arg3[%dma_start3A_187, %dma_start3A_188] : memref<10000x128xf32, #tpu.memory_space<hbm>> -> memref<10000x128xf32, #tpu.memory_space<hbm>>
      tpu.enqueue_indirect_dma source(%dma_start3A_189 : memref<10000x128xf32, #tpu.memory_space<hbm>>) target(%arg11 : memref<80x128xf32, #tpu.memory_space<vmem>>) offsets(%dma_start3A_186 : memref<80xi32, #tpu.memory_space<vmem>>) semaphore(%arg20 : memref<!tpu.dma_semaphore, #tpu.memory_space<semaphore_mem>>)
      %dma_wait3A_190 = arith.constant 0 : i32
      %dma_wait3A_191 = arith.constant 0 : i32
      %dma_wait3A_192 = tpu.memref_slice %arg7[%dma_wait3A_190, %dma_wait3A_191] : memref<2x80xi32, #tpu.memory_space<vmem>> -> memref<1x80xi32, #tpu.memory_space<vmem>>
      %dma_wait3A_193 = tpu.memref_squeeze %dma_wait3A_192 : memref<1x80xi32, #tpu.memory_space<vmem>> -> memref<80xi32, #tpu.memory_space<vmem>>
      %dma_wait3A_194 = arith.constant 0 : i32
      %dma_wait3A_195 = arith.constant 0 : i32
      %dma_wait3A_196 = tpu.memref_slice %arg3[%dma_wait3A_194, %dma_wait3A_195] : memref<10000x128xf32, #tpu.memory_space<hbm>> -> memref<10000x128xf32, #tpu.memory_space<hbm>>
      tpu.wait_indirect_dma semaphore(%arg20 : memref<!tpu.dma_semaphore, #tpu.memory_space<semaphore_mem>>) src(%dma_wait3A_196 : memref<10000x128xf32, #tpu.memory_space<hbm>>) dst(%arg11 : memref<80x128xf32, #tpu.memory_space<vmem>>)
      %dma_start3A_197 = arith.constant 1 : i32
      %dma_start3A_198 = arith.constant 0 : i32
      %dma_start3A_199 = tpu.memref_slice %arg7[%dma_start3A_197, %dma_start3A_198] : memref<2x80xi32, #tpu.memory_space<vmem>> -> memref<1x80xi32, #tpu.memory_space<vmem>>
      %dma_start3A_200 = tpu.memref_squeeze %dma_start3A_199 : memref<1x80xi32, #tpu.memory_space<vmem>> -> memref<80xi32, #tpu.memory_space<vmem>>
      %dma_start3A_201 = arith.constant 0 : i32
      %dma_start3A_202 = arith.constant 0 : i32
      %dma_start3A_203 = tpu.memref_slice %arg15[%dma_start3A_201, %dma_start3A_202] : memref<10112x128xf32, #tpu.memory_space<vmem_shared>> -> memref<10112x128xf32, #tpu.memory_space<vmem_shared>>
      tpu.enqueue_indirect_dma source(%arg11 : memref<80x128xf32, #tpu.memory_space<vmem>>) target(%dma_start3A_203 : memref<10112x128xf32, #tpu.memory_space<vmem_shared>>) offsets(%dma_start3A_200 : memref<80xi32, #tpu.memory_space<vmem>>) semaphore(%arg24 : memref<!tpu.dma_semaphore, #tpu.memory_space<semaphore_mem>>) {add = true}
      %dma_wait3A_204 = arith.constant 1 : i32
      %dma_wait3A_205 = arith.constant 0 : i32
      %dma_wait3A_206 = tpu.memref_slice %arg7[%dma_wait3A_204, %dma_wait3A_205] : memref<2x80xi32, #tpu.memory_space<vmem>> -> memref<1x80xi32, #tpu.memory_space<vmem>>
      %dma_wait3A_207 = tpu.memref_squeeze %dma_wait3A_206 : memref<1x80xi32, #tpu.memory_space<vmem>> -> memref<80xi32, #tpu.memory_space<vmem>>
      %dma_wait3A_208 = arith.constant 0 : i32
      %dma_wait3A_209 = arith.constant 0 : i32
      %dma_wait3A_210 = tpu.memref_slice %arg15[%dma_wait3A_208, %dma_wait3A_209] : memref<10112x128xf32, #tpu.memory_space<vmem_shared>> -> memref<10112x128xf32, #tpu.memory_space<vmem_shared>>
      tpu.wait_indirect_dma semaphore(%arg24 : memref<!tpu.dma_semaphore, #tpu.memory_space<semaphore_mem>>) src(%arg11 : memref<80x128xf32, #tpu.memory_space<vmem>>) dst(%dma_wait3A_210 : memref<10112x128xf32, #tpu.memory_space<vmem_shared>>)
    } else {
    }
    %barrier3A_31 = arith.constant 0 : index
    tpu.barrier barrier_id(%barrier3A_31)
    %eq3A_32 = arith.constant 0 : i32
    %eq3A_33 = arith.cmpi eq, %arg0, %eq3A_32 : i32
    %convert_element_type3A_34 = arith.extui %eq3A_33 : i1 to i32
    %cond3A_35 = arith.constant 0 : i32
    %cond3A_36 = arith.cmpi ne, %convert_element_type3A_34, %cond3A_35 : i32
    scf.if %cond3A_36 {
      "tpu.region"() ({
        %run_scoped3A = tpu.sem_alloc : memref<!tpu.dma_semaphore, #tpu.memory_space<semaphore_mem>>
        %dma_start3A = arith.constant 0 : i32
        %dma_start3A_42 = tpu.memref_slice %arg5[%mul3A_0, %dma_start3A] : memref<10112x128xf32, #tpu.memory_space<hbm>> -> memref<632x128xf32, #tpu.memory_space<hbm>>
        %dma_start3A_43 = arith.constant 0 : i32
        %dma_start3A_44 = tpu.memref_slice %arg15[%mul3A_0, %dma_start3A_43] : memref<10112x128xf32, #tpu.memory_space<vmem_shared>> -> memref<632x128xf32, #tpu.memory_space<vmem_shared>>
        tpu.enqueue_dma source(%dma_start3A_44 : memref<632x128xf32, #tpu.memory_space<vmem_shared>>) target(%dma_start3A_42 : memref<632x128xf32, #tpu.memory_space<hbm>>) target_semaphore(%run_scoped3A : memref<!tpu.dma_semaphore, #tpu.memory_space<semaphore_mem>>)
        %dma_wait3A = arith.constant 0 : i32
        %dma_wait3A_45 = tpu.memref_slice %arg5[%mul3A_0, %dma_wait3A] : memref<10112x128xf32, #tpu.memory_space<hbm>> -> memref<632x128xf32, #tpu.memory_space<hbm>>
        %dma_wait3A_46 = arith.constant 0 : i32
        %dma_wait3A_47 = tpu.memref_slice %arg15[%mul3A_0, %dma_wait3A_46] : memref<10112x128xf32, #tpu.memory_space<vmem_shared>> -> memref<632x128xf32, #tpu.memory_space<vmem_shared>>
        tpu.wait_dma2 semaphore(%run_scoped3A : memref<!tpu.dma_semaphore, #tpu.memory_space<semaphore_mem>>) src(%dma_wait3A_47 : memref<632x128xf32, #tpu.memory_space<vmem_shared>>) dst(%dma_wait3A_45 : memref<632x128xf32, #tpu.memory_space<hbm>>)
        tpu.yield
      }) : () -> ()
    } else {
    }
    %eq3A_37 = arith.constant 1 : i32
    %eq3A_38 = arith.cmpi eq, %arg0, %eq3A_37 : i32
    %convert_element_type3A_39 = arith.extui %eq3A_38 : i1 to i32
    %cond3A_40 = arith.constant 0 : i32
    %cond3A_41 = arith.cmpi ne, %convert_element_type3A_39, %cond3A_40 : i32
    scf.if %cond3A_41 {
      "tpu.region"() ({
        %run_scoped3A = tpu.sem_alloc : memref<!tpu.dma_semaphore, #tpu.memory_space<semaphore_mem>>
        %dma_start3A = arith.constant 0 : i32
        %dma_start3A_42 = tpu.memref_slice %arg6[%mul3A_0, %dma_start3A] : memref<10112x128xf32, #tpu.memory_space<hbm>> -> memref<632x128xf32, #tpu.memory_space<hbm>>
        %dma_start3A_43 = arith.constant 0 : i32
        %dma_start3A_44 = tpu.memref_slice %arg15[%mul3A_0, %dma_start3A_43] : memref<10112x128xf32, #tpu.memory_space<vmem_shared>> -> memref<632x128xf32, #tpu.memory_space<vmem_shared>>
        tpu.enqueue_dma source(%dma_start3A_44 : memref<632x128xf32, #tpu.memory_space<vmem_shared>>) target(%dma_start3A_42 : memref<632x128xf32, #tpu.memory_space<hbm>>) target_semaphore(%run_scoped3A : memref<!tpu.dma_semaphore, #tpu.memory_space<semaphore_mem>>)
        %dma_wait3A = arith.constant 0 : i32
        %dma_wait3A_45 = tpu.memref_slice %arg6[%mul3A_0, %dma_wait3A] : memref<10112x128xf32, #tpu.memory_space<hbm>> -> memref<632x128xf32, #tpu.memory_space<hbm>>
        %dma_wait3A_46 = arith.constant 0 : i32
        %dma_wait3A_47 = tpu.memref_slice %arg15[%mul3A_0, %dma_wait3A_46] : memref<10112x128xf32, #tpu.memory_space<vmem_shared>> -> memref<632x128xf32, #tpu.memory_space<vmem_shared>>
        tpu.wait_dma2 semaphore(%run_scoped3A : memref<!tpu.dma_semaphore, #tpu.memory_space<semaphore_mem>>) src(%dma_wait3A_47 : memref<632x128xf32, #tpu.memory_space<vmem_shared>>) dst(%dma_wait3A_45 : memref<632x128xf32, #tpu.memory_space<hbm>>)
        tpu.yield
      }) : () -> ()
    } else {
    }
    return
  }
}

module attributes {stable_mosaic.version = 14 : i64} {
  func.func @_ka_full_kernel(%arg0: i32, %arg1: memref<1xf32, #tpu.memory_space<smem>>, %arg2: memref<1000x128xf32, #tpu.memory_space<vmem>>, %arg3: memref<1000x128xf32, #tpu.memory_space<vmem>>, %arg4: memref<1000x128xf32, #tpu.memory_space<vmem>>, %arg5: memref<128x256xf32, #tpu.memory_space<vmem>>, %arg6: memref<1x256xf32, #tpu.memory_space<vmem>>, %arg7: memref<1000x256xf32, #tpu.memory_space<vmem>>, %arg8: memref<8x256xf32, #tpu.memory_space<vmem>>) attributes {dimension_semantics = [#tpu.dimension_semantics<arbitrary>], iteration_bounds = array<i64: 10>, scalar_prefetch = 0 : i64, scratch_operands = 0 : i64, tpu.core_type = #tpu.core_type<tc>, window_params = [{transform_indices = @transform_0, window_bounds = array<i64: 1>}, {transform_indices = @transform_1, window_bounds = array<i64: 1000, 128>}, {transform_indices = @transform_2, window_bounds = array<i64: 1000, 128>}, {transform_indices = @transform_3, window_bounds = array<i64: 1000, 128>}, {pipeline_mode = #tpu.pipeline_mode<synchronous>, transform_indices = @transform_4, window_bounds = array<i64: 128, 256>}, {pipeline_mode = #tpu.pipeline_mode<synchronous>, transform_indices = @transform_5, window_bounds = array<i64: 1, 256>}, {transform_indices = @transform_6, window_bounds = array<i64: 1000, 256>}, {pipeline_mode = #tpu.pipeline_mode<synchronous>, transform_indices = @transform_7, window_bounds = array<i64: 8, 256>}]} {
    %get3A = arith.constant 0 : index
    %get3A_0 = memref.load %arg1[%get3A] : memref<1xf32, #tpu.memory_space<smem>>
    %add3A = arith.constant 1.000000e+00 : f32
    %add3A_1 = arith.addf %add3A, %get3A_0 : f32
    %get3A_2 = arith.constant 0 : index
    %get3A_3 = arith.constant 0 : index
    %get3A_4 = vector.load %arg2[%get3A_2, %get3A_3] : memref<1000x128xf32, #tpu.memory_space<vmem>>, vector<1000x128xf32>
    %mul3A = vector.broadcast %add3A_1 : f32 to vector<1000x128xf32>
    %mul3A_5 = arith.mulf %mul3A, %get3A_4 : vector<1000x128xf32>
    %get3A_6 = arith.constant 0 : index
    %get3A_7 = arith.constant 0 : index
    %get3A_8 = vector.load %arg3[%get3A_6, %get3A_7] : memref<1000x128xf32, #tpu.memory_space<vmem>>, vector<1000x128xf32>
    %add3A_9 = arith.addf %mul3A_5, %get3A_8 : vector<1000x128xf32>
    %get3A_10 = arith.constant 0 : index
    %get3A_11 = arith.constant 0 : index
    %get3A_12 = vector.load %arg4[%get3A_10, %get3A_11] : memref<1000x128xf32, #tpu.memory_space<vmem>>, vector<1000x128xf32>
    %add3A_13 = arith.addf %add3A_9, %get3A_12 : vector<1000x128xf32>
    %get3A_14 = arith.constant 0 : index
    %get3A_15 = arith.constant 0 : index
    %get3A_16 = vector.load %arg5[%get3A_14, %get3A_15] : memref<128x256xf32, #tpu.memory_space<vmem>>, vector<128x256xf32>
    %dot_general3A = arith.constant dense<0.000000e+00> : vector<1000x256xf32>
    %dot_general3A_17 = tpu.matmul %add3A_13, %get3A_16, %dot_general3A {dimension_numbers = #tpu.dot_dimension_numbers<[1], [0], [0], [1], [0, 0, 1, 1], [], []>, transpose_lhs_hint = false} : vector<1000x128xf32>, vector<128x256xf32>, vector<1000x256xf32> -> vector<1000x256xf32>
    %get3A_18 = arith.constant 0 : index
    %get3A_19 = arith.constant 0 : index
    %get3A_20 = vector.load %arg6[%get3A_18, %get3A_19] : memref<1x256xf32, #tpu.memory_space<vmem>>, vector<1x256xf32>
    %add3A_21 = vector.broadcast %get3A_20 : vector<1x256xf32> to vector<1000x256xf32>
    %add3A_22 = arith.addf %dot_general3A_17, %add3A_21 : vector<1000x256xf32>
    %swap3A = arith.constant 0 : index
    %swap3A_23 = arith.constant 0 : index
    %swap3A_24 = vector.load %arg7[%swap3A, %swap3A_23] : memref<1000x256xf32, #tpu.memory_space<vmem>>, vector<1000x256xf32>
    tpu.vector_store %arg7[%swap3A, %swap3A_23], %add3A_22 {strides = array<i32>} : memref<1000x256xf32, #tpu.memory_space<vmem>>, vector<1000x256xf32>,
    %eq3A = arith.constant 0 : i32
    %eq3A_25 = arith.cmpi eq, %arg0, %eq3A : i32
    %convert_element_type3A = arith.extui %eq3A_25 : i1 to i32
    %cond3A = arith.constant 0 : i32
    %cond3A_26 = arith.cmpi ne, %convert_element_type3A, %cond3A : i32
    scf.if %cond3A_26 {
      %broadcast_in_dim3A_35 = arith.constant 0.000000e+00 : f32
      %broadcast_in_dim3A_36 = vector.broadcast %broadcast_in_dim3A_35 : f32 to vector<8x256xf32>
      %swap3A_37 = arith.constant 0 : index
      %swap3A_38 = arith.constant 0 : index
      %swap3A_39 = vector.load %arg8[%swap3A_37, %swap3A_38] : memref<8x256xf32, #tpu.memory_space<vmem>>, vector<8x256xf32>
      tpu.vector_store %arg8[%swap3A_37, %swap3A_38], %broadcast_in_dim3A_36 {strides = array<i32>} : memref<8x256xf32, #tpu.memory_space<vmem>>, vector<8x256xf32>,
    } else {
    }
    %get3A_27 = arith.constant 0 : index
    %get3A_28 = arith.constant 0 : index
    %get3A_29 = vector.load %arg8[%get3A_27, %get3A_28] : memref<8x256xf32, #tpu.memory_space<vmem>>, vector<1x256xf32>
    %reduce_sum3A = arith.constant dense<0.000000e+00> : vector<256xf32>
    %reduce_sum3A_30 = vector.multi_reduction <add>, %add3A_22, %reduce_sum3A [0] : vector<1000x256xf32> to vector<256xf32>
    %broadcast_in_dim3A = vector.shape_cast %reduce_sum3A_30 : vector<256xf32> to vector<1x256xf32>
    %add3A_31 = arith.addf %get3A_29, %broadcast_in_dim3A : vector<1x256xf32>
    %swap3A_32 = arith.constant 0 : index
    %swap3A_33 = arith.constant 0 : index
    %swap3A_34 = vector.load %arg8[%swap3A_32, %swap3A_33] : memref<8x256xf32, #tpu.memory_space<vmem>>, vector<1x256xf32>
    tpu.vector_store %arg8[%swap3A_32, %swap3A_33], %add3A_31 {strides = array<i32>} : memref<8x256xf32, #tpu.memory_space<vmem>>, vector<1x256xf32>,
    return
  }
  func.func @transform_0(%arg0: i32) -> i32 {
    %c0_i32 = arith.constant 0 : i32
    %c0_i32_0 = arith.constant 0 : i32
    return %c0_i32 : i32
  }
  func.func @transform_1(%arg0: i32) -> (i32, i32) {
    %c0_i32 = arith.constant 0 : i32
    %c0_i32_0 = arith.constant 0 : i32
    return %arg0, %c0_i32 : i32, i32
  }
  func.func @transform_2(%arg0: i32) -> (i32, i32) {
    %c0_i32 = arith.constant 0 : i32
    %c0_i32_0 = arith.constant 0 : i32
    return %arg0, %c0_i32 : i32, i32
  }
  func.func @transform_3(%arg0: i32) -> (i32, i32) {
    %c0_i32 = arith.constant 0 : i32
    %c0_i32_0 = arith.constant 0 : i32
    return %arg0, %c0_i32 : i32, i32
  }
  func.func @transform_4(%arg0: i32) -> (i32, i32) {
    %c0_i32 = arith.constant 0 : i32
    %c0_i32_0 = arith.constant 0 : i32
    %c0_i32_1 = arith.constant 0 : i32
    return %c0_i32, %c0_i32_0 : i32, i32
  }
  func.func @transform_5(%arg0: i32) -> (i32, i32) {
    %c0_i32 = arith.constant 0 : i32
    %c0_i32_0 = arith.constant 0 : i32
    %c0_i32_1 = arith.constant 0 : i32
    return %c0_i32, %c0_i32_0 : i32, i32
  }
  func.func @transform_6(%arg0: i32) -> (i32, i32) {
    %c0_i32 = arith.constant 0 : i32
    %c0_i32_0 = arith.constant 0 : i32
    return %arg0, %c0_i32 : i32, i32
  }
  func.func @transform_7(%arg0: i32) -> (i32, i32) {
    %c0_i32 = arith.constant 0 : i32
    %c0_i32_0 = arith.constant 0 : i32
    %c0_i32_1 = arith.constant 0 : i32
    return %c0_i32, %c0_i32_0 : i32, i32
  }
}

module attributes {stable_mosaic.version = 14 : i64} {
  func.func @_kv_kernel(%arg0: i32, %arg1: memref<1000x256xf32, #tpu.memory_space<vmem>>, %arg2: memref<8x256xf32, #tpu.memory_space<vmem>>, %arg3: memref<8x256xf32, #tpu.memory_space<vmem>>) attributes {dimension_semantics = [#tpu.dimension_semantics<arbitrary>], iteration_bounds = array<i64: 10>, scalar_prefetch = 0 : i64, scratch_operands = 0 : i64, tpu.core_type = #tpu.core_type<tc>, window_params = [{transform_indices = @transform_0, window_bounds = array<i64: 1000, 256>}, {pipeline_mode = #tpu.pipeline_mode<synchronous>, transform_indices = @transform_1, window_bounds = array<i64: 8, 256>}, {pipeline_mode = #tpu.pipeline_mode<synchronous>, transform_indices = @transform_2, window_bounds = array<i64: 8, 256>}]} {
    %get3A = arith.constant 0 : index
    %get3A_0 = arith.constant 0 : index
    %get3A_1 = vector.load %arg2[%get3A, %get3A_0] : memref<8x256xf32, #tpu.memory_space<vmem>>, vector<1x256xf32>
    %div3A = arith.constant 1.000000e+04 : f32
    %div3A_2 = vector.broadcast %div3A : f32 to vector<1x256xf32>
    %div3A_3 = arith.divf %get3A_1, %div3A_2 : vector<1x256xf32>
    %get3A_4 = arith.constant 0 : index
    %get3A_5 = arith.constant 0 : index
    %get3A_6 = vector.load %arg1[%get3A_4, %get3A_5] : memref<1000x256xf32, #tpu.memory_space<vmem>>, vector<1000x256xf32>
    %sub3A = vector.broadcast %div3A_3 : vector<1x256xf32> to vector<1000x256xf32>
    %sub3A_7 = arith.subf %get3A_6, %sub3A : vector<1000x256xf32>
    %mul3A = arith.mulf %sub3A_7, %sub3A_7 : vector<1000x256xf32>
    %eq3A = arith.constant 0 : i32
    %eq3A_8 = arith.cmpi eq, %arg0, %eq3A : i32
    %convert_element_type3A = arith.extui %eq3A_8 : i1 to i32
    %cond3A = arith.constant 0 : i32
    %cond3A_9 = arith.cmpi ne, %convert_element_type3A, %cond3A : i32
    scf.if %cond3A_9 {
      %broadcast_in_dim3A_16 = arith.constant 0.000000e+00 : f32
      %broadcast_in_dim3A_17 = vector.broadcast %broadcast_in_dim3A_16 : f32 to vector<8x256xf32>
      %swap3A_18 = arith.constant 0 : index
      %swap3A_19 = arith.constant 0 : index
      %swap3A_20 = vector.load %arg3[%swap3A_18, %swap3A_19] : memref<8x256xf32, #tpu.memory_space<vmem>>, vector<8x256xf32>
      tpu.vector_store %arg3[%swap3A_18, %swap3A_19], %broadcast_in_dim3A_17 {strides = array<i32>} : memref<8x256xf32, #tpu.memory_space<vmem>>, vector<8x256xf32>,
    } else {
    }
    %get3A_10 = arith.constant 0 : index
    %get3A_11 = arith.constant 0 : index
    %get3A_12 = vector.load %arg3[%get3A_10, %get3A_11] : memref<8x256xf32, #tpu.memory_space<vmem>>, vector<1x256xf32>
    %reduce_sum3A = arith.constant dense<0.000000e+00> : vector<256xf32>
    %reduce_sum3A_13 = vector.multi_reduction <add>, %mul3A, %reduce_sum3A [0] : vector<1000x256xf32> to vector<256xf32>
    %broadcast_in_dim3A = vector.shape_cast %reduce_sum3A_13 : vector<256xf32> to vector<1x256xf32>
    %add3A = arith.addf %get3A_12, %broadcast_in_dim3A : vector<1x256xf32>
    %swap3A = arith.constant 0 : index
    %swap3A_14 = arith.constant 0 : index
    %swap3A_15 = vector.load %arg3[%swap3A, %swap3A_14] : memref<8x256xf32, #tpu.memory_space<vmem>>, vector<1x256xf32>
    tpu.vector_store %arg3[%swap3A, %swap3A_14], %add3A {strides = array<i32>} : memref<8x256xf32, #tpu.memory_space<vmem>>, vector<1x256xf32>,
    return
  }
  func.func @transform_0(%arg0: i32) -> (i32, i32) {
    %c0_i32 = arith.constant 0 : i32
    %c0_i32_0 = arith.constant 0 : i32
    return %arg0, %c0_i32 : i32, i32
  }
  func.func @transform_1(%arg0: i32) -> (i32, i32) {
    %c0_i32 = arith.constant 0 : i32
    %c0_i32_0 = arith.constant 0 : i32
    %c0_i32_1 = arith.constant 0 : i32
    return %c0_i32, %c0_i32_0 : i32, i32
  }
  func.func @transform_2(%arg0: i32) -> (i32, i32) {
    %c0_i32 = arith.constant 0 : i32
    %c0_i32_0 = arith.constant 0 : i32
    %c0_i32_1 = arith.constant 0 : i32
    return %c0_i32, %c0_i32_0 : i32, i32
  }
}

module attributes {stable_mosaic.version = 14 : i64} {
  func.func @_kb_kernel(%arg0: i32, %arg1: memref<1000x256xf32, #tpu.memory_space<vmem>>, %arg2: memref<8x256xf32, #tpu.memory_space<vmem>>, %arg3: memref<8x256xf32, #tpu.memory_space<vmem>>, %arg4: memref<1x256xf32, #tpu.memory_space<vmem>>, %arg5: memref<1x256xf32, #tpu.memory_space<vmem>>, %arg6: memref<256x256xf32, #tpu.memory_space<vmem>>, %arg7: memref<1x256xf32, #tpu.memory_space<vmem>>, %arg8: memref<1000x256xf32, #tpu.memory_space<vmem>>, %arg9: memref<8x256xf32, #tpu.memory_space<vmem>>) attributes {dimension_semantics = [#tpu.dimension_semantics<arbitrary>], iteration_bounds = array<i64: 10>, scalar_prefetch = 0 : i64, scratch_operands = 0 : i64, tpu.core_type = #tpu.core_type<tc>, window_params = [{transform_indices = @transform_0, window_bounds = array<i64: 1000, 256>}, {pipeline_mode = #tpu.pipeline_mode<synchronous>, transform_indices = @transform_1, window_bounds = array<i64: 8, 256>}, {pipeline_mode = #tpu.pipeline_mode<synchronous>, transform_indices = @transform_2, window_bounds = array<i64: 8, 256>}, {pipeline_mode = #tpu.pipeline_mode<synchronous>, transform_indices = @transform_3, window_bounds = array<i64: 1, 256>}, {pipeline_mode = #tpu.pipeline_mode<synchronous>, transform_indices = @transform_4, window_bounds = array<i64: 1, 256>}, {pipeline_mode = #tpu.pipeline_mode<synchronous>, transform_indices = @transform_5, window_bounds = array<i64: 256, 256>}, {pipeline_mode = #tpu.pipeline_mode<synchronous>, transform_indices = @transform_6, window_bounds = array<i64: 1, 256>}, {transform_indices = @transform_7, window_bounds = array<i64: 1000, 256>}, {pipeline_mode = #tpu.pipeline_mode<synchronous>, transform_indices = @transform_8, window_bounds = array<i64: 8, 256>}]} {
    %get3A = arith.constant 0 : index
    %get3A_0 = arith.constant 0 : index
    %get3A_1 = vector.load %arg1[%get3A, %get3A_0] : memref<1000x256xf32, #tpu.memory_space<vmem>>, vector<1000x256xf32>
    %get3A_2 = arith.constant 0 : index
    %get3A_3 = arith.constant 0 : index
    %get3A_4 = vector.load %arg2[%get3A_2, %get3A_3] : memref<8x256xf32, #tpu.memory_space<vmem>>, vector<1x256xf32>
    %div3A = arith.constant 1.000000e+04 : f32
    %div3A_5 = vector.broadcast %div3A : f32 to vector<1x256xf32>
    %div3A_6 = arith.divf %get3A_4, %div3A_5 : vector<1x256xf32>
    %get3A_7 = arith.constant 0 : index
    %get3A_8 = arith.constant 0 : index
    %get3A_9 = vector.load %arg3[%get3A_7, %get3A_8] : memref<8x256xf32, #tpu.memory_space<vmem>>, vector<1x256xf32>
    %div3A_10 = arith.constant 1.000000e+04 : f32
    %div3A_11 = vector.broadcast %div3A_10 : f32 to vector<1x256xf32>
    %div3A_12 = arith.divf %get3A_9, %div3A_11 : vector<1x256xf32>
    %sub3A = vector.broadcast %div3A_6 : vector<1x256xf32> to vector<1000x256xf32>
    %sub3A_13 = arith.subf %get3A_1, %sub3A : vector<1000x256xf32>
    %add3A = arith.constant 9.99999974E-6 : f32
    %add3A_14 = vector.broadcast %add3A : f32 to vector<1x256xf32>
    %add3A_15 = arith.addf %div3A_12, %add3A_14 : vector<1x256xf32>
    %sqrt3A = math.sqrt %add3A_15 : vector<1x256xf32>
    %div3A_16 = vector.broadcast %sqrt3A : vector<1x256xf32> to vector<1000x256xf32>
    %div3A_17 = arith.divf %sub3A_13, %div3A_16 : vector<1000x256xf32>
    %get3A_18 = arith.constant 0 : index
    %get3A_19 = arith.constant 0 : index
    %get3A_20 = vector.load %arg4[%get3A_18, %get3A_19] : memref<1x256xf32, #tpu.memory_space<vmem>>, vector<1x256xf32>
    %mul3A = vector.broadcast %get3A_20 : vector<1x256xf32> to vector<1000x256xf32>
    %mul3A_21 = arith.mulf %div3A_17, %mul3A : vector<1000x256xf32>
    %get3A_22 = arith.constant 0 : index
    %get3A_23 = arith.constant 0 : index
    %get3A_24 = vector.load %arg5[%get3A_22, %get3A_23] : memref<1x256xf32, #tpu.memory_space<vmem>>, vector<1x256xf32>
    %add3A_25 = vector.broadcast %get3A_24 : vector<1x256xf32> to vector<1000x256xf32>
    %add3A_26 = arith.addf %mul3A_21, %add3A_25 : vector<1000x256xf32>
    %ge3A = arith.constant 0.000000e+00 : f32
    %ge3A_27 = vector.broadcast %ge3A : f32 to vector<1000x256xf32>
    %ge3A_28 = arith.cmpf oge, %add3A_26, %ge3A_27 : vector<1000x256xf32>
    %mul3A_29 = arith.constant 0.00999999977 : f32
    %mul3A_30 = vector.broadcast %mul3A_29 : f32 to vector<1000x256xf32>
    %mul3A_31 = arith.mulf %mul3A_30, %add3A_26 : vector<1000x256xf32>
    %select_n3A = arith.select %ge3A_28, %add3A_26, %mul3A_31 : vector<1000x256xi1>, vector<1000x256xf32>
    %get3A_32 = arith.constant 0 : index
    %get3A_33 = arith.constant 0 : index
    %get3A_34 = vector.load %arg6[%get3A_32, %get3A_33] : memref<256x256xf32, #tpu.memory_space<vmem>>, vector<256x256xf32>
    %dot_general3A = arith.constant dense<0.000000e+00> : vector<1000x256xf32>
    %dot_general3A_35 = tpu.matmul %select_n3A, %get3A_34, %dot_general3A {dimension_numbers = #tpu.dot_dimension_numbers<[1], [0], [0], [1], [0, 0, 1, 1], [], []>, transpose_lhs_hint = false} : vector<1000x256xf32>, vector<256x256xf32>, vector<1000x256xf32> -> vector<1000x256xf32>
    %get3A_36 = arith.constant 0 : index
    %get3A_37 = arith.constant 0 : index
    %get3A_38 = vector.load %arg7[%get3A_36, %get3A_37] : memref<1x256xf32, #tpu.memory_space<vmem>>, vector<1x256xf32>
    %add3A_39 = vector.broadcast %get3A_38 : vector<1x256xf32> to vector<1000x256xf32>
    %add3A_40 = arith.addf %dot_general3A_35, %add3A_39 : vector<1000x256xf32>
    %swap3A = arith.constant 0 : index
    %swap3A_41 = arith.constant 0 : index
    %swap3A_42 = vector.load %arg8[%swap3A, %swap3A_41] : memref<1000x256xf32, #tpu.memory_space<vmem>>, vector<1000x256xf32>
    tpu.vector_store %arg8[%swap3A, %swap3A_41], %add3A_40 {strides = array<i32>} : memref<1000x256xf32, #tpu.memory_space<vmem>>, vector<1000x256xf32>,
    %eq3A = arith.constant 0 : i32
    %eq3A_43 = arith.cmpi eq, %arg0, %eq3A : i32
    %convert_element_type3A = arith.extui %eq3A_43 : i1 to i32
    %cond3A = arith.constant 0 : i32
    %cond3A_44 = arith.cmpi ne, %convert_element_type3A, %cond3A : i32
    scf.if %cond3A_44 {
      %broadcast_in_dim3A_53 = arith.constant 0.000000e+00 : f32
      %broadcast_in_dim3A_54 = vector.broadcast %broadcast_in_dim3A_53 : f32 to vector<8x256xf32>
      %swap3A_55 = arith.constant 0 : index
      %swap3A_56 = arith.constant 0 : index
      %swap3A_57 = vector.load %arg9[%swap3A_55, %swap3A_56] : memref<8x256xf32, #tpu.memory_space<vmem>>, vector<8x256xf32>
      tpu.vector_store %arg9[%swap3A_55, %swap3A_56], %broadcast_in_dim3A_54 {strides = array<i32>} : memref<8x256xf32, #tpu.memory_space<vmem>>, vector<8x256xf32>,
    } else {
    }
    %get3A_45 = arith.constant 0 : index
    %get3A_46 = arith.constant 0 : index
    %get3A_47 = vector.load %arg9[%get3A_45, %get3A_46] : memref<8x256xf32, #tpu.memory_space<vmem>>, vector<1x256xf32>
    %reduce_sum3A = arith.constant dense<0.000000e+00> : vector<256xf32>
    %reduce_sum3A_48 = vector.multi_reduction <add>, %add3A_40, %reduce_sum3A [0] : vector<1000x256xf32> to vector<256xf32>
    %broadcast_in_dim3A = vector.shape_cast %reduce_sum3A_48 : vector<256xf32> to vector<1x256xf32>
    %add3A_49 = arith.addf %get3A_47, %broadcast_in_dim3A : vector<1x256xf32>
    %swap3A_50 = arith.constant 0 : index
    %swap3A_51 = arith.constant 0 : index
    %swap3A_52 = vector.load %arg9[%swap3A_50, %swap3A_51] : memref<8x256xf32, #tpu.memory_space<vmem>>, vector<1x256xf32>
    tpu.vector_store %arg9[%swap3A_50, %swap3A_51], %add3A_49 {strides = array<i32>} : memref<8x256xf32, #tpu.memory_space<vmem>>, vector<1x256xf32>,
    return
  }
  func.func @transform_0(%arg0: i32) -> (i32, i32) {
    %c0_i32 = arith.constant 0 : i32
    %c0_i32_0 = arith.constant 0 : i32
    return %arg0, %c0_i32 : i32, i32
  }
  func.func @transform_1(%arg0: i32) -> (i32, i32) {
    %c0_i32 = arith.constant 0 : i32
    %c0_i32_0 = arith.constant 0 : i32
    %c0_i32_1 = arith.constant 0 : i32
    return %c0_i32, %c0_i32_0 : i32, i32
  }
  func.func @transform_2(%arg0: i32) -> (i32, i32) {
    %c0_i32 = arith.constant 0 : i32
    %c0_i32_0 = arith.constant 0 : i32
    %c0_i32_1 = arith.constant 0 : i32
    return %c0_i32, %c0_i32_0 : i32, i32
  }
  func.func @transform_3(%arg0: i32) -> (i32, i32) {
    %c0_i32 = arith.constant 0 : i32
    %c0_i32_0 = arith.constant 0 : i32
    %c0_i32_1 = arith.constant 0 : i32
    return %c0_i32, %c0_i32_0 : i32, i32
  }
  func.func @transform_4(%arg0: i32) -> (i32, i32) {
    %c0_i32 = arith.constant 0 : i32
    %c0_i32_0 = arith.constant 0 : i32
    %c0_i32_1 = arith.constant 0 : i32
    return %c0_i32, %c0_i32_0 : i32, i32
  }
  func.func @transform_5(%arg0: i32) -> (i32, i32) {
    %c0_i32 = arith.constant 0 : i32
    %c0_i32_0 = arith.constant 0 : i32
    %c0_i32_1 = arith.constant 0 : i32
    return %c0_i32, %c0_i32_0 : i32, i32
  }
  func.func @transform_6(%arg0: i32) -> (i32, i32) {
    %c0_i32 = arith.constant 0 : i32
    %c0_i32_0 = arith.constant 0 : i32
    %c0_i32_1 = arith.constant 0 : i32
    return %c0_i32, %c0_i32_0 : i32, i32
  }
  func.func @transform_7(%arg0: i32) -> (i32, i32) {
    %c0_i32 = arith.constant 0 : i32
    %c0_i32_0 = arith.constant 0 : i32
    return %arg0, %c0_i32 : i32, i32
  }
  func.func @transform_8(%arg0: i32) -> (i32, i32) {
    %c0_i32 = arith.constant 0 : i32
    %c0_i32_0 = arith.constant 0 : i32
    %c0_i32_1 = arith.constant 0 : i32
    return %c0_i32, %c0_i32_0 : i32, i32
  }
}

module attributes {stable_mosaic.version = 14 : i64} {
  func.func @_kc_kernel(%arg0: i32, %arg1: memref<1000x256xf32, #tpu.memory_space<vmem>>, %arg2: memref<8x256xf32, #tpu.memory_space<vmem>>, %arg3: memref<8x256xf32, #tpu.memory_space<vmem>>, %arg4: memref<1x256xf32, #tpu.memory_space<vmem>>, %arg5: memref<1x256xf32, #tpu.memory_space<vmem>>, %arg6: memref<1000x128xf32, #tpu.memory_space<vmem>>, %arg7: memref<1000x128xf32, #tpu.memory_space<vmem>>) attributes {dimension_semantics = [#tpu.dimension_semantics<arbitrary>], iteration_bounds = array<i64: 10>, scalar_prefetch = 0 : i64, scratch_operands = 0 : i64, tpu.core_type = #tpu.core_type<tc>, window_params = [{transform_indices = @transform_0, window_bounds = array<i64: 1000, 256>}, {pipeline_mode = #tpu.pipeline_mode<synchronous>, transform_indices = @transform_1, window_bounds = array<i64: 8, 256>}, {pipeline_mode = #tpu.pipeline_mode<synchronous>, transform_indices = @transform_2, window_bounds = array<i64: 8, 256>}, {pipeline_mode = #tpu.pipeline_mode<synchronous>, transform_indices = @transform_3, window_bounds = array<i64: 1, 256>}, {pipeline_mode = #tpu.pipeline_mode<synchronous>, transform_indices = @transform_4, window_bounds = array<i64: 1, 256>}, {transform_indices = @transform_5, window_bounds = array<i64: 1000, 128>}, {transform_indices = @transform_6, window_bounds = array<i64: 1000, 128>}]} {
    %get3A = arith.constant 0 : index
    %get3A_0 = arith.constant 0 : index
    %get3A_1 = vector.load %arg1[%get3A, %get3A_0] : memref<1000x256xf32, #tpu.memory_space<vmem>>, vector<1000x256xf32>
    %get3A_2 = arith.constant 0 : index
    %get3A_3 = arith.constant 0 : index
    %get3A_4 = vector.load %arg2[%get3A_2, %get3A_3] : memref<8x256xf32, #tpu.memory_space<vmem>>, vector<1x256xf32>
    %div3A = arith.constant 1.000000e+04 : f32
    %div3A_5 = vector.broadcast %div3A : f32 to vector<1x256xf32>
    %div3A_6 = arith.divf %get3A_4, %div3A_5 : vector<1x256xf32>
    %get3A_7 = arith.constant 0 : index
    %get3A_8 = arith.constant 0 : index
    %get3A_9 = vector.load %arg3[%get3A_7, %get3A_8] : memref<8x256xf32, #tpu.memory_space<vmem>>, vector<1x256xf32>
    %div3A_10 = arith.constant 1.000000e+04 : f32
    %div3A_11 = vector.broadcast %div3A_10 : f32 to vector<1x256xf32>
    %div3A_12 = arith.divf %get3A_9, %div3A_11 : vector<1x256xf32>
    %sub3A = vector.broadcast %div3A_6 : vector<1x256xf32> to vector<1000x256xf32>
    %sub3A_13 = arith.subf %get3A_1, %sub3A : vector<1000x256xf32>
    %add3A = arith.constant 9.99999974E-6 : f32
    %add3A_14 = vector.broadcast %add3A : f32 to vector<1x256xf32>
    %add3A_15 = arith.addf %div3A_12, %add3A_14 : vector<1x256xf32>
    %sqrt3A = math.sqrt %add3A_15 : vector<1x256xf32>
    %div3A_16 = vector.broadcast %sqrt3A : vector<1x256xf32> to vector<1000x256xf32>
    %div3A_17 = arith.divf %sub3A_13, %div3A_16 : vector<1000x256xf32>
    %get3A_18 = arith.constant 0 : index
    %get3A_19 = arith.constant 0 : index
    %get3A_20 = vector.load %arg4[%get3A_18, %get3A_19] : memref<1x256xf32, #tpu.memory_space<vmem>>, vector<1x256xf32>
    %mul3A = vector.broadcast %get3A_20 : vector<1x256xf32> to vector<1000x256xf32>
    %mul3A_21 = arith.mulf %div3A_17, %mul3A : vector<1000x256xf32>
    %get3A_22 = arith.constant 0 : index
    %get3A_23 = arith.constant 0 : index
    %get3A_24 = vector.load %arg5[%get3A_22, %get3A_23] : memref<1x256xf32, #tpu.memory_space<vmem>>, vector<1x256xf32>
    %add3A_25 = vector.broadcast %get3A_24 : vector<1x256xf32> to vector<1000x256xf32>
    %add3A_26 = arith.addf %mul3A_21, %add3A_25 : vector<1000x256xf32>
    %ge3A = arith.constant 0.000000e+00 : f32
    %ge3A_27 = vector.broadcast %ge3A : f32 to vector<1000x256xf32>
    %ge3A_28 = arith.cmpf oge, %add3A_26, %ge3A_27 : vector<1000x256xf32>
    %mul3A_29 = arith.constant 0.00999999977 : f32
    %mul3A_30 = vector.broadcast %mul3A_29 : f32 to vector<1000x256xf32>
    %mul3A_31 = arith.mulf %mul3A_30, %add3A_26 : vector<1000x256xf32>
    %select_n3A = arith.select %ge3A_28, %add3A_26, %mul3A_31 : vector<1000x256xi1>, vector<1000x256xf32>
    %slice3A = vector.extract_strided_slice %select_n3A {offsets = [0, 0], sizes = [1000, 128], strides = [1, 1]} : vector<1000x256xf32> to vector<1000x128xf32>
    %swap3A = arith.constant 0 : index
    %swap3A_32 = arith.constant 0 : index
    %swap3A_33 = vector.load %arg6[%swap3A, %swap3A_32] : memref<1000x128xf32, #tpu.memory_space<vmem>>, vector<1000x128xf32>
    tpu.vector_store %arg6[%swap3A, %swap3A_32], %slice3A {strides = array<i32>} : memref<1000x128xf32, #tpu.memory_space<vmem>>, vector<1000x128xf32>,
    %slice3A_34 = vector.extract_strided_slice %select_n3A {offsets = [0, 128], sizes = [1000, 128], strides = [1, 1]} : vector<1000x256xf32> to vector<1000x128xf32>
    %swap3A_35 = arith.constant 0 : index
    %swap3A_36 = arith.constant 0 : index
    %swap3A_37 = vector.load %arg7[%swap3A_35, %swap3A_36] : memref<1000x128xf32, #tpu.memory_space<vmem>>, vector<1000x128xf32>
    tpu.vector_store %arg7[%swap3A_35, %swap3A_36], %slice3A_34 {strides = array<i32>} : memref<1000x128xf32, #tpu.memory_space<vmem>>, vector<1000x128xf32>,
    return
  }
  func.func @transform_0(%arg0: i32) -> (i32, i32) {
    %c0_i32 = arith.constant 0 : i32
    %c0_i32_0 = arith.constant 0 : i32
    return %arg0, %c0_i32 : i32, i32
  }
  func.func @transform_1(%arg0: i32) -> (i32, i32) {
    %c0_i32 = arith.constant 0 : i32
    %c0_i32_0 = arith.constant 0 : i32
    %c0_i32_1 = arith.constant 0 : i32
    return %c0_i32, %c0_i32_0 : i32, i32
  }
  func.func @transform_2(%arg0: i32) -> (i32, i32) {
    %c0_i32 = arith.constant 0 : i32
    %c0_i32_0 = arith.constant 0 : i32
    %c0_i32_1 = arith.constant 0 : i32
    return %c0_i32, %c0_i32_0 : i32, i32
  }
  func.func @transform_3(%arg0: i32) -> (i32, i32) {
    %c0_i32 = arith.constant 0 : i32
    %c0_i32_0 = arith.constant 0 : i32
    %c0_i32_1 = arith.constant 0 : i32
    return %c0_i32, %c0_i32_0 : i32, i32
  }
  func.func @transform_4(%arg0: i32) -> (i32, i32) {
    %c0_i32 = arith.constant 0 : i32
    %c0_i32_0 = arith.constant 0 : i32
    %c0_i32_1 = arith.constant 0 : i32
    return %c0_i32, %c0_i32_0 : i32, i32
  }
  func.func @transform_5(%arg0: i32) -> (i32, i32) {
    %c0_i32 = arith.constant 0 : i32
    %c0_i32_0 = arith.constant 0 : i32
    return %arg0, %c0_i32 : i32, i32
  }
  func.func @transform_6(%arg0: i32) -> (i32, i32) {
    %c0_i32 = arith.constant 0 : i32
    %c0_i32_0 = arith.constant 0 : i32
    return %arg0, %c0_i32 : i32, i32
  }
}

module attributes {stable_mosaic.version = 14 : i64} {
  func.func @_ka_split_kernel(%arg0: i32, %arg1: memref<1xf32, #tpu.memory_space<smem>>, %arg2: memref<1000x128xf32, #tpu.memory_space<vmem>>, %arg3: memref<1000x128xf32, #tpu.memory_space<vmem>>, %arg4: memref<1000x128xf32, #tpu.memory_space<vmem>>, %arg5: memref<1000x128xf32, #tpu.memory_space<vmem>>, %arg6: memref<256x256xf32, #tpu.memory_space<vmem>>, %arg7: memref<1x256xf32, #tpu.memory_space<vmem>>, %arg8: memref<1000x256xf32, #tpu.memory_space<vmem>>, %arg9: memref<8x256xf32, #tpu.memory_space<vmem>>) attributes {dimension_semantics = [#tpu.dimension_semantics<arbitrary>], iteration_bounds = array<i64: 10>, scalar_prefetch = 0 : i64, scratch_operands = 0 : i64, tpu.core_type = #tpu.core_type<tc>, window_params = [{transform_indices = @transform_0, window_bounds = array<i64: 1>}, {transform_indices = @transform_1, window_bounds = array<i64: 1000, 128>}, {transform_indices = @transform_2, window_bounds = array<i64: 1000, 128>}, {transform_indices = @transform_3, window_bounds = array<i64: 1000, 128>}, {transform_indices = @transform_4, window_bounds = array<i64: 1000, 128>}, {pipeline_mode = #tpu.pipeline_mode<synchronous>, transform_indices = @transform_5, window_bounds = array<i64: 256, 256>}, {pipeline_mode = #tpu.pipeline_mode<synchronous>, transform_indices = @transform_6, window_bounds = array<i64: 1, 256>}, {transform_indices = @transform_7, window_bounds = array<i64: 1000, 256>}, {pipeline_mode = #tpu.pipeline_mode<synchronous>, transform_indices = @transform_8, window_bounds = array<i64: 8, 256>}]} {
    %get3A = arith.constant 0 : index
    %get3A_0 = arith.constant 0 : index
    %get3A_1 = vector.load %arg2[%get3A, %get3A_0] : memref<1000x128xf32, #tpu.memory_space<vmem>>, vector<1000x128xf32>
    %get3A_2 = arith.constant 0 : index
    %get3A_3 = arith.constant 0 : index
    %get3A_4 = vector.load %arg3[%get3A_2, %get3A_3] : memref<1000x128xf32, #tpu.memory_space<vmem>>, vector<1000x128xf32>
    %concatenate3A = tpu.concatenate %get3A_1, %get3A_4 in 1 : vector<1000x128xf32>, vector<1000x128xf32> -> vector<1000x256xf32>
    %get3A_5 = arith.constant 0 : index
    %get3A_6 = arith.constant 0 : index
    %get3A_7 = vector.load %arg4[%get3A_5, %get3A_6] : memref<1000x128xf32, #tpu.memory_space<vmem>>, vector<1000x128xf32>
    %get3A_8 = arith.constant 0 : index
    %get3A_9 = arith.constant 0 : index
    %get3A_10 = vector.load %arg5[%get3A_8, %get3A_9] : memref<1000x128xf32, #tpu.memory_space<vmem>>, vector<1000x128xf32>
    %concatenate3A_11 = tpu.concatenate %get3A_7, %get3A_10 in 1 : vector<1000x128xf32>, vector<1000x128xf32> -> vector<1000x256xf32>
    %get3A_12 = arith.constant 0 : index
    %get3A_13 = memref.load %arg1[%get3A_12] : memref<1xf32, #tpu.memory_space<smem>>
    %add3A = arith.constant 1.000000e+00 : f32
    %add3A_14 = arith.addf %add3A, %get3A_13 : f32
    %mul3A = vector.broadcast %add3A_14 : f32 to vector<1000x256xf32>
    %mul3A_15 = arith.mulf %mul3A, %concatenate3A : vector<1000x256xf32>
    %add3A_16 = arith.addf %mul3A_15, %concatenate3A_11 : vector<1000x256xf32>
    %get3A_17 = arith.constant 0 : index
    %get3A_18 = arith.constant 0 : index
    %get3A_19 = vector.load %arg6[%get3A_17, %get3A_18] : memref<256x256xf32, #tpu.memory_space<vmem>>, vector<256x256xf32>
    %dot_general3A = arith.constant dense<0.000000e+00> : vector<1000x256xf32>
    %dot_general3A_20 = tpu.matmul %add3A_16, %get3A_19, %dot_general3A {dimension_numbers = #tpu.dot_dimension_numbers<[1], [0], [0], [1], [0, 0, 1, 1], [], []>, transpose_lhs_hint = false} : vector<1000x256xf32>, vector<256x256xf32>, vector<1000x256xf32> -> vector<1000x256xf32>
    %get3A_21 = arith.constant 0 : index
    %get3A_22 = arith.constant 0 : index
    %get3A_23 = vector.load %arg7[%get3A_21, %get3A_22] : memref<1x256xf32, #tpu.memory_space<vmem>>, vector<1x256xf32>
    %add3A_24 = vector.broadcast %get3A_23 : vector<1x256xf32> to vector<1000x256xf32>
    %add3A_25 = arith.addf %dot_general3A_20, %add3A_24 : vector<1000x256xf32>
    %swap3A = arith.constant 0 : index
    %swap3A_26 = arith.constant 0 : index
    %swap3A_27 = vector.load %arg8[%swap3A, %swap3A_26] : memref<1000x256xf32, #tpu.memory_space<vmem>>, vector<1000x256xf32>
    tpu.vector_store %arg8[%swap3A, %swap3A_26], %add3A_25 {strides = array<i32>} : memref<1000x256xf32, #tpu.memory_space<vmem>>, vector<1000x256xf32>,
    %eq3A = arith.constant 0 : i32
    %eq3A_28 = arith.cmpi eq, %arg0, %eq3A : i32
    %convert_element_type3A = arith.extui %eq3A_28 : i1 to i32
    %cond3A = arith.constant 0 : i32
    %cond3A_29 = arith.cmpi ne, %convert_element_type3A, %cond3A : i32
    scf.if %cond3A_29 {
      %broadcast_in_dim3A_38 = arith.constant 0.000000e+00 : f32
      %broadcast_in_dim3A_39 = vector.broadcast %broadcast_in_dim3A_38 : f32 to vector<8x256xf32>
      %swap3A_40 = arith.constant 0 : index
      %swap3A_41 = arith.constant 0 : index
      %swap3A_42 = vector.load %arg9[%swap3A_40, %swap3A_41] : memref<8x256xf32, #tpu.memory_space<vmem>>, vector<8x256xf32>
      tpu.vector_store %arg9[%swap3A_40, %swap3A_41], %broadcast_in_dim3A_39 {strides = array<i32>} : memref<8x256xf32, #tpu.memory_space<vmem>>, vector<8x256xf32>,
    } else {
    }
    %get3A_30 = arith.constant 0 : index
    %get3A_31 = arith.constant 0 : index
    %get3A_32 = vector.load %arg9[%get3A_30, %get3A_31] : memref<8x256xf32, #tpu.memory_space<vmem>>, vector<1x256xf32>
    %reduce_sum3A = arith.constant dense<0.000000e+00> : vector<256xf32>
    %reduce_sum3A_33 = vector.multi_reduction <add>, %add3A_25, %reduce_sum3A [0] : vector<1000x256xf32> to vector<256xf32>
    %broadcast_in_dim3A = vector.shape_cast %reduce_sum3A_33 : vector<256xf32> to vector<1x256xf32>
    %add3A_34 = arith.addf %get3A_32, %broadcast_in_dim3A : vector<1x256xf32>
    %swap3A_35 = arith.constant 0 : index
    %swap3A_36 = arith.constant 0 : index
    %swap3A_37 = vector.load %arg9[%swap3A_35, %swap3A_36] : memref<8x256xf32, #tpu.memory_space<vmem>>, vector<1x256xf32>
    tpu.vector_store %arg9[%swap3A_35, %swap3A_36], %add3A_34 {strides = array<i32>} : memref<8x256xf32, #tpu.memory_space<vmem>>, vector<1x256xf32>,
    return
  }
  func.func @transform_0(%arg0: i32) -> i32 {
    %c0_i32 = arith.constant 0 : i32
    %c0_i32_0 = arith.constant 0 : i32
    return %c0_i32 : i32
  }
  func.func @transform_1(%arg0: i32) -> (i32, i32) {
    %c0_i32 = arith.constant 0 : i32
    %c0_i32_0 = arith.constant 0 : i32
    return %arg0, %c0_i32 : i32, i32
  }
  func.func @transform_2(%arg0: i32) -> (i32, i32) {
    %c0_i32 = arith.constant 0 : i32
    %c0_i32_0 = arith.constant 0 : i32
    return %arg0, %c0_i32 : i32, i32
  }
  func.func @transform_3(%arg0: i32) -> (i32, i32) {
    %c0_i32 = arith.constant 0 : i32
    %c0_i32_0 = arith.constant 0 : i32
    return %arg0, %c0_i32 : i32, i32
  }
  func.func @transform_4(%arg0: i32) -> (i32, i32) {
    %c0_i32 = arith.constant 0 : i32
    %c0_i32_0 = arith.constant 0 : i32
    return %arg0, %c0_i32 : i32, i32
  }
  func.func @transform_5(%arg0: i32) -> (i32, i32) {
    %c0_i32 = arith.constant 0 : i32
    %c0_i32_0 = arith.constant 0 : i32
    %c0_i32_1 = arith.constant 0 : i32
    return %c0_i32, %c0_i32_0 : i32, i32
  }
  func.func @transform_6(%arg0: i32) -> (i32, i32) {
    %c0_i32 = arith.constant 0 : i32
    %c0_i32_0 = arith.constant 0 : i32
    %c0_i32_1 = arith.constant 0 : i32
    return %c0_i32, %c0_i32_0 : i32, i32
  }
  func.func @transform_7(%arg0: i32) -> (i32, i32) {
    %c0_i32 = arith.constant 0 : i32
    %c0_i32_0 = arith.constant 0 : i32
    return %arg0, %c0_i32 : i32, i32
  }
  func.func @transform_8(%arg0: i32) -> (i32, i32) {
    %c0_i32 = arith.constant 0 : i32
    %c0_i32_0 = arith.constant 0 : i32
    %c0_i32_1 = arith.constant 0 : i32
    return %c0_i32, %c0_i32_0 : i32, i32
  }
}

module attributes {stable_mosaic.version = 14 : i64} {
  func.func @_kb2_kernel(%arg0: i32, %arg1: memref<1000x256xf32, #tpu.memory_space<vmem>>, %arg2: memref<8x256xf32, #tpu.memory_space<vmem>>, %arg3: memref<8x256xf32, #tpu.memory_space<vmem>>, %arg4: memref<1x256xf32, #tpu.memory_space<vmem>>, %arg5: memref<1x256xf32, #tpu.memory_space<vmem>>, %arg6: memref<256x256xf32, #tpu.memory_space<vmem>>, %arg7: memref<1x256xf32, #tpu.memory_space<vmem>>, %arg8: memref<256x256xf32, #tpu.memory_space<vmem>>, %arg9: memref<1x256xf32, #tpu.memory_space<vmem>>, %arg10: memref<1000x256xf32, #tpu.memory_space<vmem>>, %arg11: memref<8x256xf32, #tpu.memory_space<vmem>>) attributes {dimension_semantics = [#tpu.dimension_semantics<arbitrary>], iteration_bounds = array<i64: 10>, scalar_prefetch = 0 : i64, scratch_operands = 0 : i64, tpu.core_type = #tpu.core_type<tc>, window_params = [{transform_indices = @transform_0, window_bounds = array<i64: 1000, 256>}, {pipeline_mode = #tpu.pipeline_mode<synchronous>, transform_indices = @transform_1, window_bounds = array<i64: 8, 256>}, {pipeline_mode = #tpu.pipeline_mode<synchronous>, transform_indices = @transform_2, window_bounds = array<i64: 8, 256>}, {pipeline_mode = #tpu.pipeline_mode<synchronous>, transform_indices = @transform_3, window_bounds = array<i64: 1, 256>}, {pipeline_mode = #tpu.pipeline_mode<synchronous>, transform_indices = @transform_4, window_bounds = array<i64: 1, 256>}, {pipeline_mode = #tpu.pipeline_mode<synchronous>, transform_indices = @transform_5, window_bounds = array<i64: 256, 256>}, {pipeline_mode = #tpu.pipeline_mode<synchronous>, transform_indices = @transform_6, window_bounds = array<i64: 1, 256>}, {pipeline_mode = #tpu.pipeline_mode<synchronous>, transform_indices = @transform_7, window_bounds = array<i64: 256, 256>}, {pipeline_mode = #tpu.pipeline_mode<synchronous>, transform_indices = @transform_8, window_bounds = array<i64: 1, 256>}, {transform_indices = @transform_9, window_bounds = array<i64: 1000, 256>}, {pipeline_mode = #tpu.pipeline_mode<synchronous>, transform_indices = @transform_10, window_bounds = array<i64: 8, 256>}]} {
    %get3A = arith.constant 0 : index
    %get3A_0 = arith.constant 0 : index
    %get3A_1 = vector.load %arg1[%get3A, %get3A_0] : memref<1000x256xf32, #tpu.memory_space<vmem>>, vector<1000x256xf32>
    %get3A_2 = arith.constant 0 : index
    %get3A_3 = arith.constant 0 : index
    %get3A_4 = vector.load %arg2[%get3A_2, %get3A_3] : memref<8x256xf32, #tpu.memory_space<vmem>>, vector<1x256xf32>
    %div3A = arith.constant 1.000000e+04 : f32
    %div3A_5 = vector.broadcast %div3A : f32 to vector<1x256xf32>
    %div3A_6 = arith.divf %get3A_4, %div3A_5 : vector<1x256xf32>
    %get3A_7 = arith.constant 0 : index
    %get3A_8 = arith.constant 0 : index
    %get3A_9 = vector.load %arg3[%get3A_7, %get3A_8] : memref<8x256xf32, #tpu.memory_space<vmem>>, vector<1x256xf32>
    %div3A_10 = arith.constant 1.000000e+04 : f32
    %div3A_11 = vector.broadcast %div3A_10 : f32 to vector<1x256xf32>
    %div3A_12 = arith.divf %get3A_9, %div3A_11 : vector<1x256xf32>
    %sub3A = vector.broadcast %div3A_6 : vector<1x256xf32> to vector<1000x256xf32>
    %sub3A_13 = arith.subf %get3A_1, %sub3A : vector<1000x256xf32>
    %add3A = arith.constant 9.99999974E-6 : f32
    %add3A_14 = vector.broadcast %add3A : f32 to vector<1x256xf32>
    %add3A_15 = arith.addf %div3A_12, %add3A_14 : vector<1x256xf32>
    %sqrt3A = math.sqrt %add3A_15 : vector<1x256xf32>
    %div3A_16 = vector.broadcast %sqrt3A : vector<1x256xf32> to vector<1000x256xf32>
    %div3A_17 = arith.divf %sub3A_13, %div3A_16 : vector<1000x256xf32>
    %get3A_18 = arith.constant 0 : index
    %get3A_19 = arith.constant 0 : index
    %get3A_20 = vector.load %arg4[%get3A_18, %get3A_19] : memref<1x256xf32, #tpu.memory_space<vmem>>, vector<1x256xf32>
    %mul3A = vector.broadcast %get3A_20 : vector<1x256xf32> to vector<1000x256xf32>
    %mul3A_21 = arith.mulf %div3A_17, %mul3A : vector<1000x256xf32>
    %get3A_22 = arith.constant 0 : index
    %get3A_23 = arith.constant 0 : index
    %get3A_24 = vector.load %arg5[%get3A_22, %get3A_23] : memref<1x256xf32, #tpu.memory_space<vmem>>, vector<1x256xf32>
    %add3A_25 = vector.broadcast %get3A_24 : vector<1x256xf32> to vector<1000x256xf32>
    %add3A_26 = arith.addf %mul3A_21, %add3A_25 : vector<1000x256xf32>
    %ge3A = arith.constant 0.000000e+00 : f32
    %ge3A_27 = vector.broadcast %ge3A : f32 to vector<1000x256xf32>
    %ge3A_28 = arith.cmpf oge, %add3A_26, %ge3A_27 : vector<1000x256xf32>
    %mul3A_29 = arith.constant 0.00999999977 : f32
    %mul3A_30 = vector.broadcast %mul3A_29 : f32 to vector<1000x256xf32>
    %mul3A_31 = arith.mulf %mul3A_30, %add3A_26 : vector<1000x256xf32>
    %select_n3A = arith.select %ge3A_28, %add3A_26, %mul3A_31 : vector<1000x256xi1>, vector<1000x256xf32>
    %get3A_32 = arith.constant 0 : index
    %get3A_33 = arith.constant 0 : index
    %get3A_34 = vector.load %arg6[%get3A_32, %get3A_33] : memref<256x256xf32, #tpu.memory_space<vmem>>, vector<256x256xf32>
    %dot_general3A = arith.constant dense<0.000000e+00> : vector<1000x256xf32>
    %dot_general3A_35 = tpu.matmul %select_n3A, %get3A_34, %dot_general3A {dimension_numbers = #tpu.dot_dimension_numbers<[1], [0], [0], [1], [0, 0, 1, 1], [], []>, transpose_lhs_hint = false} : vector<1000x256xf32>, vector<256x256xf32>, vector<1000x256xf32> -> vector<1000x256xf32>
    %get3A_36 = arith.constant 0 : index
    %get3A_37 = arith.constant 0 : index
    %get3A_38 = vector.load %arg7[%get3A_36, %get3A_37] : memref<1x256xf32, #tpu.memory_space<vmem>>, vector<1x256xf32>
    %add3A_39 = vector.broadcast %get3A_38 : vector<1x256xf32> to vector<1000x256xf32>
    %add3A_40 = arith.addf %dot_general3A_35, %add3A_39 : vector<1000x256xf32>
    %get3A_41 = arith.constant 0 : index
    %get3A_42 = arith.constant 0 : index
    %get3A_43 = vector.load %arg8[%get3A_41, %get3A_42] : memref<256x256xf32, #tpu.memory_space<vmem>>, vector<256x256xf32>
    %dot_general3A_44 = arith.constant dense<0.000000e+00> : vector<1000x256xf32>
    %dot_general3A_45 = tpu.matmul %add3A_40, %get3A_43, %dot_general3A_44 {dimension_numbers = #tpu.dot_dimension_numbers<[1], [0], [0], [1], [0, 0, 1, 1], [], []>, transpose_lhs_hint = false} : vector<1000x256xf32>, vector<256x256xf32>, vector<1000x256xf32> -> vector<1000x256xf32>
    %get3A_46 = arith.constant 0 : index
    %get3A_47 = arith.constant 0 : index
    %get3A_48 = vector.load %arg9[%get3A_46, %get3A_47] : memref<1x256xf32, #tpu.memory_space<vmem>>, vector<1x256xf32>
    %add3A_49 = vector.broadcast %get3A_48 : vector<1x256xf32> to vector<1000x256xf32>
    %add3A_50 = arith.addf %dot_general3A_45, %add3A_49 : vector<1000x256xf32>
    %swap3A = arith.constant 0 : index
    %swap3A_51 = arith.constant 0 : index
    %swap3A_52 = vector.load %arg10[%swap3A, %swap3A_51] : memref<1000x256xf32, #tpu.memory_space<vmem>>, vector<1000x256xf32>
    tpu.vector_store %arg10[%swap3A, %swap3A_51], %add3A_50 {strides = array<i32>} : memref<1000x256xf32, #tpu.memory_space<vmem>>, vector<1000x256xf32>,
    %eq3A = arith.constant 0 : i32
    %eq3A_53 = arith.cmpi eq, %arg0, %eq3A : i32
    %convert_element_type3A = arith.extui %eq3A_53 : i1 to i32
    %cond3A = arith.constant 0 : i32
    %cond3A_54 = arith.cmpi ne, %convert_element_type3A, %cond3A : i32
    scf.if %cond3A_54 {
      %broadcast_in_dim3A_63 = arith.constant 0.000000e+00 : f32
      %broadcast_in_dim3A_64 = vector.broadcast %broadcast_in_dim3A_63 : f32 to vector<8x256xf32>
      %swap3A_65 = arith.constant 0 : index
      %swap3A_66 = arith.constant 0 : index
      %swap3A_67 = vector.load %arg11[%swap3A_65, %swap3A_66] : memref<8x256xf32, #tpu.memory_space<vmem>>, vector<8x256xf32>
      tpu.vector_store %arg11[%swap3A_65, %swap3A_66], %broadcast_in_dim3A_64 {strides = array<i32>} : memref<8x256xf32, #tpu.memory_space<vmem>>, vector<8x256xf32>,
    } else {
    }
    %get3A_55 = arith.constant 0 : index
    %get3A_56 = arith.constant 0 : index
    %get3A_57 = vector.load %arg11[%get3A_55, %get3A_56] : memref<8x256xf32, #tpu.memory_space<vmem>>, vector<1x256xf32>
    %reduce_sum3A = arith.constant dense<0.000000e+00> : vector<256xf32>
    %reduce_sum3A_58 = vector.multi_reduction <add>, %add3A_50, %reduce_sum3A [0] : vector<1000x256xf32> to vector<256xf32>
    %broadcast_in_dim3A = vector.shape_cast %reduce_sum3A_58 : vector<256xf32> to vector<1x256xf32>
    %add3A_59 = arith.addf %get3A_57, %broadcast_in_dim3A : vector<1x256xf32>
    %swap3A_60 = arith.constant 0 : index
    %swap3A_61 = arith.constant 0 : index
    %swap3A_62 = vector.load %arg11[%swap3A_60, %swap3A_61] : memref<8x256xf32, #tpu.memory_space<vmem>>, vector<1x256xf32>
    tpu.vector_store %arg11[%swap3A_60, %swap3A_61], %add3A_59 {strides = array<i32>} : memref<8x256xf32, #tpu.memory_space<vmem>>, vector<1x256xf32>,
    return
  }
  func.func @transform_0(%arg0: i32) -> (i32, i32) {
    %c0_i32 = arith.constant 0 : i32
    %c0_i32_0 = arith.constant 0 : i32
    return %arg0, %c0_i32 : i32, i32
  }
  func.func @transform_1(%arg0: i32) -> (i32, i32) {
    %c0_i32 = arith.constant 0 : i32
    %c0_i32_0 = arith.constant 0 : i32
    %c0_i32_1 = arith.constant 0 : i32
    return %c0_i32, %c0_i32_0 : i32, i32
  }
  func.func @transform_2(%arg0: i32) -> (i32, i32) {
    %c0_i32 = arith.constant 0 : i32
    %c0_i32_0 = arith.constant 0 : i32
    %c0_i32_1 = arith.constant 0 : i32
    return %c0_i32, %c0_i32_0 : i32, i32
  }
  func.func @transform_3(%arg0: i32) -> (i32, i32) {
    %c0_i32 = arith.constant 0 : i32
    %c0_i32_0 = arith.constant 0 : i32
    %c0_i32_1 = arith.constant 0 : i32
    return %c0_i32, %c0_i32_0 : i32, i32
  }
  func.func @transform_4(%arg0: i32) -> (i32, i32) {
    %c0_i32 = arith.constant 0 : i32
    %c0_i32_0 = arith.constant 0 : i32
    %c0_i32_1 = arith.constant 0 : i32
    return %c0_i32, %c0_i32_0 : i32, i32
  }
  func.func @transform_5(%arg0: i32) -> (i32, i32) {
    %c0_i32 = arith.constant 0 : i32
    %c0_i32_0 = arith.constant 0 : i32
    %c0_i32_1 = arith.constant 0 : i32
    return %c0_i32, %c0_i32_0 : i32, i32
  }
  func.func @transform_6(%arg0: i32) -> (i32, i32) {
    %c0_i32 = arith.constant 0 : i32
    %c0_i32_0 = arith.constant 0 : i32
    %c0_i32_1 = arith.constant 0 : i32
    return %c0_i32, %c0_i32_0 : i32, i32
  }
  func.func @transform_7(%arg0: i32) -> (i32, i32) {
    %c0_i32 = arith.constant 0 : i32
    %c0_i32_0 = arith.constant 0 : i32
    %c0_i32_1 = arith.constant 0 : i32
    return %c0_i32, %c0_i32_0 : i32, i32
  }
  func.func @transform_8(%arg0: i32) -> (i32, i32) {
    %c0_i32 = arith.constant 0 : i32
    %c0_i32_0 = arith.constant 0 : i32
    %c0_i32_1 = arith.constant 0 : i32
    return %c0_i32, %c0_i32_0 : i32, i32
  }
  func.func @transform_9(%arg0: i32) -> (i32, i32) {
    %c0_i32 = arith.constant 0 : i32
    %c0_i32_0 = arith.constant 0 : i32
    return %arg0, %c0_i32 : i32, i32
  }
  func.func @transform_10(%arg0: i32) -> (i32, i32) {
    %c0_i32 = arith.constant 0 : i32
    %c0_i32_0 = arith.constant 0 : i32
    %c0_i32_1 = arith.constant 0 : i32
    return %c0_i32, %c0_i32_0 : i32, i32
  }
}

module attributes {stable_mosaic.version = 14 : i64} {
  func.func @_ke_kernel(%arg0: i32, %arg1: memref<1000x256xf32, #tpu.memory_space<vmem>>, %arg2: memref<8x256xf32, #tpu.memory_space<vmem>>, %arg3: memref<8x256xf32, #tpu.memory_space<vmem>>, %arg4: memref<1x256xf32, #tpu.memory_space<vmem>>, %arg5: memref<1x256xf32, #tpu.memory_space<vmem>>, %arg6: memref<256x1xf32, #tpu.memory_space<vmem>>, %arg7: memref<1x1xf32, #tpu.memory_space<vmem>>, %arg8: memref<1000x1xf32, #tpu.memory_space<vmem>>) attributes {dimension_semantics = [#tpu.dimension_semantics<arbitrary>], iteration_bounds = array<i64: 10>, scalar_prefetch = 0 : i64, scratch_operands = 0 : i64, tpu.core_type = #tpu.core_type<tc>, window_params = [{transform_indices = @transform_0, window_bounds = array<i64: 1000, 256>}, {pipeline_mode = #tpu.pipeline_mode<synchronous>, transform_indices = @transform_1, window_bounds = array<i64: 8, 256>}, {pipeline_mode = #tpu.pipeline_mode<synchronous>, transform_indices = @transform_2, window_bounds = array<i64: 8, 256>}, {pipeline_mode = #tpu.pipeline_mode<synchronous>, transform_indices = @transform_3, window_bounds = array<i64: 1, 256>}, {pipeline_mode = #tpu.pipeline_mode<synchronous>, transform_indices = @transform_4, window_bounds = array<i64: 1, 256>}, {pipeline_mode = #tpu.pipeline_mode<synchronous>, transform_indices = @transform_5, window_bounds = array<i64: 256, 1>}, {pipeline_mode = #tpu.pipeline_mode<synchronous>, transform_indices = @transform_6, window_bounds = array<i64: 1, 1>}, {transform_indices = @transform_7, window_bounds = array<i64: 1000, 1>}]} {
    %get3A = arith.constant 0 : index
    %get3A_0 = arith.constant 0 : index
    %get3A_1 = vector.load %arg1[%get3A, %get3A_0] : memref<1000x256xf32, #tpu.memory_space<vmem>>, vector<1000x256xf32>
    %get3A_2 = arith.constant 0 : index
    %get3A_3 = arith.constant 0 : index
    %get3A_4 = vector.load %arg2[%get3A_2, %get3A_3] : memref<8x256xf32, #tpu.memory_space<vmem>>, vector<1x256xf32>
    %div3A = arith.constant 1.000000e+04 : f32
    %div3A_5 = vector.broadcast %div3A : f32 to vector<1x256xf32>
    %div3A_6 = arith.divf %get3A_4, %div3A_5 : vector<1x256xf32>
    %get3A_7 = arith.constant 0 : index
    %get3A_8 = arith.constant 0 : index
    %get3A_9 = vector.load %arg3[%get3A_7, %get3A_8] : memref<8x256xf32, #tpu.memory_space<vmem>>, vector<1x256xf32>
    %div3A_10 = arith.constant 1.000000e+04 : f32
    %div3A_11 = vector.broadcast %div3A_10 : f32 to vector<1x256xf32>
    %div3A_12 = arith.divf %get3A_9, %div3A_11 : vector<1x256xf32>
    %sub3A = vector.broadcast %div3A_6 : vector<1x256xf32> to vector<1000x256xf32>
    %sub3A_13 = arith.subf %get3A_1, %sub3A : vector<1000x256xf32>
    %add3A = arith.constant 9.99999974E-6 : f32
    %add3A_14 = vector.broadcast %add3A : f32 to vector<1x256xf32>
    %add3A_15 = arith.addf %div3A_12, %add3A_14 : vector<1x256xf32>
    %sqrt3A = math.sqrt %add3A_15 : vector<1x256xf32>
    %div3A_16 = vector.broadcast %sqrt3A : vector<1x256xf32> to vector<1000x256xf32>
    %div3A_17 = arith.divf %sub3A_13, %div3A_16 : vector<1000x256xf32>
    %get3A_18 = arith.constant 0 : index
    %get3A_19 = arith.constant 0 : index
    %get3A_20 = vector.load %arg4[%get3A_18, %get3A_19] : memref<1x256xf32, #tpu.memory_space<vmem>>, vector<1x256xf32>
    %mul3A = vector.broadcast %get3A_20 : vector<1x256xf32> to vector<1000x256xf32>
    %mul3A_21 = arith.mulf %div3A_17, %mul3A : vector<1000x256xf32>
    %get3A_22 = arith.constant 0 : index
    %get3A_23 = arith.constant 0 : index
    %get3A_24 = vector.load %arg5[%get3A_22, %get3A_23] : memref<1x256xf32, #tpu.memory_space<vmem>>, vector<1x256xf32>
    %add3A_25 = vector.broadcast %get3A_24 : vector<1x256xf32> to vector<1000x256xf32>
    %add3A_26 = arith.addf %mul3A_21, %add3A_25 : vector<1000x256xf32>
    %ge3A = arith.constant 0.000000e+00 : f32
    %ge3A_27 = vector.broadcast %ge3A : f32 to vector<1000x256xf32>
    %ge3A_28 = arith.cmpf oge, %add3A_26, %ge3A_27 : vector<1000x256xf32>
    %mul3A_29 = arith.constant 0.00999999977 : f32
    %mul3A_30 = vector.broadcast %mul3A_29 : f32 to vector<1000x256xf32>
    %mul3A_31 = arith.mulf %mul3A_30, %add3A_26 : vector<1000x256xf32>
    %select_n3A = arith.select %ge3A_28, %add3A_26, %mul3A_31 : vector<1000x256xi1>, vector<1000x256xf32>
    %get3A_32 = arith.constant 0 : index
    %get3A_33 = arith.constant 0 : index
    %get3A_34 = vector.load %arg6[%get3A_32, %get3A_33] : memref<256x1xf32, #tpu.memory_space<vmem>>, vector<256x1xf32>
    %dot_general3A = arith.constant dense<0.000000e+00> : vector<1000x1xf32>
    %dot_general3A_35 = tpu.matmul %select_n3A, %get3A_34, %dot_general3A {dimension_numbers = #tpu.dot_dimension_numbers<[1], [0], [0], [1], [0, 0, 1, 1], [], []>, transpose_lhs_hint = false} : vector<1000x256xf32>, vector<256x1xf32>, vector<1000x1xf32> -> vector<1000x1xf32>
    %get3A_36 = arith.constant 0 : index
    %get3A_37 = arith.constant 0 : index
    %get3A_38 = vector.load %arg7[%get3A_36, %get3A_37] : memref<1x1xf32, #tpu.memory_space<vmem>>, vector<1x1xf32>
    %add3A_39 = vector.broadcast %get3A_38 : vector<1x1xf32> to vector<1000x1xf32>
    %add3A_40 = arith.addf %dot_general3A_35, %add3A_39 : vector<1000x1xf32>
    %swap3A = arith.constant 0 : index
    %swap3A_41 = arith.constant 0 : index
    %swap3A_42 = vector.load %arg8[%swap3A, %swap3A_41] : memref<1000x1xf32, #tpu.memory_space<vmem>>, vector<1000x1xf32>
    tpu.vector_store %arg8[%swap3A, %swap3A_41], %add3A_40 {strides = array<i32>} : memref<1000x1xf32, #tpu.memory_space<vmem>>, vector<1000x1xf32>,
    return
  }
  func.func @transform_0(%arg0: i32) -> (i32, i32) {
    %c0_i32 = arith.constant 0 : i32
    %c0_i32_0 = arith.constant 0 : i32
    return %arg0, %c0_i32 : i32, i32
  }
  func.func @transform_1(%arg0: i32) -> (i32, i32) {
    %c0_i32 = arith.constant 0 : i32
    %c0_i32_0 = arith.constant 0 : i32
    %c0_i32_1 = arith.constant 0 : i32
    return %c0_i32, %c0_i32_0 : i32, i32
  }
  func.func @transform_2(%arg0: i32) -> (i32, i32) {
    %c0_i32 = arith.constant 0 : i32
    %c0_i32_0 = arith.constant 0 : i32
    %c0_i32_1 = arith.constant 0 : i32
    return %c0_i32, %c0_i32_0 : i32, i32
  }
  func.func @transform_3(%arg0: i32) -> (i32, i32) {
    %c0_i32 = arith.constant 0 : i32
    %c0_i32_0 = arith.constant 0 : i32
    %c0_i32_1 = arith.constant 0 : i32
    return %c0_i32, %c0_i32_0 : i32, i32
  }
  func.func @transform_4(%arg0: i32) -> (i32, i32) {
    %c0_i32 = arith.constant 0 : i32
    %c0_i32_0 = arith.constant 0 : i32
    %c0_i32_1 = arith.constant 0 : i32
    return %c0_i32, %c0_i32_0 : i32, i32
  }
  func.func @transform_5(%arg0: i32) -> (i32, i32) {
    %c0_i32 = arith.constant 0 : i32
    %c0_i32_0 = arith.constant 0 : i32
    %c0_i32_1 = arith.constant 0 : i32
    return %c0_i32, %c0_i32_0 : i32, i32
  }
  func.func @transform_6(%arg0: i32) -> (i32, i32) {
    %c0_i32 = arith.constant 0 : i32
    %c0_i32_0 = arith.constant 0 : i32
    %c0_i32_1 = arith.constant 0 : i32
    return %c0_i32, %c0_i32_0 : i32, i32
  }
  func.func @transform_7(%arg0: i32) -> (i32, i32) {
    %c0_i32 = arith.constant 0 : i32
    %c0_i32_0 = arith.constant 0 : i32
    return %arg0, %c0_i32 : i32, i32
  }
}

</mosaic_0001>

<sc_bundles>
// kernel: kernel.20.cloned.1.call-start
scs
__scs_entry_jumppad:
0x0: {  	(pc) =	sbr.rel $0x88, $3  }
0x1: {  	(tag) =	ssettag $0x0;
	lr =	simm.s32 $0x1  }
0x2: {  	[smem:$0x3F80] =	sst lr;
	_ =	strace $0xD0000000  }
0x3: {  	_ = 	snop  }
0x4: {  	_ = 	snop  }
0x5: {  	_ = 	snop  }
0x6: {  	_ = 	snop  }
0x7: {  	_ = 	snop  }
__scs_overlays_trampoline_lowered:
0x8: {  	[smem:$0x3F8F] =	sst s0  }
0x9: {  	[smem:$0x3F90] =	sst s1  }
0xa: {  	[smem:$0x3F91] =	sst s2  }
0xb: {  	[smem:$0x3F92] =	sst s3  }
0xc: {  	[smem:$0x3F93] =	sst s4  }
0xd: {  	[smem:$0x3F94] =	sst s5  }
0xe: {  	[smem:$0x3F95] =	sst s6  }
0xf: {  	[smem:$0x3F96] =	sst s7  }
0x10: {  	[smem:$0x3F97] =	sst s8  }
0x11: {  	[smem:$0x3F98] =	sst s9;
	s0 =	simm.s32 @!p0 $0x0  }
0x12: {  	s1 =	sld [smem:$0x3F7E];
	s0 =	simm.s32 @p0 $0x1  }
0x13: {  	[smem:$0x3F99] =	sst s0;
	s0 =	simm.s32 @!p1 $0x0  }
0x14: {  	s2 =	sld [smem:$0x3F7D];
	s0 =	simm.s32 @p1 $0x1  }
0x15: {  	[smem:$0x3F9A] =	sst s0;
	s0 =	simm.s32 @!p2 $0x0  }
0x16: {  	s3 =	sld [smem:$0x3FDB];
	s0 =	simm.s32 @p2 $0x1  }
0x17: {  	s4 =	simm.s32 $0x1BF5;
	[smem:$0x3F9C] =	sst s0  }
0x18: {  	s0 =	sld [smem:$0x3F7F];
	_ =	swait.ge [sflag:s4], $0x0  }
0x19: {  	s7 =	sld [smem:$0x3F80]  }
0x1a: {  	s8 =	sadd.s32 $0xFFFFE003, lr  }
0x1b: {  	s9 =	sadd.s32 $0xFFFFFEF7, lr;
	s5 =	simm.s32 $0xFFFFFFFF;
	p2 =	slt.u32 s8, $0xFFFFF086  }
0x1c: {  	p1 =	slt.u32 s9, $0xF7A;
	s5 =	simm.s32 @!p2 $0x0  }
0x1d: {  	s5 =	simm.s32 @p1 $0x1;
	p0 =	seq.s32 s7, s2  }
0x1e: {  	s7 =	smul.u32 @!p0 $0xF7A, s2;
	p2 =	seq.s32 @!p0 s5, $0x0  }
0x1f: {  	s9 =	smul.u32 $0xF7A, s1;
	s8 =	simm.s32 @!p0 $0x1BF5;
	p2 =	por !p2, p0  }
0x20: {  	[sflag:s8] =	ssyncset.s32 @!p0 $0xFFFFF086;
	s6 =	sadd.s32 @!p0 s3, s7;
	s7 =	simm.s32 @!p0 $0x108  }
0x21: {  	s3 =	sadd.s32 s3, s9;
	s6 =	sadd.s32 @!p0 $0x88, s6;
	s7 =	simm.s32 @p2 $0x1082  }
0x22: {  	[simem:s7], [sflag:s8] =	dma.local @!p0 [hbm:s6], $0xF7A  }
0x23: {  	s9 =	sor.u32 $0xD0000000, s2;
	s6 =	simm.s32 $0x108;
	_ =	swait.ge @!p0 [sflag:s8], $0x0  }
0x24: {  	s3 =	sadd.s32 $0x88, s3;
	s6 =	simm.s32 @!p1 $0x1082;
	[sflag:s4] =	ssyncset.s32 $0xFFFFF086  }
0x25: {  	[simem:s6], [sflag:s4] =	dma.local [hbm:s3], $0xF7A  }
0x26: {  	[smem:$0x3F80] =	sst s1;
	(tag) =	ssettag s2;
	_ =	strace s9  }
0x27: {  	s1 =	sld [smem:$0x3F90]  }
0x28: {  	s2 =	sld [smem:$0x3F91]  }
0x29: {  	s4 =	sld [smem:$0x3F93]  }
0x2a: {  	p0 =	seq.s32 s5, $0x0;
	s5 =	sld [smem:$0x3F94]  }
0x2b: {  	s6 =	sld [smem:$0x3F95]  }
0x2c: {  	s7 =	sld [smem:$0x3F96]  }
0x2d: {  	s3 =	simm.s32 $0x108;
	s8 =	sld [smem:$0x3F97]  }
0x2e: {  	s3 =	simm.s32 @!p0 $0x1082;
	s9 =	sld [smem:$0x3F98]  }
0x2f: {  	lr =	sadd.s32 s0, s3;
	s0 =	sld [smem:$0x3F8F]  }
0x30: {  	s3 =	sld [smem:$0x3F92]  }
0x31: {  	[smem:$0x3F9B] =	sst s10  }
0x32: {  	s10 =	sld [smem:$0x3F99];
	_ =	sdelay $0x3  }
0x33: {  	p0 =	seq.s32 s10, $0x1;
	s10 =	sld [smem:$0x3F9B];
	_ =	sdelay $0x3  }
0x34: {  	[smem:$0x3F9B] =	sst s10  }
0x35: {  	s10 =	sld [smem:$0x3F9A];
	_ =	sdelay $0x3  }
0x36: {  	p1 =	seq.s32 s10, $0x1;
	s10 =	sld [smem:$0x3F9B];
	_ =	sdelay $0x3  }
0x37: {  	[smem:$0x3F9B] =	sst s10  }
0x38: {  	s10 =	sld [smem:$0x3F9C]  }
0x39: {  	_ = 	snop;
	(pc) =	sbr.ind lr, $3  }
0x3a: {  	_ = 	snop  }
0x3b: {  	_ = 	snop  }
0x3c: {  	p2 =	seq.s32 s10, $0x1;
	s10 =	sld [smem:$0x3F9B]  }
0x3d: {  	_ =	shalt  }
0x3e: {  	_ =	shalt  }
0x3f: {  	_ =	shalt  }
0x40: {  	_ =	shalt  }
0x41: {  	_ =	shalt  }
0x42: {  	_ =	shalt  }
0x43: {  	_ =	shalt  }
0x44: {  	_ =	shalt  }
0x45: {  	_ =	shalt  }
0x46: {  	_ =	shalt  }
0x47: {  	_ =	shalt  }
0x48: {  	_ =	shalt  }
0x49: {  	_ =	shalt  }
0x4a: {  	_ =	shalt  }
0x4b: {  	_ =	shalt  }
0x4c: {  	_ =	shalt  }
0x4d: {  	_ =	shalt  }
0x4e: {  	_ =	shalt  }
0x4f: {  	_ =	shalt  }
0x50: {  	_ =	shalt  }
0x51: {  	_ =	shalt  }
0x52: {  	_ =	shalt  }
0x53: {  	_ =	shalt  }
0x54: {  	_ =	shalt  }
0x55: {  	_ =	shalt  }
0x56: {  	_ =	shalt  }
0x57: {  	_ =	shalt  }
0x58: {  	_ =	shalt  }
0x59: {  	_ =	shalt  }
0x5a: {  	_ =	shalt  }
0x5b: {  	_ =	shalt  }
0x5c: {  	_ =	shalt  }
0x5d: {  	_ =	shalt  }
0x5e: {  	_ =	shalt  }
0x5f: {  	_ =	shalt  }
0x60: {  	_ =	shalt  }
0x61: {  	_ =	shalt  }
0x62: {  	_ =	shalt  }
0x63: {  	_ =	shalt  }
0x64: {  	_ =	shalt  }
0x65: {  	_ =	shalt  }
0x66: {  	_ =	shalt  }
0x67: {  	_ =	shalt  }
0x68: {  	_ =	shalt  }
0x69: {  	_ =	shalt  }
0x6a: {  	_ =	shalt  }
0x6b: {  	_ =	shalt  }
0x6c: {  	_ =	shalt  }
0x6d: {  	_ =	shalt  }
0x6e: {  	_ =	shalt  }
0x6f: {  	_ =	shalt  }
0x70: {  	_ =	shalt  }
0x71: {  	_ =	shalt  }
0x72: {  	_ =	shalt  }
0x73: {  	_ =	shalt  }
0x74: {  	_ =	shalt  }
0x75: {  	_ =	shalt  }
0x76: {  	_ =	shalt  }
0x77: {  	_ =	shalt  }
0x78: {  	_ =	shalt  }
0x79: {  	_ =	shalt  }
0x7a: {  	_ =	shalt  }
0x7b: {  	_ =	shalt  }
0x7c: {  	_ =	shalt  }
0x7d: {  	_ =	shalt  }
0x7e: {  	_ =	shalt  }
0x7f: {  	_ =	shalt  }
0x80: {  	_ =	shalt  }
0x81: {  	_ =	shalt  }
0x82: {  	_ =	shalt  }
0x83: {  	_ =	shalt  }
0x84: {  	_ =	shalt  }
0x85: {  	_ =	shalt  }
0x86: {  	_ =	shalt  }
0x87: {  	_ =	shalt  }
.Lfunc_end0:
.L_simem_size_0:
called_computation_lowered:
.L_overlay_start_0:
0x88: {  	s2 =	sld [smem:$0x3FD9]  }
0x89: {  	s3 =	sld [smem:$0x3FFE];
	_ =	sdelay $0x1  }
0x8a: {  	s1 =	srdreg.scid  }
0x8b: {  	s0 =	sand.u32 $0x1, s1  }
0x8c: {  	s17 =	sshll.u32 s0, $0xA;
	s2 =	sadd.s32 s3, s2  }
0x8d: {  	s2 =	sadd.s32 s2, s17  }
0x8e: {  	[smem:$0x3FA7] =	sst s2  }
0x8f: {  	_ = 	snop  }
0x90: {  	s2 =	sld [smem:$0x3FC9];
	(tm) =	ssettm $0x1  }
0x91: {  	s18 =	sld [smem:$0x3FFB];
	_ =	sdelay $0x3  }
0x92: {  	_ =	strace s18  }
0x93: {  	s3 =	sld [smem:$0x3FFC];
	_ =	sdelay $0x3  }
0x94: {  	_ =	strace s3  }
0x95: {  	s3 =	sld [smem:$0x3FFD];
	_ =	sdelay $0x3  }
0x96: {  	_ =	strace s3  }
0x97: {  	_ =	strace $0x8FFFFFFF  }
0x98: {  	s19 =	sld [smem:$0x3FDB];
	_ =	sdelay $0x1  }
0x99: {  	s4 =	simm.s32 $_scs_section_size  }
0x9a: {  	s5 =	simm.s32 $_size__tile_overlayer_lowered;
	s6 =	simm.s32 $_tile_overlayer_lowered  }
0x9b: {  	s22 =	simm.s32 $0x1BFF;
	s21 =	sshll.u32 s6, $0x1;
	s3 =	sadd.s32 s4, s19  }
0x9c: {  	s7 =	simm.s32 $0x0;
	s20 =	sshll.u32 s5, $0x1;
	s5 =	sadd.s32 s21, s3  }
0x9d: {  	[timem:s7], [sflag:s22] =	dma.local [hbm:s5], s20  }
0x9e: {  	_ =	swait.ge [sflag:s22], s20  }
0x9f: {  	s4 =	ssub.s32 $0x0, s20;
	[sflag:s22] =	ssyncset.done $0x0  }
0xa0: {  	[sflag:s22] =	ssyncadd.s32 s4;
	_ =	sdelay $0x1  }
0xa1: {  	s23 =	simm.s32 $0x1B8B  }
0xa2: {  	_ =	swait.ge [sflag:s23], $0x1  }
0xa3: {  	[sflag:s23] =	ssyncset.done $0x0  }
0xa4: {  	s25 =	simm.s32 $0x1B8E;
	s24 =	sld [smem:$0x3FFE];
	[sflag:s23] =	ssyncadd.s32 $0xFFFFFFFF  }
0xa5: {  	s26 =	simm.s32 $execute0_lowered;
	[smem:$0x3FD2] =	sst s25  }
0xa6: {  	s5 =	sshll.u32 s26, $0x1;
	_ =	strace $0x80000046;
	[dreg:$0x1] =	wrdreg $0xFFFFFFFF  }
0xa7: {  	s28 =	simm.s32 $_size_execute0_lowered;
	s3 =	sadd.s32 s3, s5;
	[dreg:$0x0] =	wrdreg $0x0  }
0xa8: {  	s5 =	sshll.u32 s28, $0x1;
	[dreg:$0x2] =	wrdreg s3  }
0xa9: {  	[dreg:$0x3] =	wrdreg s5  }
0xaa: {  	[dreg:$0x4] =	wrdreg $0xC0  }
0xab: {  	_ =	task [dreg:s7], $0x5FFFF  }
0xac: {  	[dreg:$0x1] =	wrdreg $0xFFFFFFFF  }
0xad: {  	[dreg:$0x0] =	wrdreg $0x60  }
0xae: {  	[dreg:$0x2] =	wrdreg s2  }
0xaf: {  	[dreg:$0x3] =	wrdreg s24  }
0xb0: {  	[dreg:$0x4] =	wrdreg $0xA4000  }
0xb1: {  	[dreg:$0x5] =	wrdreg $0x9  }
0xb2: {  	_ =	task.clear_ibuf [dreg:s7], $0x6FFFF;
	_ =	strace $0x90000046  }
0xb3: {  	s29 =	simm.s32 $0x9;
	_ =	strace $0x80000048  }
0xb4: {  	_ =	swait.ge [sflag:s29], $0x1  }
0xb5: {  	[sflag:s29] =	ssyncadd.s32 $0xFFFFFFFF  }
0xb6: {  	_ =	strace $0x90000048  }
0xb7: {  	_ =	sfence  }
0xb8: {  	s30 =	sld [smem:$0x0];
	_ =	sdelay $0x2  }
0xb9: {  	s31 =	sshll.u32 s1, $0xD;
	s1 =	sshrl.u32 s1, $0x2  }
0xba: {  	s3 =	sand.u32 $0x4000, s31;
	s1 =	sadd.s32 s1, s30  }
0xbb: {  	s0 =	sor.u32 s3, s0;
	s1 =	sshll.u32 s1, $0x11  }
0xbc: {  	s0 =	sor.u32 s1, s0  }
0xbd: {  	s0 =	sadd.s32 $0x8F2B, s0  }
0xbe: {  	[sflag:s0] =	ssyncadd.remote.s32 $0x1  }
0xbf: {  	_ =	sfence.sel $0xFFFF  }
0xc0: {  	[dreg:$0x0] =	wrdreg $0xFFFFFFFF;
	(pc) =	sbr.abs _section_cstart, $3  }
0xc1: {  	[dreg:$0x1] =	wrdreg $0xFFFFFFFF  }
0xc2: {  	_ =	task.clear_ibuf [dreg:s7], $0x2FFFF;
	_ =	strace $0x9FFFFFFF  }
0xc3: {  	(tm) =	ssettm $0x7FFFFFFF  }
tec
execute0_lowered:
.L_overlay_start_1:
0x0: {  	(tag) =	ssettag $0x1  }
0x1: {  	s1 =	rddreg [dreg:$0x0]  }
0x2: {  	s0 =	rddreg [dreg:$0x1]  }
0x3: {  	s3 =	rddreg [dreg:$0x2]  }
0x4: {  	s4 =	simm.s32 $0x0;
	s10 =	stileid.u32;
	s2 =	srdreg.scid  }
0x5: {  	s28 =	simm.s32 $0x200;
	s29 =	simm.s32 $0x300;
	s30 =	simm.s32 $0x1  }
0x6: {  	s31 =	simm.s32 $0x50;
	[smem:$0x7FF] =	sst s4;
	s5 =	smul.u32 $0x4F000, s10  }
0x7: {  	s2 =	sand.u32 $0x1, s2;
	s6 =	sadd.s32 $0x7A00, s0;
	s23 =	smul.u32 $0x7D, s10  }
0x8: {  	_ =	strace $0x80000047;
	s7 =	ssub.s32 $0x2, s2;
	s9 =	sshll.u32 s2, $0x4  }
0x9: {  	s20 =	smul.u32 $0x7D0, s2;
	p0 =	seq.s32 s2, $0x1;
	s5 =	sshrl.u32 s5, $0x2  }
0xa: {  	s2 =	simm.s32 $0x4E600;
	s8 =	sshrl.u32 s7, $0x1;
	s19 =	sadd.s32 s5, s3  }
0xb: {  	s2 =	simm.s32 @!p0 $0x26E00;
	s11 =	sadd.s32 $0x2800, s19;
	[dreg:$0x4] =	wrdreg s19  }
0xc: {  	s7 =	ssub.s32 s7, s8;
	s12 =	sadd.s32 $0x5000, s19;
	[dreg:$0x5] =	wrdreg s11  }
0xd: {  	s5 =	sor.u32 s10, s9;
	s13 =	sadd.s32 $0x7800, s19;
	[dreg:$0x6] =	wrdreg s12  }
0xe: {  	s10 =	smul.u32 $0x2780, s10;
	s9 =	sadd.s32 $0xA000, s19;
	[dreg:$0x7] =	wrdreg s13  }
0xf: {  	s0 =	sadd.s32 s2, s0;
	s15 =	sadd.s32 $0xC800, s19;
	[dreg:$0x8] =	wrdreg s9  }
0x10: {  	s2 =	simm.s32 $0x2C00;
	s16 =	sadd.s32 $0xF000, s19;
	[dreg:$0x9] =	wrdreg s15  }
0x11: {  	s14 =	smul.u32 $0x7D00, s5;
	s17 =	sadd.s32 $0x11800, s19;
	[dreg:$0xa] =	wrdreg s16  }
0x12: {  	s5 =	smul.u32 $0xFA0, s5;
	s25 =	smax.u32 s7, $0x1;
	[dreg:$0xb] =	wrdreg s17  }
0x13: {  	s7 =	simm.s32 $0x5400;
	[dreg:$0x11] =	wrdreg s25;
	s0 =	sadd.s32 s0, s10  }
0x14: {  	s25 =	simm.s32 $0xD;
	s9 =	simm.s32 $0x7C00;
	s10 =	simm.s32 $0x5  }
0x15: {  	s12 =	simm.s32 $0x6;
	s13 =	simm.s32 $0x180;
	s15 =	simm.s32 $0x280  }
0x16: {  	s16 =	simm.s32 $0x8;
	s17 =	simm.s32 $0x380;
	s8 =	sshrl.u32 s14, $0x3  }
0x17: {  	s5 =	sadd.s32 s6, s5;
	[dreg:$0x12] =	wrdreg s0;
	s18 =	sadd.s32 s6, s8  }
0x18: {  	s0 =	simm.s32 $0x2;
	[dreg:$0xc] =	wrdreg s5;
	s21 =	sadd.s32 $0x20, s18  }
0x19: {  	s14 =	simm.s32 $0x7;
	s22 =	sadd.s32 $0x40, s18;
	[dreg:$0xd] =	wrdreg s21  }
0x1a: {  	s8 =	sadd.s32 s23, s20;
	s11 =	sadd.s32 $0x60, s18;
	[dreg:$0xe] =	wrdreg s22  }
0x1b: {  	s5 =	sadd.s32 $0xF80, s18;
	s24 =	sshll.u32 s8, $0x5;
	[dreg:$0xf] =	wrdreg s11  }
0x1c: {  	s8 =	simm.s32 $0x4;
	s18 =	simm.s32 $0x0;
	[dreg:$0x10] =	wrdreg s5  }
0x1d: {  	s26 =	sadd.s32 s24, s6;
	s24 =	simm.s32 $0x400;
	s6 =	simm.s32 $0x3  }
0x1e: {  	s11 =	simm.s32 $0x80;
	s20 =	sadd.s32 $0xE0, s26;
	s21 =	sadd.s32 $0xC0, s26  }
0x1f: {  	v0 =	vimm.f32 $0.0e+00;
	s22 =	sadd.s32 $0xA0, s26;
	s23 =	sadd.s32 $0x80, s26;
	s26 =	simm.s32 $0x100  }
.LBB2_1:
0x20: {  	[dreg:$0x13] =	wrdreg s18;
	s5 =	simm.s32 $0x70;
	s18 =	simm.s32 $0x3C0  }
.LBB2_2:
0x21: {  	p0 =	sne.s32 s18, $0x9FC0;
	[tilespmem:s5+$0x400] =	vst v0  }
0x22: {  	[tilespmem:s5+$0x390] =	vst v0  }
0x23: {  	[tilespmem:s5+$0x3A0] =	vst v0  }
.Ltmp0:
0x24: {  	[tilespmem:s5+$0x3B0] =	vst v0;
	(pc) =	sbr.rel @p0 .LBB2_2-.Ltmp0, $4  }
0x25: {  	[tilespmem:s5+$0x3C0] =	vst v0  }
0x26: {  	[tilespmem:s5+$0x3D0] =	vst v0  }
0x27: {  	[tilespmem:s5+$0x3E0] =	vst v0  }
0x28: {  	[tilespmem:s5+$0x3F0] =	vst v0;
	s5 =	sshra.s32 s18, $0x2;
	s18 =	sadd.s32 $0x200, s18  }
0x29: {  	[tilespmem:s5+$0x400] =	vst v0  }
0x2a: {  	[tilespmem:s5+$0x390] =	vst v0  }
0x2b: {  	[tilespmem:s5+$0x3A0] =	vst v0  }
0x2c: {  	[tilespmem:s5+$0x3B0] =	vst v0  }
0x2d: {  	[tilespmem:s5+$0x3C0] =	vst v0  }
0x2e: {  	[tilespmem:s5+$0x3D0] =	vst v0  }
0x2f: {  	[tilespmem:s5+$0x3E0] =	vst v0  }
0x30: {  	[tilespmem:s5+$0x3F0] =	vst v0  }
0x31: {  	[spmem:s19] =	stream.linear.scatter [tilespmem:s24], [sflag:$0xD], $0x2800, $0x38;
	[tilespmem:$0x1E000] =	vst v63  }
0x32: {  	_ =	swait.ge [sflag:s25], $0x2800  }
0x33: {  	[sflag:s25] =	ssyncset.done $0x0  }
0x34: {  	s19 =	rddreg [dreg:$0x5];
	[sflag:s25] =	ssyncadd.s32 $0xFFFFD800  }
0x35: {  	[spmem:s19] =	stream.linear.scatter [tilespmem:s24], [sflag:$0xD], $0x2800, $0x38;
	[tilespmem:$0x1E000] =	vst v63  }
0x36: {  	_ =	swait.ge [sflag:s25], $0x2800  }
0x37: {  	[sflag:s25] =	ssyncset.done $0x0  }
0x38: {  	s18 =	rddreg [dreg:$0x6];
	[sflag:s25] =	ssyncadd.s32 $0xFFFFD800  }
0x39: {  	[spmem:s18] =	stream.linear.scatter [tilespmem:s24], [sflag:$0xD], $0x2800, $0x38;
	[tilespmem:$0x1E000] =	vst v63  }
0x3a: {  	_ =	swait.ge [sflag:s25], $0x2800  }
0x3b: {  	[sflag:s25] =	ssyncset.done $0x0  }
0x3c: {  	s19 =	rddreg [dreg:$0x7];
	[sflag:s25] =	ssyncadd.s32 $0xFFFFD800  }
0x3d: {  	[spmem:s19] =	stream.linear.scatter [tilespmem:s24], [sflag:$0xD], $0x2800, $0x38;
	[tilespmem:$0x1E000] =	vst v63  }
0x3e: {  	_ =	swait.ge [sflag:s25], $0x2800  }
0x3f: {  	[sflag:s25] =	ssyncset.done $0x0  }
0x40: {  	s18 =	rddreg [dreg:$0x8];
	[sflag:s25] =	ssyncadd.s32 $0xFFFFD800  }
0x41: {  	[spmem:s18] =	stream.linear.scatter [tilespmem:s24], [sflag:$0xD], $0x2800, $0x38;
	[tilespmem:$0x1E000] =	vst v63  }
0x42: {  	_ =	swait.ge [sflag:s25], $0x2800  }
0x43: {  	[sflag:s25] =	ssyncset.done $0x0  }
0x44: {  	s19 =	rddreg [dreg:$0x9];
	[sflag:s25] =	ssyncadd.s32 $0xFFFFD800  }
0x45: {  	[spmem:s19] =	stream.linear.scatter [tilespmem:s24], [sflag:$0xD], $0x2800, $0x38;
	[tilespmem:$0x1E000] =	vst v63  }
0x46: {  	_ =	swait.ge [sflag:s25], $0x2800  }
0x47: {  	[sflag:s25] =	ssyncset.done $0x0  }
0x48: {  	s18 =	rddreg [dreg:$0xa];
	[sflag:s25] =	ssyncadd.s32 $0xFFFFD800  }
0x49: {  	[spmem:s18] =	stream.linear.scatter [tilespmem:s24], [sflag:$0xD], $0x2800, $0x38;
	[tilespmem:$0x1E000] =	vst v63  }
0x4a: {  	_ =	swait.ge [sflag:s25], $0x2800  }
0x4b: {  	[sflag:s25] =	ssyncset.done $0x0  }
0x4c: {  	s19 =	rddreg [dreg:$0xb];
	[sflag:s25] =	ssyncadd.s32 $0xFFFFD800  }
0x4d: {  	[spmem:s19] =	stream.linear.scatter [tilespmem:s24], [sflag:$0xD], $0x2400, $0x38;
	[tilespmem:$0x1E000] =	vst v63  }
0x4e: {  	_ =	swait.ge [sflag:s25], $0x2400  }
0x4f: {  	[sflag:s25] =	ssyncset.done $0x0  }
0x50: {  	[sflag:s25] =	ssyncadd.s32 $0xFFFFDC00  }
0x51: {  	[bflag:$0x0] =	sbarrier.arrive $0xFFFF  }
0x52: {  	s5 =	simm.s32 $0x0;
	s18 =	rddreg [dreg:$0xc]  }
0x53: {  	[tilespmem:s5], [sflag:$0x1] =	stream.linear.gather [hbm4b:s18+s5], $0x100, $0x38;
	[tilespmem:$0x1E000] =	vst v63  }
0x54: {  	s25 =	rddreg [dreg:$0xd]  }
0x55: {  	[tilespmem:s26], [sflag:$0x2] =	stream.linear.gather [hbm4b:s25+s5], $0x100, $0x38;
	[tilespmem:$0x1E000] =	vst v63  }
0x56: {  	s19 =	rddreg [dreg:$0xe]  }
0x57: {  	[tilespmem:s28], [sflag:$0x3] =	stream.linear.gather [hbm4b:s19+s5], $0x100, $0x38;
	[tilespmem:$0x1E000] =	vst v63  }
0x58: {  	s25 =	rddreg [dreg:$0xf]  }
0x59: {  	[tilespmem:s29], [sflag:$0x4] =	stream.linear.gather [hbm4b:s25+s5], $0x100, $0x38;
	[tilespmem:$0x1E000] =	vst v63  }
.LBB2_4:
0x5a: {  	_ =	swait.ge [sflag:s30], $0x100  }
0x5b: {  	[sflag:s30] =	ssyncset.done $0x0  }
0x5c: {  	[sflag:s30] =	ssyncadd.s32 $0xFFFFFF00  }
0x5d: {  	[tilespmem:s24], [sflag:$0x5] =	stream.indirect.gather [hbm4b:s1+s31], $0x80, s4, s31, $0xb8;
	[tilespmem:$0x1E000] =	vst v63  }
0x5e: {  	_ =	swait.ge [sflag:s0], $0x100  }
0x5f: {  	[sflag:s0] =	ssyncset.done $0x0  }
0x60: {  	[sflag:s0] =	ssyncadd.s32 $0xFFFFFF00  }
0x61: {  	[tilespmem:s2], [sflag:$0x6] =	stream.indirect.gather [hbm4b:s1+s31], $0x80, s26, s31, $0xb8;
	[tilespmem:$0x1E000] =	vst v63  }
0x62: {  	_ =	swait.ge [sflag:s6], $0x100  }
0x63: {  	[sflag:s6] =	ssyncset.done $0x0  }
0x64: {  	[sflag:s6] =	ssyncadd.s32 $0xFFFFFF00  }
0x65: {  	[tilespmem:s7], [sflag:$0x7] =	stream.indirect.gather [hbm4b:s1+s31], $0x80, s28, s31, $0xb8;
	[tilespmem:$0x1E000] =	vst v63  }
0x66: {  	_ =	swait.ge [sflag:s8], $0x100  }
0x67: {  	[sflag:s8] =	ssyncset.done $0x0  }
0x68: {  	[sflag:s8] =	ssyncadd.s32 $0xFFFFFF00  }
0x69: {  	[tilespmem:s9], [sflag:$0x8] =	stream.indirect.gather [hbm4b:s1+s31], $0x80, s29, s31, $0xb8;
	[tilespmem:$0x1E000] =	vst v63  }
0x6a: {  	_ =	swait.ge [sflag:s10], $0x2800  }
0x6b: {  	[sflag:s10] =	ssyncset.done $0x0  }
0x6c: {  	[sflag:s10] =	ssyncadd.s32 $0xFFFFD800  }
0x6d: {  	[spmem:s3] =	stream.indirect.scatter.add.f32 [tilespmem:s24], [sflag:$0x9], $0x80, s11, s31, $0xb8;
	[tilespmem:$0x1E000] =	vst v63  }
0x6e: {  	_ =	swait.ge [sflag:s12], $0x2800  }
0x6f: {  	[sflag:s12] =	ssyncset.done $0x0  }
0x70: {  	[sflag:s12] =	ssyncadd.s32 $0xFFFFD800  }
0x71: {  	[spmem:s3] =	stream.indirect.scatter.add.f32 [tilespmem:s2], [sflag:$0xA], $0x80, s13, s31, $0xb8;
	[tilespmem:$0x1E000] =	vst v63  }
0x72: {  	_ =	swait.ge [sflag:s14], $0x2800  }
0x73: {  	[sflag:s14] =	ssyncset.done $0x0  }
0x74: {  	[sflag:s14] =	ssyncadd.s32 $0xFFFFD800  }
0x75: {  	[spmem:s3] =	stream.indirect.scatter.add.f32 [tilespmem:s7], [sflag:$0xB], $0x80, s15, s31, $0xb8;
	[tilespmem:$0x1E000] =	vst v63  }
0x76: {  	_ =	swait.ge [sflag:s16], $0x2800  }
0x77: {  	p0 =	seq.s32 s5, $0xF00;
	[sflag:s16] =	ssyncset.done $0x0  }
0x78: {  	s18 =	simm.s32 @!p0 $0x9;
	[sflag:s16] =	ssyncadd.s32 $0xFFFFD800  }
0x79: {  	[spmem:s3] =	stream.indirect.scatter.add.f32 [tilespmem:s9], [sflag:$0xC], $0x80, s17, s31, $0xb8;
	[tilespmem:$0x1E000] =	vst v63  }
0x7a: {  	_ =	swait.ge @!p0 [sflag:s18], $0x2800  }
0x7b: {  	[sflag:s18] =	ssyncset.done @!p0 $0x0  }
0x7c: {  	s19 =	simm.s32 @!p0 $0x0;
	[sflag:s18] =	ssyncadd.s32 @!p0 $0xFFFFD800;
	s18 =	sadd.s32 @!p0 s5, s23  }
0x7d: {  	[tilespmem:s19], [sflag:$0x1] =	stream.linear.gather @!p0 [hbm4b:s18+s19], $0x100, $0x38;
	[tilespmem:$0x1E000] =	vst v63  }
0x7e: {  	s18 =	simm.s32 @!p0 $0xA  }
0x7f: {  	_ =	swait.ge @!p0 [sflag:s18], $0x2800  }
0x80: {  	[sflag:s18] =	ssyncset.done @!p0 $0x0  }
0x81: {  	s25 =	simm.s32 @!p0 $0x100;
	[sflag:s18] =	ssyncadd.s32 @!p0 $0xFFFFD800;
	s18 =	sadd.s32 @!p0 s5, s22  }
0x82: {  	[tilespmem:s25], [sflag:$0x2] =	stream.linear.gather @!p0 [hbm4b:s18+s19], $0x100, $0x38;
	[tilespmem:$0x1E000] =	vst v63  }
0x83: {  	s18 =	simm.s32 @!p0 $0xB  }
0x84: {  	_ =	swait.ge @!p0 [sflag:s18], $0x2800  }
0x85: {  	[sflag:s18] =	ssyncset.done @!p0 $0x0  }
0x86: {  	s25 =	simm.s32 @!p0 $0x200;
	[sflag:s18] =	ssyncadd.s32 @!p0 $0xFFFFD800;
	s18 =	sadd.s32 @!p0 s5, s21  }
0x87: {  	[tilespmem:s25], [sflag:$0x3] =	stream.linear.gather @!p0 [hbm4b:s18+s19], $0x100, $0x38;
	[tilespmem:$0x1E000] =	vst v63  }
0x88: {  	s18 =	simm.s32 @!p0 $0xC  }
0x89: {  	_ =	swait.ge @!p0 [sflag:s18], $0x2800  }
0x8a: {  	s25 =	simm.s32 @!p0 $0x300;
	[sflag:s18] =	ssyncset.done @!p0 $0x0  }
0x8b: {  	[sflag:s18] =	ssyncadd.s32 @!p0 $0xFFFFD800;
	s18 =	sadd.s32 @!p0 s5, s20;
	s5 =	sadd.s32 @!p0 $0x80, s5  }
0x8c: {  	[tilespmem:s25], [sflag:$0x4] =	stream.linear.gather @!p0 [hbm4b:s18+s19], $0x100, $0x38;
	[tilespmem:$0x1E000] =	vst v63  }
0x8d: {  	p1 =	sne.s32 @!p0 s5, $0xF80  }
0x8e: {  	p0 =	por p0, !p1  }
.Ltmp1:
0x8f: {  	_ = 	snop;
	(pc) =	sbr.rel @!p0 .LBB2_4-.Ltmp1, $1  }
0x90: {  	_ =	sdelay $0x3  }
0x91: {  	s18 =	simm.s32 $0x9  }
0x92: {  	_ =	swait.ge [sflag:s18], $0x2800  }
0x93: {  	[sflag:s18] =	ssyncset.done $0x0  }
0x94: {  	s5 =	simm.s32 $0xA;
	[sflag:s18] =	ssyncadd.s32 $0xFFFFD800  }
0x95: {  	_ =	swait.ge [sflag:s5], $0x2800  }
0x96: {  	[sflag:s5] =	ssyncset.done $0x0  }
0x97: {  	s19 =	simm.s32 $0xB;
	[sflag:s5] =	ssyncadd.s32 $0xFFFFD800  }
0x98: {  	_ =	swait.ge [sflag:s19], $0x2800  }
0x99: {  	[sflag:s19] =	ssyncset.done $0x0  }
0x9a: {  	s25 =	simm.s32 $0xC;
	[sflag:s19] =	ssyncadd.s32 $0xFFFFD800  }
0x9b: {  	_ =	swait.ge [sflag:s25], $0x2800  }
0x9c: {  	[sflag:s25] =	ssyncset.done $0x0  }
0x9d: {  	s19 =	rddreg [dreg:$0x10];
	[sflag:s25] =	ssyncadd.s32 $0xFFFFD800  }
0x9e: {  	[tilespmem:s4], [sflag:$0x1] =	stream.linear.gather [hbm4b:s19+s4], $0x100, $0x38;
	[tilespmem:$0x1E000] =	vst v63  }
0x9f: {  	_ =	swait.ge [sflag:s30], $0x100  }
0xa0: {  	[sflag:s30] =	ssyncset.done $0x0  }
0xa1: {  	[sflag:s30] =	ssyncadd.s32 $0xFFFFFF00  }
0xa2: {  	[tilespmem:s24], [sflag:$0x5] =	stream.indirect.gather [hbm4b:s1+s31], $0x80, s4, s31, $0xb8;
	[tilespmem:$0x1E000] =	vst v63  }
0xa3: {  	_ =	swait.ge [sflag:s10], $0x2800  }
0xa4: {  	[sflag:s10] =	ssyncset.done $0x0  }
0xa5: {  	[sflag:s10] =	ssyncadd.s32 $0xFFFFD800  }
0xa6: {  	[spmem:s3] =	stream.indirect.scatter.add.f32 [tilespmem:s24], [sflag:$0x9], $0x80, s11, s31, $0xb8;
	[tilespmem:$0x1E000] =	vst v63  }
0xa7: {  	_ =	swait.ge [sflag:s18], $0x2800  }
0xa8: {  	[sflag:s18] =	ssyncset.done $0x0  }
0xa9: {  	[sflag:s18] =	ssyncadd.s32 $0xFFFFD800  }
0xaa: {  	s25 =	stileid.u32;
	[bflag:$0x0] =	sbarrier.arrive $0xFFFF  }
0xab: {  	s5 =	sshll.u32 s25, $0x6;
	s19 =	rddreg [dreg:$0x4]  }
0xac: {  	s5 =	sor.u32 $0x1C0D, s5;
	s25 =	rddreg [dreg:$0x12];
	s18 =	sshrl.u32 s19, $0x3  }
0xad: {  	[hbm:s25], [sflag:s5] =	dma.local [spmem:s18], $0x2780  }
0xae: {  	s25 =	simm.s32 $0xD  }
0xaf: {  	_ =	swait.ge [sflag:s25], $0x2780  }
0xb0: {  	s5 =	rddreg [dreg:$0x13]  }
0xb1: {  	s18 =	sadd.s32 $0x1, s5;
	s5 =	rddreg [dreg:$0x11]  }
0xb2: {  	p0 =	sne.s32 s18, s5  }
.Ltmp2:
0xb3: {  	_ = 	snop;
	(pc) =	sbr.rel @p0 .LBB2_1-.Ltmp2, $3  }
0xb4: {  	_ =	sdelay $0x1  }
0xb5: {  	[sflag:s25] =	ssyncset.done $0x0  }
0xb6: {  	[sflag:s25] =	ssyncadd.s32 $0xFFFFD880  }
0xb7: {  	_ =	sfence.sel $0x180000  }
0xb8: {  	[bflag:$0x0] =	sbarrier.arrive $0xFFFF  }
0xb9: {  	_ =	strace $0x90000047  }
0xba: {  	s0 =	stileid.u32;
	[bflag:$0x2] =	sbarrier.arrive $0xFFFF  }
0xbb: {  	p0 =	sne.s32 s0, $0x0;
	s0 =	rddreg [dreg:$0x3]  }
0xbc: {  	s0 =	sadd.s32 @!p0 $0x100000, s0  }
0xbd: {  	[sflag:s0] =	ssyncadd.tile.s32 @!p0 $0x1;
	_ =	shalt  }
.Lfunc_end2:
_tile_overlayer_lowered:
.L_overlay_start_2:
0xbe: {  	(tag) =	ssettag $0x2  }
0xbf: {  	s0 =	rddreg [dreg:$0x0];
	s2 =	stileid.u32  }
0xc0: {  	s1 =	rddreg [dreg:$0x1];
	p0 =	sne.s32 s2, $0x0  }
0xc1: {  	s3 =	rddreg [dreg:$0x2];
	[bflag:$0x3] =	sbarrier.arrive $0xFFFF;
	s2 =	simm.s32 @!p0 $0x1C0D  }
0xc2: {  	[timem:s3], [sflag:s2] =	dma.local @!p0 [hbm:s0], s1  }
0xc3: {  	s0 =	simm.s32 @!p0 $0xD  }
0xc4: {  	_ =	swait.ge @!p0 [sflag:s0], s1  }
0xc5: {  	s1 =	ssub.s32 @!p0 $0x0, s1;
	[sflag:s0] =	ssyncset.done @!p0 $0x0  }
0xc6: {  	[sflag:s0] =	ssyncadd.s32 @!p0 s1  }
0xc7: {  	[bflag:$0x3] =	sbarrier.arrive $0xFFFF  }
0xc8: {  	_ =	shalt  }

// kernel: kernel.23.cloned.1.call-start
scs
__scs_entry_jumppad:
0x0: {  	(pc) =	sbr.rel $0x88, $3  }
0x1: {  	(tag) =	ssettag $0x0;
	lr =	simm.s32 $0x1  }
0x2: {  	[smem:$0x3F80] =	sst lr;
	_ =	strace $0xD0000000  }
0x3: {  	_ = 	snop  }
0x4: {  	_ = 	snop  }
0x5: {  	_ = 	snop  }
0x6: {  	_ = 	snop  }
0x7: {  	_ = 	snop  }
__scs_overlays_trampoline_lowered:
0x8: {  	[smem:$0x3F8F] =	sst s0  }
0x9: {  	[smem:$0x3F90] =	sst s1  }
0xa: {  	[smem:$0x3F91] =	sst s2  }
0xb: {  	[smem:$0x3F92] =	sst s3  }
0xc: {  	[smem:$0x3F93] =	sst s4  }
0xd: {  	[smem:$0x3F94] =	sst s5  }
0xe: {  	[smem:$0x3F95] =	sst s6  }
0xf: {  	[smem:$0x3F96] =	sst s7  }
0x10: {  	[smem:$0x3F97] =	sst s8  }
0x11: {  	[smem:$0x3F98] =	sst s9;
	s0 =	simm.s32 @!p0 $0x0  }
0x12: {  	s1 =	sld [smem:$0x3F7E];
	s0 =	simm.s32 @p0 $0x1  }
0x13: {  	[smem:$0x3F99] =	sst s0;
	s0 =	simm.s32 @!p1 $0x0  }
0x14: {  	s2 =	sld [smem:$0x3F7D];
	s0 =	simm.s32 @p1 $0x1  }
0x15: {  	[smem:$0x3F9A] =	sst s0;
	s0 =	simm.s32 @!p2 $0x0  }
0x16: {  	s3 =	sld [smem:$0x3FDB];
	s0 =	simm.s32 @p2 $0x1  }
0x17: {  	s4 =	simm.s32 $0x1BF5;
	[smem:$0x3F9C] =	sst s0  }
0x18: {  	s0 =	sld [smem:$0x3F7F];
	_ =	swait.ge [sflag:s4], $0x0  }
0x19: {  	s7 =	sld [smem:$0x3F80]  }
0x1a: {  	s8 =	sadd.s32 $0xFFFFE003, lr  }
0x1b: {  	s9 =	sadd.s32 $0xFFFFFEF7, lr;
	s5 =	simm.s32 $0xFFFFFFFF;
	p2 =	slt.u32 s8, $0xFFFFF086  }
0x1c: {  	p1 =	slt.u32 s9, $0xF7A;
	s5 =	simm.s32 @!p2 $0x0  }
0x1d: {  	s5 =	simm.s32 @p1 $0x1;
	p0 =	seq.s32 s7, s2  }
0x1e: {  	s7 =	smul.u32 @!p0 $0xF7A, s2;
	p2 =	seq.s32 @!p0 s5, $0x0  }
0x1f: {  	s9 =	smul.u32 $0xF7A, s1;
	s8 =	simm.s32 @!p0 $0x1BF5;
	p2 =	por !p2, p0  }
0x20: {  	[sflag:s8] =	ssyncset.s32 @!p0 $0xFFFFF086;
	s6 =	sadd.s32 @!p0 s3, s7;
	s7 =	simm.s32 @!p0 $0x108  }
0x21: {  	s3 =	sadd.s32 s3, s9;
	s6 =	sadd.s32 @!p0 $0x88, s6;
	s7 =	simm.s32 @p2 $0x1082  }
0x22: {  	[simem:s7], [sflag:s8] =	dma.local @!p0 [hbm:s6], $0xF7A  }
0x23: {  	s9 =	sor.u32 $0xD0000000, s2;
	s6 =	simm.s32 $0x108;
	_ =	swait.ge @!p0 [sflag:s8], $0x0  }
0x24: {  	s3 =	sadd.s32 $0x88, s3;
	s6 =	simm.s32 @!p1 $0x1082;
	[sflag:s4] =	ssyncset.s32 $0xFFFFF086  }
0x25: {  	[simem:s6], [sflag:s4] =	dma.local [hbm:s3], $0xF7A  }
0x26: {  	[smem:$0x3F80] =	sst s1;
	(tag) =	ssettag s2;
	_ =	strace s9  }
0x27: {  	s1 =	sld [smem:$0x3F90]  }
0x28: {  	s2 =	sld [smem:$0x3F91]  }
0x29: {  	s4 =	sld [smem:$0x3F93]  }
0x2a: {  	p0 =	seq.s32 s5, $0x0;
	s5 =	sld [smem:$0x3F94]  }
0x2b: {  	s6 =	sld [smem:$0x3F95]  }
0x2c: {  	s7 =	sld [smem:$0x3F96]  }
0x2d: {  	s3 =	simm.s32 $0x108;
	s8 =	sld [smem:$0x3F97]  }
0x2e: {  	s3 =	simm.s32 @!p0 $0x1082;
	s9 =	sld [smem:$0x3F98]  }
0x2f: {  	lr =	sadd.s32 s0, s3;
	s0 =	sld [smem:$0x3F8F]  }
0x30: {  	s3 =	sld [smem:$0x3F92]  }
0x31: {  	[smem:$0x3F9B] =	sst s10  }
0x32: {  	s10 =	sld [smem:$0x3F99];
	_ =	sdelay $0x3  }
0x33: {  	p0 =	seq.s32 s10, $0x1;
	s10 =	sld [smem:$0x3F9B];
	_ =	sdelay $0x3  }
0x34: {  	[smem:$0x3F9B] =	sst s10  }
0x35: {  	s10 =	sld [smem:$0x3F9A];
	_ =	sdelay $0x3  }
0x36: {  	p1 =	seq.s32 s10, $0x1;
	s10 =	sld [smem:$0x3F9B];
	_ =	sdelay $0x3  }
0x37: {  	[smem:$0x3F9B] =	sst s10  }
0x38: {  	s10 =	sld [smem:$0x3F9C]  }
0x39: {  	_ = 	snop;
	(pc) =	sbr.ind lr, $3  }
0x3a: {  	_ = 	snop  }
0x3b: {  	_ = 	snop  }
0x3c: {  	p2 =	seq.s32 s10, $0x1;
	s10 =	sld [smem:$0x3F9B]  }
0x3d: {  	_ =	shalt  }
0x3e: {  	_ =	shalt  }
0x3f: {  	_ =	shalt  }
0x40: {  	_ =	shalt  }
0x41: {  	_ =	shalt  }
0x42: {  	_ =	shalt  }
0x43: {  	_ =	shalt  }
0x44: {  	_ =	shalt  }
0x45: {  	_ =	shalt  }
0x46: {  	_ =	shalt  }
0x47: {  	_ =	shalt  }
0x48: {  	_ =	shalt  }
0x49: {  	_ =	shalt  }
0x4a: {  	_ =	shalt  }
0x4b: {  	_ =	shalt  }
0x4c: {  	_ =	shalt  }
0x4d: {  	_ =	shalt  }
0x4e: {  	_ =	shalt  }
0x4f: {  	_ =	shalt  }
0x50: {  	_ =	shalt  }
0x51: {  	_ =	shalt  }
0x52: {  	_ =	shalt  }
0x53: {  	_ =	shalt  }
0x54: {  	_ =	shalt  }
0x55: {  	_ =	shalt  }
0x56: {  	_ =	shalt  }
0x57: {  	_ =	shalt  }
0x58: {  	_ =	shalt  }
0x59: {  	_ =	shalt  }
0x5a: {  	_ =	shalt  }
0x5b: {  	_ =	shalt  }
0x5c: {  	_ =	shalt  }
0x5d: {  	_ =	shalt  }
0x5e: {  	_ =	shalt  }
0x5f: {  	_ =	shalt  }
0x60: {  	_ =	shalt  }
0x61: {  	_ =	shalt  }
0x62: {  	_ =	shalt  }
0x63: {  	_ =	shalt  }
0x64: {  	_ =	shalt  }
0x65: {  	_ =	shalt  }
0x66: {  	_ =	shalt  }
0x67: {  	_ =	shalt  }
0x68: {  	_ =	shalt  }
0x69: {  	_ =	shalt  }
0x6a: {  	_ =	shalt  }
0x6b: {  	_ =	shalt  }
0x6c: {  	_ =	shalt  }
0x6d: {  	_ =	shalt  }
0x6e: {  	_ =	shalt  }
0x6f: {  	_ =	shalt  }
0x70: {  	_ =	shalt  }
0x71: {  	_ =	shalt  }
0x72: {  	_ =	shalt  }
0x73: {  	_ =	shalt  }
0x74: {  	_ =	shalt  }
0x75: {  	_ =	shalt  }
0x76: {  	_ =	shalt  }
0x77: {  	_ =	shalt  }
0x78: {  	_ =	shalt  }
0x79: {  	_ =	shalt  }
0x7a: {  	_ =	shalt  }
0x7b: {  	_ =	shalt  }
0x7c: {  	_ =	shalt  }
0x7d: {  	_ =	shalt  }
0x7e: {  	_ =	shalt  }
0x7f: {  	_ =	shalt  }
0x80: {  	_ =	shalt  }
0x81: {  	_ =	shalt  }
0x82: {  	_ =	shalt  }
0x83: {  	_ =	shalt  }
0x84: {  	_ =	shalt  }
0x85: {  	_ =	shalt  }
0x86: {  	_ =	shalt  }
0x87: {  	_ =	shalt  }
.Lfunc_end0:
.L_simem_size_0:
called_computation.1_lowered:
.L_overlay_start_0:
0x88: {  	s2 =	sld [smem:$0x3FD9]  }
0x89: {  	s3 =	sld [smem:$0x3FFE];
	_ =	sdelay $0x1  }
0x8a: {  	s1 =	srdreg.scid  }
0x8b: {  	s0 =	sand.u32 $0x1, s1  }
0x8c: {  	s16 =	sshll.u32 s0, $0xA;
	s2 =	sadd.s32 s3, s2  }
0x8d: {  	s2 =	sadd.s32 s2, s16  }
0x8e: {  	[smem:$0x3FA7] =	sst s2  }
0x8f: {  	_ = 	snop  }
0x90: {  	(tm) =	ssettm $0x1  }
0x91: {  	s17 =	sld [smem:$0x3FFB];
	_ =	sdelay $0x3  }
0x92: {  	_ =	strace s17  }
0x93: {  	s2 =	sld [smem:$0x3FFC];
	_ =	sdelay $0x3  }
0x94: {  	_ =	strace s2  }
0x95: {  	s2 =	sld [smem:$0x3FFD];
	_ =	sdelay $0x3  }
0x96: {  	_ =	strace s2  }
0x97: {  	_ =	strace $0x8FFFFFFF  }
0x98: {  	s18 =	sld [smem:$0x3FDB];
	_ =	sdelay $0x1  }
0x99: {  	s19 =	simm.s32 $_scs_section_size  }
0x9a: {  	s4 =	simm.s32 $_size__tile_overlayer_lowered;
	s5 =	simm.s32 $_tile_overlayer_lowered  }
0x9b: {  	s22 =	simm.s32 $0x1BFF;
	s21 =	sshll.u32 s5, $0x1;
	s2 =	sadd.s32 s19, s18  }
0x9c: {  	s6 =	simm.s32 $0x0;
	s20 =	sshll.u32 s4, $0x1;
	s4 =	sadd.s32 s21, s2  }
0x9d: {  	[timem:s6], [sflag:s22] =	dma.local [hbm:s4], s20  }
0x9e: {  	_ =	swait.ge [sflag:s22], s20  }
0x9f: {  	s3 =	ssub.s32 $0x0, s20;
	[sflag:s22] =	ssyncset.done $0x0  }
0xa0: {  	[sflag:s22] =	ssyncadd.s32 s3;
	_ =	sdelay $0x1  }
0xa1: {  	s23 =	simm.s32 $0x1B8B  }
0xa2: {  	_ =	swait.ge [sflag:s23], $0x1  }
0xa3: {  	[sflag:s23] =	ssyncset.done $0x0  }
0xa4: {  	s25 =	simm.s32 $0x1B8E;
	s24 =	sld [smem:$0x3FFE];
	[sflag:s23] =	ssyncadd.s32 $0xFFFFFFFF  }
0xa5: {  	s26 =	simm.s32 $execute0_lowered;
	[smem:$0x3FD2] =	sst s25  }
0xa6: {  	s4 =	sshll.u32 s26, $0x1;
	_ =	strace $0x80000049;
	[dreg:$0x1] =	wrdreg $0xFFFFFFFF  }
0xa7: {  	s28 =	simm.s32 $_size_execute0_lowered;
	s2 =	sadd.s32 s2, s4;
	[dreg:$0x0] =	wrdreg $0x0  }
0xa8: {  	s4 =	sshll.u32 s28, $0x1;
	[dreg:$0x2] =	wrdreg s2  }
0xa9: {  	[dreg:$0x3] =	wrdreg s4  }
0xaa: {  	[dreg:$0x4] =	wrdreg $0xC0  }
0xab: {  	_ =	task [dreg:s6], $0x5FFFF  }
0xac: {  	[dreg:$0x1] =	wrdreg $0xFFFFFFFF  }
0xad: {  	[dreg:$0x0] =	wrdreg $0x60  }
0xae: {  	[dreg:$0x2] =	wrdreg s24  }
0xaf: {  	[dreg:$0x3] =	wrdreg $0xA4000  }
0xb0: {  	[dreg:$0x4] =	wrdreg $0x9  }
0xb1: {  	_ =	task.clear_ibuf [dreg:s6], $0x5FFFF;
	_ =	strace $0x90000049  }
0xb2: {  	s29 =	simm.s32 $0x9;
	_ =	strace $0x8000004B  }
0xb3: {  	_ =	swait.ge [sflag:s29], $0x1  }
0xb4: {  	[sflag:s29] =	ssyncadd.s32 $0xFFFFFFFF  }
0xb5: {  	_ =	strace $0x9000004B  }
0xb6: {  	_ =	sfence  }
0xb7: {  	s30 =	sld [smem:$0x0];
	_ =	sdelay $0x2  }
0xb8: {  	s31 =	sshll.u32 s1, $0xD;
	s1 =	sshrl.u32 s1, $0x2  }
0xb9: {  	s3 =	sand.u32 $0x4000, s31;
	s1 =	sadd.s32 s1, s30  }
0xba: {  	s0 =	sor.u32 s3, s0;
	s1 =	sshll.u32 s1, $0x11  }
0xbb: {  	s0 =	sor.u32 s1, s0  }
0xbc: {  	s0 =	sadd.s32 $0x8F2B, s0  }
0xbd: {  	[sflag:s0] =	ssyncadd.remote.s32 $0x1  }
0xbe: {  	_ =	sfence.sel $0xFFFF  }
0xbf: {  	[dreg:$0x0] =	wrdreg $0xFFFFFFFF;
	(pc) =	sbr.abs _section_cstart, $3  }
0xc0: {  	[dreg:$0x1] =	wrdreg $0xFFFFFFFF  }
0xc1: {  	_ =	task.clear_ibuf [dreg:s6], $0x2FFFF;
	_ =	strace $0x9FFFFFFF  }
0xc2: {  	(tm) =	ssettm $0x7FFFFFFF  }
0xc3: {  	_ =	shalt  }
tec
execute0_lowered:
.L_overlay_start_1:
0x0: {  	(tag) =	ssettag $0x1  }
0x1: {  	s0 =	rddreg [dreg:$0x0]  }
0x2: {  	s1 =	rddreg [dreg:$0x1];
	s2 =	simm.s32 $0x0;
	s3 =	srdreg.scid  }
0x3: {  	s10 =	stileid.u32;
	s28 =	simm.s32 $0x200;
	s29 =	simm.s32 $0x300  }
0x4: {  	s30 =	simm.s32 $0x1;
	s31 =	simm.s32 $0x50;
	[smem:$0x7FF] =	sst s2  }
0x5: {  	s4 =	sadd.s32 $0x26E00, s0;
	s5 =	sadd.s32 $0x4E000, s0;
	s6 =	smul.u32 $0x4F000, s10  }
0x6: {  	s3 =	sand.u32 $0x1, s3;
	s7 =	sadd.s32 $0x7A00, s0;
	s16 =	smul.u32 $0x1F40, s10  }
0x7: {  	s8 =	sadd.s32 $0x75200, s0;
	s0 =	sadd.s32 $0x9CA00, s0;
	s18 =	smul.u32 $0xFA00, s10  }
0x8: {  	s26 =	smul.u32 $0x2780, s10;
	_ =	strace $0x8000004A;
	[dreg:$0x3] =	wrdreg s8  }
0x9: {  	s10 =	simm.s32 $0x7C00;
	[dreg:$0x4] =	wrdreg s0;
	s6 =	sshrl.u32 s6, $0x2  }
0xa: {  	s15 =	sadd.s32 s7, s16;
	[dreg:$0x12] =	wrdreg s26;
	s14 =	sadd.s32 s6, s1  }
0xb: {  	s12 =	ssub.s32 $0x2, s3;
	s23 =	sadd.s32 $0x20, s15;
	[dreg:$0x5] =	wrdreg s14  }
0xc: {  	p0 =	sne.s32 s3, $0x0;
	s9 =	sadd.s32 $0x2800, s14;
	[dreg:$0xd] =	wrdreg s23  }
0xd: {  	s3 =	simm.s32 $0x5400;
	s17 =	sadd.s32 $0x5000, s14;
	[dreg:$0x6] =	wrdreg s9  }
0xe: {  	s13 =	sshrl.u32 s12, $0x1;
	s11 =	sadd.s32 $0x7800, s14;
	[dreg:$0x7] =	wrdreg s17  }
0xf: {  	s22 =	sshrl.u32 s18, $0x3;
	s19 =	sadd.s32 $0xA000, s14;
	[dreg:$0x8] =	wrdreg s11  }
0x10: {  	s26 =	simm.s32 $0x100;
	s20 =	sadd.s32 $0xC800, s14;
	[dreg:$0x9] =	wrdreg s19  }
0x11: {  	s16 =	simm.s32 $0x7;
	s21 =	sadd.s32 $0xF000, s14;
	[dreg:$0xa] =	wrdreg s20  }
0x12: {  	s6 =	sadd.s32 s7, s22;
	s8 =	sadd.s32 $0x11800, s14;
	[dreg:$0xb] =	wrdreg s21  }
0x13: {  	s18 =	simm.s32 $0x8;
	s7 =	sadd.s32 $0x40, s6;
	[dreg:$0xc] =	wrdreg s8  }
0x14: {  	s0 =	ssub.s32 s12, s13;
	s24 =	sadd.s32 $0x60, s6;
	[dreg:$0xe] =	wrdreg s7  }
0x15: {  	s12 =	simm.s32 $0x80;
	s25 =	sadd.s32 $0x1F00, s6;
	[dreg:$0xf] =	wrdreg s24  }
0x16: {  	s13 =	simm.s32 $0x6;
	s6 =	sadd.s32 $0x1F20, s6;
	[dreg:$0x10] =	wrdreg s25  }
.Ltmp0:
0x17: {  	s0 =	smax.u32 s0, $0x1;
	[dreg:$0x11] =	wrdreg s6;
	(pc) =	sbr.rel .LBB2_1-.Ltmp0, $4  }
0x18: {  	s14 =	simm.s32 $0x180;
	[dreg:$0x13] =	wrdreg s0;
	s24 =	simm.s32 $0x400  }
0x19: {  	s20 =	simm.s32 $0xD;
	s0 =	simm.s32 $0x2;
	s6 =	simm.s32 $0x2C00  }
0x1a: {  	s7 =	simm.s32 $0x3;
	s9 =	simm.s32 $0x4;
	s11 =	simm.s32 $0x5  }
0x1b: {  	v0 =	vimm.f32 $0.0e+00;
	s17 =	simm.s32 $0x280;
	s19 =	simm.s32 $0x380;
	s25 =	simm.s32 $0x0  }
.LBB2_8:
0x1c: {  	s20 =	simm.s32 $0x9  }
0x1d: {  	_ =	swait.ge [sflag:s20], $0x2800  }
0x1e: {  	[sflag:s20] =	ssyncset.done $0x0  }
0x1f: {  	s8 =	simm.s32 $0xA;
	[sflag:s20] =	ssyncadd.s32 $0xFFFFD800  }
0x20: {  	_ =	swait.ge [sflag:s8], $0x2800  }
0x21: {  	[sflag:s8] =	ssyncset.done $0x0  }
0x22: {  	s21 =	simm.s32 $0xB;
	[sflag:s8] =	ssyncadd.s32 $0xFFFFD800  }
0x23: {  	_ =	swait.ge [sflag:s21], $0x2800  }
0x24: {  	[sflag:s21] =	ssyncset.done $0x0  }
0x25: {  	[sflag:s21] =	ssyncadd.s32 $0xFFFFD800;
	s21 =	simm.s32 $0xC  }
0x26: {  	_ =	swait.ge [sflag:s21], $0x2800  }
0x27: {  	[sflag:s21] =	ssyncset.done $0x0  }
0x28: {  	[sflag:s21] =	ssyncadd.s32 $0xFFFFD800;
	s21 =	rddreg [dreg:$0x10]  }
0x29: {  	[tilespmem:s2], [sflag:$0x1] =	stream.linear.gather [hbm4b:s21+s2], $0x100, $0x38;
	[tilespmem:$0x1E000] =	vst v63  }
0x2a: {  	_ =	swait.ge [sflag:s30], $0x100  }
0x2b: {  	[sflag:s30] =	ssyncset.done $0x0  }
0x2c: {  	[sflag:s30] =	ssyncadd.s32 $0xFFFFFF00  }
0x2d: {  	[tilespmem:s24], [sflag:$0x5] =	stream.indirect.gather [hbm4b:s23+s31], $0x80, s2, s31, $0xb8;
	[tilespmem:$0x1E000] =	vst v63  }
0x2e: {  	_ =	swait.ge [sflag:s11], $0x2800  }
0x2f: {  	[sflag:s11] =	ssyncset.done $0x0  }
0x30: {  	[sflag:s11] =	ssyncadd.s32 $0xFFFFD800  }
0x31: {  	[spmem:s1] =	stream.indirect.scatter.add.f32 [tilespmem:s24], [sflag:$0x9], $0x80, s12, s31, $0xb8;
	[tilespmem:$0x1E000] =	vst v63  }
0x32: {  	_ =	swait.ge [sflag:s20], $0x2800  }
0x33: {  	[sflag:s20] =	ssyncset.done $0x0  }
0x34: {  	s21 =	rddreg [dreg:$0x11];
	[sflag:s20] =	ssyncadd.s32 $0xFFFFD800  }
0x35: {  	[tilespmem:s2], [sflag:$0x1] =	stream.linear.gather [hbm4b:s21+s2], $0x100, $0x38;
	[tilespmem:$0x1E000] =	vst v63  }
0x36: {  	_ =	swait.ge [sflag:s30], $0x100  }
0x37: {  	[sflag:s30] =	ssyncset.done $0x0  }
0x38: {  	[sflag:s30] =	ssyncadd.s32 $0xFFFFFF00  }
0x39: {  	[tilespmem:s24], [sflag:$0x5] =	stream.indirect.gather [hbm4b:s23+s31], $0x80, s2, s31, $0xb8;
	[tilespmem:$0x1E000] =	vst v63  }
0x3a: {  	_ =	swait.ge [sflag:s11], $0x2800  }
0x3b: {  	[sflag:s11] =	ssyncset.done $0x0  }
0x3c: {  	[sflag:s11] =	ssyncadd.s32 $0xFFFFD800  }
0x3d: {  	[spmem:s1] =	stream.indirect.scatter.add.f32 [tilespmem:s24], [sflag:$0x9], $0x80, s12, s31, $0xb8;
	[tilespmem:$0x1E000] =	vst v63  }
0x3e: {  	_ =	swait.ge [sflag:s20], $0x2800  }
0x3f: {  	[sflag:s20] =	ssyncset.done $0x0  }
0x40: {  	s21 =	rddreg [dreg:$0x12];
	[sflag:s20] =	ssyncadd.s32 $0xFFFFD800  }
0x41: {  	s8 =	sadd.s32 s22, s21;
	s22 =	stileid.u32;
	[bflag:$0x0] =	sbarrier.arrive $0xFFFF  }
0x42: {  	s20 =	sshll.u32 s22, $0x6;
	s21 =	rddreg [dreg:$0x5]  }
0x43: {  	s20 =	sor.u32 $0x1C0D, s20;
	s21 =	sshrl.u32 s21, $0x3  }
0x44: {  	[hbm:s8], [sflag:s20] =	dma.local [spmem:s21], $0x2780  }
0x45: {  	s20 =	simm.s32 $0xD  }
0x46: {  	_ =	swait.ge [sflag:s20], $0x2780  }
0x47: {  	s25 =	sadd.s32 $0x1, s25;
	s23 =	rddreg [dreg:$0x13]  }
0x48: {  	p1 =	sne.s32 s25, s23  }
.Ltmp1:
0x49: {  	_ = 	snop;
	(pc) =	sbr.rel @!p1 .LBB2_9-.Ltmp1, $3  }
0x4a: {  	_ =	sdelay $0x1  }
0x4b: {  	[sflag:s20] =	ssyncset.done $0x0  }
0x4c: {  	[sflag:s20] =	ssyncadd.s32 $0xFFFFD880  }
.LBB2_1:
0x4d: {  	[dreg:$0x14] =	wrdreg s25;
	s22 =	simm.s32 $0x70;
	s23 =	simm.s32 $0x3C0  }
.LBB2_2:
0x4e: {  	p1 =	sne.s32 s23, $0x9FC0;
	[tilespmem:s22+$0x400] =	vst v0  }
0x4f: {  	[tilespmem:s22+$0x390] =	vst v0  }
0x50: {  	[tilespmem:s22+$0x3A0] =	vst v0  }
.Ltmp2:
0x51: {  	[tilespmem:s22+$0x3B0] =	vst v0;
	(pc) =	sbr.rel @p1 .LBB2_2-.Ltmp2, $4  }
0x52: {  	[tilespmem:s22+$0x3C0] =	vst v0  }
0x53: {  	[tilespmem:s22+$0x3D0] =	vst v0  }
0x54: {  	[tilespmem:s22+$0x3E0] =	vst v0  }
0x55: {  	[tilespmem:s22+$0x3F0] =	vst v0;
	s22 =	sshra.s32 s23, $0x2;
	s23 =	sadd.s32 $0x200, s23  }
0x56: {  	[tilespmem:s22+$0x400] =	vst v0  }
0x57: {  	[tilespmem:s22+$0x390] =	vst v0  }
0x58: {  	[tilespmem:s22+$0x3A0] =	vst v0  }
0x59: {  	[tilespmem:s22+$0x3B0] =	vst v0  }
0x5a: {  	[tilespmem:s22+$0x3C0] =	vst v0  }
0x5b: {  	[tilespmem:s22+$0x3D0] =	vst v0  }
0x5c: {  	[tilespmem:s22+$0x3E0] =	vst v0  }
0x5d: {  	[tilespmem:s22+$0x3F0] =	vst v0;
	s8 =	rddreg [dreg:$0x5]  }
0x5e: {  	[spmem:s8] =	stream.linear.scatter [tilespmem:s24], [sflag:$0xD], $0x2800, $0x38;
	[tilespmem:$0x1E000] =	vst v63  }
0x5f: {  	_ =	swait.ge [sflag:s20], $0x2800  }
0x60: {  	[sflag:s20] =	ssyncset.done $0x0  }
0x61: {  	s22 =	rddreg [dreg:$0x6];
	[sflag:s20] =	ssyncadd.s32 $0xFFFFD800  }
0x62: {  	[spmem:s22] =	stream.linear.scatter [tilespmem:s24], [sflag:$0xD], $0x2800, $0x38;
	[tilespmem:$0x1E000] =	vst v63  }
0x63: {  	_ =	swait.ge [sflag:s20], $0x2800  }
0x64: {  	[sflag:s20] =	ssyncset.done $0x0  }
0x65: {  	s23 =	rddreg [dreg:$0x7];
	[sflag:s20] =	ssyncadd.s32 $0xFFFFD800  }
0x66: {  	[spmem:s23] =	stream.linear.scatter [tilespmem:s24], [sflag:$0xD], $0x2800, $0x38;
	[tilespmem:$0x1E000] =	vst v63  }
0x67: {  	_ =	swait.ge [sflag:s20], $0x2800  }
0x68: {  	[sflag:s20] =	ssyncset.done $0x0  }
0x69: {  	s25 =	rddreg [dreg:$0x8];
	[sflag:s20] =	ssyncadd.s32 $0xFFFFD800  }
0x6a: {  	[spmem:s25] =	stream.linear.scatter [tilespmem:s24], [sflag:$0xD], $0x2800, $0x38;
	[tilespmem:$0x1E000] =	vst v63  }
0x6b: {  	_ =	swait.ge [sflag:s20], $0x2800  }
0x6c: {  	[sflag:s20] =	ssyncset.done $0x0  }
0x6d: {  	s21 =	rddreg [dreg:$0x9];
	[sflag:s20] =	ssyncadd.s32 $0xFFFFD800  }
0x6e: {  	[spmem:s21] =	stream.linear.scatter [tilespmem:s24], [sflag:$0xD], $0x2800, $0x38;
	[tilespmem:$0x1E000] =	vst v63  }
0x6f: {  	_ =	swait.ge [sflag:s20], $0x2800  }
0x70: {  	[sflag:s20] =	ssyncset.done $0x0  }
0x71: {  	s22 =	rddreg [dreg:$0xa];
	[sflag:s20] =	ssyncadd.s32 $0xFFFFD800  }
0x72: {  	[spmem:s22] =	stream.linear.scatter [tilespmem:s24], [sflag:$0xD], $0x2800, $0x38;
	[tilespmem:$0x1E000] =	vst v63  }
0x73: {  	_ =	swait.ge [sflag:s20], $0x2800  }
0x74: {  	[sflag:s20] =	ssyncset.done $0x0  }
0x75: {  	s23 =	rddreg [dreg:$0xb];
	[sflag:s20] =	ssyncadd.s32 $0xFFFFD800  }
0x76: {  	[spmem:s23] =	stream.linear.scatter [tilespmem:s24], [sflag:$0xD], $0x2800, $0x38;
	[tilespmem:$0x1E000] =	vst v63  }
0x77: {  	_ =	swait.ge [sflag:s20], $0x2800  }
0x78: {  	[sflag:s20] =	ssyncset.done $0x0  }
0x79: {  	s25 =	rddreg [dreg:$0xc];
	[sflag:s20] =	ssyncadd.s32 $0xFFFFD800  }
0x7a: {  	[spmem:s25] =	stream.linear.scatter [tilespmem:s24], [sflag:$0xD], $0x2400, $0x38;
	[tilespmem:$0x1E000] =	vst v63  }
0x7b: {  	_ =	swait.ge [sflag:s20], $0x2400  }
0x7c: {  	[sflag:s20] =	ssyncset.done $0x0  }
0x7d: {  	[sflag:s20] =	ssyncadd.s32 $0xFFFFDC00  }
0x7e: {  	s22 =	simm.s32 $0x0;
	[bflag:$0x0] =	sbarrier.arrive $0xFFFF  }
0x7f: {  	[tilespmem:s22], [sflag:$0x1] =	stream.linear.gather [hbm4b:s15+s22], $0x100, $0x38;
	[tilespmem:$0x1E000] =	vst v63  }
0x80: {  	s21 =	rddreg [dreg:$0xd]  }
0x81: {  	[tilespmem:s26], [sflag:$0x2] =	stream.linear.gather [hbm4b:s21+s22], $0x100, $0x38;
	[tilespmem:$0x1E000] =	vst v63  }
.Ltmp3:
0x82: {  	_ = 	snop;
	(pc) =	sbr.rel @p0 .LBB2_6-.Ltmp3, $4  }
0x83: {  	s23 =	rddreg [dreg:$0xe]  }
0x84: {  	[tilespmem:s28], [sflag:$0x3] =	stream.linear.gather [hbm4b:s23+s22], $0x100, $0x38;
	[tilespmem:$0x1E000] =	vst v63  }
0x85: {  	s25 =	rddreg [dreg:$0xf]  }
0x86: {  	[tilespmem:s29], [sflag:$0x4] =	stream.linear.gather [hbm4b:s25+s22], $0x100, $0x38;
	[tilespmem:$0x1E000] =	vst v63  }
.LBB2_4:
0x87: {  	_ =	swait.ge [sflag:s30], $0x100  }
0x88: {  	[sflag:s30] =	ssyncset.done $0x0  }
0x89: {  	[sflag:s30] =	ssyncadd.s32 $0xFFFFFF00  }
0x8a: {  	[tilespmem:s24], [sflag:$0x5] =	stream.indirect.gather [hbm4b:s4+s31], $0x80, s2, s31, $0xb8;
	[tilespmem:$0x1E000] =	vst v63  }
0x8b: {  	_ =	swait.ge [sflag:s0], $0x100  }
0x8c: {  	[sflag:s0] =	ssyncset.done $0x0  }
0x8d: {  	[sflag:s0] =	ssyncadd.s32 $0xFFFFFF00  }
0x8e: {  	[tilespmem:s6], [sflag:$0x6] =	stream.indirect.gather [hbm4b:s4+s31], $0x80, s26, s31, $0xb8;
	[tilespmem:$0x1E000] =	vst v63  }
0x8f: {  	_ =	swait.ge [sflag:s7], $0x100  }
0x90: {  	[sflag:s7] =	ssyncset.done $0x0  }
0x91: {  	[sflag:s7] =	ssyncadd.s32 $0xFFFFFF00  }
0x92: {  	[tilespmem:s3], [sflag:$0x7] =	stream.indirect.gather [hbm4b:s4+s31], $0x80, s28, s31, $0xb8;
	[tilespmem:$0x1E000] =	vst v63  }
0x93: {  	_ =	swait.ge [sflag:s9], $0x100  }
0x94: {  	[sflag:s9] =	ssyncset.done $0x0  }
0x95: {  	[sflag:s9] =	ssyncadd.s32 $0xFFFFFF00  }
0x96: {  	[tilespmem:s10], [sflag:$0x8] =	stream.indirect.gather [hbm4b:s4+s31], $0x80, s29, s31, $0xb8;
	[tilespmem:$0x1E000] =	vst v63  }
0x97: {  	_ =	swait.ge [sflag:s11], $0x2800  }
0x98: {  	[sflag:s11] =	ssyncset.done $0x0  }
0x99: {  	[sflag:s11] =	ssyncadd.s32 $0xFFFFD800  }
0x9a: {  	[spmem:s1] =	stream.indirect.scatter.add.f32 [tilespmem:s24], [sflag:$0x9], $0x80, s12, s31, $0xb8;
	[tilespmem:$0x1E000] =	vst v63  }
0x9b: {  	_ =	swait.ge [sflag:s13], $0x2800  }
0x9c: {  	[sflag:s13] =	ssyncset.done $0x0  }
0x9d: {  	[sflag:s13] =	ssyncadd.s32 $0xFFFFD800  }
0x9e: {  	[spmem:s1] =	stream.indirect.scatter.add.f32 [tilespmem:s6], [sflag:$0xA], $0x80, s14, s31, $0xb8;
	[tilespmem:$0x1E000] =	vst v63  }
0x9f: {  	_ =	swait.ge [sflag:s16], $0x2800  }
0xa0: {  	[sflag:s16] =	ssyncset.done $0x0  }
0xa1: {  	[sflag:s16] =	ssyncadd.s32 $0xFFFFD800  }
0xa2: {  	[spmem:s1] =	stream.indirect.scatter.add.f32 [tilespmem:s3], [sflag:$0xB], $0x80, s17, s31, $0xb8;
	[tilespmem:$0x1E000] =	vst v63  }
0xa3: {  	_ =	swait.ge [sflag:s18], $0x2800  }
0xa4: {  	p1 =	seq.s32 s22, $0x1E80;
	[sflag:s18] =	ssyncset.done $0x0  }
0xa5: {  	s23 =	simm.s32 @!p1 $0x9;
	[sflag:s18] =	ssyncadd.s32 $0xFFFFD800  }
0xa6: {  	[spmem:s1] =	stream.indirect.scatter.add.f32 [tilespmem:s10], [sflag:$0xC], $0x80, s19, s31, $0xb8;
	[tilespmem:$0x1E000] =	vst v63  }
0xa7: {  	_ =	swait.ge @!p1 [sflag:s23], $0x2800  }
0xa8: {  	s8 =	sadd.s32 @!p1 s22, s15;
	[sflag:s23] =	ssyncset.done @!p1 $0x0  }
0xa9: {  	s20 =	simm.s32 @!p1 $0x0;
	[sflag:s23] =	ssyncadd.s32 @!p1 $0xFFFFD800;
	s23 =	sadd.s32 @!p1 $0x80, s8  }
0xaa: {  	[tilespmem:s20], [sflag:$0x1] =	stream.linear.gather @!p1 [hbm4b:s23+s20], $0x100, $0x38;
	[tilespmem:$0x1E000] =	vst v63  }
0xab: {  	s23 =	simm.s32 @!p1 $0xA  }
0xac: {  	_ =	swait.ge @!p1 [sflag:s23], $0x2800  }
0xad: {  	[sflag:s23] =	ssyncset.done @!p1 $0x0  }
0xae: {  	s21 =	simm.s32 @!p1 $0x100;
	[sflag:s23] =	ssyncadd.s32 @!p1 $0xFFFFD800;
	s23 =	sadd.s32 @!p1 $0xA0, s8  }
0xaf: {  	[tilespmem:s21], [sflag:$0x2] =	stream.linear.gather @!p1 [hbm4b:s23+s20], $0x100, $0x38;
	[tilespmem:$0x1E000] =	vst v63  }
0xb0: {  	s22 =	sadd.s32 @!p1 $0x80, s22;
	s21 =	simm.s32 @!p1 $0xB  }
0xb1: {  	p2 =	seq.s32 @!p1 s22, $0x1F00;
	_ =	swait.ge @!p1 [sflag:s21], $0x2800  }
0xb2: {  	p2 =	por p1, p2;
	[sflag:s21] =	ssyncset.done @!p1 $0x0  }
0xb3: {  	s23 =	simm.s32 @!p1 $0x200;
	[sflag:s21] =	ssyncadd.s32 @!p1 $0xFFFFD800;
	s21 =	sadd.s32 @!p1 $0xC0, s8  }
0xb4: {  	[tilespmem:s23], [sflag:$0x3] =	stream.linear.gather @!p1 [hbm4b:s21+s20], $0x100, $0x38;
	[tilespmem:$0x1E000] =	vst v63  }
.Ltmp4:
0xb5: {  	s21 =	simm.s32 @!p1 $0xC;
	(pc) =	sbr.rel @!p2 .LBB2_4-.Ltmp4, $4  }
0xb6: {  	_ =	swait.ge @!p1 [sflag:s21], $0x2800  }
0xb7: {  	[sflag:s21] =	ssyncset.done @!p1 $0x0  }
0xb8: {  	s8 =	sadd.s32 @!p1 $0xE0, s8;
	[sflag:s21] =	ssyncadd.s32 @!p1 $0xFFFFD800;
	s21 =	simm.s32 @!p1 $0x300  }
0xb9: {  	[tilespmem:s21], [sflag:$0x4] =	stream.linear.gather @!p1 [hbm4b:s8+s20], $0x100, $0x38;
	[tilespmem:$0x1E000] =	vst v63  }
.Ltmp5:
0xba: {  	(pc) =	sbr.rel .LBB2_8-.Ltmp5, $3  }
0xbb: {  	_ =	sdelay $0x1  }
0xbc: {  	s23 =	smov.u32 s4;
	s22 =	rddreg [dreg:$0x3]  }
0xbd: {  	s25 =	rddreg [dreg:$0x14];
	s23 =	smov.u32 @p1 s4;
	s22 =	smov.u32 @p1 s22  }
.LBB2_6:
0xbe: {  	_ =	swait.ge [sflag:s30], $0x100  }
0xbf: {  	[sflag:s30] =	ssyncset.done $0x0  }
0xc0: {  	[sflag:s30] =	ssyncadd.s32 $0xFFFFFF00  }
0xc1: {  	[tilespmem:s24], [sflag:$0x5] =	stream.indirect.gather [hbm4b:s5+s31], $0x80, s2, s31, $0xb8;
	[tilespmem:$0x1E000] =	vst v63  }
0xc2: {  	_ =	swait.ge [sflag:s0], $0x100  }
0xc3: {  	[sflag:s0] =	ssyncset.done $0x0  }
0xc4: {  	[sflag:s0] =	ssyncadd.s32 $0xFFFFFF00  }
0xc5: {  	[tilespmem:s6], [sflag:$0x6] =	stream.indirect.gather [hbm4b:s5+s31], $0x80, s26, s31, $0xb8;
	[tilespmem:$0x1E000] =	vst v63  }
0xc6: {  	_ =	swait.ge [sflag:s7], $0x100  }
0xc7: {  	[sflag:s7] =	ssyncset.done $0x0  }
0xc8: {  	[sflag:s7] =	ssyncadd.s32 $0xFFFFFF00  }
0xc9: {  	[tilespmem:s3], [sflag:$0x7] =	stream.indirect.gather [hbm4b:s5+s31], $0x80, s28, s31, $0xb8;
	[tilespmem:$0x1E000] =	vst v63  }
0xca: {  	_ =	swait.ge [sflag:s9], $0x100  }
0xcb: {  	[sflag:s9] =	ssyncset.done $0x0  }
0xcc: {  	[sflag:s9] =	ssyncadd.s32 $0xFFFFFF00  }
0xcd: {  	[tilespmem:s10], [sflag:$0x8] =	stream.indirect.gather [hbm4b:s5+s31], $0x80, s29, s31, $0xb8;
	[tilespmem:$0x1E000] =	vst v63  }
0xce: {  	_ =	swait.ge [sflag:s11], $0x2800  }
0xcf: {  	[sflag:s11] =	ssyncset.done $0x0  }
0xd0: {  	[sflag:s11] =	ssyncadd.s32 $0xFFFFD800  }
0xd1: {  	[spmem:s1] =	stream.indirect.scatter.add.f32 [tilespmem:s24], [sflag:$0x9], $0x80, s12, s31, $0xb8;
	[tilespmem:$0x1E000] =	vst v63  }
0xd2: {  	_ =	swait.ge [sflag:s13], $0x2800  }
0xd3: {  	[sflag:s13] =	ssyncset.done $0x0  }
0xd4: {  	[sflag:s13] =	ssyncadd.s32 $0xFFFFD800  }
0xd5: {  	[spmem:s1] =	stream.indirect.scatter.add.f32 [tilespmem:s6], [sflag:$0xA], $0x80, s14, s31, $0xb8;
	[tilespmem:$0x1E000] =	vst v63  }
0xd6: {  	_ =	swait.ge [sflag:s16], $0x2800  }
0xd7: {  	[sflag:s16] =	ssyncset.done $0x0  }
0xd8: {  	[sflag:s16] =	ssyncadd.s32 $0xFFFFD800  }
0xd9: {  	[spmem:s1] =	stream.indirect.scatter.add.f32 [tilespmem:s3], [sflag:$0xB], $0x80, s17, s31, $0xb8;
	[tilespmem:$0x1E000] =	vst v63  }
0xda: {  	_ =	swait.ge [sflag:s18], $0x2800  }
0xdb: {  	p1 =	seq.s32 s22, $0x1E80;
	[sflag:s18] =	ssyncset.done $0x0  }
0xdc: {  	s8 =	simm.s32 @!p1 $0x9;
	[sflag:s18] =	ssyncadd.s32 $0xFFFFD800  }
0xdd: {  	[spmem:s1] =	stream.indirect.scatter.add.f32 [tilespmem:s10], [sflag:$0xC], $0x80, s19, s31, $0xb8;
	[tilespmem:$0x1E000] =	vst v63  }
0xde: {  	_ =	swait.ge @!p1 [sflag:s8], $0x2800  }
0xdf: {  	s20 =	sadd.s32 @!p1 s22, s15;
	[sflag:s8] =	ssyncset.done @!p1 $0x0  }
0xe0: {  	s21 =	simm.s32 @!p1 $0x0;
	[sflag:s8] =	ssyncadd.s32 @!p1 $0xFFFFD800;
	s8 =	sadd.s32 @!p1 $0x80, s20  }
0xe1: {  	[tilespmem:s21], [sflag:$0x1] =	stream.linear.gather @!p1 [hbm4b:s8+s21], $0x100, $0x38;
	[tilespmem:$0x1E000] =	vst v63  }
0xe2: {  	s8 =	simm.s32 @!p1 $0xA  }
0xe3: {  	_ =	swait.ge @!p1 [sflag:s8], $0x2800  }
0xe4: {  	[sflag:s8] =	ssyncset.done @!p1 $0x0  }
0xe5: {  	s23 =	simm.s32 @!p1 $0x100;
	[sflag:s8] =	ssyncadd.s32 @!p1 $0xFFFFD800;
	s8 =	sadd.s32 @!p1 $0xA0, s20  }
0xe6: {  	[tilespmem:s23], [sflag:$0x2] =	stream.linear.gather @!p1 [hbm4b:s8+s21], $0x100, $0x38;
	[tilespmem:$0x1E000] =	vst v63  }
0xe7: {  	s22 =	sadd.s32 @!p1 $0x80, s22;
	s8 =	simm.s32 @!p1 $0xB  }
0xe8: {  	p2 =	sne.s32 @!p1 s22, $0x1F00;
	_ =	swait.ge @!p1 [sflag:s8], $0x2800  }
0xe9: {  	p2 =	por p1, !p2;
	[sflag:s8] =	ssyncset.done @!p1 $0x0  }
0xea: {  	s23 =	simm.s32 @!p1 $0x200;
	[sflag:s8] =	ssyncadd.s32 @!p1 $0xFFFFD800;
	s8 =	sadd.s32 @!p1 $0xC0, s20  }
0xeb: {  	[tilespmem:s23], [sflag:$0x3] =	stream.linear.gather @!p1 [hbm4b:s8+s21], $0x100, $0x38;
	[tilespmem:$0x1E000] =	vst v63  }
.Ltmp6:
0xec: {  	s8 =	simm.s32 @!p1 $0xC;
	(pc) =	sbr.rel @!p2 .LBB2_6-.Ltmp6, $4  }
0xed: {  	_ =	swait.ge @!p1 [sflag:s8], $0x2800  }
0xee: {  	[sflag:s8] =	ssyncset.done @!p1 $0x0  }
0xef: {  	[sflag:s8] =	ssyncadd.s32 @!p1 $0xFFFFD800;
	s8 =	sadd.s32 @!p1 $0xE0, s20;
	s20 =	simm.s32 @!p1 $0x300  }
0xf0: {  	[tilespmem:s20], [sflag:$0x4] =	stream.linear.gather @!p1 [hbm4b:s8+s21], $0x100, $0x38;
	[tilespmem:$0x1E000] =	vst v63  }
.Ltmp7:
0xf1: {  	(pc) =	sbr.rel .LBB2_8-.Ltmp7, $3  }
0xf2: {  	_ =	sdelay $0x1  }
0xf3: {  	s23 =	smov.u32 s5;
	s22 =	rddreg [dreg:$0x4]  }
0xf4: {  	s25 =	rddreg [dreg:$0x14];
	s23 =	smov.u32 @p1 s5;
	s22 =	smov.u32 @p1 s22  }
.LBB2_9:
0xf5: {  	_ =	sfence.sel $0x180000  }
0xf6: {  	[bflag:$0x0] =	sbarrier.arrive $0xFFFF  }
0xf7: {  	_ =	strace $0x9000004A  }
0xf8: {  	s0 =	stileid.u32;
	[bflag:$0x2] =	sbarrier.arrive $0xFFFF  }
0xf9: {  	p0 =	sne.s32 s0, $0x0;
	s0 =	rddreg [dreg:$0x2]  }
0xfa: {  	s0 =	sadd.s32 @!p0 $0x100000, s0  }
0xfb: {  	[sflag:s0] =	ssyncadd.tile.s32 @!p0 $0x1;
	_ =	shalt  }
.Lfunc_end2:
_tile_overlayer_lowered:
.L_overlay_start_2:
0xfc: {  	(tag) =	ssettag $0x2  }
0xfd: {  	s0 =	rddreg [dreg:$0x0];
	s2 =	stileid.u32  }
0xfe: {  	s1 =	rddreg [dreg:$0x1];
	p0 =	sne.s32 s2, $0x0  }
0xff: {  	s3 =	rddreg [dreg:$0x2];
	[bflag:$0x3] =	sbarrier.arrive $0xFFFF;
	s2 =	simm.s32 @!p0 $0x1C0D  }
0x100: {  	[timem:s3], [sflag:s2] =	dma.local @!p0 [hbm:s0], s1  }
0x101: {  	s0 =	simm.s32 @!p0 $0xD  }
0x102: {  	_ =	swait.ge @!p0 [sflag:s0], s1  }
0x103: {  	s1 =	ssub.s32 @!p0 $0x0, s1;
	[sflag:s0] =	ssyncset.done @!p0 $0x0  }
0x104: {  	[sflag:s0] =	ssyncadd.s32 @!p0 s1  }
0x105: {  	[bflag:$0x3] =	sbarrier.arrive $0xFFFF  }
0x106: {  	_ =	shalt  }

// kernel: kernel.26.cloned.1.call-start
scs
__scs_entry_jumppad:
0x0: {  	(pc) =	sbr.rel $0x88, $3  }
0x1: {  	(tag) =	ssettag $0x0;
	lr =	simm.s32 $0x1  }
0x2: {  	[smem:$0x3F80] =	sst lr;
	_ =	strace $0xD0000000  }
0x3: {  	_ = 	snop  }
0x4: {  	_ = 	snop  }
0x5: {  	_ = 	snop  }
0x6: {  	_ = 	snop  }
0x7: {  	_ = 	snop  }
__scs_overlays_trampoline_lowered:
0x8: {  	[smem:$0x3F8F] =	sst s0  }
0x9: {  	[smem:$0x3F90] =	sst s1  }
0xa: {  	[smem:$0x3F91] =	sst s2  }
0xb: {  	[smem:$0x3F92] =	sst s3  }
0xc: {  	[smem:$0x3F93] =	sst s4  }
0xd: {  	[smem:$0x3F94] =	sst s5  }
0xe: {  	[smem:$0x3F95] =	sst s6  }
0xf: {  	[smem:$0x3F96] =	sst s7  }
0x10: {  	[smem:$0x3F97] =	sst s8  }
0x11: {  	[smem:$0x3F98] =	sst s9;
	s0 =	simm.s32 @!p0 $0x0  }
0x12: {  	s1 =	sld [smem:$0x3F7E];
	s0 =	simm.s32 @p0 $0x1  }
0x13: {  	[smem:$0x3F99] =	sst s0;
	s0 =	simm.s32 @!p1 $0x0  }
0x14: {  	s2 =	sld [smem:$0x3F7D];
	s0 =	simm.s32 @p1 $0x1  }
0x15: {  	[smem:$0x3F9A] =	sst s0;
	s0 =	simm.s32 @!p2 $0x0  }
0x16: {  	s3 =	sld [smem:$0x3FDB];
	s0 =	simm.s32 @p2 $0x1  }
0x17: {  	s4 =	simm.s32 $0x1BF5;
	[smem:$0x3F9C] =	sst s0  }
0x18: {  	s0 =	sld [smem:$0x3F7F];
	_ =	swait.ge [sflag:s4], $0x0  }
0x19: {  	s7 =	sld [smem:$0x3F80]  }
0x1a: {  	s8 =	sadd.s32 $0xFFFFE003, lr  }
0x1b: {  	s9 =	sadd.s32 $0xFFFFFEF7, lr;
	s5 =	simm.s32 $0xFFFFFFFF;
	p2 =	slt.u32 s8, $0xFFFFF086  }
0x1c: {  	p1 =	slt.u32 s9, $0xF7A;
	s5 =	simm.s32 @!p2 $0x0  }
0x1d: {  	s5 =	simm.s32 @p1 $0x1;
	p0 =	seq.s32 s7, s2  }
0x1e: {  	s7 =	smul.u32 @!p0 $0xF7A, s2;
	p2 =	seq.s32 @!p0 s5, $0x0  }
0x1f: {  	s9 =	smul.u32 $0xF7A, s1;
	s8 =	simm.s32 @!p0 $0x1BF5;
	p2 =	por !p2, p0  }
0x20: {  	[sflag:s8] =	ssyncset.s32 @!p0 $0xFFFFF086;
	s6 =	sadd.s32 @!p0 s3, s7;
	s7 =	simm.s32 @!p0 $0x108  }
0x21: {  	s3 =	sadd.s32 s3, s9;
	s6 =	sadd.s32 @!p0 $0x88, s6;
	s7 =	simm.s32 @p2 $0x1082  }
0x22: {  	[simem:s7], [sflag:s8] =	dma.local @!p0 [hbm:s6], $0xF7A  }
0x23: {  	s9 =	sor.u32 $0xD0000000, s2;
	s6 =	simm.s32 $0x108;
	_ =	swait.ge @!p0 [sflag:s8], $0x0  }
0x24: {  	s3 =	sadd.s32 $0x88, s3;
	s6 =	simm.s32 @!p1 $0x1082;
	[sflag:s4] =	ssyncset.s32 $0xFFFFF086  }
0x25: {  	[simem:s6], [sflag:s4] =	dma.local [hbm:s3], $0xF7A  }
0x26: {  	[smem:$0x3F80] =	sst s1;
	(tag) =	ssettag s2;
	_ =	strace s9  }
0x27: {  	s1 =	sld [smem:$0x3F90]  }
0x28: {  	s2 =	sld [smem:$0x3F91]  }
0x29: {  	s4 =	sld [smem:$0x3F93]  }
0x2a: {  	p0 =	seq.s32 s5, $0x0;
	s5 =	sld [smem:$0x3F94]  }
0x2b: {  	s6 =	sld [smem:$0x3F95]  }
0x2c: {  	s7 =	sld [smem:$0x3F96]  }
0x2d: {  	s3 =	simm.s32 $0x108;
	s8 =	sld [smem:$0x3F97]  }
0x2e: {  	s3 =	simm.s32 @!p0 $0x1082;
	s9 =	sld [smem:$0x3F98]  }
0x2f: {  	lr =	sadd.s32 s0, s3;
	s0 =	sld [smem:$0x3F8F]  }
0x30: {  	s3 =	sld [smem:$0x3F92]  }
0x31: {  	[smem:$0x3F9B] =	sst s10  }
0x32: {  	s10 =	sld [smem:$0x3F99];
	_ =	sdelay $0x3  }
0x33: {  	p0 =	seq.s32 s10, $0x1;
	s10 =	sld [smem:$0x3F9B];
	_ =	sdelay $0x3  }
0x34: {  	[smem:$0x3F9B] =	sst s10  }
0x35: {  	s10 =	sld [smem:$0x3F9A];
	_ =	sdelay $0x3  }
0x36: {  	p1 =	seq.s32 s10, $0x1;
	s10 =	sld [smem:$0x3F9B];
	_ =	sdelay $0x3  }
0x37: {  	[smem:$0x3F9B] =	sst s10  }
0x38: {  	s10 =	sld [smem:$0x3F9C]  }
0x39: {  	_ = 	snop;
	(pc) =	sbr.ind lr, $3  }
0x3a: {  	_ = 	snop  }
0x3b: {  	_ = 	snop  }
0x3c: {  	p2 =	seq.s32 s10, $0x1;
	s10 =	sld [smem:$0x3F9B]  }
0x3d: {  	_ =	shalt  }
0x3e: {  	_ =	shalt  }
0x3f: {  	_ =	shalt  }
0x40: {  	_ =	shalt  }
0x41: {  	_ =	shalt  }
0x42: {  	_ =	shalt  }
0x43: {  	_ =	shalt  }
0x44: {  	_ =	shalt  }
0x45: {  	_ =	shalt  }
0x46: {  	_ =	shalt  }
0x47: {  	_ =	shalt  }
0x48: {  	_ =	shalt  }
0x49: {  	_ =	shalt  }
0x4a: {  	_ =	shalt  }
0x4b: {  	_ =	shalt  }
0x4c: {  	_ =	shalt  }
0x4d: {  	_ =	shalt  }
0x4e: {  	_ =	shalt  }
0x4f: {  	_ =	shalt  }
0x50: {  	_ =	shalt  }
0x51: {  	_ =	shalt  }
0x52: {  	_ =	shalt  }
0x53: {  	_ =	shalt  }
0x54: {  	_ =	shalt  }
0x55: {  	_ =	shalt  }
0x56: {  	_ =	shalt  }
0x57: {  	_ =	shalt  }
0x58: {  	_ =	shalt  }
0x59: {  	_ =	shalt  }
0x5a: {  	_ =	shalt  }
0x5b: {  	_ =	shalt  }
0x5c: {  	_ =	shalt  }
0x5d: {  	_ =	shalt  }
0x5e: {  	_ =	shalt  }
0x5f: {  	_ =	shalt  }
0x60: {  	_ =	shalt  }
0x61: {  	_ =	shalt  }
0x62: {  	_ =	shalt  }
0x63: {  	_ =	shalt  }
0x64: {  	_ =	shalt  }
0x65: {  	_ =	shalt  }
0x66: {  	_ =	shalt  }
0x67: {  	_ =	shalt  }
0x68: {  	_ =	shalt  }
0x69: {  	_ =	shalt  }
0x6a: {  	_ =	shalt  }
0x6b: {  	_ =	shalt  }
0x6c: {  	_ =	shalt  }
0x6d: {  	_ =	shalt  }
0x6e: {  	_ =	shalt  }
0x6f: {  	_ =	shalt  }
0x70: {  	_ =	shalt  }
0x71: {  	_ =	shalt  }
0x72: {  	_ =	shalt  }
0x73: {  	_ =	shalt  }
0x74: {  	_ =	shalt  }
0x75: {  	_ =	shalt  }
0x76: {  	_ =	shalt  }
0x77: {  	_ =	shalt  }
0x78: {  	_ =	shalt  }
0x79: {  	_ =	shalt  }
0x7a: {  	_ =	shalt  }
0x7b: {  	_ =	shalt  }
0x7c: {  	_ =	shalt  }
0x7d: {  	_ =	shalt  }
0x7e: {  	_ =	shalt  }
0x7f: {  	_ =	shalt  }
0x80: {  	_ =	shalt  }
0x81: {  	_ =	shalt  }
0x82: {  	_ =	shalt  }
0x83: {  	_ =	shalt  }
0x84: {  	_ =	shalt  }
0x85: {  	_ =	shalt  }
0x86: {  	_ =	shalt  }
0x87: {  	_ =	shalt  }
.Lfunc_end0:
.L_simem_size_0:
called_computation.2_lowered:
.L_overlay_start_0:
0x88: {  	s2 =	sld [smem:$0x3FD9]  }
0x89: {  	s3 =	sld [smem:$0x3FFE];
	_ =	sdelay $0x1  }
0x8a: {  	s1 =	srdreg.scid  }
0x8b: {  	s0 =	sand.u32 $0x1, s1  }
0x8c: {  	s16 =	sshll.u32 s0, $0xA;
	s2 =	sadd.s32 s3, s2  }
0x8d: {  	s2 =	sadd.s32 s2, s16  }
0x8e: {  	[smem:$0x3FA7] =	sst s2  }
0x8f: {  	_ = 	snop  }
0x90: {  	(tm) =	ssettm $0x1  }
0x91: {  	s17 =	sld [smem:$0x3FFB];
	_ =	sdelay $0x3  }
0x92: {  	_ =	strace s17  }
0x93: {  	s2 =	sld [smem:$0x3FFC];
	_ =	sdelay $0x3  }
0x94: {  	_ =	strace s2  }
0x95: {  	s2 =	sld [smem:$0x3FFD];
	_ =	sdelay $0x3  }
0x96: {  	_ =	strace s2  }
0x97: {  	_ =	strace $0x8FFFFFFF  }
0x98: {  	s18 =	sld [smem:$0x3FDB];
	_ =	sdelay $0x1  }
0x99: {  	s19 =	simm.s32 $_scs_section_size  }
0x9a: {  	s4 =	simm.s32 $_size__tile_overlayer_lowered;
	s5 =	simm.s32 $_tile_overlayer_lowered  }
0x9b: {  	s22 =	simm.s32 $0x1BFF;
	s21 =	sshll.u32 s5, $0x1;
	s2 =	sadd.s32 s19, s18  }
0x9c: {  	s6 =	simm.s32 $0x0;
	s20 =	sshll.u32 s4, $0x1;
	s4 =	sadd.s32 s21, s2  }
0x9d: {  	[timem:s6], [sflag:s22] =	dma.local [hbm:s4], s20  }
0x9e: {  	_ =	swait.ge [sflag:s22], s20  }
0x9f: {  	s3 =	ssub.s32 $0x0, s20;
	[sflag:s22] =	ssyncset.done $0x0  }
0xa0: {  	[sflag:s22] =	ssyncadd.s32 s3;
	_ =	sdelay $0x1  }
0xa1: {  	s23 =	simm.s32 $0x1B8B  }
0xa2: {  	_ =	swait.ge [sflag:s23], $0x1  }
0xa3: {  	[sflag:s23] =	ssyncset.done $0x0  }
0xa4: {  	s25 =	simm.s32 $0x1B8E;
	s24 =	sld [smem:$0x3FFE];
	[sflag:s23] =	ssyncadd.s32 $0xFFFFFFFF  }
0xa5: {  	s26 =	simm.s32 $execute0_lowered;
	[smem:$0x3FD2] =	sst s25  }
0xa6: {  	s4 =	sshll.u32 s26, $0x1;
	_ =	strace $0x8000004C;
	[dreg:$0x1] =	wrdreg $0xFFFFFFFF  }
0xa7: {  	s28 =	simm.s32 $_size_execute0_lowered;
	s2 =	sadd.s32 s2, s4;
	[dreg:$0x0] =	wrdreg $0x0  }
0xa8: {  	s4 =	sshll.u32 s28, $0x1;
	[dreg:$0x2] =	wrdreg s2  }
0xa9: {  	[dreg:$0x3] =	wrdreg s4  }
0xaa: {  	[dreg:$0x4] =	wrdreg $0xC0  }
0xab: {  	_ =	task [dreg:s6], $0x5FFFF  }
0xac: {  	[dreg:$0x1] =	wrdreg $0xFFFFFFFF  }
0xad: {  	[dreg:$0x0] =	wrdreg $0x60  }
0xae: {  	[dreg:$0x2] =	wrdreg s24  }
0xaf: {  	[dreg:$0x3] =	wrdreg $0xA4000  }
0xb0: {  	[dreg:$0x4] =	wrdreg $0x9  }
0xb1: {  	_ =	task.clear_ibuf [dreg:s6], $0x5FFFF;
	_ =	strace $0x9000004C  }
0xb2: {  	s29 =	simm.s32 $0x9;
	_ =	strace $0x8000004E  }
0xb3: {  	_ =	swait.ge [sflag:s29], $0x1  }
0xb4: {  	[sflag:s29] =	ssyncadd.s32 $0xFFFFFFFF  }
0xb5: {  	_ =	strace $0x9000004E  }
0xb6: {  	_ =	sfence  }
0xb7: {  	s30 =	sld [smem:$0x0];
	_ =	sdelay $0x2  }
0xb8: {  	s31 =	sshll.u32 s1, $0xD;
	s1 =	sshrl.u32 s1, $0x2  }
0xb9: {  	s3 =	sand.u32 $0x4000, s31;
	s1 =	sadd.s32 s1, s30  }
0xba: {  	s0 =	sor.u32 s3, s0;
	s1 =	sshll.u32 s1, $0x11  }
0xbb: {  	s0 =	sor.u32 s1, s0  }
0xbc: {  	s0 =	sadd.s32 $0x8F2B, s0  }
0xbd: {  	[sflag:s0] =	ssyncadd.remote.s32 $0x1  }
0xbe: {  	_ =	sfence.sel $0xFFFF  }
0xbf: {  	[dreg:$0x0] =	wrdreg $0xFFFFFFFF;
	(pc) =	sbr.abs _section_cstart, $3  }
0xc0: {  	[dreg:$0x1] =	wrdreg $0xFFFFFFFF  }
0xc1: {  	_ =	task.clear_ibuf [dreg:s6], $0x2FFFF;
	_ =	strace $0x9FFFFFFF  }
0xc2: {  	(tm) =	ssettm $0x7FFFFFFF  }
0xc3: {  	_ =	shalt  }
tec
execute0_lowered:
.L_overlay_start_1:
0x0: {  	(tag) =	ssettag $0x1  }
0x1: {  	s0 =	rddreg [dreg:$0x0]  }
0x2: {  	s1 =	rddreg [dreg:$0x1];
	s2 =	simm.s32 $0x0;
	s3 =	srdreg.scid  }
0x3: {  	s10 =	stileid.u32;
	s28 =	simm.s32 $0x200;
	s29 =	simm.s32 $0x300  }
0x4: {  	s30 =	simm.s32 $0x1;
	s31 =	simm.s32 $0x50;
	[smem:$0x7FF] =	sst s2  }
0x5: {  	s4 =	sadd.s32 $0x26E00, s0;
	s5 =	sadd.s32 $0x4E000, s0;
	s6 =	smul.u32 $0x4F000, s10  }
0x6: {  	s3 =	sand.u32 $0x1, s3;
	s7 =	sadd.s32 $0x7A00, s0;
	s16 =	smul.u32 $0x1F40, s10  }
0x7: {  	s8 =	sadd.s32 $0x75200, s0;
	s0 =	sadd.s32 $0x9CA00, s0;
	s18 =	smul.u32 $0xFA00, s10  }
0x8: {  	s26 =	smul.u32 $0x2780, s10;
	_ =	strace $0x8000004D;
	[dreg:$0x3] =	wrdreg s8  }
0x9: {  	s10 =	simm.s32 $0x7C00;
	[dreg:$0x4] =	wrdreg s0;
	s6 =	sshrl.u32 s6, $0x2  }
0xa: {  	s15 =	sadd.s32 s7, s16;
	[dreg:$0x12] =	wrdreg s26;
	s14 =	sadd.s32 s6, s1  }
0xb: {  	s12 =	ssub.s32 $0x2, s3;
	s23 =	sadd.s32 $0x20, s15;
	[dreg:$0x5] =	wrdreg s14  }
0xc: {  	p0 =	sne.s32 s3, $0x0;
	s9 =	sadd.s32 $0x2800, s14;
	[dreg:$0xd] =	wrdreg s23  }
0xd: {  	s3 =	simm.s32 $0x5400;
	s17 =	sadd.s32 $0x5000, s14;
	[dreg:$0x6] =	wrdreg s9  }
0xe: {  	s13 =	sshrl.u32 s12, $0x1;
	s11 =	sadd.s32 $0x7800, s14;
	[dreg:$0x7] =	wrdreg s17  }
0xf: {  	s22 =	sshrl.u32 s18, $0x3;
	s19 =	sadd.s32 $0xA000, s14;
	[dreg:$0x8] =	wrdreg s11  }
0x10: {  	s26 =	simm.s32 $0x100;
	s20 =	sadd.s32 $0xC800, s14;
	[dreg:$0x9] =	wrdreg s19  }
0x11: {  	s16 =	simm.s32 $0x7;
	s21 =	sadd.s32 $0xF000, s14;
	[dreg:$0xa] =	wrdreg s20  }
0x12: {  	s6 =	sadd.s32 s7, s22;
	s8 =	sadd.s32 $0x11800, s14;
	[dreg:$0xb] =	wrdreg s21  }
0x13: {  	s18 =	simm.s32 $0x8;
	s7 =	sadd.s32 $0x40, s6;
	[dreg:$0xc] =	wrdreg s8  }
0x14: {  	s0 =	ssub.s32 s12, s13;
	s24 =	sadd.s32 $0x60, s6;
	[dreg:$0xe] =	wrdreg s7  }
0x15: {  	s12 =	simm.s32 $0x80;
	s25 =	sadd.s32 $0x1F00, s6;
	[dreg:$0xf] =	wrdreg s24  }
0x16: {  	s13 =	simm.s32 $0x6;
	s6 =	sadd.s32 $0x1F20, s6;
	[dreg:$0x10] =	wrdreg s25  }
.Ltmp0:
0x17: {  	s0 =	smax.u32 s0, $0x1;
	[dreg:$0x11] =	wrdreg s6;
	(pc) =	sbr.rel .LBB2_1-.Ltmp0, $4  }
0x18: {  	s14 =	simm.s32 $0x180;
	[dreg:$0x13] =	wrdreg s0;
	s24 =	simm.s32 $0x400  }
0x19: {  	s20 =	simm.s32 $0xD;
	s0 =	simm.s32 $0x2;
	s6 =	simm.s32 $0x2C00  }
0x1a: {  	s7 =	simm.s32 $0x3;
	s9 =	simm.s32 $0x4;
	s11 =	simm.s32 $0x5  }
0x1b: {  	v0 =	vimm.f32 $0.0e+00;
	s17 =	simm.s32 $0x280;
	s19 =	simm.s32 $0x380;
	s25 =	simm.s32 $0x0  }
.LBB2_8:
0x1c: {  	s20 =	simm.s32 $0x9  }
0x1d: {  	_ =	swait.ge [sflag:s20], $0x2800  }
0x1e: {  	[sflag:s20] =	ssyncset.done $0x0  }
0x1f: {  	s8 =	simm.s32 $0xA;
	[sflag:s20] =	ssyncadd.s32 $0xFFFFD800  }
0x20: {  	_ =	swait.ge [sflag:s8], $0x2800  }
0x21: {  	[sflag:s8] =	ssyncset.done $0x0  }
0x22: {  	s21 =	simm.s32 $0xB;
	[sflag:s8] =	ssyncadd.s32 $0xFFFFD800  }
0x23: {  	_ =	swait.ge [sflag:s21], $0x2800  }
0x24: {  	[sflag:s21] =	ssyncset.done $0x0  }
0x25: {  	[sflag:s21] =	ssyncadd.s32 $0xFFFFD800;
	s21 =	simm.s32 $0xC  }
0x26: {  	_ =	swait.ge [sflag:s21], $0x2800  }
0x27: {  	[sflag:s21] =	ssyncset.done $0x0  }
0x28: {  	[sflag:s21] =	ssyncadd.s32 $0xFFFFD800;
	s21 =	rddreg [dreg:$0x10]  }
0x29: {  	[tilespmem:s2], [sflag:$0x1] =	stream.linear.gather [hbm4b:s21+s2], $0x100, $0x38;
	[tilespmem:$0x1E000] =	vst v63  }
0x2a: {  	_ =	swait.ge [sflag:s30], $0x100  }
0x2b: {  	[sflag:s30] =	ssyncset.done $0x0  }
0x2c: {  	[sflag:s30] =	ssyncadd.s32 $0xFFFFFF00  }
0x2d: {  	[tilespmem:s24], [sflag:$0x5] =	stream.indirect.gather [hbm4b:s23+s31], $0x80, s2, s31, $0xb8;
	[tilespmem:$0x1E000] =	vst v63  }
0x2e: {  	_ =	swait.ge [sflag:s11], $0x2800  }
0x2f: {  	[sflag:s11] =	ssyncset.done $0x0  }
0x30: {  	[sflag:s11] =	ssyncadd.s32 $0xFFFFD800  }
0x31: {  	[spmem:s1] =	stream.indirect.scatter.add.f32 [tilespmem:s24], [sflag:$0x9], $0x80, s12, s31, $0xb8;
	[tilespmem:$0x1E000] =	vst v63  }
0x32: {  	_ =	swait.ge [sflag:s20], $0x2800  }
0x33: {  	[sflag:s20] =	ssyncset.done $0x0  }
0x34: {  	s21 =	rddreg [dreg:$0x11];
	[sflag:s20] =	ssyncadd.s32 $0xFFFFD800  }
0x35: {  	[tilespmem:s2], [sflag:$0x1] =	stream.linear.gather [hbm4b:s21+s2], $0x100, $0x38;
	[tilespmem:$0x1E000] =	vst v63  }
0x36: {  	_ =	swait.ge [sflag:s30], $0x100  }
0x37: {  	[sflag:s30] =	ssyncset.done $0x0  }
0x38: {  	[sflag:s30] =	ssyncadd.s32 $0xFFFFFF00  }
0x39: {  	[tilespmem:s24], [sflag:$0x5] =	stream.indirect.gather [hbm4b:s23+s31], $0x80, s2, s31, $0xb8;
	[tilespmem:$0x1E000] =	vst v63  }
0x3a: {  	_ =	swait.ge [sflag:s11], $0x2800  }
0x3b: {  	[sflag:s11] =	ssyncset.done $0x0  }
0x3c: {  	[sflag:s11] =	ssyncadd.s32 $0xFFFFD800  }
0x3d: {  	[spmem:s1] =	stream.indirect.scatter.add.f32 [tilespmem:s24], [sflag:$0x9], $0x80, s12, s31, $0xb8;
	[tilespmem:$0x1E000] =	vst v63  }
0x3e: {  	_ =	swait.ge [sflag:s20], $0x2800  }
0x3f: {  	[sflag:s20] =	ssyncset.done $0x0  }
0x40: {  	s21 =	rddreg [dreg:$0x12];
	[sflag:s20] =	ssyncadd.s32 $0xFFFFD800  }
0x41: {  	s8 =	sadd.s32 s22, s21;
	s22 =	stileid.u32;
	[bflag:$0x0] =	sbarrier.arrive $0xFFFF  }
0x42: {  	s20 =	sshll.u32 s22, $0x6;
	s21 =	rddreg [dreg:$0x5]  }
0x43: {  	s20 =	sor.u32 $0x1C0D, s20;
	s21 =	sshrl.u32 s21, $0x3  }
0x44: {  	[hbm:s8], [sflag:s20] =	dma.local [spmem:s21], $0x2780  }
0x45: {  	s20 =	simm.s32 $0xD  }
0x46: {  	_ =	swait.ge [sflag:s20], $0x2780  }
0x47: {  	s25 =	sadd.s32 $0x1, s25;
	s23 =	rddreg [dreg:$0x13]  }
0x48: {  	p1 =	sne.s32 s25, s23  }
.Ltmp1:
0x49: {  	_ = 	snop;
	(pc) =	sbr.rel @!p1 .LBB2_9-.Ltmp1, $3  }
0x4a: {  	_ =	sdelay $0x1  }
0x4b: {  	[sflag:s20] =	ssyncset.done $0x0  }
0x4c: {  	[sflag:s20] =	ssyncadd.s32 $0xFFFFD880  }
.LBB2_1:
0x4d: {  	[dreg:$0x14] =	wrdreg s25;
	s22 =	simm.s32 $0x70;
	s23 =	simm.s32 $0x3C0  }
.LBB2_2:
0x4e: {  	p1 =	sne.s32 s23, $0x9FC0;
	[tilespmem:s22+$0x400] =	vst v0  }
0x4f: {  	[tilespmem:s22+$0x390] =	vst v0  }
0x50: {  	[tilespmem:s22+$0x3A0] =	vst v0  }
.Ltmp2:
0x51: {  	[tilespmem:s22+$0x3B0] =	vst v0;
	(pc) =	sbr.rel @p1 .LBB2_2-.Ltmp2, $4  }
0x52: {  	[tilespmem:s22+$0x3C0] =	vst v0  }
0x53: {  	[tilespmem:s22+$0x3D0] =	vst v0  }
0x54: {  	[tilespmem:s22+$0x3E0] =	vst v0  }
0x55: {  	[tilespmem:s22+$0x3F0] =	vst v0;
	s22 =	sshra.s32 s23, $0x2;
	s23 =	sadd.s32 $0x200, s23  }
0x56: {  	[tilespmem:s22+$0x400] =	vst v0  }
0x57: {  	[tilespmem:s22+$0x390] =	vst v0  }
0x58: {  	[tilespmem:s22+$0x3A0] =	vst v0  }
0x59: {  	[tilespmem:s22+$0x3B0] =	vst v0  }
0x5a: {  	[tilespmem:s22+$0x3C0] =	vst v0  }
0x5b: {  	[tilespmem:s22+$0x3D0] =	vst v0  }
0x5c: {  	[tilespmem:s22+$0x3E0] =	vst v0  }
0x5d: {  	[tilespmem:s22+$0x3F0] =	vst v0;
	s8 =	rddreg [dreg:$0x5]  }
0x5e: {  	[spmem:s8] =	stream.linear.scatter [tilespmem:s24], [sflag:$0xD], $0x2800, $0x38;
	[tilespmem:$0x1E000] =	vst v63  }
0x5f: {  	_ =	swait.ge [sflag:s20], $0x2800  }
0x60: {  	[sflag:s20] =	ssyncset.done $0x0  }
0x61: {  	s22 =	rddreg [dreg:$0x6];
	[sflag:s20] =	ssyncadd.s32 $0xFFFFD800  }
0x62: {  	[spmem:s22] =	stream.linear.scatter [tilespmem:s24], [sflag:$0xD], $0x2800, $0x38;
	[tilespmem:$0x1E000] =	vst v63  }
0x63: {  	_ =	swait.ge [sflag:s20], $0x2800  }
0x64: {  	[sflag:s20] =	ssyncset.done $0x0  }
0x65: {  	s23 =	rddreg [dreg:$0x7];
	[sflag:s20] =	ssyncadd.s32 $0xFFFFD800  }
0x66: {  	[spmem:s23] =	stream.linear.scatter [tilespmem:s24], [sflag:$0xD], $0x2800, $0x38;
	[tilespmem:$0x1E000] =	vst v63  }
0x67: {  	_ =	swait.ge [sflag:s20], $0x2800  }
0x68: {  	[sflag:s20] =	ssyncset.done $0x0  }
0x69: {  	s25 =	rddreg [dreg:$0x8];
	[sflag:s20] =	ssyncadd.s32 $0xFFFFD800  }
0x6a: {  	[spmem:s25] =	stream.linear.scatter [tilespmem:s24], [sflag:$0xD], $0x2800, $0x38;
	[tilespmem:$0x1E000] =	vst v63  }
0x6b: {  	_ =	swait.ge [sflag:s20], $0x2800  }
0x6c: {  	[sflag:s20] =	ssyncset.done $0x0  }
0x6d: {  	s21 =	rddreg [dreg:$0x9];
	[sflag:s20] =	ssyncadd.s32 $0xFFFFD800  }
0x6e: {  	[spmem:s21] =	stream.linear.scatter [tilespmem:s24], [sflag:$0xD], $0x2800, $0x38;
	[tilespmem:$0x1E000] =	vst v63  }
0x6f: {  	_ =	swait.ge [sflag:s20], $0x2800  }
0x70: {  	[sflag:s20] =	ssyncset.done $0x0  }
0x71: {  	s22 =	rddreg [dreg:$0xa];
	[sflag:s20] =	ssyncadd.s32 $0xFFFFD800  }
0x72: {  	[spmem:s22] =	stream.linear.scatter [tilespmem:s24], [sflag:$0xD], $0x2800, $0x38;
	[tilespmem:$0x1E000] =	vst v63  }
0x73: {  	_ =	swait.ge [sflag:s20], $0x2800  }
0x74: {  	[sflag:s20] =	ssyncset.done $0x0  }
0x75: {  	s23 =	rddreg [dreg:$0xb];
	[sflag:s20] =	ssyncadd.s32 $0xFFFFD800  }
0x76: {  	[spmem:s23] =	stream.linear.scatter [tilespmem:s24], [sflag:$0xD], $0x2800, $0x38;
	[tilespmem:$0x1E000] =	vst v63  }
0x77: {  	_ =	swait.ge [sflag:s20], $0x2800  }
0x78: {  	[sflag:s20] =	ssyncset.done $0x0  }
0x79: {  	s25 =	rddreg [dreg:$0xc];
	[sflag:s20] =	ssyncadd.s32 $0xFFFFD800  }
0x7a: {  	[spmem:s25] =	stream.linear.scatter [tilespmem:s24], [sflag:$0xD], $0x2400, $0x38;
	[tilespmem:$0x1E000] =	vst v63  }
0x7b: {  	_ =	swait.ge [sflag:s20], $0x2400  }
0x7c: {  	[sflag:s20] =	ssyncset.done $0x0  }
0x7d: {  	[sflag:s20] =	ssyncadd.s32 $0xFFFFDC00  }
0x7e: {  	s22 =	simm.s32 $0x0;
	[bflag:$0x0] =	sbarrier.arrive $0xFFFF  }
0x7f: {  	[tilespmem:s22], [sflag:$0x1] =	stream.linear.gather [hbm4b:s15+s22], $0x100, $0x38;
	[tilespmem:$0x1E000] =	vst v63  }
0x80: {  	s21 =	rddreg [dreg:$0xd]  }
0x81: {  	[tilespmem:s26], [sflag:$0x2] =	stream.linear.gather [hbm4b:s21+s22], $0x100, $0x38;
	[tilespmem:$0x1E000] =	vst v63  }
.Ltmp3:
0x82: {  	_ = 	snop;
	(pc) =	sbr.rel @p0 .LBB2_6-.Ltmp3, $4  }
0x83: {  	s23 =	rddreg [dreg:$0xe]  }
0x84: {  	[tilespmem:s28], [sflag:$0x3] =	stream.linear.gather [hbm4b:s23+s22], $0x100, $0x38;
	[tilespmem:$0x1E000] =	vst v63  }
0x85: {  	s25 =	rddreg [dreg:$0xf]  }
0x86: {  	[tilespmem:s29], [sflag:$0x4] =	stream.linear.gather [hbm4b:s25+s22], $0x100, $0x38;
	[tilespmem:$0x1E000] =	vst v63  }
.LBB2_4:
0x87: {  	_ =	swait.ge [sflag:s30], $0x100  }
0x88: {  	[sflag:s30] =	ssyncset.done $0x0  }
0x89: {  	[sflag:s30] =	ssyncadd.s32 $0xFFFFFF00  }
0x8a: {  	[tilespmem:s24], [sflag:$0x5] =	stream.indirect.gather [hbm4b:s4+s31], $0x80, s2, s31, $0xb8;
	[tilespmem:$0x1E000] =	vst v63  }
0x8b: {  	_ =	swait.ge [sflag:s0], $0x100  }
0x8c: {  	[sflag:s0] =	ssyncset.done $0x0  }
0x8d: {  	[sflag:s0] =	ssyncadd.s32 $0xFFFFFF00  }
0x8e: {  	[tilespmem:s6], [sflag:$0x6] =	stream.indirect.gather [hbm4b:s4+s31], $0x80, s26, s31, $0xb8;
	[tilespmem:$0x1E000] =	vst v63  }
0x8f: {  	_ =	swait.ge [sflag:s7], $0x100  }
0x90: {  	[sflag:s7] =	ssyncset.done $0x0  }
0x91: {  	[sflag:s7] =	ssyncadd.s32 $0xFFFFFF00  }
0x92: {  	[tilespmem:s3], [sflag:$0x7] =	stream.indirect.gather [hbm4b:s4+s31], $0x80, s28, s31, $0xb8;
	[tilespmem:$0x1E000] =	vst v63  }
0x93: {  	_ =	swait.ge [sflag:s9], $0x100  }
0x94: {  	[sflag:s9] =	ssyncset.done $0x0  }
0x95: {  	[sflag:s9] =	ssyncadd.s32 $0xFFFFFF00  }
0x96: {  	[tilespmem:s10], [sflag:$0x8] =	stream.indirect.gather [hbm4b:s4+s31], $0x80, s29, s31, $0xb8;
	[tilespmem:$0x1E000] =	vst v63  }
0x97: {  	_ =	swait.ge [sflag:s11], $0x2800  }
0x98: {  	[sflag:s11] =	ssyncset.done $0x0  }
0x99: {  	[sflag:s11] =	ssyncadd.s32 $0xFFFFD800  }
0x9a: {  	[spmem:s1] =	stream.indirect.scatter.add.f32 [tilespmem:s24], [sflag:$0x9], $0x80, s12, s31, $0xb8;
	[tilespmem:$0x1E000] =	vst v63  }
0x9b: {  	_ =	swait.ge [sflag:s13], $0x2800  }
0x9c: {  	[sflag:s13] =	ssyncset.done $0x0  }
0x9d: {  	[sflag:s13] =	ssyncadd.s32 $0xFFFFD800  }
0x9e: {  	[spmem:s1] =	stream.indirect.scatter.add.f32 [tilespmem:s6], [sflag:$0xA], $0x80, s14, s31, $0xb8;
	[tilespmem:$0x1E000] =	vst v63  }
0x9f: {  	_ =	swait.ge [sflag:s16], $0x2800  }
0xa0: {  	[sflag:s16] =	ssyncset.done $0x0  }
0xa1: {  	[sflag:s16] =	ssyncadd.s32 $0xFFFFD800  }
0xa2: {  	[spmem:s1] =	stream.indirect.scatter.add.f32 [tilespmem:s3], [sflag:$0xB], $0x80, s17, s31, $0xb8;
	[tilespmem:$0x1E000] =	vst v63  }
0xa3: {  	_ =	swait.ge [sflag:s18], $0x2800  }
0xa4: {  	p1 =	seq.s32 s22, $0x1E80;
	[sflag:s18] =	ssyncset.done $0x0  }
0xa5: {  	s23 =	simm.s32 @!p1 $0x9;
	[sflag:s18] =	ssyncadd.s32 $0xFFFFD800  }
0xa6: {  	[spmem:s1] =	stream.indirect.scatter.add.f32 [tilespmem:s10], [sflag:$0xC], $0x80, s19, s31, $0xb8;
	[tilespmem:$0x1E000] =	vst v63  }
0xa7: {  	_ =	swait.ge @!p1 [sflag:s23], $0x2800  }
0xa8: {  	s8 =	sadd.s32 @!p1 s22, s15;
	[sflag:s23] =	ssyncset.done @!p1 $0x0  }
0xa9: {  	s20 =	simm.s32 @!p1 $0x0;
	[sflag:s23] =	ssyncadd.s32 @!p1 $0xFFFFD800;
	s23 =	sadd.s32 @!p1 $0x80, s8  }
0xaa: {  	[tilespmem:s20], [sflag:$0x1] =	stream.linear.gather @!p1 [hbm4b:s23+s20], $0x100, $0x38;
	[tilespmem:$0x1E000] =	vst v63  }
0xab: {  	s23 =	simm.s32 @!p1 $0xA  }
0xac: {  	_ =	swait.ge @!p1 [sflag:s23], $0x2800  }
0xad: {  	[sflag:s23] =	ssyncset.done @!p1 $0x0  }
0xae: {  	s21 =	simm.s32 @!p1 $0x100;
	[sflag:s23] =	ssyncadd.s32 @!p1 $0xFFFFD800;
	s23 =	sadd.s32 @!p1 $0xA0, s8  }
0xaf: {  	[tilespmem:s21], [sflag:$0x2] =	stream.linear.gather @!p1 [hbm4b:s23+s20], $0x100, $0x38;
	[tilespmem:$0x1E000] =	vst v63  }
0xb0: {  	s22 =	sadd.s32 @!p1 $0x80, s22;
	s21 =	simm.s32 @!p1 $0xB  }
0xb1: {  	p2 =	seq.s32 @!p1 s22, $0x1F00;
	_ =	swait.ge @!p1 [sflag:s21], $0x2800  }
0xb2: {  	p2 =	por p1, p2;
	[sflag:s21] =	ssyncset.done @!p1 $0x0  }
0xb3: {  	s23 =	simm.s32 @!p1 $0x200;
	[sflag:s21] =	ssyncadd.s32 @!p1 $0xFFFFD800;
	s21 =	sadd.s32 @!p1 $0xC0, s8  }
0xb4: {  	[tilespmem:s23], [sflag:$0x3] =	stream.linear.gather @!p1 [hbm4b:s21+s20], $0x100, $0x38;
	[tilespmem:$0x1E000] =	vst v63  }
.Ltmp4:
0xb5: {  	s21 =	simm.s32 @!p1 $0xC;
	(pc) =	sbr.rel @!p2 .LBB2_4-.Ltmp4, $4  }
0xb6: {  	_ =	swait.ge @!p1 [sflag:s21], $0x2800  }
0xb7: {  	[sflag:s21] =	ssyncset.done @!p1 $0x0  }
0xb8: {  	s8 =	sadd.s32 @!p1 $0xE0, s8;
	[sflag:s21] =	ssyncadd.s32 @!p1 $0xFFFFD800;
	s21 =	simm.s32 @!p1 $0x300  }
0xb9: {  	[tilespmem:s21], [sflag:$0x4] =	stream.linear.gather @!p1 [hbm4b:s8+s20], $0x100, $0x38;
	[tilespmem:$0x1E000] =	vst v63  }
.Ltmp5:
0xba: {  	(pc) =	sbr.rel .LBB2_8-.Ltmp5, $3  }
0xbb: {  	_ =	sdelay $0x1  }
0xbc: {  	s23 =	smov.u32 s4;
	s22 =	rddreg [dreg:$0x3]  }
0xbd: {  	s25 =	rddreg [dreg:$0x14];
	s23 =	smov.u32 @p1 s4;
	s22 =	smov.u32 @p1 s22  }
.LBB2_6:
0xbe: {  	_ =	swait.ge [sflag:s30], $0x100  }
0xbf: {  	[sflag:s30] =	ssyncset.done $0x0  }
0xc0: {  	[sflag:s30] =	ssyncadd.s32 $0xFFFFFF00  }
0xc1: {  	[tilespmem:s24], [sflag:$0x5] =	stream.indirect.gather [hbm4b:s5+s31], $0x80, s2, s31, $0xb8;
	[tilespmem:$0x1E000] =	vst v63  }
0xc2: {  	_ =	swait.ge [sflag:s0], $0x100  }
0xc3: {  	[sflag:s0] =	ssyncset.done $0x0  }
0xc4: {  	[sflag:s0] =	ssyncadd.s32 $0xFFFFFF00  }
0xc5: {  	[tilespmem:s6], [sflag:$0x6] =	stream.indirect.gather [hbm4b:s5+s31], $0x80, s26, s31, $0xb8;
	[tilespmem:$0x1E000] =	vst v63  }
0xc6: {  	_ =	swait.ge [sflag:s7], $0x100  }
0xc7: {  	[sflag:s7] =	ssyncset.done $0x0  }
0xc8: {  	[sflag:s7] =	ssyncadd.s32 $0xFFFFFF00  }
0xc9: {  	[tilespmem:s3], [sflag:$0x7] =	stream.indirect.gather [hbm4b:s5+s31], $0x80, s28, s31, $0xb8;
	[tilespmem:$0x1E000] =	vst v63  }
0xca: {  	_ =	swait.ge [sflag:s9], $0x100  }
0xcb: {  	[sflag:s9] =	ssyncset.done $0x0  }
0xcc: {  	[sflag:s9] =	ssyncadd.s32 $0xFFFFFF00  }
0xcd: {  	[tilespmem:s10], [sflag:$0x8] =	stream.indirect.gather [hbm4b:s5+s31], $0x80, s29, s31, $0xb8;
	[tilespmem:$0x1E000] =	vst v63  }
0xce: {  	_ =	swait.ge [sflag:s11], $0x2800  }
0xcf: {  	[sflag:s11] =	ssyncset.done $0x0  }
0xd0: {  	[sflag:s11] =	ssyncadd.s32 $0xFFFFD800  }
0xd1: {  	[spmem:s1] =	stream.indirect.scatter.add.f32 [tilespmem:s24], [sflag:$0x9], $0x80, s12, s31, $0xb8;
	[tilespmem:$0x1E000] =	vst v63  }
0xd2: {  	_ =	swait.ge [sflag:s13], $0x2800  }
0xd3: {  	[sflag:s13] =	ssyncset.done $0x0  }
0xd4: {  	[sflag:s13] =	ssyncadd.s32 $0xFFFFD800  }
0xd5: {  	[spmem:s1] =	stream.indirect.scatter.add.f32 [tilespmem:s6], [sflag:$0xA], $0x80, s14, s31, $0xb8;
	[tilespmem:$0x1E000] =	vst v63  }
0xd6: {  	_ =	swait.ge [sflag:s16], $0x2800  }
0xd7: {  	[sflag:s16] =	ssyncset.done $0x0  }
0xd8: {  	[sflag:s16] =	ssyncadd.s32 $0xFFFFD800  }
0xd9: {  	[spmem:s1] =	stream.indirect.scatter.add.f32 [tilespmem:s3], [sflag:$0xB], $0x80, s17, s31, $0xb8;
	[tilespmem:$0x1E000] =	vst v63  }
0xda: {  	_ =	swait.ge [sflag:s18], $0x2800  }
0xdb: {  	p1 =	seq.s32 s22, $0x1E80;
	[sflag:s18] =	ssyncset.done $0x0  }
0xdc: {  	s8 =	simm.s32 @!p1 $0x9;
	[sflag:s18] =	ssyncadd.s32 $0xFFFFD800  }
0xdd: {  	[spmem:s1] =	stream.indirect.scatter.add.f32 [tilespmem:s10], [sflag:$0xC], $0x80, s19, s31, $0xb8;
	[tilespmem:$0x1E000] =	vst v63  }
0xde: {  	_ =	swait.ge @!p1 [sflag:s8], $0x2800  }
0xdf: {  	s20 =	sadd.s32 @!p1 s22, s15;
	[sflag:s8] =	ssyncset.done @!p1 $0x0  }
0xe0: {  	s21 =	simm.s32 @!p1 $0x0;
	[sflag:s8] =	ssyncadd.s32 @!p1 $0xFFFFD800;
	s8 =	sadd.s32 @!p1 $0x80, s20  }
0xe1: {  	[tilespmem:s21], [sflag:$0x1] =	stream.linear.gather @!p1 [hbm4b:s8+s21], $0x100, $0x38;
	[tilespmem:$0x1E000] =	vst v63  }
0xe2: {  	s8 =	simm.s32 @!p1 $0xA  }
0xe3: {  	_ =	swait.ge @!p1 [sflag:s8], $0x2800  }
0xe4: {  	[sflag:s8] =	ssyncset.done @!p1 $0x0  }
0xe5: {  	s23 =	simm.s32 @!p1 $0x100;
	[sflag:s8] =	ssyncadd.s32 @!p1 $0xFFFFD800;
	s8 =	sadd.s32 @!p1 $0xA0, s20  }
0xe6: {  	[tilespmem:s23], [sflag:$0x2] =	stream.linear.gather @!p1 [hbm4b:s8+s21], $0x100, $0x38;
	[tilespmem:$0x1E000] =	vst v63  }
0xe7: {  	s22 =	sadd.s32 @!p1 $0x80, s22;
	s8 =	simm.s32 @!p1 $0xB  }
0xe8: {  	p2 =	sne.s32 @!p1 s22, $0x1F00;
	_ =	swait.ge @!p1 [sflag:s8], $0x2800  }
0xe9: {  	p2 =	por p1, !p2;
	[sflag:s8] =	ssyncset.done @!p1 $0x0  }
0xea: {  	s23 =	simm.s32 @!p1 $0x200;
	[sflag:s8] =	ssyncadd.s32 @!p1 $0xFFFFD800;
	s8 =	sadd.s32 @!p1 $0xC0, s20  }
0xeb: {  	[tilespmem:s23], [sflag:$0x3] =	stream.linear.gather @!p1 [hbm4b:s8+s21], $0x100, $0x38;
	[tilespmem:$0x1E000] =	vst v63  }
.Ltmp6:
0xec: {  	s8 =	simm.s32 @!p1 $0xC;
	(pc) =	sbr.rel @!p2 .LBB2_6-.Ltmp6, $4  }
0xed: {  	_ =	swait.ge @!p1 [sflag:s8], $0x2800  }
0xee: {  	[sflag:s8] =	ssyncset.done @!p1 $0x0  }
0xef: {  	[sflag:s8] =	ssyncadd.s32 @!p1 $0xFFFFD800;
	s8 =	sadd.s32 @!p1 $0xE0, s20;
	s20 =	simm.s32 @!p1 $0x300  }
0xf0: {  	[tilespmem:s20], [sflag:$0x4] =	stream.linear.gather @!p1 [hbm4b:s8+s21], $0x100, $0x38;
	[tilespmem:$0x1E000] =	vst v63  }
.Ltmp7:
0xf1: {  	(pc) =	sbr.rel .LBB2_8-.Ltmp7, $3  }
0xf2: {  	_ =	sdelay $0x1  }
0xf3: {  	s23 =	smov.u32 s5;
	s22 =	rddreg [dreg:$0x4]  }
0xf4: {  	s25 =	rddreg [dreg:$0x14];
	s23 =	smov.u32 @p1 s5;
	s22 =	smov.u32 @p1 s22  }
.LBB2_9:
0xf5: {  	_ =	sfence.sel $0x180000  }
0xf6: {  	[bflag:$0x0] =	sbarrier.arrive $0xFFFF  }
0xf7: {  	_ =	strace $0x9000004D  }
0xf8: {  	s0 =	stileid.u32;
	[bflag:$0x2] =	sbarrier.arrive $0xFFFF  }
0xf9: {  	p0 =	sne.s32 s0, $0x0;
	s0 =	rddreg [dreg:$0x2]  }
0xfa: {  	s0 =	sadd.s32 @!p0 $0x100000, s0  }
0xfb: {  	[sflag:s0] =	ssyncadd.tile.s32 @!p0 $0x1;
	_ =	shalt  }
.Lfunc_end2:
_tile_overlayer_lowered:
.L_overlay_start_2:
0xfc: {  	(tag) =	ssettag $0x2  }
0xfd: {  	s0 =	rddreg [dreg:$0x0];
	s2 =	stileid.u32  }
0xfe: {  	s1 =	rddreg [dreg:$0x1];
	p0 =	sne.s32 s2, $0x0  }
0xff: {  	s3 =	rddreg [dreg:$0x2];
	[bflag:$0x3] =	sbarrier.arrive $0xFFFF;
	s2 =	simm.s32 @!p0 $0x1C0D  }
0x100: {  	[timem:s3], [sflag:s2] =	dma.local @!p0 [hbm:s0], s1  }
0x101: {  	s0 =	simm.s32 @!p0 $0xD  }
0x102: {  	_ =	swait.ge @!p0 [sflag:s0], s1  }
0x103: {  	s1 =	ssub.s32 @!p0 $0x0, s1;
	[sflag:s0] =	ssyncset.done @!p0 $0x0  }
0x104: {  	[sflag:s0] =	ssyncadd.s32 @!p0 s1  }
0x105: {  	[bflag:$0x3] =	sbarrier.arrive $0xFFFF  }
0x106: {  	_ =	shalt  }

</sc_bundles>
